<compile_context>
chip_gen: v7x
topology: tpu7x:2x2x1
jax: 0.10.2.dev20260603
libtpu: 0.0.44.dev20260713+nightly
codegen_flags: <defaults>
</compile_context>

<pallas_src>
import functools

import jax
import jax.numpy as jnp
from jax import lax
from jax.experimental import pallas as pl
from jax.experimental.pallas import tpu as pltpu
from jax.experimental.pallas import tpu_sc as plsc

_SC_CORES = 2
_SC_SUBCORES = 16
_NW = _SC_CORES * _SC_SUBCORES

_TM = 256


def _router_meta_body(x_ref, rw_ref, topw_ref, p0_ref, p1_ref, ta_ref,
                      idx_scr, rank_scr, carry_scr):
    ph = pl.program_id(0)
    i = pl.program_id(1)
    nb = pl.num_programs(1)
    tb = x_ref.shape[0]
    e = rw_ref.shape[0]

    @pl.when((ph == 0) & (i == 0))
    def _():
        carry_scr[...] = jnp.zeros_like(carry_scr)

    @pl.when(ph == 0)
    def _():
        xb = x_ref[...]
        logits = lax.dot_general(
            xb, rw_ref[...], (((1,), (1,)), ((), ())),
            preferred_element_type=jnp.float32)
        m = jnp.max(logits, axis=-1, keepdims=True)
        p = jnp.exp(logits - m)
        p = p / jnp.sum(p, axis=-1, keepdims=True)
        ids = lax.broadcasted_iota(jnp.int32, p.shape, 1)
        m1 = jnp.max(p, axis=-1, keepdims=True)
        i1 = jnp.min(jnp.where(p == m1, ids, e), axis=-1, keepdims=True)
        pm = jnp.where(ids == i1, -1.0, p)
        m2 = jnp.max(pm, axis=-1, keepdims=True)
        i2 = jnp.min(jnp.where(pm == m2, ids, e), axis=-1, keepdims=True)
        s = m1 + m2
        topw_ref[...] = jnp.concatenate([m1 / s, m2 / s], axis=1)
        oh = ((ids == i1) | (ids == i2)).astype(jnp.float32)
        r = lax.broadcasted_iota(jnp.int32, (tb, tb), 0)
        c = lax.broadcasted_iota(jnp.int32, (tb, tb), 1)
        tril = (r > c).astype(jnp.float32)
        pref = lax.dot_general(
            tril, oh, (((1,), (0,)), ((), ())),
            preferred_element_type=jnp.float32)
        prefc = pref + carry_scr[...]
        rank0 = jnp.sum(jnp.where(ids == i1, prefc, 0.0), axis=1,
                        keepdims=True)
        rank1 = jnp.sum(jnp.where(ids == i2, prefc, 0.0), axis=1,
                        keepdims=True)
        idx_scr[pl.ds(i * tb, tb), :] = jnp.concatenate([i1, i2], axis=1)
        rank_scr[pl.ds(i * tb, tb), :] = jnp.concatenate([rank0, rank1],
                                                         axis=1)
        carry_scr[...] += jnp.sum(oh, axis=0, keepdims=True)

    @pl.when(ph == 1)
    def _():
        counts = carry_scr[...]
        padded = jnp.ceil(counts / _TM) * _TM
        le = (lax.broadcasted_iota(jnp.int32, (e, e), 0)
              <= lax.broadcasted_iota(jnp.int32, (e, e), 1)
              ).astype(jnp.float32)
        pend = lax.dot_general(
            padded, le, (((1,), (0,)), ((), ())),
            preferred_element_type=jnp.float32)
        pstart = pend - padded
        tpi = idx_scr[pl.ds(i * tb, tb), :]
        rk = rank_scr[pl.ds(i * tb, tb), :]
        ids = lax.broadcasted_iota(jnp.int32, (tb, e), 1)
        ps0 = jnp.sum(jnp.where(ids == tpi[:, 0:1], pstart, 0.0), axis=1,
                      keepdims=True)
        ps1 = jnp.sum(jnp.where(ids == tpi[:, 1:2], pstart, 0.0), axis=1,
                      keepdims=True)
        p0_ref[...] = (ps0 + rk[:, 0:1]).astype(jnp.int32)
        p1_ref[...] = (ps1 + rk[:, 1:2]).astype(jnp.int32)

        @pl.when(i == nb - 1)
        def _():
            ntt = ta_ref.shape[0]
            basev = (lax.broadcasted_iota(jnp.int32, (ntt, 1), 0)
                     * _TM).astype(jnp.float32)
            cmp = pend <= basev
            te = jnp.minimum(jnp.sum(cmp.astype(jnp.int32), axis=1,
                                     keepdims=True), e - 1)
            act = (basev < jnp.max(pend)).astype(jnp.int32)
            ta_ref[...] = jnp.concatenate([te, act], axis=1)


def _router_meta(x_flat, router_w, nt):
    n, d = x_flat.shape
    e = router_w.shape[0]
    tb = 512
    nb = n // tb
    return pl.pallas_call(
        _router_meta_body,
        grid=(2, nb),
        in_specs=[
            pl.BlockSpec((tb, d), lambda p, i: ((1 - p) * i, 0)),
            pl.BlockSpec((e, d), lambda p, i: (0, 0)),
        ],
        out_specs=[
            pl.BlockSpec((tb, 2), lambda p, i, _nb=nb: ((1 - p) * i + p * (_nb - 1), 0)),
            pl.BlockSpec((tb, 1), lambda p, i: (p * i, 0)),
            pl.BlockSpec((tb, 1), lambda p, i: (p * i, 0)),
            pl.BlockSpec((nt, 2), lambda p, i: (0, 0)),
        ],
        out_shape=[
            jax.ShapeDtypeStruct((n, 2), jnp.float32),
            jax.ShapeDtypeStruct((n, 1), jnp.int32),
            jax.ShapeDtypeStruct((n, 1), jnp.int32),
            jax.ShapeDtypeStruct((nt, 2), jnp.int32),
        ],
        scratch_shapes=[
            pltpu.VMEM((n, 2), jnp.int32),
            pltpu.VMEM((n, 2), jnp.float32),
            pltpu.VMEM((1, e), jnp.float32),
        ],
        compiler_params=pltpu.CompilerParams(
            dimension_semantics=("arbitrary", "arbitrary"),
        ),
    )(x_flat, router_w)


def _make_sc_gather(rows_out, d, table_rows):
    per_w = rows_out // _NW
    ch = per_w
    while ch > 48 or per_w % ch:
        ch -= 8
    n_ch = per_w // ch
    mesh = plsc.VectorSubcoreMesh(
        core_axis_name="c", subcore_axis_name="s",
        num_cores=_SC_CORES, num_subcores=_SC_SUBCORES,
    )

    @functools.partial(
        pl.kernel,
        out_type=jax.ShapeDtypeStruct((rows_out, d), jnp.float32),
        mesh=mesh,
        scratch_types=[
            pltpu.VMEM((2, ch), jnp.int32),
            pltpu.VMEM((2, ch, d), jnp.float32),
            pltpu.SemaphoreType.DMA((2,)),
        ],
    )
    def gather(table_hbm, idx_hbm, out_hbm, idx_v, rows_v, sems):
        wid = lax.axis_index("s") * _SC_CORES + lax.axis_index("c")
        base = wid * per_w

        def start(c):
            b = c % 2
            pltpu.sync_copy(idx_hbm.at[pl.ds(base + c * ch, ch)], idx_v.at[b])
            return pltpu.async_copy(table_hbm.at[idx_v.at[b]], rows_v.at[b],
                                    sems.at[b])

        handles = [start(0)]
        for c in range(n_ch):
            if c + 1 < n_ch:
                handles.append(start(c + 1))
            handles[c].wait()
            pltpu.sync_copy(rows_v.at[c % 2],
                            out_hbm.at[pl.ds(base + c * ch, ch)])

    return gather


def _make_sc_dispatch(n, d, np_):
    per_w = n // _NW
    ch = per_w
    while ch > 48 or per_w % ch:
        ch -= 8
    n_ch = per_w // ch
    mesh = plsc.VectorSubcoreMesh(
        core_axis_name="c", subcore_axis_name="s",
        num_cores=_SC_CORES, num_subcores=_SC_SUBCORES,
    )

    @functools.partial(
        pl.kernel,
        out_type=jax.ShapeDtypeStruct((np_, d), jnp.float32),
        mesh=mesh,
        scratch_types=[
            pltpu.VMEM((2, ch), jnp.int32),
            pltpu.VMEM((2, ch), jnp.int32),
            pltpu.VMEM((2, ch, d), jnp.float32),
            pltpu.SemaphoreType.DMA((2,)),
        ],
    )
    def dispatch(x_hbm, p0_hbm, p1_hbm, out_hbm, i0_v, i1_v, rows_v, sems):
        wid = lax.axis_index("s") * _SC_CORES + lax.axis_index("c")
        base = wid * per_w

        def start(c):
            b = c % 2
            sl = pl.ds(base + c * ch, ch)
            pltpu.sync_copy(x_hbm.at[sl], rows_v.at[b])
            pltpu.sync_copy(p0_hbm.at[sl], i0_v.at[b])
            pltpu.sync_copy(p1_hbm.at[sl], i1_v.at[b])
            h0 = pltpu.async_copy(rows_v.at[b], out_hbm.at[i0_v.at[b]],
                                  sems.at[b])
            h1 = pltpu.async_copy(rows_v.at[b], out_hbm.at[i1_v.at[b]],
                                  sems.at[b])
            return h0, h1

        handles = [start(0)]
        for c in range(n_ch):
            if c + 1 < n_ch:
                handles.append(start(c + 1))
            h0, h1 = handles[c]
            h0.wait()
            h1.wait()

    return dispatch


def _ffn_half_body(te_ref, act_ref, xs_ref, w1_ref, w3_ref, w2_ref, *rest):
    if len(rest) == 5:
        prev_ref, out_ref, w1s, w3s, w2s = rest
    else:
        prev_ref = None
        out_ref, w1s, w3s, w2s = rest
    i = pl.program_id(0)
    changed = (i == 0) | (te_ref[i] != te_ref[jnp.maximum(i - 1, 0)])

    @pl.when(changed)
    def _():
        w1s[...] = w1_ref[0].astype(jnp.bfloat16)
        w3s[...] = w3_ref[0].astype(jnp.bfloat16)
        w2s[...] = w2_ref[0].astype(jnp.bfloat16)

    @pl.when(act_ref[i] != 0)
    def _():
        xb = xs_ref[...].astype(jnp.bfloat16)
        h1 = lax.dot_general(
            xb, w1s[...], (((1,), (1,)), ((), ())),
            preferred_element_type=jnp.float32)
        h3 = lax.dot_general(
            xb, w3s[...], (((1,), (1,)), ((), ())),
            preferred_element_type=jnp.float32)
        g = ((h1 * jax.nn.sigmoid(h1)) * h3).astype(jnp.bfloat16)
        acc = lax.dot_general(
            g, w2s[...], (((1,), (0,)), ((), ())),
            preferred_element_type=jnp.float32)
        if prev_ref is not None:
            acc = acc + prev_ref[...]
        out_ref[...] = acc


def _ffn_half(xs, w13, w2t, te, act, half, prev=None):
    np_, d = xs.shape
    e, f2, _ = w13.shape
    fh = f2 // 4
    nt = np_ // _TM
    in_specs = [
        pl.BlockSpec((_TM, d), lambda i, te, act: (i, 0)),
        pl.BlockSpec((1, fh, d),
                     lambda i, te, act, _h=half: (te[i], _h, 0)),
        pl.BlockSpec((1, fh, d),
                     lambda i, te, act, _h=half: (te[i], 2 + _h, 0)),
        pl.BlockSpec((1, fh, d),
                     lambda i, te, act, _h=half: (te[i], _h, 0)),
    ]
    args = [te, act, xs, w13, w13, w2t]
    if prev is not None:
        in_specs.append(pl.BlockSpec((_TM, d), lambda i, te, act: (i, 0)))
        args.append(prev)
    grid_spec = pltpu.PrefetchScalarGridSpec(
        num_scalar_prefetch=2,
        grid=(nt,),
        in_specs=in_specs,
        out_specs=pl.BlockSpec((_TM, d), lambda i, te, act: (i, 0)),
        scratch_shapes=[
            pltpu.VMEM((fh, d), jnp.bfloat16),
            pltpu.VMEM((fh, d), jnp.bfloat16),
            pltpu.VMEM((fh, d), jnp.bfloat16),
        ],
    )
    return pl.pallas_call(
        _ffn_half_body,
        grid_spec=grid_spec,
        out_shape=jax.ShapeDtypeStruct((np_, d), jnp.float32),
        compiler_params=pltpu.CompilerParams(
            dimension_semantics=("arbitrary",),
            vmem_limit_bytes=60 * 1024 * 1024,
        ),
    )(*args)


def _comb_body(g0_ref, g1_ref, w_ref, o_ref):
    o_ref[...] = g0_ref[...] * w_ref[:, 0:1] + g1_ref[...] * w_ref[:, 1:2]


def _pair_combine(g, top_w, n, d):
    tb = 512
    nb = n // tb
    return pl.pallas_call(
        _comb_body,
        grid=(nb,),
        in_specs=[
            pl.BlockSpec((tb, d), lambda i: (i, 0)),
            pl.BlockSpec((tb, d), lambda i, _nb=nb: (i + _nb, 0)),
            pl.BlockSpec((tb, 2), lambda i: (i, 0)),
        ],
        out_specs=pl.BlockSpec((tb, d), lambda i: (i, 0)),
        out_shape=jax.ShapeDtypeStruct((n, d), jnp.float32),
    )(g, g, top_w)


def kernel(x, router_w, w13, w2):
    b, t, d = x.shape
    x_flat = x.reshape(-1, d)
    n = x_flat.shape[0]
    e = router_w.shape[0]
    n2 = 2 * n
    np_ = n2 + e * _TM
    nt = np_ // _TM

    top_w, p0c, p1c, ta = _router_meta(x_flat, router_w, nt)
    p0 = p0c.reshape(n)
    p1 = p1c.reshape(n)
    te = ta[:, 0]
    act = ta[:, 1]

    xs = _make_sc_dispatch(n, d, np_)(x_flat, p0, p1)
    w2t = jnp.swapaxes(w2, 1, 2)
    half0 = _ffn_half(xs, w13, w2t, te, act, 0)
    slot_out = _ffn_half(xs, w13, w2t, te, act, 1, prev=half0)
    pair_idx = jnp.concatenate([p0, p1])
    g = _make_sc_gather(n2, d, np_)(slot_out, pair_idx)
    out = _pair_combine(g, top_w, n, d)
    return out.reshape(b, t, d)

# --- scband reference (transcript-rebuilt; emitter-appended) ---
"""Pipeline reference for scband-mo-effn-86723979641511 (READ-ONLY COPY).

The authoritative reference and input builder live on the scoring server;
editing this copy changes nothing except your own understanding.
"""

import jax, jax.numpy as jnp
import numpy as np

E = 8
TOP_K = 2
D = 1024
FFN = 2752


def setup_inputs(seed: int = 0) -> dict:
    key = jax.random.key(seed)
    k_x, k_r, k_w13, k_w2 = jax.random.split(key, 4)
    x = jax.random.normal(k_x, (2, 2048, D), dtype=jnp.float32)
    # router: nn.Linear(D, E, bias=False) -> weight [E, D]
    router_w = jax.random.normal(k_r, (E, D), dtype=jnp.float32) * 0.02
    # each expert GatedFFN: w13 [2*FFN, D], w2 [D, FFN], bias=False
    w13 = jax.random.normal(k_w13, (E, 2 * FFN, D), dtype=jnp.float32) * 0.02
    w2 = jax.random.normal(k_w2, (E, D, FFN), dtype=jnp.float32) * 0.02
    return {"x": x, "router_w": router_w, "w13": w13, "w2": w2}


def reference(x, router_w, w13, w2):
    B, T, Dm = x.shape
    x_flat = x.reshape(-1, Dm)
    N = x_flat.shape[0]
    logits = x_flat @ router_w.T
    probs = jax.nn.softmax(logits, axis=-1)
    top_probs, top_idx = jax.lax.top_k(probs, TOP_K)
    top_probs = top_probs / jnp.sum(top_probs, axis=-1, keepdims=True)
    out = jnp.zeros_like(x_flat)
    for e in range(E):
        # combined routing weight for this expert across the top-k slots
        w = jnp.zeros((N,), dtype=x_flat.dtype)
        for k in range(TOP_K):
            w = w + jnp.where(top_idx[:, k] == e, top_probs[:, k], 0.0)
        # GatedFFN (SwiGLU): w2 @ (silu(x1) * x3), packed w13
        h = x_flat @ w13[e].T
        x1, x3 = jnp.split(h, 2, axis=-1)
        expert_out = (jax.nn.silu(x1) * x3) @ w2[e].T
        out = out + w[:, None] * expert_out
    return out.reshape(B, T, Dm)

if __name__ == "__main__":
    import jax
    _d = setup_inputs()
    print(jax.jit(kernel)(*tuple(_d.values())))

</pallas_src>

<mosaic_0001>
#map = affine_map<(d0, d1) -> (0, 0)>
#map1 = affine_map<(d0, d1) -> (0)>
module attributes {stable_mosaic.version = 14 : i64} {
  func.func @dispatch(%arg0: i32, %arg1: i32, %arg2: memref<4096x1024xf32, #tpu.memory_space<hbm>>, %arg3: memref<4096xi32, #tpu.memory_space<hbm>>, %arg4: memref<4096xi32, #tpu.memory_space<hbm>>, %arg5: memref<10240x1024xf32, #tpu.memory_space<hbm>>, %arg6: memref<2x32xi32, #tpu.memory_space<vmem>>, %arg7: memref<2x32xi32, #tpu.memory_space<vmem>>, %arg8: memref<2x32x1024xf32, #tpu.memory_space<vmem>>, %arg9: memref<2x!tpu.dma_semaphore, #tpu.memory_space<semaphore_mem>>) attributes {dimension_semantics = [#tpu.dimension_semantics<core_parallel>, #tpu.dimension_semantics<subcore_parallel>], iteration_bounds = array<i64: 2, 16>, scalar_prefetch = 0 : i64, scratch_operands = 4 : i64, tpu.core_type = #tpu.core_type<sc_vector_subcore>, window_params = [{transform_indices = #map}, {transform_indices = #map1}, {transform_indices = #map1}, {transform_indices = #map}]} {
    %mul3A = arith.constant 2 : i32
    %mul3A_0 = arith.muli %arg1, %mul3A : i32
    %add3A = arith.addi %mul3A_0, %arg0 : i32
    %mul3A_1 = arith.constant 128 : i32
    %mul3A_2 = arith.muli %add3A, %mul3A_1 : i32
    %add3A_3 = arith.constant 0 : i32
    %add3A_4 = arith.addi %mul3A_2, %add3A_3 : i32
    %run_scoped3A = arith.constant 0 : i32
    "tpu.region"() ({
      %run_scoped3A_260 = tpu.sem_alloc : memref<!tpu.dma_semaphore, #tpu.memory_space<semaphore_mem>>
      %dma_start3A_261 = arith.constant 0 : i32
      %dma_start3A_262 = arith.constant 0 : i32
      %dma_start3A_263 = tpu.memref_slice %arg8[%run_scoped3A, %dma_start3A_261, %dma_start3A_262] : memref<2x32x1024xf32, #tpu.memory_space<vmem>> -> memref<1x32x1024xf32, #tpu.memory_space<vmem>>
      %dma_start3A_264 = tpu.memref_squeeze %dma_start3A_263 : memref<1x32x1024xf32, #tpu.memory_space<vmem>> -> memref<32x1024xf32, #tpu.memory_space<vmem>>
      %dma_start3A_265 = arith.constant 0 : i32
      %dma_start3A_266 = tpu.memref_slice %arg2[%add3A_4, %dma_start3A_265] : memref<4096x1024xf32, #tpu.memory_space<hbm>> -> memref<32x1024xf32, #tpu.memory_space<hbm>>
      %dma_start3A_267 = arith.constant 0 : i32
      %dma_start3A_268 = arith.constant 0 : i32
      %dma_start3A_269 = tpu.memref_slice %arg8[%run_scoped3A, %dma_start3A_267, %dma_start3A_268] : memref<2x32x1024xf32, #tpu.memory_space<vmem>> -> memref<1x32x1024xf32, #tpu.memory_space<vmem>>
      %dma_start3A_270 = tpu.memref_squeeze %dma_start3A_269 : memref<1x32x1024xf32, #tpu.memory_space<vmem>> -> memref<32x1024xf32, #tpu.memory_space<vmem>>
      %dma_start3A_271 = arith.constant 0 : i32
      %dma_start3A_272 = tpu.memref_slice %arg2[%add3A_4, %dma_start3A_271] : memref<4096x1024xf32, #tpu.memory_space<hbm>> -> memref<32x1024xf32, #tpu.memory_space<hbm>>
      tpu.enqueue_dma source(%dma_start3A_272 : memref<32x1024xf32, #tpu.memory_space<hbm>>) target(%dma_start3A_270 : memref<32x1024xf32, #tpu.memory_space<vmem>>) target_semaphore(%run_scoped3A_260 : memref<!tpu.dma_semaphore, #tpu.memory_space<semaphore_mem>>)
      %dma_wait3A_273 = arith.constant 0 : i32
      %dma_wait3A_274 = arith.constant 0 : i32
      %dma_wait3A_275 = tpu.memref_slice %arg8[%run_scoped3A, %dma_wait3A_273, %dma_wait3A_274] : memref<2x32x1024xf32, #tpu.memory_space<vmem>> -> memref<1x32x1024xf32, #tpu.memory_space<vmem>>
      %dma_wait3A_276 = tpu.memref_squeeze %dma_wait3A_275 : memref<1x32x1024xf32, #tpu.memory_space<vmem>> -> memref<32x1024xf32, #tpu.memory_space<vmem>>
      %dma_wait3A_277 = arith.constant 0 : i32
      %dma_wait3A_278 = tpu.memref_slice %arg2[%add3A_4, %dma_wait3A_277] : memref<4096x1024xf32, #tpu.memory_space<hbm>> -> memref<32x1024xf32, #tpu.memory_space<hbm>>
      %dma_wait3A_279 = arith.constant 0 : i32
      %dma_wait3A_280 = arith.constant 0 : i32
      %dma_wait3A_281 = tpu.memref_slice %arg8[%run_scoped3A, %dma_wait3A_279, %dma_wait3A_280] : memref<2x32x1024xf32, #tpu.memory_space<vmem>> -> memref<1x32x1024xf32, #tpu.memory_space<vmem>>
      %dma_wait3A_282 = tpu.memref_squeeze %dma_wait3A_281 : memref<1x32x1024xf32, #tpu.memory_space<vmem>> -> memref<32x1024xf32, #tpu.memory_space<vmem>>
      %dma_wait3A_283 = arith.constant 0 : i32
      %dma_wait3A_284 = tpu.memref_slice %arg2[%add3A_4, %dma_wait3A_283] : memref<4096x1024xf32, #tpu.memory_space<hbm>> -> memref<32x1024xf32, #tpu.memory_space<hbm>>
      tpu.wait_dma2 semaphore(%run_scoped3A_260 : memref<!tpu.dma_semaphore, #tpu.memory_space<semaphore_mem>>) src(%dma_wait3A_284 : memref<32x1024xf32, #tpu.memory_space<hbm>>) dst(%dma_wait3A_282 : memref<32x1024xf32, #tpu.memory_space<vmem>>)
      tpu.yield
    }) : () -> ()
    %run_scoped3A_5 = arith.constant 0 : i32
    "tpu.region"() ({
      %run_scoped3A_260 = tpu.sem_alloc : memref<!tpu.dma_semaphore, #tpu.memory_space<semaphore_mem>>
      %dma_start3A_261 = arith.constant 0 : i32
      %dma_start3A_262 = tpu.memref_slice %arg6[%run_scoped3A_5, %dma_start3A_261] : memref<2x32xi32, #tpu.memory_space<vmem>> -> memref<1x32xi32, #tpu.memory_space<vmem>>
      %dma_start3A_263 = tpu.memref_squeeze %dma_start3A_262 : memref<1x32xi32, #tpu.memory_space<vmem>> -> memref<32xi32, #tpu.memory_space<vmem>>
      %dma_start3A_264 = tpu.memref_slice %arg3[%add3A_4] : memref<4096xi32, #tpu.memory_space<hbm>> -> memref<32xi32, #tpu.memory_space<hbm>>
      %dma_start3A_265 = arith.constant 0 : i32
      %dma_start3A_266 = tpu.memref_slice %arg6[%run_scoped3A_5, %dma_start3A_265] : memref<2x32xi32, #tpu.memory_space<vmem>> -> memref<1x32xi32, #tpu.memory_space<vmem>>
      %dma_start3A_267 = tpu.memref_squeeze %dma_start3A_266 : memref<1x32xi32, #tpu.memory_space<vmem>> -> memref<32xi32, #tpu.memory_space<vmem>>
      %dma_start3A_268 = tpu.memref_slice %arg3[%add3A_4] : memref<4096xi32, #tpu.memory_space<hbm>> -> memref<32xi32, #tpu.memory_space<hbm>>
      tpu.enqueue_dma source(%dma_start3A_268 : memref<32xi32, #tpu.memory_space<hbm>>) target(%dma_start3A_267 : memref<32xi32, #tpu.memory_space<vmem>>) target_semaphore(%run_scoped3A_260 : memref<!tpu.dma_semaphore, #tpu.memory_space<semaphore_mem>>)
      %dma_wait3A_269 = arith.constant 0 : i32
      %dma_wait3A_270 = tpu.memref_slice %arg6[%run_scoped3A_5, %dma_wait3A_269] : memref<2x32xi32, #tpu.memory_space<vmem>> -> memref<1x32xi32, #tpu.memory_space<vmem>>
      %dma_wait3A_271 = tpu.memref_squeeze %dma_wait3A_270 : memref<1x32xi32, #tpu.memory_space<vmem>> -> memref<32xi32, #tpu.memory_space<vmem>>
      %dma_wait3A_272 = tpu.memref_slice %arg3[%add3A_4] : memref<4096xi32, #tpu.memory_space<hbm>> -> memref<32xi32, #tpu.memory_space<hbm>>
      %dma_wait3A_273 = arith.constant 0 : i32
      %dma_wait3A_274 = tpu.memref_slice %arg6[%run_scoped3A_5, %dma_wait3A_273] : memref<2x32xi32, #tpu.memory_space<vmem>> -> memref<1x32xi32, #tpu.memory_space<vmem>>
      %dma_wait3A_275 = tpu.memref_squeeze %dma_wait3A_274 : memref<1x32xi32, #tpu.memory_space<vmem>> -> memref<32xi32, #tpu.memory_space<vmem>>
      %dma_wait3A_276 = tpu.memref_slice %arg3[%add3A_4] : memref<4096xi32, #tpu.memory_space<hbm>> -> memref<32xi32, #tpu.memory_space<hbm>>
      tpu.wait_dma2 semaphore(%run_scoped3A_260 : memref<!tpu.dma_semaphore, #tpu.memory_space<semaphore_mem>>) src(%dma_wait3A_276 : memref<32xi32, #tpu.memory_space<hbm>>) dst(%dma_wait3A_275 : memref<32xi32, #tpu.memory_space<vmem>>)
      tpu.yield
    }) : () -> ()
    %run_scoped3A_6 = arith.constant 0 : i32
    "tpu.region"() ({
      %run_scoped3A_260 = tpu.sem_alloc : memref<!tpu.dma_semaphore, #tpu.memory_space<semaphore_mem>>
      %dma_start3A_261 = arith.constant 0 : i32
      %dma_start3A_262 = tpu.memref_slice %arg7[%run_scoped3A_6, %dma_start3A_261] : memref<2x32xi32, #tpu.memory_space<vmem>> -> memref<1x32xi32, #tpu.memory_space<vmem>>
      %dma_start3A_263 = tpu.memref_squeeze %dma_start3A_262 : memref<1x32xi32, #tpu.memory_space<vmem>> -> memref<32xi32, #tpu.memory_space<vmem>>
      %dma_start3A_264 = tpu.memref_slice %arg4[%add3A_4] : memref<4096xi32, #tpu.memory_space<hbm>> -> memref<32xi32, #tpu.memory_space<hbm>>
      %dma_start3A_265 = arith.constant 0 : i32
      %dma_start3A_266 = tpu.memref_slice %arg7[%run_scoped3A_6, %dma_start3A_265] : memref<2x32xi32, #tpu.memory_space<vmem>> -> memref<1x32xi32, #tpu.memory_space<vmem>>
      %dma_start3A_267 = tpu.memref_squeeze %dma_start3A_266 : memref<1x32xi32, #tpu.memory_space<vmem>> -> memref<32xi32, #tpu.memory_space<vmem>>
      %dma_start3A_268 = tpu.memref_slice %arg4[%add3A_4] : memref<4096xi32, #tpu.memory_space<hbm>> -> memref<32xi32, #tpu.memory_space<hbm>>
      tpu.enqueue_dma source(%dma_start3A_268 : memref<32xi32, #tpu.memory_space<hbm>>) target(%dma_start3A_267 : memref<32xi32, #tpu.memory_space<vmem>>) target_semaphore(%run_scoped3A_260 : memref<!tpu.dma_semaphore, #tpu.memory_space<semaphore_mem>>)
      %dma_wait3A_269 = arith.constant 0 : i32
      %dma_wait3A_270 = tpu.memref_slice %arg7[%run_scoped3A_6, %dma_wait3A_269] : memref<2x32xi32, #tpu.memory_space<vmem>> -> memref<1x32xi32, #tpu.memory_space<vmem>>
      %dma_wait3A_271 = tpu.memref_squeeze %dma_wait3A_270 : memref<1x32xi32, #tpu.memory_space<vmem>> -> memref<32xi32, #tpu.memory_space<vmem>>
      %dma_wait3A_272 = tpu.memref_slice %arg4[%add3A_4] : memref<4096xi32, #tpu.memory_space<hbm>> -> memref<32xi32, #tpu.memory_space<hbm>>
      %dma_wait3A_273 = arith.constant 0 : i32
      %dma_wait3A_274 = tpu.memref_slice %arg7[%run_scoped3A_6, %dma_wait3A_273] : memref<2x32xi32, #tpu.memory_space<vmem>> -> memref<1x32xi32, #tpu.memory_space<vmem>>
      %dma_wait3A_275 = tpu.memref_squeeze %dma_wait3A_274 : memref<1x32xi32, #tpu.memory_space<vmem>> -> memref<32xi32, #tpu.memory_space<vmem>>
      %dma_wait3A_276 = tpu.memref_slice %arg4[%add3A_4] : memref<4096xi32, #tpu.memory_space<hbm>> -> memref<32xi32, #tpu.memory_space<hbm>>
      tpu.wait_dma2 semaphore(%run_scoped3A_260 : memref<!tpu.dma_semaphore, #tpu.memory_space<semaphore_mem>>) src(%dma_wait3A_276 : memref<32xi32, #tpu.memory_space<hbm>>) dst(%dma_wait3A_275 : memref<32xi32, #tpu.memory_space<vmem>>)
      tpu.yield
    }) : () -> ()
    %dma_start3A = arith.constant 0 : i32
    %dma_start3A_7 = arith.constant 0 : i32
    %dma_start3A_8 = arith.constant 0 : i32
    %dma_start3A_9 = arith.constant 0 : i32
    %dma_start3A_10 = arith.constant 0 : i32
    %dma_start3A_11 = tpu.memref_slice %arg8[%dma_start3A, %dma_start3A_9, %dma_start3A_10] : memref<2x32x1024xf32, #tpu.memory_space<vmem>> -> memref<1x32x1024xf32, #tpu.memory_space<vmem>>
    %dma_start3A_12 = tpu.memref_squeeze %dma_start3A_11 : memref<1x32x1024xf32, #tpu.memory_space<vmem>> -> memref<32x1024xf32, #tpu.memory_space<vmem>>
    %dma_start3A_13 = arith.constant 0 : i32
    %dma_start3A_14 = tpu.memref_slice %arg6[%dma_start3A_7, %dma_start3A_13] : memref<2x32xi32, #tpu.memory_space<vmem>> -> memref<1x32xi32, #tpu.memory_space<vmem>>
    %dma_start3A_15 = tpu.memref_squeeze %dma_start3A_14 : memref<1x32xi32, #tpu.memory_space<vmem>> -> memref<32xi32, #tpu.memory_space<vmem>>
    %dma_start3A_16 = arith.constant 0 : i32
    %dma_start3A_17 = arith.constant 0 : i32
    %dma_start3A_18 = tpu.memref_slice %arg5[%dma_start3A_16, %dma_start3A_17] : memref<10240x1024xf32, #tpu.memory_space<hbm>> -> memref<10240x1024xf32, #tpu.memory_space<hbm>>
    %dma_start3A_19 = tpu.memref_slice %arg9[%dma_start3A_8] : memref<2x!tpu.dma_semaphore, #tpu.memory_space<semaphore_mem>> -> memref<1x!tpu.dma_semaphore, #tpu.memory_space<semaphore_mem>>
    %dma_start3A_20 = tpu.memref_squeeze %dma_start3A_19 : memref<1x!tpu.dma_semaphore, #tpu.memory_space<semaphore_mem>> -> memref<!tpu.dma_semaphore, #tpu.memory_space<semaphore_mem>>
    tpu.enqueue_indirect_dma source(%dma_start3A_12 : memref<32x1024xf32, #tpu.memory_space<vmem>>) target(%dma_start3A_18 : memref<10240x1024xf32, #tpu.memory_space<hbm>>) offsets(%dma_start3A_15 : memref<32xi32, #tpu.memory_space<vmem>>) semaphore(%dma_start3A_20 : memref<!tpu.dma_semaphore, #tpu.memory_space<semaphore_mem>>)
    %dma_start3A_21 = arith.constant 0 : i32
    %dma_start3A_22 = arith.constant 0 : i32
    %dma_start3A_23 = arith.constant 0 : i32
    %dma_start3A_24 = arith.constant 0 : i32
    %dma_start3A_25 = arith.constant 0 : i32
    %dma_start3A_26 = tpu.memref_slice %arg8[%dma_start3A_21, %dma_start3A_24, %dma_start3A_25] : memref<2x32x1024xf32, #tpu.memory_space<vmem>> -> memref<1x32x1024xf32, #tpu.memory_space<vmem>>
    %dma_start3A_27 = tpu.memref_squeeze %dma_start3A_26 : memref<1x32x1024xf32, #tpu.memory_space<vmem>> -> memref<32x1024xf32, #tpu.memory_space<vmem>>
    %dma_start3A_28 = arith.constant 0 : i32
    %dma_start3A_29 = tpu.memref_slice %arg7[%dma_start3A_22, %dma_start3A_28] : memref<2x32xi32, #tpu.memory_space<vmem>> -> memref<1x32xi32, #tpu.memory_space<vmem>>
    %dma_start3A_30 = tpu.memref_squeeze %dma_start3A_29 : memref<1x32xi32, #tpu.memory_space<vmem>> -> memref<32xi32, #tpu.memory_space<vmem>>
    %dma_start3A_31 = arith.constant 0 : i32
    %dma_start3A_32 = arith.constant 0 : i32
    %dma_start3A_33 = tpu.memref_slice %arg5[%dma_start3A_31, %dma_start3A_32] : memref<10240x1024xf32, #tpu.memory_space<hbm>> -> memref<10240x1024xf32, #tpu.memory_space<hbm>>
    %dma_start3A_34 = tpu.memref_slice %arg9[%dma_start3A_23] : memref<2x!tpu.dma_semaphore, #tpu.memory_space<semaphore_mem>> -> memref<1x!tpu.dma_semaphore, #tpu.memory_space<semaphore_mem>>
    %dma_start3A_35 = tpu.memref_squeeze %dma_start3A_34 : memref<1x!tpu.dma_semaphore, #tpu.memory_space<semaphore_mem>> -> memref<!tpu.dma_semaphore, #tpu.memory_space<semaphore_mem>>
    tpu.enqueue_indirect_dma source(%dma_start3A_27 : memref<32x1024xf32, #tpu.memory_space<vmem>>) target(%dma_start3A_33 : memref<10240x1024xf32, #tpu.memory_space<hbm>>) offsets(%dma_start3A_30 : memref<32xi32, #tpu.memory_space<vmem>>) semaphore(%dma_start3A_35 : memref<!tpu.dma_semaphore, #tpu.memory_space<semaphore_mem>>)
    %add3A_36 = arith.constant 32 : i32
    %add3A_37 = arith.addi %mul3A_2, %add3A_36 : i32
    %run_scoped3A_38 = arith.constant 1 : i32
    "tpu.region"() ({
      %run_scoped3A_260 = tpu.sem_alloc : memref<!tpu.dma_semaphore, #tpu.memory_space<semaphore_mem>>
      %dma_start3A_261 = arith.constant 0 : i32
      %dma_start3A_262 = arith.constant 0 : i32
      %dma_start3A_263 = tpu.memref_slice %arg8[%run_scoped3A_38, %dma_start3A_261, %dma_start3A_262] : memref<2x32x1024xf32, #tpu.memory_space<vmem>> -> memref<1x32x1024xf32, #tpu.memory_space<vmem>>
      %dma_start3A_264 = tpu.memref_squeeze %dma_start3A_263 : memref<1x32x1024xf32, #tpu.memory_space<vmem>> -> memref<32x1024xf32, #tpu.memory_space<vmem>>
      %dma_start3A_265 = arith.constant 0 : i32
      %dma_start3A_266 = tpu.memref_slice %arg2[%add3A_37, %dma_start3A_265] : memref<4096x1024xf32, #tpu.memory_space<hbm>> -> memref<32x1024xf32, #tpu.memory_space<hbm>>
      %dma_start3A_267 = arith.constant 0 : i32
      %dma_start3A_268 = arith.constant 0 : i32
      %dma_start3A_269 = tpu.memref_slice %arg8[%run_scoped3A_38, %dma_start3A_267, %dma_start3A_268] : memref<2x32x1024xf32, #tpu.memory_space<vmem>> -> memref<1x32x1024xf32, #tpu.memory_space<vmem>>
      %dma_start3A_270 = tpu.memref_squeeze %dma_start3A_269 : memref<1x32x1024xf32, #tpu.memory_space<vmem>> -> memref<32x1024xf32, #tpu.memory_space<vmem>>
      %dma_start3A_271 = arith.constant 0 : i32
      %dma_start3A_272 = tpu.memref_slice %arg2[%add3A_37, %dma_start3A_271] : memref<4096x1024xf32, #tpu.memory_space<hbm>> -> memref<32x1024xf32, #tpu.memory_space<hbm>>
      tpu.enqueue_dma source(%dma_start3A_272 : memref<32x1024xf32, #tpu.memory_space<hbm>>) target(%dma_start3A_270 : memref<32x1024xf32, #tpu.memory_space<vmem>>) target_semaphore(%run_scoped3A_260 : memref<!tpu.dma_semaphore, #tpu.memory_space<semaphore_mem>>)
      %dma_wait3A_273 = arith.constant 0 : i32
      %dma_wait3A_274 = arith.constant 0 : i32
      %dma_wait3A_275 = tpu.memref_slice %arg8[%run_scoped3A_38, %dma_wait3A_273, %dma_wait3A_274] : memref<2x32x1024xf32, #tpu.memory_space<vmem>> -> memref<1x32x1024xf32, #tpu.memory_space<vmem>>
      %dma_wait3A_276 = tpu.memref_squeeze %dma_wait3A_275 : memref<1x32x1024xf32, #tpu.memory_space<vmem>> -> memref<32x1024xf32, #tpu.memory_space<vmem>>
      %dma_wait3A_277 = arith.constant 0 : i32
      %dma_wait3A_278 = tpu.memref_slice %arg2[%add3A_37, %dma_wait3A_277] : memref<4096x1024xf32, #tpu.memory_space<hbm>> -> memref<32x1024xf32, #tpu.memory_space<hbm>>
      %dma_wait3A_279 = arith.constant 0 : i32
      %dma_wait3A_280 = arith.constant 0 : i32
      %dma_wait3A_281 = tpu.memref_slice %arg8[%run_scoped3A_38, %dma_wait3A_279, %dma_wait3A_280] : memref<2x32x1024xf32, #tpu.memory_space<vmem>> -> memref<1x32x1024xf32, #tpu.memory_space<vmem>>
      %dma_wait3A_282 = tpu.memref_squeeze %dma_wait3A_281 : memref<1x32x1024xf32, #tpu.memory_space<vmem>> -> memref<32x1024xf32, #tpu.memory_space<vmem>>
      %dma_wait3A_283 = arith.constant 0 : i32
      %dma_wait3A_284 = tpu.memref_slice %arg2[%add3A_37, %dma_wait3A_283] : memref<4096x1024xf32, #tpu.memory_space<hbm>> -> memref<32x1024xf32, #tpu.memory_space<hbm>>
      tpu.wait_dma2 semaphore(%run_scoped3A_260 : memref<!tpu.dma_semaphore, #tpu.memory_space<semaphore_mem>>) src(%dma_wait3A_284 : memref<32x1024xf32, #tpu.memory_space<hbm>>) dst(%dma_wait3A_282 : memref<32x1024xf32, #tpu.memory_space<vmem>>)
      tpu.yield
    }) : () -> ()
    %run_scoped3A_39 = arith.constant 1 : i32
    "tpu.region"() ({
      %run_scoped3A_260 = tpu.sem_alloc : memref<!tpu.dma_semaphore, #tpu.memory_space<semaphore_mem>>
      %dma_start3A_261 = arith.constant 0 : i32
      %dma_start3A_262 = tpu.memref_slice %arg6[%run_scoped3A_39, %dma_start3A_261] : memref<2x32xi32, #tpu.memory_space<vmem>> -> memref<1x32xi32, #tpu.memory_space<vmem>>
      %dma_start3A_263 = tpu.memref_squeeze %dma_start3A_262 : memref<1x32xi32, #tpu.memory_space<vmem>> -> memref<32xi32, #tpu.memory_space<vmem>>
      %dma_start3A_264 = tpu.memref_slice %arg3[%add3A_37] : memref<4096xi32, #tpu.memory_space<hbm>> -> memref<32xi32, #tpu.memory_space<hbm>>
      %dma_start3A_265 = arith.constant 0 : i32
      %dma_start3A_266 = tpu.memref_slice %arg6[%run_scoped3A_39, %dma_start3A_265] : memref<2x32xi32, #tpu.memory_space<vmem>> -> memref<1x32xi32, #tpu.memory_space<vmem>>
      %dma_start3A_267 = tpu.memref_squeeze %dma_start3A_266 : memref<1x32xi32, #tpu.memory_space<vmem>> -> memref<32xi32, #tpu.memory_space<vmem>>
      %dma_start3A_268 = tpu.memref_slice %arg3[%add3A_37] : memref<4096xi32, #tpu.memory_space<hbm>> -> memref<32xi32, #tpu.memory_space<hbm>>
      tpu.enqueue_dma source(%dma_start3A_268 : memref<32xi32, #tpu.memory_space<hbm>>) target(%dma_start3A_267 : memref<32xi32, #tpu.memory_space<vmem>>) target_semaphore(%run_scoped3A_260 : memref<!tpu.dma_semaphore, #tpu.memory_space<semaphore_mem>>)
      %dma_wait3A_269 = arith.constant 0 : i32
      %dma_wait3A_270 = tpu.memref_slice %arg6[%run_scoped3A_39, %dma_wait3A_269] : memref<2x32xi32, #tpu.memory_space<vmem>> -> memref<1x32xi32, #tpu.memory_space<vmem>>
      %dma_wait3A_271 = tpu.memref_squeeze %dma_wait3A_270 : memref<1x32xi32, #tpu.memory_space<vmem>> -> memref<32xi32, #tpu.memory_space<vmem>>
      %dma_wait3A_272 = tpu.memref_slice %arg3[%add3A_37] : memref<4096xi32, #tpu.memory_space<hbm>> -> memref<32xi32, #tpu.memory_space<hbm>>
      %dma_wait3A_273 = arith.constant 0 : i32
      %dma_wait3A_274 = tpu.memref_slice %arg6[%run_scoped3A_39, %dma_wait3A_273] : memref<2x32xi32, #tpu.memory_space<vmem>> -> memref<1x32xi32, #tpu.memory_space<vmem>>
      %dma_wait3A_275 = tpu.memref_squeeze %dma_wait3A_274 : memref<1x32xi32, #tpu.memory_space<vmem>> -> memref<32xi32, #tpu.memory_space<vmem>>
      %dma_wait3A_276 = tpu.memref_slice %arg3[%add3A_37] : memref<4096xi32, #tpu.memory_space<hbm>> -> memref<32xi32, #tpu.memory_space<hbm>>
      tpu.wait_dma2 semaphore(%run_scoped3A_260 : memref<!tpu.dma_semaphore, #tpu.memory_space<semaphore_mem>>) src(%dma_wait3A_276 : memref<32xi32, #tpu.memory_space<hbm>>) dst(%dma_wait3A_275 : memref<32xi32, #tpu.memory_space<vmem>>)
      tpu.yield
    }) : () -> ()
    %run_scoped3A_40 = arith.constant 1 : i32
    "tpu.region"() ({
      %run_scoped3A_260 = tpu.sem_alloc : memref<!tpu.dma_semaphore, #tpu.memory_space<semaphore_mem>>
      %dma_start3A_261 = arith.constant 0 : i32
      %dma_start3A_262 = tpu.memref_slice %arg7[%run_scoped3A_40, %dma_start3A_261] : memref<2x32xi32, #tpu.memory_space<vmem>> -> memref<1x32xi32, #tpu.memory_space<vmem>>
      %dma_start3A_263 = tpu.memref_squeeze %dma_start3A_262 : memref<1x32xi32, #tpu.memory_space<vmem>> -> memref<32xi32, #tpu.memory_space<vmem>>
      %dma_start3A_264 = tpu.memref_slice %arg4[%add3A_37] : memref<4096xi32, #tpu.memory_space<hbm>> -> memref<32xi32, #tpu.memory_space<hbm>>
      %dma_start3A_265 = arith.constant 0 : i32
      %dma_start3A_266 = tpu.memref_slice %arg7[%run_scoped3A_40, %dma_start3A_265] : memref<2x32xi32, #tpu.memory_space<vmem>> -> memref<1x32xi32, #tpu.memory_space<vmem>>
      %dma_start3A_267 = tpu.memref_squeeze %dma_start3A_266 : memref<1x32xi32, #tpu.memory_space<vmem>> -> memref<32xi32, #tpu.memory_space<vmem>>
      %dma_start3A_268 = tpu.memref_slice %arg4[%add3A_37] : memref<4096xi32, #tpu.memory_space<hbm>> -> memref<32xi32, #tpu.memory_space<hbm>>
      tpu.enqueue_dma source(%dma_start3A_268 : memref<32xi32, #tpu.memory_space<hbm>>) target(%dma_start3A_267 : memref<32xi32, #tpu.memory_space<vmem>>) target_semaphore(%run_scoped3A_260 : memref<!tpu.dma_semaphore, #tpu.memory_space<semaphore_mem>>)
      %dma_wait3A_269 = arith.constant 0 : i32
      %dma_wait3A_270 = tpu.memref_slice %arg7[%run_scoped3A_40, %dma_wait3A_269] : memref<2x32xi32, #tpu.memory_space<vmem>> -> memref<1x32xi32, #tpu.memory_space<vmem>>
      %dma_wait3A_271 = tpu.memref_squeeze %dma_wait3A_270 : memref<1x32xi32, #tpu.memory_space<vmem>> -> memref<32xi32, #tpu.memory_space<vmem>>
      %dma_wait3A_272 = tpu.memref_slice %arg4[%add3A_37] : memref<4096xi32, #tpu.memory_space<hbm>> -> memref<32xi32, #tpu.memory_space<hbm>>
      %dma_wait3A_273 = arith.constant 0 : i32
      %dma_wait3A_274 = tpu.memref_slice %arg7[%run_scoped3A_40, %dma_wait3A_273] : memref<2x32xi32, #tpu.memory_space<vmem>> -> memref<1x32xi32, #tpu.memory_space<vmem>>
      %dma_wait3A_275 = tpu.memref_squeeze %dma_wait3A_274 : memref<1x32xi32, #tpu.memory_space<vmem>> -> memref<32xi32, #tpu.memory_space<vmem>>
      %dma_wait3A_276 = tpu.memref_slice %arg4[%add3A_37] : memref<4096xi32, #tpu.memory_space<hbm>> -> memref<32xi32, #tpu.memory_space<hbm>>
      tpu.wait_dma2 semaphore(%run_scoped3A_260 : memref<!tpu.dma_semaphore, #tpu.memory_space<semaphore_mem>>) src(%dma_wait3A_276 : memref<32xi32, #tpu.memory_space<hbm>>) dst(%dma_wait3A_275 : memref<32xi32, #tpu.memory_space<vmem>>)
      tpu.yield
    }) : () -> ()
    %dma_start3A_41 = arith.constant 1 : i32
    %dma_start3A_42 = arith.constant 1 : i32
    %dma_start3A_43 = arith.constant 1 : i32
    %dma_start3A_44 = arith.constant 0 : i32
    %dma_start3A_45 = arith.constant 0 : i32
    %dma_start3A_46 = tpu.memref_slice %arg8[%dma_start3A_41, %dma_start3A_44, %dma_start3A_45] : memref<2x32x1024xf32, #tpu.memory_space<vmem>> -> memref<1x32x1024xf32, #tpu.memory_space<vmem>>
    %dma_start3A_47 = tpu.memref_squeeze %dma_start3A_46 : memref<1x32x1024xf32, #tpu.memory_space<vmem>> -> memref<32x1024xf32, #tpu.memory_space<vmem>>
    %dma_start3A_48 = arith.constant 0 : i32
    %dma_start3A_49 = tpu.memref_slice %arg6[%dma_start3A_42, %dma_start3A_48] : memref<2x32xi32, #tpu.memory_space<vmem>> -> memref<1x32xi32, #tpu.memory_space<vmem>>
    %dma_start3A_50 = tpu.memref_squeeze %dma_start3A_49 : memref<1x32xi32, #tpu.memory_space<vmem>> -> memref<32xi32, #tpu.memory_space<vmem>>
    %dma_start3A_51 = arith.constant 0 : i32
    %dma_start3A_52 = arith.constant 0 : i32
    %dma_start3A_53 = tpu.memref_slice %arg5[%dma_start3A_51, %dma_start3A_52] : memref<10240x1024xf32, #tpu.memory_space<hbm>> -> memref<10240x1024xf32, #tpu.memory_space<hbm>>
    %dma_start3A_54 = tpu.memref_slice %arg9[%dma_start3A_43] : memref<2x!tpu.dma_semaphore, #tpu.memory_space<semaphore_mem>> -> memref<1x!tpu.dma_semaphore, #tpu.memory_space<semaphore_mem>>
    %dma_start3A_55 = tpu.memref_squeeze %dma_start3A_54 : memref<1x!tpu.dma_semaphore, #tpu.memory_space<semaphore_mem>> -> memref<!tpu.dma_semaphore, #tpu.memory_space<semaphore_mem>>
    tpu.enqueue_indirect_dma source(%dma_start3A_47 : memref<32x1024xf32, #tpu.memory_space<vmem>>) target(%dma_start3A_53 : memref<10240x1024xf32, #tpu.memory_space<hbm>>) offsets(%dma_start3A_50 : memref<32xi32, #tpu.memory_space<vmem>>) semaphore(%dma_start3A_55 : memref<!tpu.dma_semaphore, #tpu.memory_space<semaphore_mem>>)
    %dma_start3A_56 = arith.constant 1 : i32
    %dma_start3A_57 = arith.constant 1 : i32
    %dma_start3A_58 = arith.constant 1 : i32
    %dma_start3A_59 = arith.constant 0 : i32
    %dma_start3A_60 = arith.constant 0 : i32
    %dma_start3A_61 = tpu.memref_slice %arg8[%dma_start3A_56, %dma_start3A_59, %dma_start3A_60] : memref<2x32x1024xf32, #tpu.memory_space<vmem>> -> memref<1x32x1024xf32, #tpu.memory_space<vmem>>
    %dma_start3A_62 = tpu.memref_squeeze %dma_start3A_61 : memref<1x32x1024xf32, #tpu.memory_space<vmem>> -> memref<32x1024xf32, #tpu.memory_space<vmem>>
    %dma_start3A_63 = arith.constant 0 : i32
    %dma_start3A_64 = tpu.memref_slice %arg7[%dma_start3A_57, %dma_start3A_63] : memref<2x32xi32, #tpu.memory_space<vmem>> -> memref<1x32xi32, #tpu.memory_space<vmem>>
    %dma_start3A_65 = tpu.memref_squeeze %dma_start3A_64 : memref<1x32xi32, #tpu.memory_space<vmem>> -> memref<32xi32, #tpu.memory_space<vmem>>
    %dma_start3A_66 = arith.constant 0 : i32
    %dma_start3A_67 = arith.constant 0 : i32
    %dma_start3A_68 = tpu.memref_slice %arg5[%dma_start3A_66, %dma_start3A_67] : memref<10240x1024xf32, #tpu.memory_space<hbm>> -> memref<10240x1024xf32, #tpu.memory_space<hbm>>
    %dma_start3A_69 = tpu.memref_slice %arg9[%dma_start3A_58] : memref<2x!tpu.dma_semaphore, #tpu.memory_space<semaphore_mem>> -> memref<1x!tpu.dma_semaphore, #tpu.memory_space<semaphore_mem>>
    %dma_start3A_70 = tpu.memref_squeeze %dma_start3A_69 : memref<1x!tpu.dma_semaphore, #tpu.memory_space<semaphore_mem>> -> memref<!tpu.dma_semaphore, #tpu.memory_space<semaphore_mem>>
    tpu.enqueue_indirect_dma source(%dma_start3A_62 : memref<32x1024xf32, #tpu.memory_space<vmem>>) target(%dma_start3A_68 : memref<10240x1024xf32, #tpu.memory_space<hbm>>) offsets(%dma_start3A_65 : memref<32xi32, #tpu.memory_space<vmem>>) semaphore(%dma_start3A_70 : memref<!tpu.dma_semaphore, #tpu.memory_space<semaphore_mem>>)
    %dma_wait3A = arith.constant 0 : i32
    %dma_wait3A_71 = arith.constant 0 : i32
    %dma_wait3A_72 = arith.constant 0 : i32
    %dma_wait3A_73 = arith.constant 0 : i32
    %dma_wait3A_74 = arith.constant 0 : i32
    %dma_wait3A_75 = tpu.memref_slice %arg8[%dma_wait3A, %dma_wait3A_73, %dma_wait3A_74] : memref<2x32x1024xf32, #tpu.memory_space<vmem>> -> memref<1x32x1024xf32, #tpu.memory_space<vmem>>
    %dma_wait3A_76 = tpu.memref_squeeze %dma_wait3A_75 : memref<1x32x1024xf32, #tpu.memory_space<vmem>> -> memref<32x1024xf32, #tpu.memory_space<vmem>>
    %dma_wait3A_77 = arith.constant 0 : i32
    %dma_wait3A_78 = tpu.memref_slice %arg6[%dma_wait3A_71, %dma_wait3A_77] : memref<2x32xi32, #tpu.memory_space<vmem>> -> memref<1x32xi32, #tpu.memory_space<vmem>>
    %dma_wait3A_79 = tpu.memref_squeeze %dma_wait3A_78 : memref<1x32xi32, #tpu.memory_space<vmem>> -> memref<32xi32, #tpu.memory_space<vmem>>
    %dma_wait3A_80 = arith.constant 0 : i32
    %dma_wait3A_81 = arith.constant 0 : i32
    %dma_wait3A_82 = tpu.memref_slice %arg5[%dma_wait3A_80, %dma_wait3A_81] : memref<10240x1024xf32, #tpu.memory_space<hbm>> -> memref<10240x1024xf32, #tpu.memory_space<hbm>>
    %dma_wait3A_83 = tpu.memref_slice %arg9[%dma_wait3A_72] : memref<2x!tpu.dma_semaphore, #tpu.memory_space<semaphore_mem>> -> memref<1x!tpu.dma_semaphore, #tpu.memory_space<semaphore_mem>>
    %dma_wait3A_84 = tpu.memref_squeeze %dma_wait3A_83 : memref<1x!tpu.dma_semaphore, #tpu.memory_space<semaphore_mem>> -> memref<!tpu.dma_semaphore, #tpu.memory_space<semaphore_mem>>
    tpu.wait_indirect_dma semaphore(%dma_wait3A_84 : memref<!tpu.dma_semaphore, #tpu.memory_space<semaphore_mem>>) src(%dma_wait3A_76 : memref<32x1024xf32, #tpu.memory_space<vmem>>) dst(%dma_wait3A_82 : memref<10240x1024xf32, #tpu.memory_space<hbm>>)
    %dma_wait3A_85 = arith.constant 0 : i32
    %dma_wait3A_86 = arith.constant 0 : i32
    %dma_wait3A_87 = arith.constant 0 : i32
    %dma_wait3A_88 = arith.constant 0 : i32
    %dma_wait3A_89 = arith.constant 0 : i32
    %dma_wait3A_90 = tpu.memref_slice %arg8[%dma_wait3A_85, %dma_wait3A_88, %dma_wait3A_89] : memref<2x32x1024xf32, #tpu.memory_space<vmem>> -> memref<1x32x1024xf32, #tpu.memory_space<vmem>>
    %dma_wait3A_91 = tpu.memref_squeeze %dma_wait3A_90 : memref<1x32x1024xf32, #tpu.memory_space<vmem>> -> memref<32x1024xf32, #tpu.memory_space<vmem>>
    %dma_wait3A_92 = arith.constant 0 : i32
    %dma_wait3A_93 = tpu.memref_slice %arg7[%dma_wait3A_86, %dma_wait3A_92] : memref<2x32xi32, #tpu.memory_space<vmem>> -> memref<1x32xi32, #tpu.memory_space<vmem>>
    %dma_wait3A_94 = tpu.memref_squeeze %dma_wait3A_93 : memref<1x32xi32, #tpu.memory_space<vmem>> -> memref<32xi32, #tpu.memory_space<vmem>>
    %dma_wait3A_95 = arith.constant 0 : i32
    %dma_wait3A_96 = arith.constant 0 : i32
    %dma_wait3A_97 = tpu.memref_slice %arg5[%dma_wait3A_95, %dma_wait3A_96] : memref<10240x1024xf32, #tpu.memory_space<hbm>> -> memref<10240x1024xf32, #tpu.memory_space<hbm>>
    %dma_wait3A_98 = tpu.memref_slice %arg9[%dma_wait3A_87] : memref<2x!tpu.dma_semaphore, #tpu.memory_space<semaphore_mem>> -> memref<1x!tpu.dma_semaphore, #tpu.memory_space<semaphore_mem>>
    %dma_wait3A_99 = tpu.memref_squeeze %dma_wait3A_98 : memref<1x!tpu.dma_semaphore, #tpu.memory_space<semaphore_mem>> -> memref<!tpu.dma_semaphore, #tpu.memory_space<semaphore_mem>>
    tpu.wait_indirect_dma semaphore(%dma_wait3A_99 : memref<!tpu.dma_semaphore, #tpu.memory_space<semaphore_mem>>) src(%dma_wait3A_91 : memref<32x1024xf32, #tpu.memory_space<vmem>>) dst(%dma_wait3A_97 : memref<10240x1024xf32, #tpu.memory_space<hbm>>)
    %add3A_100 = arith.constant 64 : i32
    %add3A_101 = arith.addi %mul3A_2, %add3A_100 : i32
    %run_scoped3A_102 = arith.constant 0 : i32
    "tpu.region"() ({
      %run_scoped3A_260 = tpu.sem_alloc : memref<!tpu.dma_semaphore, #tpu.memory_space<semaphore_mem>>
      %dma_start3A_261 = arith.constant 0 : i32
      %dma_start3A_262 = arith.constant 0 : i32
      %dma_start3A_263 = tpu.memref_slice %arg8[%run_scoped3A_102, %dma_start3A_261, %dma_start3A_262] : memref<2x32x1024xf32, #tpu.memory_space<vmem>> -> memref<1x32x1024xf32, #tpu.memory_space<vmem>>
      %dma_start3A_264 = tpu.memref_squeeze %dma_start3A_263 : memref<1x32x1024xf32, #tpu.memory_space<vmem>> -> memref<32x1024xf32, #tpu.memory_space<vmem>>
      %dma_start3A_265 = arith.constant 0 : i32
      %dma_start3A_266 = tpu.memref_slice %arg2[%add3A_101, %dma_start3A_265] : memref<4096x1024xf32, #tpu.memory_space<hbm>> -> memref<32x1024xf32, #tpu.memory_space<hbm>>
      %dma_start3A_267 = arith.constant 0 : i32
      %dma_start3A_268 = arith.constant 0 : i32
      %dma_start3A_269 = tpu.memref_slice %arg8[%run_scoped3A_102, %dma_start3A_267, %dma_start3A_268] : memref<2x32x1024xf32, #tpu.memory_space<vmem>> -> memref<1x32x1024xf32, #tpu.memory_space<vmem>>
      %dma_start3A_270 = tpu.memref_squeeze %dma_start3A_269 : memref<1x32x1024xf32, #tpu.memory_space<vmem>> -> memref<32x1024xf32, #tpu.memory_space<vmem>>
      %dma_start3A_271 = arith.constant 0 : i32
      %dma_start3A_272 = tpu.memref_slice %arg2[%add3A_101, %dma_start3A_271] : memref<4096x1024xf32, #tpu.memory_space<hbm>> -> memref<32x1024xf32, #tpu.memory_space<hbm>>
      tpu.enqueue_dma source(%dma_start3A_272 : memref<32x1024xf32, #tpu.memory_space<hbm>>) target(%dma_start3A_270 : memref<32x1024xf32, #tpu.memory_space<vmem>>) target_semaphore(%run_scoped3A_260 : memref<!tpu.dma_semaphore, #tpu.memory_space<semaphore_mem>>)
      %dma_wait3A_273 = arith.constant 0 : i32
      %dma_wait3A_274 = arith.constant 0 : i32
      %dma_wait3A_275 = tpu.memref_slice %arg8[%run_scoped3A_102, %dma_wait3A_273, %dma_wait3A_274] : memref<2x32x1024xf32, #tpu.memory_space<vmem>> -> memref<1x32x1024xf32, #tpu.memory_space<vmem>>
      %dma_wait3A_276 = tpu.memref_squeeze %dma_wait3A_275 : memref<1x32x1024xf32, #tpu.memory_space<vmem>> -> memref<32x1024xf32, #tpu.memory_space<vmem>>
      %dma_wait3A_277 = arith.constant 0 : i32
      %dma_wait3A_278 = tpu.memref_slice %arg2[%add3A_101, %dma_wait3A_277] : memref<4096x1024xf32, #tpu.memory_space<hbm>> -> memref<32x1024xf32, #tpu.memory_space<hbm>>
      %dma_wait3A_279 = arith.constant 0 : i32
      %dma_wait3A_280 = arith.constant 0 : i32
      %dma_wait3A_281 = tpu.memref_slice %arg8[%run_scoped3A_102, %dma_wait3A_279, %dma_wait3A_280] : memref<2x32x1024xf32, #tpu.memory_space<vmem>> -> memref<1x32x1024xf32, #tpu.memory_space<vmem>>
      %dma_wait3A_282 = tpu.memref_squeeze %dma_wait3A_281 : memref<1x32x1024xf32, #tpu.memory_space<vmem>> -> memref<32x1024xf32, #tpu.memory_space<vmem>>
      %dma_wait3A_283 = arith.constant 0 : i32
      %dma_wait3A_284 = tpu.memref_slice %arg2[%add3A_101, %dma_wait3A_283] : memref<4096x1024xf32, #tpu.memory_space<hbm>> -> memref<32x1024xf32, #tpu.memory_space<hbm>>
      tpu.wait_dma2 semaphore(%run_scoped3A_260 : memref<!tpu.dma_semaphore, #tpu.memory_space<semaphore_mem>>) src(%dma_wait3A_284 : memref<32x1024xf32, #tpu.memory_space<hbm>>) dst(%dma_wait3A_282 : memref<32x1024xf32, #tpu.memory_space<vmem>>)
      tpu.yield
    }) : () -> ()
    %run_scoped3A_103 = arith.constant 0 : i32
    "tpu.region"() ({
      %run_scoped3A_260 = tpu.sem_alloc : memref<!tpu.dma_semaphore, #tpu.memory_space<semaphore_mem>>
      %dma_start3A_261 = arith.constant 0 : i32
      %dma_start3A_262 = tpu.memref_slice %arg6[%run_scoped3A_103, %dma_start3A_261] : memref<2x32xi32, #tpu.memory_space<vmem>> -> memref<1x32xi32, #tpu.memory_space<vmem>>
      %dma_start3A_263 = tpu.memref_squeeze %dma_start3A_262 : memref<1x32xi32, #tpu.memory_space<vmem>> -> memref<32xi32, #tpu.memory_space<vmem>>
      %dma_start3A_264 = tpu.memref_slice %arg3[%add3A_101] : memref<4096xi32, #tpu.memory_space<hbm>> -> memref<32xi32, #tpu.memory_space<hbm>>
      %dma_start3A_265 = arith.constant 0 : i32
      %dma_start3A_266 = tpu.memref_slice %arg6[%run_scoped3A_103, %dma_start3A_265] : memref<2x32xi32, #tpu.memory_space<vmem>> -> memref<1x32xi32, #tpu.memory_space<vmem>>
      %dma_start3A_267 = tpu.memref_squeeze %dma_start3A_266 : memref<1x32xi32, #tpu.memory_space<vmem>> -> memref<32xi32, #tpu.memory_space<vmem>>
      %dma_start3A_268 = tpu.memref_slice %arg3[%add3A_101] : memref<4096xi32, #tpu.memory_space<hbm>> -> memref<32xi32, #tpu.memory_space<hbm>>
      tpu.enqueue_dma source(%dma_start3A_268 : memref<32xi32, #tpu.memory_space<hbm>>) target(%dma_start3A_267 : memref<32xi32, #tpu.memory_space<vmem>>) target_semaphore(%run_scoped3A_260 : memref<!tpu.dma_semaphore, #tpu.memory_space<semaphore_mem>>)
      %dma_wait3A_269 = arith.constant 0 : i32
      %dma_wait3A_270 = tpu.memref_slice %arg6[%run_scoped3A_103, %dma_wait3A_269] : memref<2x32xi32, #tpu.memory_space<vmem>> -> memref<1x32xi32, #tpu.memory_space<vmem>>
      %dma_wait3A_271 = tpu.memref_squeeze %dma_wait3A_270 : memref<1x32xi32, #tpu.memory_space<vmem>> -> memref<32xi32, #tpu.memory_space<vmem>>
      %dma_wait3A_272 = tpu.memref_slice %arg3[%add3A_101] : memref<4096xi32, #tpu.memory_space<hbm>> -> memref<32xi32, #tpu.memory_space<hbm>>
      %dma_wait3A_273 = arith.constant 0 : i32
      %dma_wait3A_274 = tpu.memref_slice %arg6[%run_scoped3A_103, %dma_wait3A_273] : memref<2x32xi32, #tpu.memory_space<vmem>> -> memref<1x32xi32, #tpu.memory_space<vmem>>
      %dma_wait3A_275 = tpu.memref_squeeze %dma_wait3A_274 : memref<1x32xi32, #tpu.memory_space<vmem>> -> memref<32xi32, #tpu.memory_space<vmem>>
      %dma_wait3A_276 = tpu.memref_slice %arg3[%add3A_101] : memref<4096xi32, #tpu.memory_space<hbm>> -> memref<32xi32, #tpu.memory_space<hbm>>
      tpu.wait_dma2 semaphore(%run_scoped3A_260 : memref<!tpu.dma_semaphore, #tpu.memory_space<semaphore_mem>>) src(%dma_wait3A_276 : memref<32xi32, #tpu.memory_space<hbm>>) dst(%dma_wait3A_275 : memref<32xi32, #tpu.memory_space<vmem>>)
      tpu.yield
    }) : () -> ()
    %run_scoped3A_104 = arith.constant 0 : i32
    "tpu.region"() ({
      %run_scoped3A_260 = tpu.sem_alloc : memref<!tpu.dma_semaphore, #tpu.memory_space<semaphore_mem>>
      %dma_start3A_261 = arith.constant 0 : i32
      %dma_start3A_262 = tpu.memref_slice %arg7[%run_scoped3A_104, %dma_start3A_261] : memref<2x32xi32, #tpu.memory_space<vmem>> -> memref<1x32xi32, #tpu.memory_space<vmem>>
      %dma_start3A_263 = tpu.memref_squeeze %dma_start3A_262 : memref<1x32xi32, #tpu.memory_space<vmem>> -> memref<32xi32, #tpu.memory_space<vmem>>
      %dma_start3A_264 = tpu.memref_slice %arg4[%add3A_101] : memref<4096xi32, #tpu.memory_space<hbm>> -> memref<32xi32, #tpu.memory_space<hbm>>
      %dma_start3A_265 = arith.constant 0 : i32
      %dma_start3A_266 = tpu.memref_slice %arg7[%run_scoped3A_104, %dma_start3A_265] : memref<2x32xi32, #tpu.memory_space<vmem>> -> memref<1x32xi32, #tpu.memory_space<vmem>>
      %dma_start3A_267 = tpu.memref_squeeze %dma_start3A_266 : memref<1x32xi32, #tpu.memory_space<vmem>> -> memref<32xi32, #tpu.memory_space<vmem>>
      %dma_start3A_268 = tpu.memref_slice %arg4[%add3A_101] : memref<4096xi32, #tpu.memory_space<hbm>> -> memref<32xi32, #tpu.memory_space<hbm>>
      tpu.enqueue_dma source(%dma_start3A_268 : memref<32xi32, #tpu.memory_space<hbm>>) target(%dma_start3A_267 : memref<32xi32, #tpu.memory_space<vmem>>) target_semaphore(%run_scoped3A_260 : memref<!tpu.dma_semaphore, #tpu.memory_space<semaphore_mem>>)
      %dma_wait3A_269 = arith.constant 0 : i32
      %dma_wait3A_270 = tpu.memref_slice %arg7[%run_scoped3A_104, %dma_wait3A_269] : memref<2x32xi32, #tpu.memory_space<vmem>> -> memref<1x32xi32, #tpu.memory_space<vmem>>
      %dma_wait3A_271 = tpu.memref_squeeze %dma_wait3A_270 : memref<1x32xi32, #tpu.memory_space<vmem>> -> memref<32xi32, #tpu.memory_space<vmem>>
      %dma_wait3A_272 = tpu.memref_slice %arg4[%add3A_101] : memref<4096xi32, #tpu.memory_space<hbm>> -> memref<32xi32, #tpu.memory_space<hbm>>
      %dma_wait3A_273 = arith.constant 0 : i32
      %dma_wait3A_274 = tpu.memref_slice %arg7[%run_scoped3A_104, %dma_wait3A_273] : memref<2x32xi32, #tpu.memory_space<vmem>> -> memref<1x32xi32, #tpu.memory_space<vmem>>
      %dma_wait3A_275 = tpu.memref_squeeze %dma_wait3A_274 : memref<1x32xi32, #tpu.memory_space<vmem>> -> memref<32xi32, #tpu.memory_space<vmem>>
      %dma_wait3A_276 = tpu.memref_slice %arg4[%add3A_101] : memref<4096xi32, #tpu.memory_space<hbm>> -> memref<32xi32, #tpu.memory_space<hbm>>
      tpu.wait_dma2 semaphore(%run_scoped3A_260 : memref<!tpu.dma_semaphore, #tpu.memory_space<semaphore_mem>>) src(%dma_wait3A_276 : memref<32xi32, #tpu.memory_space<hbm>>) dst(%dma_wait3A_275 : memref<32xi32, #tpu.memory_space<vmem>>)
      tpu.yield
    }) : () -> ()
    %dma_start3A_105 = arith.constant 0 : i32
    %dma_start3A_106 = arith.constant 0 : i32
    %dma_start3A_107 = arith.constant 0 : i32
    %dma_start3A_108 = arith.constant 0 : i32
    %dma_start3A_109 = arith.constant 0 : i32
    %dma_start3A_110 = tpu.memref_slice %arg8[%dma_start3A_105, %dma_start3A_108, %dma_start3A_109] : memref<2x32x1024xf32, #tpu.memory_space<vmem>> -> memref<1x32x1024xf32, #tpu.memory_space<vmem>>
    %dma_start3A_111 = tpu.memref_squeeze %dma_start3A_110 : memref<1x32x1024xf32, #tpu.memory_space<vmem>> -> memref<32x1024xf32, #tpu.memory_space<vmem>>
    %dma_start3A_112 = arith.constant 0 : i32
    %dma_start3A_113 = tpu.memref_slice %arg6[%dma_start3A_106, %dma_start3A_112] : memref<2x32xi32, #tpu.memory_space<vmem>> -> memref<1x32xi32, #tpu.memory_space<vmem>>
    %dma_start3A_114 = tpu.memref_squeeze %dma_start3A_113 : memref<1x32xi32, #tpu.memory_space<vmem>> -> memref<32xi32, #tpu.memory_space<vmem>>
    %dma_start3A_115 = arith.constant 0 : i32
    %dma_start3A_116 = arith.constant 0 : i32
    %dma_start3A_117 = tpu.memref_slice %arg5[%dma_start3A_115, %dma_start3A_116] : memref<10240x1024xf32, #tpu.memory_space<hbm>> -> memref<10240x1024xf32, #tpu.memory_space<hbm>>
    %dma_start3A_118 = tpu.memref_slice %arg9[%dma_start3A_107] : memref<2x!tpu.dma_semaphore, #tpu.memory_space<semaphore_mem>> -> memref<1x!tpu.dma_semaphore, #tpu.memory_space<semaphore_mem>>
    %dma_start3A_119 = tpu.memref_squeeze %dma_start3A_118 : memref<1x!tpu.dma_semaphore, #tpu.memory_space<semaphore_mem>> -> memref<!tpu.dma_semaphore, #tpu.memory_space<semaphore_mem>>
    tpu.enqueue_indirect_dma source(%dma_start3A_111 : memref<32x1024xf32, #tpu.memory_space<vmem>>) target(%dma_start3A_117 : memref<10240x1024xf32, #tpu.memory_space<hbm>>) offsets(%dma_start3A_114 : memref<32xi32, #tpu.memory_space<vmem>>) semaphore(%dma_start3A_119 : memref<!tpu.dma_semaphore, #tpu.memory_space<semaphore_mem>>)
    %dma_start3A_120 = arith.constant 0 : i32
    %dma_start3A_121 = arith.constant 0 : i32
    %dma_start3A_122 = arith.constant 0 : i32
    %dma_start3A_123 = arith.constant 0 : i32
    %dma_start3A_124 = arith.constant 0 : i32
    %dma_start3A_125 = tpu.memref_slice %arg8[%dma_start3A_120, %dma_start3A_123, %dma_start3A_124] : memref<2x32x1024xf32, #tpu.memory_space<vmem>> -> memref<1x32x1024xf32, #tpu.memory_space<vmem>>
    %dma_start3A_126 = tpu.memref_squeeze %dma_start3A_125 : memref<1x32x1024xf32, #tpu.memory_space<vmem>> -> memref<32x1024xf32, #tpu.memory_space<vmem>>
    %dma_start3A_127 = arith.constant 0 : i32
    %dma_start3A_128 = tpu.memref_slice %arg7[%dma_start3A_121, %dma_start3A_127] : memref<2x32xi32, #tpu.memory_space<vmem>> -> memref<1x32xi32, #tpu.memory_space<vmem>>
    %dma_start3A_129 = tpu.memref_squeeze %dma_start3A_128 : memref<1x32xi32, #tpu.memory_space<vmem>> -> memref<32xi32, #tpu.memory_space<vmem>>
    %dma_start3A_130 = arith.constant 0 : i32
    %dma_start3A_131 = arith.constant 0 : i32
    %dma_start3A_132 = tpu.memref_slice %arg5[%dma_start3A_130, %dma_start3A_131] : memref<10240x1024xf32, #tpu.memory_space<hbm>> -> memref<10240x1024xf32, #tpu.memory_space<hbm>>
    %dma_start3A_133 = tpu.memref_slice %arg9[%dma_start3A_122] : memref<2x!tpu.dma_semaphore, #tpu.memory_space<semaphore_mem>> -> memref<1x!tpu.dma_semaphore, #tpu.memory_space<semaphore_mem>>
    %dma_start3A_134 = tpu.memref_squeeze %dma_start3A_133 : memref<1x!tpu.dma_semaphore, #tpu.memory_space<semaphore_mem>> -> memref<!tpu.dma_semaphore, #tpu.memory_space<semaphore_mem>>
    tpu.enqueue_indirect_dma source(%dma_start3A_126 : memref<32x1024xf32, #tpu.memory_space<vmem>>) target(%dma_start3A_132 : memref<10240x1024xf32, #tpu.memory_space<hbm>>) offsets(%dma_start3A_129 : memref<32xi32, #tpu.memory_space<vmem>>) semaphore(%dma_start3A_134 : memref<!tpu.dma_semaphore, #tpu.memory_space<semaphore_mem>>)
    %dma_wait3A_135 = arith.constant 1 : i32
    %dma_wait3A_136 = arith.constant 1 : i32
    %dma_wait3A_137 = arith.constant 1 : i32
    %dma_wait3A_138 = arith.constant 0 : i32
    %dma_wait3A_139 = arith.constant 0 : i32
    %dma_wait3A_140 = tpu.memref_slice %arg8[%dma_wait3A_135, %dma_wait3A_138, %dma_wait3A_139] : memref<2x32x1024xf32, #tpu.memory_space<vmem>> -> memref<1x32x1024xf32, #tpu.memory_space<vmem>>
    %dma_wait3A_141 = tpu.memref_squeeze %dma_wait3A_140 : memref<1x32x1024xf32, #tpu.memory_space<vmem>> -> memref<32x1024xf32, #tpu.memory_space<vmem>>
    %dma_wait3A_142 = arith.constant 0 : i32
    %dma_wait3A_143 = tpu.memref_slice %arg6[%dma_wait3A_136, %dma_wait3A_142] : memref<2x32xi32, #tpu.memory_space<vmem>> -> memref<1x32xi32, #tpu.memory_space<vmem>>
    %dma_wait3A_144 = tpu.memref_squeeze %dma_wait3A_143 : memref<1x32xi32, #tpu.memory_space<vmem>> -> memref<32xi32, #tpu.memory_space<vmem>>
    %dma_wait3A_145 = arith.constant 0 : i32
    %dma_wait3A_146 = arith.constant 0 : i32
    %dma_wait3A_147 = tpu.memref_slice %arg5[%dma_wait3A_145, %dma_wait3A_146] : memref<10240x1024xf32, #tpu.memory_space<hbm>> -> memref<10240x1024xf32, #tpu.memory_space<hbm>>
    %dma_wait3A_148 = tpu.memref_slice %arg9[%dma_wait3A_137] : memref<2x!tpu.dma_semaphore, #tpu.memory_space<semaphore_mem>> -> memref<1x!tpu.dma_semaphore, #tpu.memory_space<semaphore_mem>>
    %dma_wait3A_149 = tpu.memref_squeeze %dma_wait3A_148 : memref<1x!tpu.dma_semaphore, #tpu.memory_space<semaphore_mem>> -> memref<!tpu.dma_semaphore, #tpu.memory_space<semaphore_mem>>
    tpu.wait_indirect_dma semaphore(%dma_wait3A_149 : memref<!tpu.dma_semaphore, #tpu.memory_space<semaphore_mem>>) src(%dma_wait3A_141 : memref<32x1024xf32, #tpu.memory_space<vmem>>) dst(%dma_wait3A_147 : memref<10240x1024xf32, #tpu.memory_space<hbm>>)
    %dma_wait3A_150 = arith.constant 1 : i32
    %dma_wait3A_151 = arith.constant 1 : i32
    %dma_wait3A_152 = arith.constant 1 : i32
    %dma_wait3A_153 = arith.constant 0 : i32
    %dma_wait3A_154 = arith.constant 0 : i32
    %dma_wait3A_155 = tpu.memref_slice %arg8[%dma_wait3A_150, %dma_wait3A_153, %dma_wait3A_154] : memref<2x32x1024xf32, #tpu.memory_space<vmem>> -> memref<1x32x1024xf32, #tpu.memory_space<vmem>>
    %dma_wait3A_156 = tpu.memref_squeeze %dma_wait3A_155 : memref<1x32x1024xf32, #tpu.memory_space<vmem>> -> memref<32x1024xf32, #tpu.memory_space<vmem>>
    %dma_wait3A_157 = arith.constant 0 : i32
    %dma_wait3A_158 = tpu.memref_slice %arg7[%dma_wait3A_151, %dma_wait3A_157] : memref<2x32xi32, #tpu.memory_space<vmem>> -> memref<1x32xi32, #tpu.memory_space<vmem>>
    %dma_wait3A_159 = tpu.memref_squeeze %dma_wait3A_158 : memref<1x32xi32, #tpu.memory_space<vmem>> -> memref<32xi32, #tpu.memory_space<vmem>>
    %dma_wait3A_160 = arith.constant 0 : i32
    %dma_wait3A_161 = arith.constant 0 : i32
    %dma_wait3A_162 = tpu.memref_slice %arg5[%dma_wait3A_160, %dma_wait3A_161] : memref<10240x1024xf32, #tpu.memory_space<hbm>> -> memref<10240x1024xf32, #tpu.memory_space<hbm>>
    %dma_wait3A_163 = tpu.memref_slice %arg9[%dma_wait3A_152] : memref<2x!tpu.dma_semaphore, #tpu.memory_space<semaphore_mem>> -> memref<1x!tpu.dma_semaphore, #tpu.memory_space<semaphore_mem>>
    %dma_wait3A_164 = tpu.memref_squeeze %dma_wait3A_163 : memref<1x!tpu.dma_semaphore, #tpu.memory_space<semaphore_mem>> -> memref<!tpu.dma_semaphore, #tpu.memory_space<semaphore_mem>>
    tpu.wait_indirect_dma semaphore(%dma_wait3A_164 : memref<!tpu.dma_semaphore, #tpu.memory_space<semaphore_mem>>) src(%dma_wait3A_156 : memref<32x1024xf32, #tpu.memory_space<vmem>>) dst(%dma_wait3A_162 : memref<10240x1024xf32, #tpu.memory_space<hbm>>)
    %add3A_165 = arith.constant 96 : i32
    %add3A_166 = arith.addi %mul3A_2, %add3A_165 : i32
    %run_scoped3A_167 = arith.constant 1 : i32
    "tpu.region"() ({
      %run_scoped3A_260 = tpu.sem_alloc : memref<!tpu.dma_semaphore, #tpu.memory_space<semaphore_mem>>
      %dma_start3A_261 = arith.constant 0 : i32
      %dma_start3A_262 = arith.constant 0 : i32
      %dma_start3A_263 = tpu.memref_slice %arg8[%run_scoped3A_167, %dma_start3A_261, %dma_start3A_262] : memref<2x32x1024xf32, #tpu.memory_space<vmem>> -> memref<1x32x1024xf32, #tpu.memory_space<vmem>>
      %dma_start3A_264 = tpu.memref_squeeze %dma_start3A_263 : memref<1x32x1024xf32, #tpu.memory_space<vmem>> -> memref<32x1024xf32, #tpu.memory_space<vmem>>
      %dma_start3A_265 = arith.constant 0 : i32
      %dma_start3A_266 = tpu.memref_slice %arg2[%add3A_166, %dma_start3A_265] : memref<4096x1024xf32, #tpu.memory_space<hbm>> -> memref<32x1024xf32, #tpu.memory_space<hbm>>
      %dma_start3A_267 = arith.constant 0 : i32
      %dma_start3A_268 = arith.constant 0 : i32
      %dma_start3A_269 = tpu.memref_slice %arg8[%run_scoped3A_167, %dma_start3A_267, %dma_start3A_268] : memref<2x32x1024xf32, #tpu.memory_space<vmem>> -> memref<1x32x1024xf32, #tpu.memory_space<vmem>>
      %dma_start3A_270 = tpu.memref_squeeze %dma_start3A_269 : memref<1x32x1024xf32, #tpu.memory_space<vmem>> -> memref<32x1024xf32, #tpu.memory_space<vmem>>
      %dma_start3A_271 = arith.constant 0 : i32
      %dma_start3A_272 = tpu.memref_slice %arg2[%add3A_166, %dma_start3A_271] : memref<4096x1024xf32, #tpu.memory_space<hbm>> -> memref<32x1024xf32, #tpu.memory_space<hbm>>
      tpu.enqueue_dma source(%dma_start3A_272 : memref<32x1024xf32, #tpu.memory_space<hbm>>) target(%dma_start3A_270 : memref<32x1024xf32, #tpu.memory_space<vmem>>) target_semaphore(%run_scoped3A_260 : memref<!tpu.dma_semaphore, #tpu.memory_space<semaphore_mem>>)
      %dma_wait3A_273 = arith.constant 0 : i32
      %dma_wait3A_274 = arith.constant 0 : i32
      %dma_wait3A_275 = tpu.memref_slice %arg8[%run_scoped3A_167, %dma_wait3A_273, %dma_wait3A_274] : memref<2x32x1024xf32, #tpu.memory_space<vmem>> -> memref<1x32x1024xf32, #tpu.memory_space<vmem>>
      %dma_wait3A_276 = tpu.memref_squeeze %dma_wait3A_275 : memref<1x32x1024xf32, #tpu.memory_space<vmem>> -> memref<32x1024xf32, #tpu.memory_space<vmem>>
      %dma_wait3A_277 = arith.constant 0 : i32
      %dma_wait3A_278 = tpu.memref_slice %arg2[%add3A_166, %dma_wait3A_277] : memref<4096x1024xf32, #tpu.memory_space<hbm>> -> memref<32x1024xf32, #tpu.memory_space<hbm>>
      %dma_wait3A_279 = arith.constant 0 : i32
      %dma_wait3A_280 = arith.constant 0 : i32
      %dma_wait3A_281 = tpu.memref_slice %arg8[%run_scoped3A_167, %dma_wait3A_279, %dma_wait3A_280] : memref<2x32x1024xf32, #tpu.memory_space<vmem>> -> memref<1x32x1024xf32, #tpu.memory_space<vmem>>
      %dma_wait3A_282 = tpu.memref_squeeze %dma_wait3A_281 : memref<1x32x1024xf32, #tpu.memory_space<vmem>> -> memref<32x1024xf32, #tpu.memory_space<vmem>>
      %dma_wait3A_283 = arith.constant 0 : i32
      %dma_wait3A_284 = tpu.memref_slice %arg2[%add3A_166, %dma_wait3A_283] : memref<4096x1024xf32, #tpu.memory_space<hbm>> -> memref<32x1024xf32, #tpu.memory_space<hbm>>
      tpu.wait_dma2 semaphore(%run_scoped3A_260 : memref<!tpu.dma_semaphore, #tpu.memory_space<semaphore_mem>>) src(%dma_wait3A_284 : memref<32x1024xf32, #tpu.memory_space<hbm>>) dst(%dma_wait3A_282 : memref<32x1024xf32, #tpu.memory_space<vmem>>)
      tpu.yield
    }) : () -> ()
    %run_scoped3A_168 = arith.constant 1 : i32
    "tpu.region"() ({
      %run_scoped3A_260 = tpu.sem_alloc : memref<!tpu.dma_semaphore, #tpu.memory_space<semaphore_mem>>
      %dma_start3A_261 = arith.constant 0 : i32
      %dma_start3A_262 = tpu.memref_slice %arg6[%run_scoped3A_168, %dma_start3A_261] : memref<2x32xi32, #tpu.memory_space<vmem>> -> memref<1x32xi32, #tpu.memory_space<vmem>>
      %dma_start3A_263 = tpu.memref_squeeze %dma_start3A_262 : memref<1x32xi32, #tpu.memory_space<vmem>> -> memref<32xi32, #tpu.memory_space<vmem>>
      %dma_start3A_264 = tpu.memref_slice %arg3[%add3A_166] : memref<4096xi32, #tpu.memory_space<hbm>> -> memref<32xi32, #tpu.memory_space<hbm>>
      %dma_start3A_265 = arith.constant 0 : i32
      %dma_start3A_266 = tpu.memref_slice %arg6[%run_scoped3A_168, %dma_start3A_265] : memref<2x32xi32, #tpu.memory_space<vmem>> -> memref<1x32xi32, #tpu.memory_space<vmem>>
      %dma_start3A_267 = tpu.memref_squeeze %dma_start3A_266 : memref<1x32xi32, #tpu.memory_space<vmem>> -> memref<32xi32, #tpu.memory_space<vmem>>
      %dma_start3A_268 = tpu.memref_slice %arg3[%add3A_166] : memref<4096xi32, #tpu.memory_space<hbm>> -> memref<32xi32, #tpu.memory_space<hbm>>
      tpu.enqueue_dma source(%dma_start3A_268 : memref<32xi32, #tpu.memory_space<hbm>>) target(%dma_start3A_267 : memref<32xi32, #tpu.memory_space<vmem>>) target_semaphore(%run_scoped3A_260 : memref<!tpu.dma_semaphore, #tpu.memory_space<semaphore_mem>>)
      %dma_wait3A_269 = arith.constant 0 : i32
      %dma_wait3A_270 = tpu.memref_slice %arg6[%run_scoped3A_168, %dma_wait3A_269] : memref<2x32xi32, #tpu.memory_space<vmem>> -> memref<1x32xi32, #tpu.memory_space<vmem>>
      %dma_wait3A_271 = tpu.memref_squeeze %dma_wait3A_270 : memref<1x32xi32, #tpu.memory_space<vmem>> -> memref<32xi32, #tpu.memory_space<vmem>>
      %dma_wait3A_272 = tpu.memref_slice %arg3[%add3A_166] : memref<4096xi32, #tpu.memory_space<hbm>> -> memref<32xi32, #tpu.memory_space<hbm>>
      %dma_wait3A_273 = arith.constant 0 : i32
      %dma_wait3A_274 = tpu.memref_slice %arg6[%run_scoped3A_168, %dma_wait3A_273] : memref<2x32xi32, #tpu.memory_space<vmem>> -> memref<1x32xi32, #tpu.memory_space<vmem>>
      %dma_wait3A_275 = tpu.memref_squeeze %dma_wait3A_274 : memref<1x32xi32, #tpu.memory_space<vmem>> -> memref<32xi32, #tpu.memory_space<vmem>>
      %dma_wait3A_276 = tpu.memref_slice %arg3[%add3A_166] : memref<4096xi32, #tpu.memory_space<hbm>> -> memref<32xi32, #tpu.memory_space<hbm>>
      tpu.wait_dma2 semaphore(%run_scoped3A_260 : memref<!tpu.dma_semaphore, #tpu.memory_space<semaphore_mem>>) src(%dma_wait3A_276 : memref<32xi32, #tpu.memory_space<hbm>>) dst(%dma_wait3A_275 : memref<32xi32, #tpu.memory_space<vmem>>)
      tpu.yield
    }) : () -> ()
    %run_scoped3A_169 = arith.constant 1 : i32
    "tpu.region"() ({
      %run_scoped3A_260 = tpu.sem_alloc : memref<!tpu.dma_semaphore, #tpu.memory_space<semaphore_mem>>
      %dma_start3A_261 = arith.constant 0 : i32
      %dma_start3A_262 = tpu.memref_slice %arg7[%run_scoped3A_169, %dma_start3A_261] : memref<2x32xi32, #tpu.memory_space<vmem>> -> memref<1x32xi32, #tpu.memory_space<vmem>>
      %dma_start3A_263 = tpu.memref_squeeze %dma_start3A_262 : memref<1x32xi32, #tpu.memory_space<vmem>> -> memref<32xi32, #tpu.memory_space<vmem>>
      %dma_start3A_264 = tpu.memref_slice %arg4[%add3A_166] : memref<4096xi32, #tpu.memory_space<hbm>> -> memref<32xi32, #tpu.memory_space<hbm>>
      %dma_start3A_265 = arith.constant 0 : i32
      %dma_start3A_266 = tpu.memref_slice %arg7[%run_scoped3A_169, %dma_start3A_265] : memref<2x32xi32, #tpu.memory_space<vmem>> -> memref<1x32xi32, #tpu.memory_space<vmem>>
      %dma_start3A_267 = tpu.memref_squeeze %dma_start3A_266 : memref<1x32xi32, #tpu.memory_space<vmem>> -> memref<32xi32, #tpu.memory_space<vmem>>
      %dma_start3A_268 = tpu.memref_slice %arg4[%add3A_166] : memref<4096xi32, #tpu.memory_space<hbm>> -> memref<32xi32, #tpu.memory_space<hbm>>
      tpu.enqueue_dma source(%dma_start3A_268 : memref<32xi32, #tpu.memory_space<hbm>>) target(%dma_start3A_267 : memref<32xi32, #tpu.memory_space<vmem>>) target_semaphore(%run_scoped3A_260 : memref<!tpu.dma_semaphore, #tpu.memory_space<semaphore_mem>>)
      %dma_wait3A_269 = arith.constant 0 : i32
      %dma_wait3A_270 = tpu.memref_slice %arg7[%run_scoped3A_169, %dma_wait3A_269] : memref<2x32xi32, #tpu.memory_space<vmem>> -> memref<1x32xi32, #tpu.memory_space<vmem>>
      %dma_wait3A_271 = tpu.memref_squeeze %dma_wait3A_270 : memref<1x32xi32, #tpu.memory_space<vmem>> -> memref<32xi32, #tpu.memory_space<vmem>>
      %dma_wait3A_272 = tpu.memref_slice %arg4[%add3A_166] : memref<4096xi32, #tpu.memory_space<hbm>> -> memref<32xi32, #tpu.memory_space<hbm>>
      %dma_wait3A_273 = arith.constant 0 : i32
      %dma_wait3A_274 = tpu.memref_slice %arg7[%run_scoped3A_169, %dma_wait3A_273] : memref<2x32xi32, #tpu.memory_space<vmem>> -> memref<1x32xi32, #tpu.memory_space<vmem>>
      %dma_wait3A_275 = tpu.memref_squeeze %dma_wait3A_274 : memref<1x32xi32, #tpu.memory_space<vmem>> -> memref<32xi32, #tpu.memory_space<vmem>>
      %dma_wait3A_276 = tpu.memref_slice %arg4[%add3A_166] : memref<4096xi32, #tpu.memory_space<hbm>> -> memref<32xi32, #tpu.memory_space<hbm>>
      tpu.wait_dma2 semaphore(%run_scoped3A_260 : memref<!tpu.dma_semaphore, #tpu.memory_space<semaphore_mem>>) src(%dma_wait3A_276 : memref<32xi32, #tpu.memory_space<hbm>>) dst(%dma_wait3A_275 : memref<32xi32, #tpu.memory_space<vmem>>)
      tpu.yield
    }) : () -> ()
    %dma_start3A_170 = arith.constant 1 : i32
    %dma_start3A_171 = arith.constant 1 : i32
    %dma_start3A_172 = arith.constant 1 : i32
    %dma_start3A_173 = arith.constant 0 : i32
    %dma_start3A_174 = arith.constant 0 : i32
    %dma_start3A_175 = tpu.memref_slice %arg8[%dma_start3A_170, %dma_start3A_173, %dma_start3A_174] : memref<2x32x1024xf32, #tpu.memory_space<vmem>> -> memref<1x32x1024xf32, #tpu.memory_space<vmem>>
    %dma_start3A_176 = tpu.memref_squeeze %dma_start3A_175 : memref<1x32x1024xf32, #tpu.memory_space<vmem>> -> memref<32x1024xf32, #tpu.memory_space<vmem>>
    %dma_start3A_177 = arith.constant 0 : i32
    %dma_start3A_178 = tpu.memref_slice %arg6[%dma_start3A_171, %dma_start3A_177] : memref<2x32xi32, #tpu.memory_space<vmem>> -> memref<1x32xi32, #tpu.memory_space<vmem>>
    %dma_start3A_179 = tpu.memref_squeeze %dma_start3A_178 : memref<1x32xi32, #tpu.memory_space<vmem>> -> memref<32xi32, #tpu.memory_space<vmem>>
    %dma_start3A_180 = arith.constant 0 : i32
    %dma_start3A_181 = arith.constant 0 : i32
    %dma_start3A_182 = tpu.memref_slice %arg5[%dma_start3A_180, %dma_start3A_181] : memref<10240x1024xf32, #tpu.memory_space<hbm>> -> memref<10240x1024xf32, #tpu.memory_space<hbm>>
    %dma_start3A_183 = tpu.memref_slice %arg9[%dma_start3A_172] : memref<2x!tpu.dma_semaphore, #tpu.memory_space<semaphore_mem>> -> memref<1x!tpu.dma_semaphore, #tpu.memory_space<semaphore_mem>>
    %dma_start3A_184 = tpu.memref_squeeze %dma_start3A_183 : memref<1x!tpu.dma_semaphore, #tpu.memory_space<semaphore_mem>> -> memref<!tpu.dma_semaphore, #tpu.memory_space<semaphore_mem>>
    tpu.enqueue_indirect_dma source(%dma_start3A_176 : memref<32x1024xf32, #tpu.memory_space<vmem>>) target(%dma_start3A_182 : memref<10240x1024xf32, #tpu.memory_space<hbm>>) offsets(%dma_start3A_179 : memref<32xi32, #tpu.memory_space<vmem>>) semaphore(%dma_start3A_184 : memref<!tpu.dma_semaphore, #tpu.memory_space<semaphore_mem>>)
    %dma_start3A_185 = arith.constant 1 : i32
    %dma_start3A_186 = arith.constant 1 : i32
    %dma_start3A_187 = arith.constant 1 : i32
    %dma_start3A_188 = arith.constant 0 : i32
    %dma_start3A_189 = arith.constant 0 : i32
    %dma_start3A_190 = tpu.memref_slice %arg8[%dma_start3A_185, %dma_start3A_188, %dma_start3A_189] : memref<2x32x1024xf32, #tpu.memory_space<vmem>> -> memref<1x32x1024xf32, #tpu.memory_space<vmem>>
    %dma_start3A_191 = tpu.memref_squeeze %dma_start3A_190 : memref<1x32x1024xf32, #tpu.memory_space<vmem>> -> memref<32x1024xf32, #tpu.memory_space<vmem>>
    %dma_start3A_192 = arith.constant 0 : i32
    %dma_start3A_193 = tpu.memref_slice %arg7[%dma_start3A_186, %dma_start3A_192] : memref<2x32xi32, #tpu.memory_space<vmem>> -> memref<1x32xi32, #tpu.memory_space<vmem>>
    %dma_start3A_194 = tpu.memref_squeeze %dma_start3A_193 : memref<1x32xi32, #tpu.memory_space<vmem>> -> memref<32xi32, #tpu.memory_space<vmem>>
    %dma_start3A_195 = arith.constant 0 : i32
    %dma_start3A_196 = arith.constant 0 : i32
    %dma_start3A_197 = tpu.memref_slice %arg5[%dma_start3A_195, %dma_start3A_196] : memref<10240x1024xf32, #tpu.memory_space<hbm>> -> memref<10240x1024xf32, #tpu.memory_space<hbm>>
    %dma_start3A_198 = tpu.memref_slice %arg9[%dma_start3A_187] : memref<2x!tpu.dma_semaphore, #tpu.memory_space<semaphore_mem>> -> memref<1x!tpu.dma_semaphore, #tpu.memory_space<semaphore_mem>>
    %dma_start3A_199 = tpu.memref_squeeze %dma_start3A_198 : memref<1x!tpu.dma_semaphore, #tpu.memory_space<semaphore_mem>> -> memref<!tpu.dma_semaphore, #tpu.memory_space<semaphore_mem>>
    tpu.enqueue_indirect_dma source(%dma_start3A_191 : memref<32x1024xf32, #tpu.memory_space<vmem>>) target(%dma_start3A_197 : memref<10240x1024xf32, #tpu.memory_space<hbm>>) offsets(%dma_start3A_194 : memref<32xi32, #tpu.memory_space<vmem>>) semaphore(%dma_start3A_199 : memref<!tpu.dma_semaphore, #tpu.memory_space<semaphore_mem>>)
    %dma_wait3A_200 = arith.constant 0 : i32
    %dma_wait3A_201 = arith.constant 0 : i32
    %dma_wait3A_202 = arith.constant 0 : i32
    %dma_wait3A_203 = arith.constant 0 : i32
    %dma_wait3A_204 = arith.constant 0 : i32
    %dma_wait3A_205 = tpu.memref_slice %arg8[%dma_wait3A_200, %dma_wait3A_203, %dma_wait3A_204] : memref<2x32x1024xf32, #tpu.memory_space<vmem>> -> memref<1x32x1024xf32, #tpu.memory_space<vmem>>
    %dma_wait3A_206 = tpu.memref_squeeze %dma_wait3A_205 : memref<1x32x1024xf32, #tpu.memory_space<vmem>> -> memref<32x1024xf32, #tpu.memory_space<vmem>>
    %dma_wait3A_207 = arith.constant 0 : i32
    %dma_wait3A_208 = tpu.memref_slice %arg6[%dma_wait3A_201, %dma_wait3A_207] : memref<2x32xi32, #tpu.memory_space<vmem>> -> memref<1x32xi32, #tpu.memory_space<vmem>>
    %dma_wait3A_209 = tpu.memref_squeeze %dma_wait3A_208 : memref<1x32xi32, #tpu.memory_space<vmem>> -> memref<32xi32, #tpu.memory_space<vmem>>
    %dma_wait3A_210 = arith.constant 0 : i32
    %dma_wait3A_211 = arith.constant 0 : i32
    %dma_wait3A_212 = tpu.memref_slice %arg5[%dma_wait3A_210, %dma_wait3A_211] : memref<10240x1024xf32, #tpu.memory_space<hbm>> -> memref<10240x1024xf32, #tpu.memory_space<hbm>>
    %dma_wait3A_213 = tpu.memref_slice %arg9[%dma_wait3A_202] : memref<2x!tpu.dma_semaphore, #tpu.memory_space<semaphore_mem>> -> memref<1x!tpu.dma_semaphore, #tpu.memory_space<semaphore_mem>>
    %dma_wait3A_214 = tpu.memref_squeeze %dma_wait3A_213 : memref<1x!tpu.dma_semaphore, #tpu.memory_space<semaphore_mem>> -> memref<!tpu.dma_semaphore, #tpu.memory_space<semaphore_mem>>
    tpu.wait_indirect_dma semaphore(%dma_wait3A_214 : memref<!tpu.dma_semaphore, #tpu.memory_space<semaphore_mem>>) src(%dma_wait3A_206 : memref<32x1024xf32, #tpu.memory_space<vmem>>) dst(%dma_wait3A_212 : memref<10240x1024xf32, #tpu.memory_space<hbm>>)
    %dma_wait3A_215 = arith.constant 0 : i32
    %dma_wait3A_216 = arith.constant 0 : i32
    %dma_wait3A_217 = arith.constant 0 : i32
    %dma_wait3A_218 = arith.constant 0 : i32
    %dma_wait3A_219 = arith.constant 0 : i32
    %dma_wait3A_220 = tpu.memref_slice %arg8[%dma_wait3A_215, %dma_wait3A_218, %dma_wait3A_219] : memref<2x32x1024xf32, #tpu.memory_space<vmem>> -> memref<1x32x1024xf32, #tpu.memory_space<vmem>>
    %dma_wait3A_221 = tpu.memref_squeeze %dma_wait3A_220 : memref<1x32x1024xf32, #tpu.memory_space<vmem>> -> memref<32x1024xf32, #tpu.memory_space<vmem>>
    %dma_wait3A_222 = arith.constant 0 : i32
    %dma_wait3A_223 = tpu.memref_slice %arg7[%dma_wait3A_216, %dma_wait3A_222] : memref<2x32xi32, #tpu.memory_space<vmem>> -> memref<1x32xi32, #tpu.memory_space<vmem>>
    %dma_wait3A_224 = tpu.memref_squeeze %dma_wait3A_223 : memref<1x32xi32, #tpu.memory_space<vmem>> -> memref<32xi32, #tpu.memory_space<vmem>>
    %dma_wait3A_225 = arith.constant 0 : i32
    %dma_wait3A_226 = arith.constant 0 : i32
    %dma_wait3A_227 = tpu.memref_slice %arg5[%dma_wait3A_225, %dma_wait3A_226] : memref<10240x1024xf32, #tpu.memory_space<hbm>> -> memref<10240x1024xf32, #tpu.memory_space<hbm>>
    %dma_wait3A_228 = tpu.memref_slice %arg9[%dma_wait3A_217] : memref<2x!tpu.dma_semaphore, #tpu.memory_space<semaphore_mem>> -> memref<1x!tpu.dma_semaphore, #tpu.memory_space<semaphore_mem>>
    %dma_wait3A_229 = tpu.memref_squeeze %dma_wait3A_228 : memref<1x!tpu.dma_semaphore, #tpu.memory_space<semaphore_mem>> -> memref<!tpu.dma_semaphore, #tpu.memory_space<semaphore_mem>>
    tpu.wait_indirect_dma semaphore(%dma_wait3A_229 : memref<!tpu.dma_semaphore, #tpu.memory_space<semaphore_mem>>) src(%dma_wait3A_221 : memref<32x1024xf32, #tpu.memory_space<vmem>>) dst(%dma_wait3A_227 : memref<10240x1024xf32, #tpu.memory_space<hbm>>)
    %dma_wait3A_230 = arith.constant 1 : i32
    %dma_wait3A_231 = arith.constant 1 : i32
    %dma_wait3A_232 = arith.constant 1 : i32
    %dma_wait3A_233 = arith.constant 0 : i32
    %dma_wait3A_234 = arith.constant 0 : i32
    %dma_wait3A_235 = tpu.memref_slice %arg8[%dma_wait3A_230, %dma_wait3A_233, %dma_wait3A_234] : memref<2x32x1024xf32, #tpu.memory_space<vmem>> -> memref<1x32x1024xf32, #tpu.memory_space<vmem>>
    %dma_wait3A_236 = tpu.memref_squeeze %dma_wait3A_235 : memref<1x32x1024xf32, #tpu.memory_space<vmem>> -> memref<32x1024xf32, #tpu.memory_space<vmem>>
    %dma_wait3A_237 = arith.constant 0 : i32
    %dma_wait3A_238 = tpu.memref_slice %arg6[%dma_wait3A_231, %dma_wait3A_237] : memref<2x32xi32, #tpu.memory_space<vmem>> -> memref<1x32xi32, #tpu.memory_space<vmem>>
    %dma_wait3A_239 = tpu.memref_squeeze %dma_wait3A_238 : memref<1x32xi32, #tpu.memory_space<vmem>> -> memref<32xi32, #tpu.memory_space<vmem>>
    %dma_wait3A_240 = arith.constant 0 : i32
    %dma_wait3A_241 = arith.constant 0 : i32
    %dma_wait3A_242 = tpu.memref_slice %arg5[%dma_wait3A_240, %dma_wait3A_241] : memref<10240x1024xf32, #tpu.memory_space<hbm>> -> memref<10240x1024xf32, #tpu.memory_space<hbm>>
    %dma_wait3A_243 = tpu.memref_slice %arg9[%dma_wait3A_232] : memref<2x!tpu.dma_semaphore, #tpu.memory_space<semaphore_mem>> -> memref<1x!tpu.dma_semaphore, #tpu.memory_space<semaphore_mem>>
    %dma_wait3A_244 = tpu.memref_squeeze %dma_wait3A_243 : memref<1x!tpu.dma_semaphore, #tpu.memory_space<semaphore_mem>> -> memref<!tpu.dma_semaphore, #tpu.memory_space<semaphore_mem>>
    tpu.wait_indirect_dma semaphore(%dma_wait3A_244 : memref<!tpu.dma_semaphore, #tpu.memory_space<semaphore_mem>>) src(%dma_wait3A_236 : memref<32x1024xf32, #tpu.memory_space<vmem>>) dst(%dma_wait3A_242 : memref<10240x1024xf32, #tpu.memory_space<hbm>>)
    %dma_wait3A_245 = arith.constant 1 : i32
    %dma_wait3A_246 = arith.constant 1 : i32
    %dma_wait3A_247 = arith.constant 1 : i32
    %dma_wait3A_248 = arith.constant 0 : i32
    %dma_wait3A_249 = arith.constant 0 : i32
    %dma_wait3A_250 = tpu.memref_slice %arg8[%dma_wait3A_245, %dma_wait3A_248, %dma_wait3A_249] : memref<2x32x1024xf32, #tpu.memory_space<vmem>> -> memref<1x32x1024xf32, #tpu.memory_space<vmem>>
    %dma_wait3A_251 = tpu.memref_squeeze %dma_wait3A_250 : memref<1x32x1024xf32, #tpu.memory_space<vmem>> -> memref<32x1024xf32, #tpu.memory_space<vmem>>
    %dma_wait3A_252 = arith.constant 0 : i32
    %dma_wait3A_253 = tpu.memref_slice %arg7[%dma_wait3A_246, %dma_wait3A_252] : memref<2x32xi32, #tpu.memory_space<vmem>> -> memref<1x32xi32, #tpu.memory_space<vmem>>
    %dma_wait3A_254 = tpu.memref_squeeze %dma_wait3A_253 : memref<1x32xi32, #tpu.memory_space<vmem>> -> memref<32xi32, #tpu.memory_space<vmem>>
    %dma_wait3A_255 = arith.constant 0 : i32
    %dma_wait3A_256 = arith.constant 0 : i32
    %dma_wait3A_257 = tpu.memref_slice %arg5[%dma_wait3A_255, %dma_wait3A_256] : memref<10240x1024xf32, #tpu.memory_space<hbm>> -> memref<10240x1024xf32, #tpu.memory_space<hbm>>
    %dma_wait3A_258 = tpu.memref_slice %arg9[%dma_wait3A_247] : memref<2x!tpu.dma_semaphore, #tpu.memory_space<semaphore_mem>> -> memref<1x!tpu.dma_semaphore, #tpu.memory_space<semaphore_mem>>
    %dma_wait3A_259 = tpu.memref_squeeze %dma_wait3A_258 : memref<1x!tpu.dma_semaphore, #tpu.memory_space<semaphore_mem>> -> memref<!tpu.dma_semaphore, #tpu.memory_space<semaphore_mem>>
    tpu.wait_indirect_dma semaphore(%dma_wait3A_259 : memref<!tpu.dma_semaphore, #tpu.memory_space<semaphore_mem>>) src(%dma_wait3A_251 : memref<32x1024xf32, #tpu.memory_space<vmem>>) dst(%dma_wait3A_257 : memref<10240x1024xf32, #tpu.memory_space<hbm>>)
    return
  }
}

#map = affine_map<(d0, d1) -> (0, 0)>
#map1 = affine_map<(d0, d1) -> (0)>
module attributes {stable_mosaic.version = 14 : i64} {
  func.func @gather(%arg0: i32, %arg1: i32, %arg2: memref<10240x1024xf32, #tpu.memory_space<hbm>>, %arg3: memref<8192xi32, #tpu.memory_space<hbm>>, %arg4: memref<8192x1024xf32, #tpu.memory_space<hbm>>, %arg5: memref<2x32xi32, #tpu.memory_space<vmem>>, %arg6: memref<2x32x1024xf32, #tpu.memory_space<vmem>>, %arg7: memref<2x!tpu.dma_semaphore, #tpu.memory_space<semaphore_mem>>) attributes {dimension_semantics = [#tpu.dimension_semantics<core_parallel>, #tpu.dimension_semantics<subcore_parallel>], iteration_bounds = array<i64: 2, 16>, scalar_prefetch = 0 : i64, scratch_operands = 3 : i64, tpu.core_type = #tpu.core_type<sc_vector_subcore>, window_params = [{transform_indices = #map}, {transform_indices = #map1}, {transform_indices = #map}]} {
    %mul3A = arith.constant 2 : i32
    %mul3A_0 = arith.muli %arg1, %mul3A : i32
    %add3A = arith.addi %mul3A_0, %arg0 : i32
    %mul3A_1 = arith.constant 256 : i32
    %mul3A_2 = arith.muli %add3A, %mul3A_1 : i32
    %add3A_3 = arith.constant 0 : i32
    %add3A_4 = arith.addi %mul3A_2, %add3A_3 : i32
    %run_scoped3A = arith.constant 0 : i32
    "tpu.region"() ({
      %run_scoped3A_288 = tpu.sem_alloc : memref<!tpu.dma_semaphore, #tpu.memory_space<semaphore_mem>>
      %dma_start3A_289 = arith.constant 0 : i32
      %dma_start3A_290 = tpu.memref_slice %arg5[%run_scoped3A, %dma_start3A_289] : memref<2x32xi32, #tpu.memory_space<vmem>> -> memref<1x32xi32, #tpu.memory_space<vmem>>
      %dma_start3A_291 = tpu.memref_squeeze %dma_start3A_290 : memref<1x32xi32, #tpu.memory_space<vmem>> -> memref<32xi32, #tpu.memory_space<vmem>>
      %dma_start3A_292 = tpu.memref_slice %arg3[%add3A_4] : memref<8192xi32, #tpu.memory_space<hbm>> -> memref<32xi32, #tpu.memory_space<hbm>>
      %dma_start3A_293 = arith.constant 0 : i32
      %dma_start3A_294 = tpu.memref_slice %arg5[%run_scoped3A, %dma_start3A_293] : memref<2x32xi32, #tpu.memory_space<vmem>> -> memref<1x32xi32, #tpu.memory_space<vmem>>
      %dma_start3A_295 = tpu.memref_squeeze %dma_start3A_294 : memref<1x32xi32, #tpu.memory_space<vmem>> -> memref<32xi32, #tpu.memory_space<vmem>>
      %dma_start3A_296 = tpu.memref_slice %arg3[%add3A_4] : memref<8192xi32, #tpu.memory_space<hbm>> -> memref<32xi32, #tpu.memory_space<hbm>>
      tpu.enqueue_dma source(%dma_start3A_296 : memref<32xi32, #tpu.memory_space<hbm>>) target(%dma_start3A_295 : memref<32xi32, #tpu.memory_space<vmem>>) target_semaphore(%run_scoped3A_288 : memref<!tpu.dma_semaphore, #tpu.memory_space<semaphore_mem>>)
      %dma_wait3A_297 = arith.constant 0 : i32
      %dma_wait3A_298 = tpu.memref_slice %arg5[%run_scoped3A, %dma_wait3A_297] : memref<2x32xi32, #tpu.memory_space<vmem>> -> memref<1x32xi32, #tpu.memory_space<vmem>>
      %dma_wait3A_299 = tpu.memref_squeeze %dma_wait3A_298 : memref<1x32xi32, #tpu.memory_space<vmem>> -> memref<32xi32, #tpu.memory_space<vmem>>
      %dma_wait3A_300 = tpu.memref_slice %arg3[%add3A_4] : memref<8192xi32, #tpu.memory_space<hbm>> -> memref<32xi32, #tpu.memory_space<hbm>>
      %dma_wait3A_301 = arith.constant 0 : i32
      %dma_wait3A_302 = tpu.memref_slice %arg5[%run_scoped3A, %dma_wait3A_301] : memref<2x32xi32, #tpu.memory_space<vmem>> -> memref<1x32xi32, #tpu.memory_space<vmem>>
      %dma_wait3A_303 = tpu.memref_squeeze %dma_wait3A_302 : memref<1x32xi32, #tpu.memory_space<vmem>> -> memref<32xi32, #tpu.memory_space<vmem>>
      %dma_wait3A_304 = tpu.memref_slice %arg3[%add3A_4] : memref<8192xi32, #tpu.memory_space<hbm>> -> memref<32xi32, #tpu.memory_space<hbm>>
      tpu.wait_dma2 semaphore(%run_scoped3A_288 : memref<!tpu.dma_semaphore, #tpu.memory_space<semaphore_mem>>) src(%dma_wait3A_304 : memref<32xi32, #tpu.memory_space<hbm>>) dst(%dma_wait3A_303 : memref<32xi32, #tpu.memory_space<vmem>>)
      tpu.yield
    }) : () -> ()
    %dma_start3A = arith.constant 0 : i32
    %dma_start3A_5 = arith.constant 0 : i32
    %dma_start3A_6 = arith.constant 0 : i32
    %dma_start3A_7 = arith.constant 0 : i32
    %dma_start3A_8 = arith.constant 0 : i32
    %dma_start3A_9 = tpu.memref_slice %arg6[%dma_start3A_5, %dma_start3A_7, %dma_start3A_8] : memref<2x32x1024xf32, #tpu.memory_space<vmem>> -> memref<1x32x1024xf32, #tpu.memory_space<vmem>>
    %dma_start3A_10 = tpu.memref_squeeze %dma_start3A_9 : memref<1x32x1024xf32, #tpu.memory_space<vmem>> -> memref<32x1024xf32, #tpu.memory_space<vmem>>
    %dma_start3A_11 = arith.constant 0 : i32
    %dma_start3A_12 = tpu.memref_slice %arg5[%dma_start3A, %dma_start3A_11] : memref<2x32xi32, #tpu.memory_space<vmem>> -> memref<1x32xi32, #tpu.memory_space<vmem>>
    %dma_start3A_13 = tpu.memref_squeeze %dma_start3A_12 : memref<1x32xi32, #tpu.memory_space<vmem>> -> memref<32xi32, #tpu.memory_space<vmem>>
    %dma_start3A_14 = arith.constant 0 : i32
    %dma_start3A_15 = arith.constant 0 : i32
    %dma_start3A_16 = tpu.memref_slice %arg2[%dma_start3A_14, %dma_start3A_15] : memref<10240x1024xf32, #tpu.memory_space<hbm>> -> memref<10240x1024xf32, #tpu.memory_space<hbm>>
    %dma_start3A_17 = tpu.memref_slice %arg7[%dma_start3A_6] : memref<2x!tpu.dma_semaphore, #tpu.memory_space<semaphore_mem>> -> memref<1x!tpu.dma_semaphore, #tpu.memory_space<semaphore_mem>>
    %dma_start3A_18 = tpu.memref_squeeze %dma_start3A_17 : memref<1x!tpu.dma_semaphore, #tpu.memory_space<semaphore_mem>> -> memref<!tpu.dma_semaphore, #tpu.memory_space<semaphore_mem>>
    tpu.enqueue_indirect_dma source(%dma_start3A_16 : memref<10240x1024xf32, #tpu.memory_space<hbm>>) target(%dma_start3A_10 : memref<32x1024xf32, #tpu.memory_space<vmem>>) offsets(%dma_start3A_13 : memref<32xi32, #tpu.memory_space<vmem>>) semaphore(%dma_start3A_18 : memref<!tpu.dma_semaphore, #tpu.memory_space<semaphore_mem>>)
    %add3A_19 = arith.constant 32 : i32
    %add3A_20 = arith.addi %mul3A_2, %add3A_19 : i32
    %run_scoped3A_21 = arith.constant 1 : i32
    "tpu.region"() ({
      %run_scoped3A_288 = tpu.sem_alloc : memref<!tpu.dma_semaphore, #tpu.memory_space<semaphore_mem>>
      %dma_start3A_289 = arith.constant 0 : i32
      %dma_start3A_290 = tpu.memref_slice %arg5[%run_scoped3A_21, %dma_start3A_289] : memref<2x32xi32, #tpu.memory_space<vmem>> -> memref<1x32xi32, #tpu.memory_space<vmem>>
      %dma_start3A_291 = tpu.memref_squeeze %dma_start3A_290 : memref<1x32xi32, #tpu.memory_space<vmem>> -> memref<32xi32, #tpu.memory_space<vmem>>
      %dma_start3A_292 = tpu.memref_slice %arg3[%add3A_20] : memref<8192xi32, #tpu.memory_space<hbm>> -> memref<32xi32, #tpu.memory_space<hbm>>
      %dma_start3A_293 = arith.constant 0 : i32
      %dma_start3A_294 = tpu.memref_slice %arg5[%run_scoped3A_21, %dma_start3A_293] : memref<2x32xi32, #tpu.memory_space<vmem>> -> memref<1x32xi32, #tpu.memory_space<vmem>>
      %dma_start3A_295 = tpu.memref_squeeze %dma_start3A_294 : memref<1x32xi32, #tpu.memory_space<vmem>> -> memref<32xi32, #tpu.memory_space<vmem>>
      %dma_start3A_296 = tpu.memref_slice %arg3[%add3A_20] : memref<8192xi32, #tpu.memory_space<hbm>> -> memref<32xi32, #tpu.memory_space<hbm>>
      tpu.enqueue_dma source(%dma_start3A_296 : memref<32xi32, #tpu.memory_space<hbm>>) target(%dma_start3A_295 : memref<32xi32, #tpu.memory_space<vmem>>) target_semaphore(%run_scoped3A_288 : memref<!tpu.dma_semaphore, #tpu.memory_space<semaphore_mem>>)
      %dma_wait3A_297 = arith.constant 0 : i32
      %dma_wait3A_298 = tpu.memref_slice %arg5[%run_scoped3A_21, %dma_wait3A_297] : memref<2x32xi32, #tpu.memory_space<vmem>> -> memref<1x32xi32, #tpu.memory_space<vmem>>
      %dma_wait3A_299 = tpu.memref_squeeze %dma_wait3A_298 : memref<1x32xi32, #tpu.memory_space<vmem>> -> memref<32xi32, #tpu.memory_space<vmem>>
      %dma_wait3A_300 = tpu.memref_slice %arg3[%add3A_20] : memref<8192xi32, #tpu.memory_space<hbm>> -> memref<32xi32, #tpu.memory_space<hbm>>
      %dma_wait3A_301 = arith.constant 0 : i32
      %dma_wait3A_302 = tpu.memref_slice %arg5[%run_scoped3A_21, %dma_wait3A_301] : memref<2x32xi32, #tpu.memory_space<vmem>> -> memref<1x32xi32, #tpu.memory_space<vmem>>
      %dma_wait3A_303 = tpu.memref_squeeze %dma_wait3A_302 : memref<1x32xi32, #tpu.memory_space<vmem>> -> memref<32xi32, #tpu.memory_space<vmem>>
      %dma_wait3A_304 = tpu.memref_slice %arg3[%add3A_20] : memref<8192xi32, #tpu.memory_space<hbm>> -> memref<32xi32, #tpu.memory_space<hbm>>
      tpu.wait_dma2 semaphore(%run_scoped3A_288 : memref<!tpu.dma_semaphore, #tpu.memory_space<semaphore_mem>>) src(%dma_wait3A_304 : memref<32xi32, #tpu.memory_space<hbm>>) dst(%dma_wait3A_303 : memref<32xi32, #tpu.memory_space<vmem>>)
      tpu.yield
    }) : () -> ()
    %dma_start3A_22 = arith.constant 1 : i32
    %dma_start3A_23 = arith.constant 1 : i32
    %dma_start3A_24 = arith.constant 1 : i32
    %dma_start3A_25 = arith.constant 0 : i32
    %dma_start3A_26 = arith.constant 0 : i32
    %dma_start3A_27 = tpu.memref_slice %arg6[%dma_start3A_23, %dma_start3A_25, %dma_start3A_26] : memref<2x32x1024xf32, #tpu.memory_space<vmem>> -> memref<1x32x1024xf32, #tpu.memory_space<vmem>>
    %dma_start3A_28 = tpu.memref_squeeze %dma_start3A_27 : memref<1x32x1024xf32, #tpu.memory_space<vmem>> -> memref<32x1024xf32, #tpu.memory_space<vmem>>
    %dma_start3A_29 = arith.constant 0 : i32
    %dma_start3A_30 = tpu.memref_slice %arg5[%dma_start3A_22, %dma_start3A_29] : memref<2x32xi32, #tpu.memory_space<vmem>> -> memref<1x32xi32, #tpu.memory_space<vmem>>
    %dma_start3A_31 = tpu.memref_squeeze %dma_start3A_30 : memref<1x32xi32, #tpu.memory_space<vmem>> -> memref<32xi32, #tpu.memory_space<vmem>>
    %dma_start3A_32 = arith.constant 0 : i32
    %dma_start3A_33 = arith.constant 0 : i32
    %dma_start3A_34 = tpu.memref_slice %arg2[%dma_start3A_32, %dma_start3A_33] : memref<10240x1024xf32, #tpu.memory_space<hbm>> -> memref<10240x1024xf32, #tpu.memory_space<hbm>>
    %dma_start3A_35 = tpu.memref_slice %arg7[%dma_start3A_24] : memref<2x!tpu.dma_semaphore, #tpu.memory_space<semaphore_mem>> -> memref<1x!tpu.dma_semaphore, #tpu.memory_space<semaphore_mem>>
    %dma_start3A_36 = tpu.memref_squeeze %dma_start3A_35 : memref<1x!tpu.dma_semaphore, #tpu.memory_space<semaphore_mem>> -> memref<!tpu.dma_semaphore, #tpu.memory_space<semaphore_mem>>
    tpu.enqueue_indirect_dma source(%dma_start3A_34 : memref<10240x1024xf32, #tpu.memory_space<hbm>>) target(%dma_start3A_28 : memref<32x1024xf32, #tpu.memory_space<vmem>>) offsets(%dma_start3A_31 : memref<32xi32, #tpu.memory_space<vmem>>) semaphore(%dma_start3A_36 : memref<!tpu.dma_semaphore, #tpu.memory_space<semaphore_mem>>)
    %dma_wait3A = arith.constant 0 : i32
    %dma_wait3A_37 = arith.constant 0 : i32
    %dma_wait3A_38 = arith.constant 0 : i32
    %dma_wait3A_39 = arith.constant 0 : i32
    %dma_wait3A_40 = arith.constant 0 : i32
    %dma_wait3A_41 = tpu.memref_slice %arg6[%dma_wait3A_37, %dma_wait3A_39, %dma_wait3A_40] : memref<2x32x1024xf32, #tpu.memory_space<vmem>> -> memref<1x32x1024xf32, #tpu.memory_space<vmem>>
    %dma_wait3A_42 = tpu.memref_squeeze %dma_wait3A_41 : memref<1x32x1024xf32, #tpu.memory_space<vmem>> -> memref<32x1024xf32, #tpu.memory_space<vmem>>
    %dma_wait3A_43 = arith.constant 0 : i32
    %dma_wait3A_44 = tpu.memref_slice %arg5[%dma_wait3A, %dma_wait3A_43] : memref<2x32xi32, #tpu.memory_space<vmem>> -> memref<1x32xi32, #tpu.memory_space<vmem>>
    %dma_wait3A_45 = tpu.memref_squeeze %dma_wait3A_44 : memref<1x32xi32, #tpu.memory_space<vmem>> -> memref<32xi32, #tpu.memory_space<vmem>>
    %dma_wait3A_46 = arith.constant 0 : i32
    %dma_wait3A_47 = arith.constant 0 : i32
    %dma_wait3A_48 = tpu.memref_slice %arg2[%dma_wait3A_46, %dma_wait3A_47] : memref<10240x1024xf32, #tpu.memory_space<hbm>> -> memref<10240x1024xf32, #tpu.memory_space<hbm>>
    %dma_wait3A_49 = tpu.memref_slice %arg7[%dma_wait3A_38] : memref<2x!tpu.dma_semaphore, #tpu.memory_space<semaphore_mem>> -> memref<1x!tpu.dma_semaphore, #tpu.memory_space<semaphore_mem>>
    %dma_wait3A_50 = tpu.memref_squeeze %dma_wait3A_49 : memref<1x!tpu.dma_semaphore, #tpu.memory_space<semaphore_mem>> -> memref<!tpu.dma_semaphore, #tpu.memory_space<semaphore_mem>>
    tpu.wait_indirect_dma semaphore(%dma_wait3A_50 : memref<!tpu.dma_semaphore, #tpu.memory_space<semaphore_mem>>) src(%dma_wait3A_48 : memref<10240x1024xf32, #tpu.memory_space<hbm>>) dst(%dma_wait3A_42 : memref<32x1024xf32, #tpu.memory_space<vmem>>)
    %add3A_51 = arith.constant 0 : i32
    %add3A_52 = arith.addi %mul3A_2, %add3A_51 : i32
    %run_scoped3A_53 = arith.constant 0 : i32
    "tpu.region"() ({
      %run_scoped3A_288 = tpu.sem_alloc : memref<!tpu.dma_semaphore, #tpu.memory_space<semaphore_mem>>
      %dma_start3A_289 = arith.constant 0 : i32
      %dma_start3A_290 = arith.constant 0 : i32
      %dma_start3A_291 = tpu.memref_slice %arg6[%run_scoped3A_53, %dma_start3A_289, %dma_start3A_290] : memref<2x32x1024xf32, #tpu.memory_space<vmem>> -> memref<1x32x1024xf32, #tpu.memory_space<vmem>>
      %dma_start3A_292 = tpu.memref_squeeze %dma_start3A_291 : memref<1x32x1024xf32, #tpu.memory_space<vmem>> -> memref<32x1024xf32, #tpu.memory_space<vmem>>
      %dma_start3A_293 = arith.constant 0 : i32
      %dma_start3A_294 = tpu.memref_slice %arg4[%add3A_52, %dma_start3A_293] : memref<8192x1024xf32, #tpu.memory_space<hbm>> -> memref<32x1024xf32, #tpu.memory_space<hbm>>
      %dma_start3A_295 = arith.constant 0 : i32
      %dma_start3A_296 = tpu.memref_slice %arg4[%add3A_52, %dma_start3A_295] : memref<8192x1024xf32, #tpu.memory_space<hbm>> -> memref<32x1024xf32, #tpu.memory_space<hbm>>
      %dma_start3A_297 = arith.constant 0 : i32
      %dma_start3A_298 = arith.constant 0 : i32
      %dma_start3A_299 = tpu.memref_slice %arg6[%run_scoped3A_53, %dma_start3A_297, %dma_start3A_298] : memref<2x32x1024xf32, #tpu.memory_space<vmem>> -> memref<1x32x1024xf32, #tpu.memory_space<vmem>>
      %dma_start3A_300 = tpu.memref_squeeze %dma_start3A_299 : memref<1x32x1024xf32, #tpu.memory_space<vmem>> -> memref<32x1024xf32, #tpu.memory_space<vmem>>
      tpu.enqueue_dma source(%dma_start3A_300 : memref<32x1024xf32, #tpu.memory_space<vmem>>) target(%dma_start3A_296 : memref<32x1024xf32, #tpu.memory_space<hbm>>) target_semaphore(%run_scoped3A_288 : memref<!tpu.dma_semaphore, #tpu.memory_space<semaphore_mem>>)
      %dma_wait3A_301 = arith.constant 0 : i32
      %dma_wait3A_302 = arith.constant 0 : i32
      %dma_wait3A_303 = tpu.memref_slice %arg6[%run_scoped3A_53, %dma_wait3A_301, %dma_wait3A_302] : memref<2x32x1024xf32, #tpu.memory_space<vmem>> -> memref<1x32x1024xf32, #tpu.memory_space<vmem>>
      %dma_wait3A_304 = tpu.memref_squeeze %dma_wait3A_303 : memref<1x32x1024xf32, #tpu.memory_space<vmem>> -> memref<32x1024xf32, #tpu.memory_space<vmem>>
      %dma_wait3A_305 = arith.constant 0 : i32
      %dma_wait3A_306 = tpu.memref_slice %arg4[%add3A_52, %dma_wait3A_305] : memref<8192x1024xf32, #tpu.memory_space<hbm>> -> memref<32x1024xf32, #tpu.memory_space<hbm>>
      %dma_wait3A_307 = arith.constant 0 : i32
      %dma_wait3A_308 = tpu.memref_slice %arg4[%add3A_52, %dma_wait3A_307] : memref<8192x1024xf32, #tpu.memory_space<hbm>> -> memref<32x1024xf32, #tpu.memory_space<hbm>>
      %dma_wait3A_309 = arith.constant 0 : i32
      %dma_wait3A_310 = arith.constant 0 : i32
      %dma_wait3A_311 = tpu.memref_slice %arg6[%run_scoped3A_53, %dma_wait3A_309, %dma_wait3A_310] : memref<2x32x1024xf32, #tpu.memory_space<vmem>> -> memref<1x32x1024xf32, #tpu.memory_space<vmem>>
      %dma_wait3A_312 = tpu.memref_squeeze %dma_wait3A_311 : memref<1x32x1024xf32, #tpu.memory_space<vmem>> -> memref<32x1024xf32, #tpu.memory_space<vmem>>
      tpu.wait_dma2 semaphore(%run_scoped3A_288 : memref<!tpu.dma_semaphore, #tpu.memory_space<semaphore_mem>>) src(%dma_wait3A_312 : memref<32x1024xf32, #tpu.memory_space<vmem>>) dst(%dma_wait3A_308 : memref<32x1024xf32, #tpu.memory_space<hbm>>)
      tpu.yield
    }) : () -> ()
    %add3A_54 = arith.constant 64 : i32
    %add3A_55 = arith.addi %mul3A_2, %add3A_54 : i32
    %run_scoped3A_56 = arith.constant 0 : i32
    "tpu.region"() ({
      %run_scoped3A_288 = tpu.sem_alloc : memref<!tpu.dma_semaphore, #tpu.memory_space<semaphore_mem>>
      %dma_start3A_289 = arith.constant 0 : i32
      %dma_start3A_290 = tpu.memref_slice %arg5[%run_scoped3A_56, %dma_start3A_289] : memref<2x32xi32, #tpu.memory_space<vmem>> -> memref<1x32xi32, #tpu.memory_space<vmem>>
      %dma_start3A_291 = tpu.memref_squeeze %dma_start3A_290 : memref<1x32xi32, #tpu.memory_space<vmem>> -> memref<32xi32, #tpu.memory_space<vmem>>
      %dma_start3A_292 = tpu.memref_slice %arg3[%add3A_55] : memref<8192xi32, #tpu.memory_space<hbm>> -> memref<32xi32, #tpu.memory_space<hbm>>
      %dma_start3A_293 = arith.constant 0 : i32
      %dma_start3A_294 = tpu.memref_slice %arg5[%run_scoped3A_56, %dma_start3A_293] : memref<2x32xi32, #tpu.memory_space<vmem>> -> memref<1x32xi32, #tpu.memory_space<vmem>>
      %dma_start3A_295 = tpu.memref_squeeze %dma_start3A_294 : memref<1x32xi32, #tpu.memory_space<vmem>> -> memref<32xi32, #tpu.memory_space<vmem>>
      %dma_start3A_296 = tpu.memref_slice %arg3[%add3A_55] : memref<8192xi32, #tpu.memory_space<hbm>> -> memref<32xi32, #tpu.memory_space<hbm>>
      tpu.enqueue_dma source(%dma_start3A_296 : memref<32xi32, #tpu.memory_space<hbm>>) target(%dma_start3A_295 : memref<32xi32, #tpu.memory_space<vmem>>) target_semaphore(%run_scoped3A_288 : memref<!tpu.dma_semaphore, #tpu.memory_space<semaphore_mem>>)
      %dma_wait3A_297 = arith.constant 0 : i32
      %dma_wait3A_298 = tpu.memref_slice %arg5[%run_scoped3A_56, %dma_wait3A_297] : memref<2x32xi32, #tpu.memory_space<vmem>> -> memref<1x32xi32, #tpu.memory_space<vmem>>
      %dma_wait3A_299 = tpu.memref_squeeze %dma_wait3A_298 : memref<1x32xi32, #tpu.memory_space<vmem>> -> memref<32xi32, #tpu.memory_space<vmem>>
      %dma_wait3A_300 = tpu.memref_slice %arg3[%add3A_55] : memref<8192xi32, #tpu.memory_space<hbm>> -> memref<32xi32, #tpu.memory_space<hbm>>
      %dma_wait3A_301 = arith.constant 0 : i32
      %dma_wait3A_302 = tpu.memref_slice %arg5[%run_scoped3A_56, %dma_wait3A_301] : memref<2x32xi32, #tpu.memory_space<vmem>> -> memref<1x32xi32, #tpu.memory_space<vmem>>
      %dma_wait3A_303 = tpu.memref_squeeze %dma_wait3A_302 : memref<1x32xi32, #tpu.memory_space<vmem>> -> memref<32xi32, #tpu.memory_space<vmem>>
      %dma_wait3A_304 = tpu.memref_slice %arg3[%add3A_55] : memref<8192xi32, #tpu.memory_space<hbm>> -> memref<32xi32, #tpu.memory_space<hbm>>
      tpu.wait_dma2 semaphore(%run_scoped3A_288 : memref<!tpu.dma_semaphore, #tpu.memory_space<semaphore_mem>>) src(%dma_wait3A_304 : memref<32xi32, #tpu.memory_space<hbm>>) dst(%dma_wait3A_303 : memref<32xi32, #tpu.memory_space<vmem>>)
      tpu.yield
    }) : () -> ()
    %dma_start3A_57 = arith.constant 0 : i32
    %dma_start3A_58 = arith.constant 0 : i32
    %dma_start3A_59 = arith.constant 0 : i32
    %dma_start3A_60 = arith.constant 0 : i32
    %dma_start3A_61 = arith.constant 0 : i32
    %dma_start3A_62 = tpu.memref_slice %arg6[%dma_start3A_58, %dma_start3A_60, %dma_start3A_61] : memref<2x32x1024xf32, #tpu.memory_space<vmem>> -> memref<1x32x1024xf32, #tpu.memory_space<vmem>>
    %dma_start3A_63 = tpu.memref_squeeze %dma_start3A_62 : memref<1x32x1024xf32, #tpu.memory_space<vmem>> -> memref<32x1024xf32, #tpu.memory_space<vmem>>
    %dma_start3A_64 = arith.constant 0 : i32
    %dma_start3A_65 = tpu.memref_slice %arg5[%dma_start3A_57, %dma_start3A_64] : memref<2x32xi32, #tpu.memory_space<vmem>> -> memref<1x32xi32, #tpu.memory_space<vmem>>
    %dma_start3A_66 = tpu.memref_squeeze %dma_start3A_65 : memref<1x32xi32, #tpu.memory_space<vmem>> -> memref<32xi32, #tpu.memory_space<vmem>>
    %dma_start3A_67 = arith.constant 0 : i32
    %dma_start3A_68 = arith.constant 0 : i32
    %dma_start3A_69 = tpu.memref_slice %arg2[%dma_start3A_67, %dma_start3A_68] : memref<10240x1024xf32, #tpu.memory_space<hbm>> -> memref<10240x1024xf32, #tpu.memory_space<hbm>>
    %dma_start3A_70 = tpu.memref_slice %arg7[%dma_start3A_59] : memref<2x!tpu.dma_semaphore, #tpu.memory_space<semaphore_mem>> -> memref<1x!tpu.dma_semaphore, #tpu.memory_space<semaphore_mem>>
    %dma_start3A_71 = tpu.memref_squeeze %dma_start3A_70 : memref<1x!tpu.dma_semaphore, #tpu.memory_space<semaphore_mem>> -> memref<!tpu.dma_semaphore, #tpu.memory_space<semaphore_mem>>
    tpu.enqueue_indirect_dma source(%dma_start3A_69 : memref<10240x1024xf32, #tpu.memory_space<hbm>>) target(%dma_start3A_63 : memref<32x1024xf32, #tpu.memory_space<vmem>>) offsets(%dma_start3A_66 : memref<32xi32, #tpu.memory_space<vmem>>) semaphore(%dma_start3A_71 : memref<!tpu.dma_semaphore, #tpu.memory_space<semaphore_mem>>)
    %dma_wait3A_72 = arith.constant 1 : i32
    %dma_wait3A_73 = arith.constant 1 : i32
    %dma_wait3A_74 = arith.constant 1 : i32
    %dma_wait3A_75 = arith.constant 0 : i32
    %dma_wait3A_76 = arith.constant 0 : i32
    %dma_wait3A_77 = tpu.memref_slice %arg6[%dma_wait3A_73, %dma_wait3A_75, %dma_wait3A_76] : memref<2x32x1024xf32, #tpu.memory_space<vmem>> -> memref<1x32x1024xf32, #tpu.memory_space<vmem>>
    %dma_wait3A_78 = tpu.memref_squeeze %dma_wait3A_77 : memref<1x32x1024xf32, #tpu.memory_space<vmem>> -> memref<32x1024xf32, #tpu.memory_space<vmem>>
    %dma_wait3A_79 = arith.constant 0 : i32
    %dma_wait3A_80 = tpu.memref_slice %arg5[%dma_wait3A_72, %dma_wait3A_79] : memref<2x32xi32, #tpu.memory_space<vmem>> -> memref<1x32xi32, #tpu.memory_space<vmem>>
    %dma_wait3A_81 = tpu.memref_squeeze %dma_wait3A_80 : memref<1x32xi32, #tpu.memory_space<vmem>> -> memref<32xi32, #tpu.memory_space<vmem>>
    %dma_wait3A_82 = arith.constant 0 : i32
    %dma_wait3A_83 = arith.constant 0 : i32
    %dma_wait3A_84 = tpu.memref_slice %arg2[%dma_wait3A_82, %dma_wait3A_83] : memref<10240x1024xf32, #tpu.memory_space<hbm>> -> memref<10240x1024xf32, #tpu.memory_space<hbm>>
    %dma_wait3A_85 = tpu.memref_slice %arg7[%dma_wait3A_74] : memref<2x!tpu.dma_semaphore, #tpu.memory_space<semaphore_mem>> -> memref<1x!tpu.dma_semaphore, #tpu.memory_space<semaphore_mem>>
    %dma_wait3A_86 = tpu.memref_squeeze %dma_wait3A_85 : memref<1x!tpu.dma_semaphore, #tpu.memory_space<semaphore_mem>> -> memref<!tpu.dma_semaphore, #tpu.memory_space<semaphore_mem>>
    tpu.wait_indirect_dma semaphore(%dma_wait3A_86 : memref<!tpu.dma_semaphore, #tpu.memory_space<semaphore_mem>>) src(%dma_wait3A_84 : memref<10240x1024xf32, #tpu.memory_space<hbm>>) dst(%dma_wait3A_78 : memref<32x1024xf32, #tpu.memory_space<vmem>>)
    %add3A_87 = arith.constant 32 : i32
    %add3A_88 = arith.addi %mul3A_2, %add3A_87 : i32
    %run_scoped3A_89 = arith.constant 1 : i32
    "tpu.region"() ({
      %run_scoped3A_288 = tpu.sem_alloc : memref<!tpu.dma_semaphore, #tpu.memory_space<semaphore_mem>>
      %dma_start3A_289 = arith.constant 0 : i32
      %dma_start3A_290 = arith.constant 0 : i32
      %dma_start3A_291 = tpu.memref_slice %arg6[%run_scoped3A_89, %dma_start3A_289, %dma_start3A_290] : memref<2x32x1024xf32, #tpu.memory_space<vmem>> -> memref<1x32x1024xf32, #tpu.memory_space<vmem>>
      %dma_start3A_292 = tpu.memref_squeeze %dma_start3A_291 : memref<1x32x1024xf32, #tpu.memory_space<vmem>> -> memref<32x1024xf32, #tpu.memory_space<vmem>>
      %dma_start3A_293 = arith.constant 0 : i32
      %dma_start3A_294 = tpu.memref_slice %arg4[%add3A_88, %dma_start3A_293] : memref<8192x1024xf32, #tpu.memory_space<hbm>> -> memref<32x1024xf32, #tpu.memory_space<hbm>>
      %dma_start3A_295 = arith.constant 0 : i32
      %dma_start3A_296 = tpu.memref_slice %arg4[%add3A_88, %dma_start3A_295] : memref<8192x1024xf32, #tpu.memory_space<hbm>> -> memref<32x1024xf32, #tpu.memory_space<hbm>>
      %dma_start3A_297 = arith.constant 0 : i32
      %dma_start3A_298 = arith.constant 0 : i32
      %dma_start3A_299 = tpu.memref_slice %arg6[%run_scoped3A_89, %dma_start3A_297, %dma_start3A_298] : memref<2x32x1024xf32, #tpu.memory_space<vmem>> -> memref<1x32x1024xf32, #tpu.memory_space<vmem>>
      %dma_start3A_300 = tpu.memref_squeeze %dma_start3A_299 : memref<1x32x1024xf32, #tpu.memory_space<vmem>> -> memref<32x1024xf32, #tpu.memory_space<vmem>>
      tpu.enqueue_dma source(%dma_start3A_300 : memref<32x1024xf32, #tpu.memory_space<vmem>>) target(%dma_start3A_296 : memref<32x1024xf32, #tpu.memory_space<hbm>>) target_semaphore(%run_scoped3A_288 : memref<!tpu.dma_semaphore, #tpu.memory_space<semaphore_mem>>)
      %dma_wait3A_301 = arith.constant 0 : i32
      %dma_wait3A_302 = arith.constant 0 : i32
      %dma_wait3A_303 = tpu.memref_slice %arg6[%run_scoped3A_89, %dma_wait3A_301, %dma_wait3A_302] : memref<2x32x1024xf32, #tpu.memory_space<vmem>> -> memref<1x32x1024xf32, #tpu.memory_space<vmem>>
      %dma_wait3A_304 = tpu.memref_squeeze %dma_wait3A_303 : memref<1x32x1024xf32, #tpu.memory_space<vmem>> -> memref<32x1024xf32, #tpu.memory_space<vmem>>
      %dma_wait3A_305 = arith.constant 0 : i32
      %dma_wait3A_306 = tpu.memref_slice %arg4[%add3A_88, %dma_wait3A_305] : memref<8192x1024xf32, #tpu.memory_space<hbm>> -> memref<32x1024xf32, #tpu.memory_space<hbm>>
      %dma_wait3A_307 = arith.constant 0 : i32
      %dma_wait3A_308 = tpu.memref_slice %arg4[%add3A_88, %dma_wait3A_307] : memref<8192x1024xf32, #tpu.memory_space<hbm>> -> memref<32x1024xf32, #tpu.memory_space<hbm>>
      %dma_wait3A_309 = arith.constant 0 : i32
      %dma_wait3A_310 = arith.constant 0 : i32
      %dma_wait3A_311 = tpu.memref_slice %arg6[%run_scoped3A_89, %dma_wait3A_309, %dma_wait3A_310] : memref<2x32x1024xf32, #tpu.memory_space<vmem>> -> memref<1x32x1024xf32, #tpu.memory_space<vmem>>
      %dma_wait3A_312 = tpu.memref_squeeze %dma_wait3A_311 : memref<1x32x1024xf32, #tpu.memory_space<vmem>> -> memref<32x1024xf32, #tpu.memory_space<vmem>>
      tpu.wait_dma2 semaphore(%run_scoped3A_288 : memref<!tpu.dma_semaphore, #tpu.memory_space<semaphore_mem>>) src(%dma_wait3A_312 : memref<32x1024xf32, #tpu.memory_space<vmem>>) dst(%dma_wait3A_308 : memref<32x1024xf32, #tpu.memory_space<hbm>>)
      tpu.yield
    }) : () -> ()
    %add3A_90 = arith.constant 96 : i32
    %add3A_91 = arith.addi %mul3A_2, %add3A_90 : i32
    %run_scoped3A_92 = arith.constant 1 : i32
    "tpu.region"() ({
      %run_scoped3A_288 = tpu.sem_alloc : memref<!tpu.dma_semaphore, #tpu.memory_space<semaphore_mem>>
      %dma_start3A_289 = arith.constant 0 : i32
      %dma_start3A_290 = tpu.memref_slice %arg5[%run_scoped3A_92, %dma_start3A_289] : memref<2x32xi32, #tpu.memory_space<vmem>> -> memref<1x32xi32, #tpu.memory_space<vmem>>
      %dma_start3A_291 = tpu.memref_squeeze %dma_start3A_290 : memref<1x32xi32, #tpu.memory_space<vmem>> -> memref<32xi32, #tpu.memory_space<vmem>>
      %dma_start3A_292 = tpu.memref_slice %arg3[%add3A_91] : memref<8192xi32, #tpu.memory_space<hbm>> -> memref<32xi32, #tpu.memory_space<hbm>>
      %dma_start3A_293 = arith.constant 0 : i32
      %dma_start3A_294 = tpu.memref_slice %arg5[%run_scoped3A_92, %dma_start3A_293] : memref<2x32xi32, #tpu.memory_space<vmem>> -> memref<1x32xi32, #tpu.memory_space<vmem>>
      %dma_start3A_295 = tpu.memref_squeeze %dma_start3A_294 : memref<1x32xi32, #tpu.memory_space<vmem>> -> memref<32xi32, #tpu.memory_space<vmem>>
      %dma_start3A_296 = tpu.memref_slice %arg3[%add3A_91] : memref<8192xi32, #tpu.memory_space<hbm>> -> memref<32xi32, #tpu.memory_space<hbm>>
      tpu.enqueue_dma source(%dma_start3A_296 : memref<32xi32, #tpu.memory_space<hbm>>) target(%dma_start3A_295 : memref<32xi32, #tpu.memory_space<vmem>>) target_semaphore(%run_scoped3A_288 : memref<!tpu.dma_semaphore, #tpu.memory_space<semaphore_mem>>)
      %dma_wait3A_297 = arith.constant 0 : i32
      %dma_wait3A_298 = tpu.memref_slice %arg5[%run_scoped3A_92, %dma_wait3A_297] : memref<2x32xi32, #tpu.memory_space<vmem>> -> memref<1x32xi32, #tpu.memory_space<vmem>>
      %dma_wait3A_299 = tpu.memref_squeeze %dma_wait3A_298 : memref<1x32xi32, #tpu.memory_space<vmem>> -> memref<32xi32, #tpu.memory_space<vmem>>
      %dma_wait3A_300 = tpu.memref_slice %arg3[%add3A_91] : memref<8192xi32, #tpu.memory_space<hbm>> -> memref<32xi32, #tpu.memory_space<hbm>>
      %dma_wait3A_301 = arith.constant 0 : i32
      %dma_wait3A_302 = tpu.memref_slice %arg5[%run_scoped3A_92, %dma_wait3A_301] : memref<2x32xi32, #tpu.memory_space<vmem>> -> memref<1x32xi32, #tpu.memory_space<vmem>>
      %dma_wait3A_303 = tpu.memref_squeeze %dma_wait3A_302 : memref<1x32xi32, #tpu.memory_space<vmem>> -> memref<32xi32, #tpu.memory_space<vmem>>
      %dma_wait3A_304 = tpu.memref_slice %arg3[%add3A_91] : memref<8192xi32, #tpu.memory_space<hbm>> -> memref<32xi32, #tpu.memory_space<hbm>>
      tpu.wait_dma2 semaphore(%run_scoped3A_288 : memref<!tpu.dma_semaphore, #tpu.memory_space<semaphore_mem>>) src(%dma_wait3A_304 : memref<32xi32, #tpu.memory_space<hbm>>) dst(%dma_wait3A_303 : memref<32xi32, #tpu.memory_space<vmem>>)
      tpu.yield
    }) : () -> ()
    %dma_start3A_93 = arith.constant 1 : i32
    %dma_start3A_94 = arith.constant 1 : i32
    %dma_start3A_95 = arith.constant 1 : i32
    %dma_start3A_96 = arith.constant 0 : i32
    %dma_start3A_97 = arith.constant 0 : i32
    %dma_start3A_98 = tpu.memref_slice %arg6[%dma_start3A_94, %dma_start3A_96, %dma_start3A_97] : memref<2x32x1024xf32, #tpu.memory_space<vmem>> -> memref<1x32x1024xf32, #tpu.memory_space<vmem>>
    %dma_start3A_99 = tpu.memref_squeeze %dma_start3A_98 : memref<1x32x1024xf32, #tpu.memory_space<vmem>> -> memref<32x1024xf32, #tpu.memory_space<vmem>>
    %dma_start3A_100 = arith.constant 0 : i32
    %dma_start3A_101 = tpu.memref_slice %arg5[%dma_start3A_93, %dma_start3A_100] : memref<2x32xi32, #tpu.memory_space<vmem>> -> memref<1x32xi32, #tpu.memory_space<vmem>>
    %dma_start3A_102 = tpu.memref_squeeze %dma_start3A_101 : memref<1x32xi32, #tpu.memory_space<vmem>> -> memref<32xi32, #tpu.memory_space<vmem>>
    %dma_start3A_103 = arith.constant 0 : i32
    %dma_start3A_104 = arith.constant 0 : i32
    %dma_start3A_105 = tpu.memref_slice %arg2[%dma_start3A_103, %dma_start3A_104] : memref<10240x1024xf32, #tpu.memory_space<hbm>> -> memref<10240x1024xf32, #tpu.memory_space<hbm>>
    %dma_start3A_106 = tpu.memref_slice %arg7[%dma_start3A_95] : memref<2x!tpu.dma_semaphore, #tpu.memory_space<semaphore_mem>> -> memref<1x!tpu.dma_semaphore, #tpu.memory_space<semaphore_mem>>
    %dma_start3A_107 = tpu.memref_squeeze %dma_start3A_106 : memref<1x!tpu.dma_semaphore, #tpu.memory_space<semaphore_mem>> -> memref<!tpu.dma_semaphore, #tpu.memory_space<semaphore_mem>>
    tpu.enqueue_indirect_dma source(%dma_start3A_105 : memref<10240x1024xf32, #tpu.memory_space<hbm>>) target(%dma_start3A_99 : memref<32x1024xf32, #tpu.memory_space<vmem>>) offsets(%dma_start3A_102 : memref<32xi32, #tpu.memory_space<vmem>>) semaphore(%dma_start3A_107 : memref<!tpu.dma_semaphore, #tpu.memory_space<semaphore_mem>>)
    %dma_wait3A_108 = arith.constant 0 : i32
    %dma_wait3A_109 = arith.constant 0 : i32
    %dma_wait3A_110 = arith.constant 0 : i32
    %dma_wait3A_111 = arith.constant 0 : i32
    %dma_wait3A_112 = arith.constant 0 : i32
    %dma_wait3A_113 = tpu.memref_slice %arg6[%dma_wait3A_109, %dma_wait3A_111, %dma_wait3A_112] : memref<2x32x1024xf32, #tpu.memory_space<vmem>> -> memref<1x32x1024xf32, #tpu.memory_space<vmem>>
    %dma_wait3A_114 = tpu.memref_squeeze %dma_wait3A_113 : memref<1x32x1024xf32, #tpu.memory_space<vmem>> -> memref<32x1024xf32, #tpu.memory_space<vmem>>
    %dma_wait3A_115 = arith.constant 0 : i32
    %dma_wait3A_116 = tpu.memref_slice %arg5[%dma_wait3A_108, %dma_wait3A_115] : memref<2x32xi32, #tpu.memory_space<vmem>> -> memref<1x32xi32, #tpu.memory_space<vmem>>
    %dma_wait3A_117 = tpu.memref_squeeze %dma_wait3A_116 : memref<1x32xi32, #tpu.memory_space<vmem>> -> memref<32xi32, #tpu.memory_space<vmem>>
    %dma_wait3A_118 = arith.constant 0 : i32
    %dma_wait3A_119 = arith.constant 0 : i32
    %dma_wait3A_120 = tpu.memref_slice %arg2[%dma_wait3A_118, %dma_wait3A_119] : memref<10240x1024xf32, #tpu.memory_space<hbm>> -> memref<10240x1024xf32, #tpu.memory_space<hbm>>
    %dma_wait3A_121 = tpu.memref_slice %arg7[%dma_wait3A_110] : memref<2x!tpu.dma_semaphore, #tpu.memory_space<semaphore_mem>> -> memref<1x!tpu.dma_semaphore, #tpu.memory_space<semaphore_mem>>
    %dma_wait3A_122 = tpu.memref_squeeze %dma_wait3A_121 : memref<1x!tpu.dma_semaphore, #tpu.memory_space<semaphore_mem>> -> memref<!tpu.dma_semaphore, #tpu.memory_space<semaphore_mem>>
    tpu.wait_indirect_dma semaphore(%dma_wait3A_122 : memref<!tpu.dma_semaphore, #tpu.memory_space<semaphore_mem>>) src(%dma_wait3A_120 : memref<10240x1024xf32, #tpu.memory_space<hbm>>) dst(%dma_wait3A_114 : memref<32x1024xf32, #tpu.memory_space<vmem>>)
    %add3A_123 = arith.constant 64 : i32
    %add3A_124 = arith.addi %mul3A_2, %add3A_123 : i32
    %run_scoped3A_125 = arith.constant 0 : i32
    "tpu.region"() ({
      %run_scoped3A_288 = tpu.sem_alloc : memref<!tpu.dma_semaphore, #tpu.memory_space<semaphore_mem>>
      %dma_start3A_289 = arith.constant 0 : i32
      %dma_start3A_290 = arith.constant 0 : i32
      %dma_start3A_291 = tpu.memref_slice %arg6[%run_scoped3A_125, %dma_start3A_289, %dma_start3A_290] : memref<2x32x1024xf32, #tpu.memory_space<vmem>> -> memref<1x32x1024xf32, #tpu.memory_space<vmem>>
      %dma_start3A_292 = tpu.memref_squeeze %dma_start3A_291 : memref<1x32x1024xf32, #tpu.memory_space<vmem>> -> memref<32x1024xf32, #tpu.memory_space<vmem>>
      %dma_start3A_293 = arith.constant 0 : i32
      %dma_start3A_294 = tpu.memref_slice %arg4[%add3A_124, %dma_start3A_293] : memref<8192x1024xf32, #tpu.memory_space<hbm>> -> memref<32x1024xf32, #tpu.memory_space<hbm>>
      %dma_start3A_295 = arith.constant 0 : i32
      %dma_start3A_296 = tpu.memref_slice %arg4[%add3A_124, %dma_start3A_295] : memref<8192x1024xf32, #tpu.memory_space<hbm>> -> memref<32x1024xf32, #tpu.memory_space<hbm>>
      %dma_start3A_297 = arith.constant 0 : i32
      %dma_start3A_298 = arith.constant 0 : i32
      %dma_start3A_299 = tpu.memref_slice %arg6[%run_scoped3A_125, %dma_start3A_297, %dma_start3A_298] : memref<2x32x1024xf32, #tpu.memory_space<vmem>> -> memref<1x32x1024xf32, #tpu.memory_space<vmem>>
      %dma_start3A_300 = tpu.memref_squeeze %dma_start3A_299 : memref<1x32x1024xf32, #tpu.memory_space<vmem>> -> memref<32x1024xf32, #tpu.memory_space<vmem>>
      tpu.enqueue_dma source(%dma_start3A_300 : memref<32x1024xf32, #tpu.memory_space<vmem>>) target(%dma_start3A_296 : memref<32x1024xf32, #tpu.memory_space<hbm>>) target_semaphore(%run_scoped3A_288 : memref<!tpu.dma_semaphore, #tpu.memory_space<semaphore_mem>>)
      %dma_wait3A_301 = arith.constant 0 : i32
      %dma_wait3A_302 = arith.constant 0 : i32
      %dma_wait3A_303 = tpu.memref_slice %arg6[%run_scoped3A_125, %dma_wait3A_301, %dma_wait3A_302] : memref<2x32x1024xf32, #tpu.memory_space<vmem>> -> memref<1x32x1024xf32, #tpu.memory_space<vmem>>
      %dma_wait3A_304 = tpu.memref_squeeze %dma_wait3A_303 : memref<1x32x1024xf32, #tpu.memory_space<vmem>> -> memref<32x1024xf32, #tpu.memory_space<vmem>>
      %dma_wait3A_305 = arith.constant 0 : i32
      %dma_wait3A_306 = tpu.memref_slice %arg4[%add3A_124, %dma_wait3A_305] : memref<8192x1024xf32, #tpu.memory_space<hbm>> -> memref<32x1024xf32, #tpu.memory_space<hbm>>
      %dma_wait3A_307 = arith.constant 0 : i32
      %dma_wait3A_308 = tpu.memref_slice %arg4[%add3A_124, %dma_wait3A_307] : memref<8192x1024xf32, #tpu.memory_space<hbm>> -> memref<32x1024xf32, #tpu.memory_space<hbm>>
      %dma_wait3A_309 = arith.constant 0 : i32
      %dma_wait3A_310 = arith.constant 0 : i32
      %dma_wait3A_311 = tpu.memref_slice %arg6[%run_scoped3A_125, %dma_wait3A_309, %dma_wait3A_310] : memref<2x32x1024xf32, #tpu.memory_space<vmem>> -> memref<1x32x1024xf32, #tpu.memory_space<vmem>>
      %dma_wait3A_312 = tpu.memref_squeeze %dma_wait3A_311 : memref<1x32x1024xf32, #tpu.memory_space<vmem>> -> memref<32x1024xf32, #tpu.memory_space<vmem>>
      tpu.wait_dma2 semaphore(%run_scoped3A_288 : memref<!tpu.dma_semaphore, #tpu.memory_space<semaphore_mem>>) src(%dma_wait3A_312 : memref<32x1024xf32, #tpu.memory_space<vmem>>) dst(%dma_wait3A_308 : memref<32x1024xf32, #tpu.memory_space<hbm>>)
      tpu.yield
    }) : () -> ()
    %add3A_126 = arith.constant 128 : i32
    %add3A_127 = arith.addi %mul3A_2, %add3A_126 : i32
    %run_scoped3A_128 = arith.constant 0 : i32
    "tpu.region"() ({
      %run_scoped3A_288 = tpu.sem_alloc : memref<!tpu.dma_semaphore, #tpu.memory_space<semaphore_mem>>
      %dma_start3A_289 = arith.constant 0 : i32
      %dma_start3A_290 = tpu.memref_slice %arg5[%run_scoped3A_128, %dma_start3A_289] : memref<2x32xi32, #tpu.memory_space<vmem>> -> memref<1x32xi32, #tpu.memory_space<vmem>>
      %dma_start3A_291 = tpu.memref_squeeze %dma_start3A_290 : memref<1x32xi32, #tpu.memory_space<vmem>> -> memref<32xi32, #tpu.memory_space<vmem>>
      %dma_start3A_292 = tpu.memref_slice %arg3[%add3A_127] : memref<8192xi32, #tpu.memory_space<hbm>> -> memref<32xi32, #tpu.memory_space<hbm>>
      %dma_start3A_293 = arith.constant 0 : i32
      %dma_start3A_294 = tpu.memref_slice %arg5[%run_scoped3A_128, %dma_start3A_293] : memref<2x32xi32, #tpu.memory_space<vmem>> -> memref<1x32xi32, #tpu.memory_space<vmem>>
      %dma_start3A_295 = tpu.memref_squeeze %dma_start3A_294 : memref<1x32xi32, #tpu.memory_space<vmem>> -> memref<32xi32, #tpu.memory_space<vmem>>
      %dma_start3A_296 = tpu.memref_slice %arg3[%add3A_127] : memref<8192xi32, #tpu.memory_space<hbm>> -> memref<32xi32, #tpu.memory_space<hbm>>
      tpu.enqueue_dma source(%dma_start3A_296 : memref<32xi32, #tpu.memory_space<hbm>>) target(%dma_start3A_295 : memref<32xi32, #tpu.memory_space<vmem>>) target_semaphore(%run_scoped3A_288 : memref<!tpu.dma_semaphore, #tpu.memory_space<semaphore_mem>>)
      %dma_wait3A_297 = arith.constant 0 : i32
      %dma_wait3A_298 = tpu.memref_slice %arg5[%run_scoped3A_128, %dma_wait3A_297] : memref<2x32xi32, #tpu.memory_space<vmem>> -> memref<1x32xi32, #tpu.memory_space<vmem>>
      %dma_wait3A_299 = tpu.memref_squeeze %dma_wait3A_298 : memref<1x32xi32, #tpu.memory_space<vmem>> -> memref<32xi32, #tpu.memory_space<vmem>>
      %dma_wait3A_300 = tpu.memref_slice %arg3[%add3A_127] : memref<8192xi32, #tpu.memory_space<hbm>> -> memref<32xi32, #tpu.memory_space<hbm>>
      %dma_wait3A_301 = arith.constant 0 : i32
      %dma_wait3A_302 = tpu.memref_slice %arg5[%run_scoped3A_128, %dma_wait3A_301] : memref<2x32xi32, #tpu.memory_space<vmem>> -> memref<1x32xi32, #tpu.memory_space<vmem>>
      %dma_wait3A_303 = tpu.memref_squeeze %dma_wait3A_302 : memref<1x32xi32, #tpu.memory_space<vmem>> -> memref<32xi32, #tpu.memory_space<vmem>>
      %dma_wait3A_304 = tpu.memref_slice %arg3[%add3A_127] : memref<8192xi32, #tpu.memory_space<hbm>> -> memref<32xi32, #tpu.memory_space<hbm>>
      tpu.wait_dma2 semaphore(%run_scoped3A_288 : memref<!tpu.dma_semaphore, #tpu.memory_space<semaphore_mem>>) src(%dma_wait3A_304 : memref<32xi32, #tpu.memory_space<hbm>>) dst(%dma_wait3A_303 : memref<32xi32, #tpu.memory_space<vmem>>)
      tpu.yield
    }) : () -> ()
    %dma_start3A_129 = arith.constant 0 : i32
    %dma_start3A_130 = arith.constant 0 : i32
    %dma_start3A_131 = arith.constant 0 : i32
    %dma_start3A_132 = arith.constant 0 : i32
    %dma_start3A_133 = arith.constant 0 : i32
    %dma_start3A_134 = tpu.memref_slice %arg6[%dma_start3A_130, %dma_start3A_132, %dma_start3A_133] : memref<2x32x1024xf32, #tpu.memory_space<vmem>> -> memref<1x32x1024xf32, #tpu.memory_space<vmem>>
    %dma_start3A_135 = tpu.memref_squeeze %dma_start3A_134 : memref<1x32x1024xf32, #tpu.memory_space<vmem>> -> memref<32x1024xf32, #tpu.memory_space<vmem>>
    %dma_start3A_136 = arith.constant 0 : i32
    %dma_start3A_137 = tpu.memref_slice %arg5[%dma_start3A_129, %dma_start3A_136] : memref<2x32xi32, #tpu.memory_space<vmem>> -> memref<1x32xi32, #tpu.memory_space<vmem>>
    %dma_start3A_138 = tpu.memref_squeeze %dma_start3A_137 : memref<1x32xi32, #tpu.memory_space<vmem>> -> memref<32xi32, #tpu.memory_space<vmem>>
    %dma_start3A_139 = arith.constant 0 : i32
    %dma_start3A_140 = arith.constant 0 : i32
    %dma_start3A_141 = tpu.memref_slice %arg2[%dma_start3A_139, %dma_start3A_140] : memref<10240x1024xf32, #tpu.memory_space<hbm>> -> memref<10240x1024xf32, #tpu.memory_space<hbm>>
    %dma_start3A_142 = tpu.memref_slice %arg7[%dma_start3A_131] : memref<2x!tpu.dma_semaphore, #tpu.memory_space<semaphore_mem>> -> memref<1x!tpu.dma_semaphore, #tpu.memory_space<semaphore_mem>>
    %dma_start3A_143 = tpu.memref_squeeze %dma_start3A_142 : memref<1x!tpu.dma_semaphore, #tpu.memory_space<semaphore_mem>> -> memref<!tpu.dma_semaphore, #tpu.memory_space<semaphore_mem>>
    tpu.enqueue_indirect_dma source(%dma_start3A_141 : memref<10240x1024xf32, #tpu.memory_space<hbm>>) target(%dma_start3A_135 : memref<32x1024xf32, #tpu.memory_space<vmem>>) offsets(%dma_start3A_138 : memref<32xi32, #tpu.memory_space<vmem>>) semaphore(%dma_start3A_143 : memref<!tpu.dma_semaphore, #tpu.memory_space<semaphore_mem>>)
    %dma_wait3A_144 = arith.constant 1 : i32
    %dma_wait3A_145 = arith.constant 1 : i32
    %dma_wait3A_146 = arith.constant 1 : i32
    %dma_wait3A_147 = arith.constant 0 : i32
    %dma_wait3A_148 = arith.constant 0 : i32
    %dma_wait3A_149 = tpu.memref_slice %arg6[%dma_wait3A_145, %dma_wait3A_147, %dma_wait3A_148] : memref<2x32x1024xf32, #tpu.memory_space<vmem>> -> memref<1x32x1024xf32, #tpu.memory_space<vmem>>
    %dma_wait3A_150 = tpu.memref_squeeze %dma_wait3A_149 : memref<1x32x1024xf32, #tpu.memory_space<vmem>> -> memref<32x1024xf32, #tpu.memory_space<vmem>>
    %dma_wait3A_151 = arith.constant 0 : i32
    %dma_wait3A_152 = tpu.memref_slice %arg5[%dma_wait3A_144, %dma_wait3A_151] : memref<2x32xi32, #tpu.memory_space<vmem>> -> memref<1x32xi32, #tpu.memory_space<vmem>>
    %dma_wait3A_153 = tpu.memref_squeeze %dma_wait3A_152 : memref<1x32xi32, #tpu.memory_space<vmem>> -> memref<32xi32, #tpu.memory_space<vmem>>
    %dma_wait3A_154 = arith.constant 0 : i32
    %dma_wait3A_155 = arith.constant 0 : i32
    %dma_wait3A_156 = tpu.memref_slice %arg2[%dma_wait3A_154, %dma_wait3A_155] : memref<10240x1024xf32, #tpu.memory_space<hbm>> -> memref<10240x1024xf32, #tpu.memory_space<hbm>>
    %dma_wait3A_157 = tpu.memref_slice %arg7[%dma_wait3A_146] : memref<2x!tpu.dma_semaphore, #tpu.memory_space<semaphore_mem>> -> memref<1x!tpu.dma_semaphore, #tpu.memory_space<semaphore_mem>>
    %dma_wait3A_158 = tpu.memref_squeeze %dma_wait3A_157 : memref<1x!tpu.dma_semaphore, #tpu.memory_space<semaphore_mem>> -> memref<!tpu.dma_semaphore, #tpu.memory_space<semaphore_mem>>
    tpu.wait_indirect_dma semaphore(%dma_wait3A_158 : memref<!tpu.dma_semaphore, #tpu.memory_space<semaphore_mem>>) src(%dma_wait3A_156 : memref<10240x1024xf32, #tpu.memory_space<hbm>>) dst(%dma_wait3A_150 : memref<32x1024xf32, #tpu.memory_space<vmem>>)
    %add3A_159 = arith.constant 96 : i32
    %add3A_160 = arith.addi %mul3A_2, %add3A_159 : i32
    %run_scoped3A_161 = arith.constant 1 : i32
    "tpu.region"() ({
      %run_scoped3A_288 = tpu.sem_alloc : memref<!tpu.dma_semaphore, #tpu.memory_space<semaphore_mem>>
      %dma_start3A_289 = arith.constant 0 : i32
      %dma_start3A_290 = arith.constant 0 : i32
      %dma_start3A_291 = tpu.memref_slice %arg6[%run_scoped3A_161, %dma_start3A_289, %dma_start3A_290] : memref<2x32x1024xf32, #tpu.memory_space<vmem>> -> memref<1x32x1024xf32, #tpu.memory_space<vmem>>
      %dma_start3A_292 = tpu.memref_squeeze %dma_start3A_291 : memref<1x32x1024xf32, #tpu.memory_space<vmem>> -> memref<32x1024xf32, #tpu.memory_space<vmem>>
      %dma_start3A_293 = arith.constant 0 : i32
      %dma_start3A_294 = tpu.memref_slice %arg4[%add3A_160, %dma_start3A_293] : memref<8192x1024xf32, #tpu.memory_space<hbm>> -> memref<32x1024xf32, #tpu.memory_space<hbm>>
      %dma_start3A_295 = arith.constant 0 : i32
      %dma_start3A_296 = tpu.memref_slice %arg4[%add3A_160, %dma_start3A_295] : memref<8192x1024xf32, #tpu.memory_space<hbm>> -> memref<32x1024xf32, #tpu.memory_space<hbm>>
      %dma_start3A_297 = arith.constant 0 : i32
      %dma_start3A_298 = arith.constant 0 : i32
      %dma_start3A_299 = tpu.memref_slice %arg6[%run_scoped3A_161, %dma_start3A_297, %dma_start3A_298] : memref<2x32x1024xf32, #tpu.memory_space<vmem>> -> memref<1x32x1024xf32, #tpu.memory_space<vmem>>
      %dma_start3A_300 = tpu.memref_squeeze %dma_start3A_299 : memref<1x32x1024xf32, #tpu.memory_space<vmem>> -> memref<32x1024xf32, #tpu.memory_space<vmem>>
      tpu.enqueue_dma source(%dma_start3A_300 : memref<32x1024xf32, #tpu.memory_space<vmem>>) target(%dma_start3A_296 : memref<32x1024xf32, #tpu.memory_space<hbm>>) target_semaphore(%run_scoped3A_288 : memref<!tpu.dma_semaphore, #tpu.memory_space<semaphore_mem>>)
      %dma_wait3A_301 = arith.constant 0 : i32
      %dma_wait3A_302 = arith.constant 0 : i32
      %dma_wait3A_303 = tpu.memref_slice %arg6[%run_scoped3A_161, %dma_wait3A_301, %dma_wait3A_302] : memref<2x32x1024xf32, #tpu.memory_space<vmem>> -> memref<1x32x1024xf32, #tpu.memory_space<vmem>>
      %dma_wait3A_304 = tpu.memref_squeeze %dma_wait3A_303 : memref<1x32x1024xf32, #tpu.memory_space<vmem>> -> memref<32x1024xf32, #tpu.memory_space<vmem>>
      %dma_wait3A_305 = arith.constant 0 : i32
      %dma_wait3A_306 = tpu.memref_slice %arg4[%add3A_160, %dma_wait3A_305] : memref<8192x1024xf32, #tpu.memory_space<hbm>> -> memref<32x1024xf32, #tpu.memory_space<hbm>>
      %dma_wait3A_307 = arith.constant 0 : i32
      %dma_wait3A_308 = tpu.memref_slice %arg4[%add3A_160, %dma_wait3A_307] : memref<8192x1024xf32, #tpu.memory_space<hbm>> -> memref<32x1024xf32, #tpu.memory_space<hbm>>
      %dma_wait3A_309 = arith.constant 0 : i32
      %dma_wait3A_310 = arith.constant 0 : i32
      %dma_wait3A_311 = tpu.memref_slice %arg6[%run_scoped3A_161, %dma_wait3A_309, %dma_wait3A_310] : memref<2x32x1024xf32, #tpu.memory_space<vmem>> -> memref<1x32x1024xf32, #tpu.memory_space<vmem>>
      %dma_wait3A_312 = tpu.memref_squeeze %dma_wait3A_311 : memref<1x32x1024xf32, #tpu.memory_space<vmem>> -> memref<32x1024xf32, #tpu.memory_space<vmem>>
      tpu.wait_dma2 semaphore(%run_scoped3A_288 : memref<!tpu.dma_semaphore, #tpu.memory_space<semaphore_mem>>) src(%dma_wait3A_312 : memref<32x1024xf32, #tpu.memory_space<vmem>>) dst(%dma_wait3A_308 : memref<32x1024xf32, #tpu.memory_space<hbm>>)
      tpu.yield
    }) : () -> ()
    %add3A_162 = arith.constant 160 : i32
    %add3A_163 = arith.addi %mul3A_2, %add3A_162 : i32
    %run_scoped3A_164 = arith.constant 1 : i32
    "tpu.region"() ({
      %run_scoped3A_288 = tpu.sem_alloc : memref<!tpu.dma_semaphore, #tpu.memory_space<semaphore_mem>>
      %dma_start3A_289 = arith.constant 0 : i32
      %dma_start3A_290 = tpu.memref_slice %arg5[%run_scoped3A_164, %dma_start3A_289] : memref<2x32xi32, #tpu.memory_space<vmem>> -> memref<1x32xi32, #tpu.memory_space<vmem>>
      %dma_start3A_291 = tpu.memref_squeeze %dma_start3A_290 : memref<1x32xi32, #tpu.memory_space<vmem>> -> memref<32xi32, #tpu.memory_space<vmem>>
      %dma_start3A_292 = tpu.memref_slice %arg3[%add3A_163] : memref<8192xi32, #tpu.memory_space<hbm>> -> memref<32xi32, #tpu.memory_space<hbm>>
      %dma_start3A_293 = arith.constant 0 : i32
      %dma_start3A_294 = tpu.memref_slice %arg5[%run_scoped3A_164, %dma_start3A_293] : memref<2x32xi32, #tpu.memory_space<vmem>> -> memref<1x32xi32, #tpu.memory_space<vmem>>
      %dma_start3A_295 = tpu.memref_squeeze %dma_start3A_294 : memref<1x32xi32, #tpu.memory_space<vmem>> -> memref<32xi32, #tpu.memory_space<vmem>>
      %dma_start3A_296 = tpu.memref_slice %arg3[%add3A_163] : memref<8192xi32, #tpu.memory_space<hbm>> -> memref<32xi32, #tpu.memory_space<hbm>>
      tpu.enqueue_dma source(%dma_start3A_296 : memref<32xi32, #tpu.memory_space<hbm>>) target(%dma_start3A_295 : memref<32xi32, #tpu.memory_space<vmem>>) target_semaphore(%run_scoped3A_288 : memref<!tpu.dma_semaphore, #tpu.memory_space<semaphore_mem>>)
      %dma_wait3A_297 = arith.constant 0 : i32
      %dma_wait3A_298 = tpu.memref_slice %arg5[%run_scoped3A_164, %dma_wait3A_297] : memref<2x32xi32, #tpu.memory_space<vmem>> -> memref<1x32xi32, #tpu.memory_space<vmem>>
      %dma_wait3A_299 = tpu.memref_squeeze %dma_wait3A_298 : memref<1x32xi32, #tpu.memory_space<vmem>> -> memref<32xi32, #tpu.memory_space<vmem>>
      %dma_wait3A_300 = tpu.memref_slice %arg3[%add3A_163] : memref<8192xi32, #tpu.memory_space<hbm>> -> memref<32xi32, #tpu.memory_space<hbm>>
      %dma_wait3A_301 = arith.constant 0 : i32
      %dma_wait3A_302 = tpu.memref_slice %arg5[%run_scoped3A_164, %dma_wait3A_301] : memref<2x32xi32, #tpu.memory_space<vmem>> -> memref<1x32xi32, #tpu.memory_space<vmem>>
      %dma_wait3A_303 = tpu.memref_squeeze %dma_wait3A_302 : memref<1x32xi32, #tpu.memory_space<vmem>> -> memref<32xi32, #tpu.memory_space<vmem>>
      %dma_wait3A_304 = tpu.memref_slice %arg3[%add3A_163] : memref<8192xi32, #tpu.memory_space<hbm>> -> memref<32xi32, #tpu.memory_space<hbm>>
      tpu.wait_dma2 semaphore(%run_scoped3A_288 : memref<!tpu.dma_semaphore, #tpu.memory_space<semaphore_mem>>) src(%dma_wait3A_304 : memref<32xi32, #tpu.memory_space<hbm>>) dst(%dma_wait3A_303 : memref<32xi32, #tpu.memory_space<vmem>>)
      tpu.yield
    }) : () -> ()
    %dma_start3A_165 = arith.constant 1 : i32
    %dma_start3A_166 = arith.constant 1 : i32
    %dma_start3A_167 = arith.constant 1 : i32
    %dma_start3A_168 = arith.constant 0 : i32
    %dma_start3A_169 = arith.constant 0 : i32
    %dma_start3A_170 = tpu.memref_slice %arg6[%dma_start3A_166, %dma_start3A_168, %dma_start3A_169] : memref<2x32x1024xf32, #tpu.memory_space<vmem>> -> memref<1x32x1024xf32, #tpu.memory_space<vmem>>
    %dma_start3A_171 = tpu.memref_squeeze %dma_start3A_170 : memref<1x32x1024xf32, #tpu.memory_space<vmem>> -> memref<32x1024xf32, #tpu.memory_space<vmem>>
    %dma_start3A_172 = arith.constant 0 : i32
    %dma_start3A_173 = tpu.memref_slice %arg5[%dma_start3A_165, %dma_start3A_172] : memref<2x32xi32, #tpu.memory_space<vmem>> -> memref<1x32xi32, #tpu.memory_space<vmem>>
    %dma_start3A_174 = tpu.memref_squeeze %dma_start3A_173 : memref<1x32xi32, #tpu.memory_space<vmem>> -> memref<32xi32, #tpu.memory_space<vmem>>
    %dma_start3A_175 = arith.constant 0 : i32
    %dma_start3A_176 = arith.constant 0 : i32
    %dma_start3A_177 = tpu.memref_slice %arg2[%dma_start3A_175, %dma_start3A_176] : memref<10240x1024xf32, #tpu.memory_space<hbm>> -> memref<10240x1024xf32, #tpu.memory_space<hbm>>
    %dma_start3A_178 = tpu.memref_slice %arg7[%dma_start3A_167] : memref<2x!tpu.dma_semaphore, #tpu.memory_space<semaphore_mem>> -> memref<1x!tpu.dma_semaphore, #tpu.memory_space<semaphore_mem>>
    %dma_start3A_179 = tpu.memref_squeeze %dma_start3A_178 : memref<1x!tpu.dma_semaphore, #tpu.memory_space<semaphore_mem>> -> memref<!tpu.dma_semaphore, #tpu.memory_space<semaphore_mem>>
    tpu.enqueue_indirect_dma source(%dma_start3A_177 : memref<10240x1024xf32, #tpu.memory_space<hbm>>) target(%dma_start3A_171 : memref<32x1024xf32, #tpu.memory_space<vmem>>) offsets(%dma_start3A_174 : memref<32xi32, #tpu.memory_space<vmem>>) semaphore(%dma_start3A_179 : memref<!tpu.dma_semaphore, #tpu.memory_space<semaphore_mem>>)
    %dma_wait3A_180 = arith.constant 0 : i32
    %dma_wait3A_181 = arith.constant 0 : i32
    %dma_wait3A_182 = arith.constant 0 : i32
    %dma_wait3A_183 = arith.constant 0 : i32
    %dma_wait3A_184 = arith.constant 0 : i32
    %dma_wait3A_185 = tpu.memref_slice %arg6[%dma_wait3A_181, %dma_wait3A_183, %dma_wait3A_184] : memref<2x32x1024xf32, #tpu.memory_space<vmem>> -> memref<1x32x1024xf32, #tpu.memory_space<vmem>>
    %dma_wait3A_186 = tpu.memref_squeeze %dma_wait3A_185 : memref<1x32x1024xf32, #tpu.memory_space<vmem>> -> memref<32x1024xf32, #tpu.memory_space<vmem>>
    %dma_wait3A_187 = arith.constant 0 : i32
    %dma_wait3A_188 = tpu.memref_slice %arg5[%dma_wait3A_180, %dma_wait3A_187] : memref<2x32xi32, #tpu.memory_space<vmem>> -> memref<1x32xi32, #tpu.memory_space<vmem>>
    %dma_wait3A_189 = tpu.memref_squeeze %dma_wait3A_188 : memref<1x32xi32, #tpu.memory_space<vmem>> -> memref<32xi32, #tpu.memory_space<vmem>>
    %dma_wait3A_190 = arith.constant 0 : i32
    %dma_wait3A_191 = arith.constant 0 : i32
    %dma_wait3A_192 = tpu.memref_slice %arg2[%dma_wait3A_190, %dma_wait3A_191] : memref<10240x1024xf32, #tpu.memory_space<hbm>> -> memref<10240x1024xf32, #tpu.memory_space<hbm>>
    %dma_wait3A_193 = tpu.memref_slice %arg7[%dma_wait3A_182] : memref<2x!tpu.dma_semaphore, #tpu.memory_space<semaphore_mem>> -> memref<1x!tpu.dma_semaphore, #tpu.memory_space<semaphore_mem>>
    %dma_wait3A_194 = tpu.memref_squeeze %dma_wait3A_193 : memref<1x!tpu.dma_semaphore, #tpu.memory_space<semaphore_mem>> -> memref<!tpu.dma_semaphore, #tpu.memory_space<semaphore_mem>>
    tpu.wait_indirect_dma semaphore(%dma_wait3A_194 : memref<!tpu.dma_semaphore, #tpu.memory_space<semaphore_mem>>) src(%dma_wait3A_192 : memref<10240x1024xf32, #tpu.memory_space<hbm>>) dst(%dma_wait3A_186 : memref<32x1024xf32, #tpu.memory_space<vmem>>)
    %add3A_195 = arith.constant 128 : i32
    %add3A_196 = arith.addi %mul3A_2, %add3A_195 : i32
    %run_scoped3A_197 = arith.constant 0 : i32
    "tpu.region"() ({
      %run_scoped3A_288 = tpu.sem_alloc : memref<!tpu.dma_semaphore, #tpu.memory_space<semaphore_mem>>
      %dma_start3A_289 = arith.constant 0 : i32
      %dma_start3A_290 = arith.constant 0 : i32
      %dma_start3A_291 = tpu.memref_slice %arg6[%run_scoped3A_197, %dma_start3A_289, %dma_start3A_290] : memref<2x32x1024xf32, #tpu.memory_space<vmem>> -> memref<1x32x1024xf32, #tpu.memory_space<vmem>>
      %dma_start3A_292 = tpu.memref_squeeze %dma_start3A_291 : memref<1x32x1024xf32, #tpu.memory_space<vmem>> -> memref<32x1024xf32, #tpu.memory_space<vmem>>
      %dma_start3A_293 = arith.constant 0 : i32
      %dma_start3A_294 = tpu.memref_slice %arg4[%add3A_196, %dma_start3A_293] : memref<8192x1024xf32, #tpu.memory_space<hbm>> -> memref<32x1024xf32, #tpu.memory_space<hbm>>
      %dma_start3A_295 = arith.constant 0 : i32
      %dma_start3A_296 = tpu.memref_slice %arg4[%add3A_196, %dma_start3A_295] : memref<8192x1024xf32, #tpu.memory_space<hbm>> -> memref<32x1024xf32, #tpu.memory_space<hbm>>
      %dma_start3A_297 = arith.constant 0 : i32
      %dma_start3A_298 = arith.constant 0 : i32
      %dma_start3A_299 = tpu.memref_slice %arg6[%run_scoped3A_197, %dma_start3A_297, %dma_start3A_298] : memref<2x32x1024xf32, #tpu.memory_space<vmem>> -> memref<1x32x1024xf32, #tpu.memory_space<vmem>>
      %dma_start3A_300 = tpu.memref_squeeze %dma_start3A_299 : memref<1x32x1024xf32, #tpu.memory_space<vmem>> -> memref<32x1024xf32, #tpu.memory_space<vmem>>
      tpu.enqueue_dma source(%dma_start3A_300 : memref<32x1024xf32, #tpu.memory_space<vmem>>) target(%dma_start3A_296 : memref<32x1024xf32, #tpu.memory_space<hbm>>) target_semaphore(%run_scoped3A_288 : memref<!tpu.dma_semaphore, #tpu.memory_space<semaphore_mem>>)
      %dma_wait3A_301 = arith.constant 0 : i32
      %dma_wait3A_302 = arith.constant 0 : i32
      %dma_wait3A_303 = tpu.memref_slice %arg6[%run_scoped3A_197, %dma_wait3A_301, %dma_wait3A_302] : memref<2x32x1024xf32, #tpu.memory_space<vmem>> -> memref<1x32x1024xf32, #tpu.memory_space<vmem>>
      %dma_wait3A_304 = tpu.memref_squeeze %dma_wait3A_303 : memref<1x32x1024xf32, #tpu.memory_space<vmem>> -> memref<32x1024xf32, #tpu.memory_space<vmem>>
      %dma_wait3A_305 = arith.constant 0 : i32
      %dma_wait3A_306 = tpu.memref_slice %arg4[%add3A_196, %dma_wait3A_305] : memref<8192x1024xf32, #tpu.memory_space<hbm>> -> memref<32x1024xf32, #tpu.memory_space<hbm>>
      %dma_wait3A_307 = arith.constant 0 : i32
      %dma_wait3A_308 = tpu.memref_slice %arg4[%add3A_196, %dma_wait3A_307] : memref<8192x1024xf32, #tpu.memory_space<hbm>> -> memref<32x1024xf32, #tpu.memory_space<hbm>>
      %dma_wait3A_309 = arith.constant 0 : i32
      %dma_wait3A_310 = arith.constant 0 : i32
      %dma_wait3A_311 = tpu.memref_slice %arg6[%run_scoped3A_197, %dma_wait3A_309, %dma_wait3A_310] : memref<2x32x1024xf32, #tpu.memory_space<vmem>> -> memref<1x32x1024xf32, #tpu.memory_space<vmem>>
      %dma_wait3A_312 = tpu.memref_squeeze %dma_wait3A_311 : memref<1x32x1024xf32, #tpu.memory_space<vmem>> -> memref<32x1024xf32, #tpu.memory_space<vmem>>
      tpu.wait_dma2 semaphore(%run_scoped3A_288 : memref<!tpu.dma_semaphore, #tpu.memory_space<semaphore_mem>>) src(%dma_wait3A_312 : memref<32x1024xf32, #tpu.memory_space<vmem>>) dst(%dma_wait3A_308 : memref<32x1024xf32, #tpu.memory_space<hbm>>)
      tpu.yield
    }) : () -> ()
    %add3A_198 = arith.constant 192 : i32
    %add3A_199 = arith.addi %mul3A_2, %add3A_198 : i32
    %run_scoped3A_200 = arith.constant 0 : i32
    "tpu.region"() ({
      %run_scoped3A_288 = tpu.sem_alloc : memref<!tpu.dma_semaphore, #tpu.memory_space<semaphore_mem>>
      %dma_start3A_289 = arith.constant 0 : i32
      %dma_start3A_290 = tpu.memref_slice %arg5[%run_scoped3A_200, %dma_start3A_289] : memref<2x32xi32, #tpu.memory_space<vmem>> -> memref<1x32xi32, #tpu.memory_space<vmem>>
      %dma_start3A_291 = tpu.memref_squeeze %dma_start3A_290 : memref<1x32xi32, #tpu.memory_space<vmem>> -> memref<32xi32, #tpu.memory_space<vmem>>
      %dma_start3A_292 = tpu.memref_slice %arg3[%add3A_199] : memref<8192xi32, #tpu.memory_space<hbm>> -> memref<32xi32, #tpu.memory_space<hbm>>
      %dma_start3A_293 = arith.constant 0 : i32
      %dma_start3A_294 = tpu.memref_slice %arg5[%run_scoped3A_200, %dma_start3A_293] : memref<2x32xi32, #tpu.memory_space<vmem>> -> memref<1x32xi32, #tpu.memory_space<vmem>>
      %dma_start3A_295 = tpu.memref_squeeze %dma_start3A_294 : memref<1x32xi32, #tpu.memory_space<vmem>> -> memref<32xi32, #tpu.memory_space<vmem>>
      %dma_start3A_296 = tpu.memref_slice %arg3[%add3A_199] : memref<8192xi32, #tpu.memory_space<hbm>> -> memref<32xi32, #tpu.memory_space<hbm>>
      tpu.enqueue_dma source(%dma_start3A_296 : memref<32xi32, #tpu.memory_space<hbm>>) target(%dma_start3A_295 : memref<32xi32, #tpu.memory_space<vmem>>) target_semaphore(%run_scoped3A_288 : memref<!tpu.dma_semaphore, #tpu.memory_space<semaphore_mem>>)
      %dma_wait3A_297 = arith.constant 0 : i32
      %dma_wait3A_298 = tpu.memref_slice %arg5[%run_scoped3A_200, %dma_wait3A_297] : memref<2x32xi32, #tpu.memory_space<vmem>> -> memref<1x32xi32, #tpu.memory_space<vmem>>
      %dma_wait3A_299 = tpu.memref_squeeze %dma_wait3A_298 : memref<1x32xi32, #tpu.memory_space<vmem>> -> memref<32xi32, #tpu.memory_space<vmem>>
      %dma_wait3A_300 = tpu.memref_slice %arg3[%add3A_199] : memref<8192xi32, #tpu.memory_space<hbm>> -> memref<32xi32, #tpu.memory_space<hbm>>
      %dma_wait3A_301 = arith.constant 0 : i32
      %dma_wait3A_302 = tpu.memref_slice %arg5[%run_scoped3A_200, %dma_wait3A_301] : memref<2x32xi32, #tpu.memory_space<vmem>> -> memref<1x32xi32, #tpu.memory_space<vmem>>
      %dma_wait3A_303 = tpu.memref_squeeze %dma_wait3A_302 : memref<1x32xi32, #tpu.memory_space<vmem>> -> memref<32xi32, #tpu.memory_space<vmem>>
      %dma_wait3A_304 = tpu.memref_slice %arg3[%add3A_199] : memref<8192xi32, #tpu.memory_space<hbm>> -> memref<32xi32, #tpu.memory_space<hbm>>
      tpu.wait_dma2 semaphore(%run_scoped3A_288 : memref<!tpu.dma_semaphore, #tpu.memory_space<semaphore_mem>>) src(%dma_wait3A_304 : memref<32xi32, #tpu.memory_space<hbm>>) dst(%dma_wait3A_303 : memref<32xi32, #tpu.memory_space<vmem>>)
      tpu.yield
    }) : () -> ()
    %dma_start3A_201 = arith.constant 0 : i32
    %dma_start3A_202 = arith.constant 0 : i32
    %dma_start3A_203 = arith.constant 0 : i32
    %dma_start3A_204 = arith.constant 0 : i32
    %dma_start3A_205 = arith.constant 0 : i32
    %dma_start3A_206 = tpu.memref_slice %arg6[%dma_start3A_202, %dma_start3A_204, %dma_start3A_205] : memref<2x32x1024xf32, #tpu.memory_space<vmem>> -> memref<1x32x1024xf32, #tpu.memory_space<vmem>>
    %dma_start3A_207 = tpu.memref_squeeze %dma_start3A_206 : memref<1x32x1024xf32, #tpu.memory_space<vmem>> -> memref<32x1024xf32, #tpu.memory_space<vmem>>
    %dma_start3A_208 = arith.constant 0 : i32
    %dma_start3A_209 = tpu.memref_slice %arg5[%dma_start3A_201, %dma_start3A_208] : memref<2x32xi32, #tpu.memory_space<vmem>> -> memref<1x32xi32, #tpu.memory_space<vmem>>
    %dma_start3A_210 = tpu.memref_squeeze %dma_start3A_209 : memref<1x32xi32, #tpu.memory_space<vmem>> -> memref<32xi32, #tpu.memory_space<vmem>>
    %dma_start3A_211 = arith.constant 0 : i32
    %dma_start3A_212 = arith.constant 0 : i32
    %dma_start3A_213 = tpu.memref_slice %arg2[%dma_start3A_211, %dma_start3A_212] : memref<10240x1024xf32, #tpu.memory_space<hbm>> -> memref<10240x1024xf32, #tpu.memory_space<hbm>>
    %dma_start3A_214 = tpu.memref_slice %arg7[%dma_start3A_203] : memref<2x!tpu.dma_semaphore, #tpu.memory_space<semaphore_mem>> -> memref<1x!tpu.dma_semaphore, #tpu.memory_space<semaphore_mem>>
    %dma_start3A_215 = tpu.memref_squeeze %dma_start3A_214 : memref<1x!tpu.dma_semaphore, #tpu.memory_space<semaphore_mem>> -> memref<!tpu.dma_semaphore, #tpu.memory_space<semaphore_mem>>
    tpu.enqueue_indirect_dma source(%dma_start3A_213 : memref<10240x1024xf32, #tpu.memory_space<hbm>>) target(%dma_start3A_207 : memref<32x1024xf32, #tpu.memory_space<vmem>>) offsets(%dma_start3A_210 : memref<32xi32, #tpu.memory_space<vmem>>) semaphore(%dma_start3A_215 : memref<!tpu.dma_semaphore, #tpu.memory_space<semaphore_mem>>)
    %dma_wait3A_216 = arith.constant 1 : i32
    %dma_wait3A_217 = arith.constant 1 : i32
    %dma_wait3A_218 = arith.constant 1 : i32
    %dma_wait3A_219 = arith.constant 0 : i32
    %dma_wait3A_220 = arith.constant 0 : i32
    %dma_wait3A_221 = tpu.memref_slice %arg6[%dma_wait3A_217, %dma_wait3A_219, %dma_wait3A_220] : memref<2x32x1024xf32, #tpu.memory_space<vmem>> -> memref<1x32x1024xf32, #tpu.memory_space<vmem>>
    %dma_wait3A_222 = tpu.memref_squeeze %dma_wait3A_221 : memref<1x32x1024xf32, #tpu.memory_space<vmem>> -> memref<32x1024xf32, #tpu.memory_space<vmem>>
    %dma_wait3A_223 = arith.constant 0 : i32
    %dma_wait3A_224 = tpu.memref_slice %arg5[%dma_wait3A_216, %dma_wait3A_223] : memref<2x32xi32, #tpu.memory_space<vmem>> -> memref<1x32xi32, #tpu.memory_space<vmem>>
    %dma_wait3A_225 = tpu.memref_squeeze %dma_wait3A_224 : memref<1x32xi32, #tpu.memory_space<vmem>> -> memref<32xi32, #tpu.memory_space<vmem>>
    %dma_wait3A_226 = arith.constant 0 : i32
    %dma_wait3A_227 = arith.constant 0 : i32
    %dma_wait3A_228 = tpu.memref_slice %arg2[%dma_wait3A_226, %dma_wait3A_227] : memref<10240x1024xf32, #tpu.memory_space<hbm>> -> memref<10240x1024xf32, #tpu.memory_space<hbm>>
    %dma_wait3A_229 = tpu.memref_slice %arg7[%dma_wait3A_218] : memref<2x!tpu.dma_semaphore, #tpu.memory_space<semaphore_mem>> -> memref<1x!tpu.dma_semaphore, #tpu.memory_space<semaphore_mem>>
    %dma_wait3A_230 = tpu.memref_squeeze %dma_wait3A_229 : memref<1x!tpu.dma_semaphore, #tpu.memory_space<semaphore_mem>> -> memref<!tpu.dma_semaphore, #tpu.memory_space<semaphore_mem>>
    tpu.wait_indirect_dma semaphore(%dma_wait3A_230 : memref<!tpu.dma_semaphore, #tpu.memory_space<semaphore_mem>>) src(%dma_wait3A_228 : memref<10240x1024xf32, #tpu.memory_space<hbm>>) dst(%dma_wait3A_222 : memref<32x1024xf32, #tpu.memory_space<vmem>>)
    %add3A_231 = arith.constant 160 : i32
    %add3A_232 = arith.addi %mul3A_2, %add3A_231 : i32
    %run_scoped3A_233 = arith.constant 1 : i32
    "tpu.region"() ({
      %run_scoped3A_288 = tpu.sem_alloc : memref<!tpu.dma_semaphore, #tpu.memory_space<semaphore_mem>>
      %dma_start3A_289 = arith.constant 0 : i32
      %dma_start3A_290 = arith.constant 0 : i32
      %dma_start3A_291 = tpu.memref_slice %arg6[%run_scoped3A_233, %dma_start3A_289, %dma_start3A_290] : memref<2x32x1024xf32, #tpu.memory_space<vmem>> -> memref<1x32x1024xf32, #tpu.memory_space<vmem>>
      %dma_start3A_292 = tpu.memref_squeeze %dma_start3A_291 : memref<1x32x1024xf32, #tpu.memory_space<vmem>> -> memref<32x1024xf32, #tpu.memory_space<vmem>>
      %dma_start3A_293 = arith.constant 0 : i32
      %dma_start3A_294 = tpu.memref_slice %arg4[%add3A_232, %dma_start3A_293] : memref<8192x1024xf32, #tpu.memory_space<hbm>> -> memref<32x1024xf32, #tpu.memory_space<hbm>>
      %dma_start3A_295 = arith.constant 0 : i32
      %dma_start3A_296 = tpu.memref_slice %arg4[%add3A_232, %dma_start3A_295] : memref<8192x1024xf32, #tpu.memory_space<hbm>> -> memref<32x1024xf32, #tpu.memory_space<hbm>>
      %dma_start3A_297 = arith.constant 0 : i32
      %dma_start3A_298 = arith.constant 0 : i32
      %dma_start3A_299 = tpu.memref_slice %arg6[%run_scoped3A_233, %dma_start3A_297, %dma_start3A_298] : memref<2x32x1024xf32, #tpu.memory_space<vmem>> -> memref<1x32x1024xf32, #tpu.memory_space<vmem>>
      %dma_start3A_300 = tpu.memref_squeeze %dma_start3A_299 : memref<1x32x1024xf32, #tpu.memory_space<vmem>> -> memref<32x1024xf32, #tpu.memory_space<vmem>>
      tpu.enqueue_dma source(%dma_start3A_300 : memref<32x1024xf32, #tpu.memory_space<vmem>>) target(%dma_start3A_296 : memref<32x1024xf32, #tpu.memory_space<hbm>>) target_semaphore(%run_scoped3A_288 : memref<!tpu.dma_semaphore, #tpu.memory_space<semaphore_mem>>)
      %dma_wait3A_301 = arith.constant 0 : i32
      %dma_wait3A_302 = arith.constant 0 : i32
      %dma_wait3A_303 = tpu.memref_slice %arg6[%run_scoped3A_233, %dma_wait3A_301, %dma_wait3A_302] : memref<2x32x1024xf32, #tpu.memory_space<vmem>> -> memref<1x32x1024xf32, #tpu.memory_space<vmem>>
      %dma_wait3A_304 = tpu.memref_squeeze %dma_wait3A_303 : memref<1x32x1024xf32, #tpu.memory_space<vmem>> -> memref<32x1024xf32, #tpu.memory_space<vmem>>
      %dma_wait3A_305 = arith.constant 0 : i32
      %dma_wait3A_306 = tpu.memref_slice %arg4[%add3A_232, %dma_wait3A_305] : memref<8192x1024xf32, #tpu.memory_space<hbm>> -> memref<32x1024xf32, #tpu.memory_space<hbm>>
      %dma_wait3A_307 = arith.constant 0 : i32
      %dma_wait3A_308 = tpu.memref_slice %arg4[%add3A_232, %dma_wait3A_307] : memref<8192x1024xf32, #tpu.memory_space<hbm>> -> memref<32x1024xf32, #tpu.memory_space<hbm>>
      %dma_wait3A_309 = arith.constant 0 : i32
      %dma_wait3A_310 = arith.constant 0 : i32
      %dma_wait3A_311 = tpu.memref_slice %arg6[%run_scoped3A_233, %dma_wait3A_309, %dma_wait3A_310] : memref<2x32x1024xf32, #tpu.memory_space<vmem>> -> memref<1x32x1024xf32, #tpu.memory_space<vmem>>
      %dma_wait3A_312 = tpu.memref_squeeze %dma_wait3A_311 : memref<1x32x1024xf32, #tpu.memory_space<vmem>> -> memref<32x1024xf32, #tpu.memory_space<vmem>>
      tpu.wait_dma2 semaphore(%run_scoped3A_288 : memref<!tpu.dma_semaphore, #tpu.memory_space<semaphore_mem>>) src(%dma_wait3A_312 : memref<32x1024xf32, #tpu.memory_space<vmem>>) dst(%dma_wait3A_308 : memref<32x1024xf32, #tpu.memory_space<hbm>>)
      tpu.yield
    }) : () -> ()
    %add3A_234 = arith.constant 224 : i32
    %add3A_235 = arith.addi %mul3A_2, %add3A_234 : i32
    %run_scoped3A_236 = arith.constant 1 : i32
    "tpu.region"() ({
      %run_scoped3A_288 = tpu.sem_alloc : memref<!tpu.dma_semaphore, #tpu.memory_space<semaphore_mem>>
      %dma_start3A_289 = arith.constant 0 : i32
      %dma_start3A_290 = tpu.memref_slice %arg5[%run_scoped3A_236, %dma_start3A_289] : memref<2x32xi32, #tpu.memory_space<vmem>> -> memref<1x32xi32, #tpu.memory_space<vmem>>
      %dma_start3A_291 = tpu.memref_squeeze %dma_start3A_290 : memref<1x32xi32, #tpu.memory_space<vmem>> -> memref<32xi32, #tpu.memory_space<vmem>>
      %dma_start3A_292 = tpu.memref_slice %arg3[%add3A_235] : memref<8192xi32, #tpu.memory_space<hbm>> -> memref<32xi32, #tpu.memory_space<hbm>>
      %dma_start3A_293 = arith.constant 0 : i32
      %dma_start3A_294 = tpu.memref_slice %arg5[%run_scoped3A_236, %dma_start3A_293] : memref<2x32xi32, #tpu.memory_space<vmem>> -> memref<1x32xi32, #tpu.memory_space<vmem>>
      %dma_start3A_295 = tpu.memref_squeeze %dma_start3A_294 : memref<1x32xi32, #tpu.memory_space<vmem>> -> memref<32xi32, #tpu.memory_space<vmem>>
      %dma_start3A_296 = tpu.memref_slice %arg3[%add3A_235] : memref<8192xi32, #tpu.memory_space<hbm>> -> memref<32xi32, #tpu.memory_space<hbm>>
      tpu.enqueue_dma source(%dma_start3A_296 : memref<32xi32, #tpu.memory_space<hbm>>) target(%dma_start3A_295 : memref<32xi32, #tpu.memory_space<vmem>>) target_semaphore(%run_scoped3A_288 : memref<!tpu.dma_semaphore, #tpu.memory_space<semaphore_mem>>)
      %dma_wait3A_297 = arith.constant 0 : i32
      %dma_wait3A_298 = tpu.memref_slice %arg5[%run_scoped3A_236, %dma_wait3A_297] : memref<2x32xi32, #tpu.memory_space<vmem>> -> memref<1x32xi32, #tpu.memory_space<vmem>>
      %dma_wait3A_299 = tpu.memref_squeeze %dma_wait3A_298 : memref<1x32xi32, #tpu.memory_space<vmem>> -> memref<32xi32, #tpu.memory_space<vmem>>
      %dma_wait3A_300 = tpu.memref_slice %arg3[%add3A_235] : memref<8192xi32, #tpu.memory_space<hbm>> -> memref<32xi32, #tpu.memory_space<hbm>>
      %dma_wait3A_301 = arith.constant 0 : i32
      %dma_wait3A_302 = tpu.memref_slice %arg5[%run_scoped3A_236, %dma_wait3A_301] : memref<2x32xi32, #tpu.memory_space<vmem>> -> memref<1x32xi32, #tpu.memory_space<vmem>>
      %dma_wait3A_303 = tpu.memref_squeeze %dma_wait3A_302 : memref<1x32xi32, #tpu.memory_space<vmem>> -> memref<32xi32, #tpu.memory_space<vmem>>
      %dma_wait3A_304 = tpu.memref_slice %arg3[%add3A_235] : memref<8192xi32, #tpu.memory_space<hbm>> -> memref<32xi32, #tpu.memory_space<hbm>>
      tpu.wait_dma2 semaphore(%run_scoped3A_288 : memref<!tpu.dma_semaphore, #tpu.memory_space<semaphore_mem>>) src(%dma_wait3A_304 : memref<32xi32, #tpu.memory_space<hbm>>) dst(%dma_wait3A_303 : memref<32xi32, #tpu.memory_space<vmem>>)
      tpu.yield
    }) : () -> ()
    %dma_start3A_237 = arith.constant 1 : i32
    %dma_start3A_238 = arith.constant 1 : i32
    %dma_start3A_239 = arith.constant 1 : i32
    %dma_start3A_240 = arith.constant 0 : i32
    %dma_start3A_241 = arith.constant 0 : i32
    %dma_start3A_242 = tpu.memref_slice %arg6[%dma_start3A_238, %dma_start3A_240, %dma_start3A_241] : memref<2x32x1024xf32, #tpu.memory_space<vmem>> -> memref<1x32x1024xf32, #tpu.memory_space<vmem>>
    %dma_start3A_243 = tpu.memref_squeeze %dma_start3A_242 : memref<1x32x1024xf32, #tpu.memory_space<vmem>> -> memref<32x1024xf32, #tpu.memory_space<vmem>>
    %dma_start3A_244 = arith.constant 0 : i32
    %dma_start3A_245 = tpu.memref_slice %arg5[%dma_start3A_237, %dma_start3A_244] : memref<2x32xi32, #tpu.memory_space<vmem>> -> memref<1x32xi32, #tpu.memory_space<vmem>>
    %dma_start3A_246 = tpu.memref_squeeze %dma_start3A_245 : memref<1x32xi32, #tpu.memory_space<vmem>> -> memref<32xi32, #tpu.memory_space<vmem>>
    %dma_start3A_247 = arith.constant 0 : i32
    %dma_start3A_248 = arith.constant 0 : i32
    %dma_start3A_249 = tpu.memref_slice %arg2[%dma_start3A_247, %dma_start3A_248] : memref<10240x1024xf32, #tpu.memory_space<hbm>> -> memref<10240x1024xf32, #tpu.memory_space<hbm>>
    %dma_start3A_250 = tpu.memref_slice %arg7[%dma_start3A_239] : memref<2x!tpu.dma_semaphore, #tpu.memory_space<semaphore_mem>> -> memref<1x!tpu.dma_semaphore, #tpu.memory_space<semaphore_mem>>
    %dma_start3A_251 = tpu.memref_squeeze %dma_start3A_250 : memref<1x!tpu.dma_semaphore, #tpu.memory_space<semaphore_mem>> -> memref<!tpu.dma_semaphore, #tpu.memory_space<semaphore_mem>>
    tpu.enqueue_indirect_dma source(%dma_start3A_249 : memref<10240x1024xf32, #tpu.memory_space<hbm>>) target(%dma_start3A_243 : memref<32x1024xf32, #tpu.memory_space<vmem>>) offsets(%dma_start3A_246 : memref<32xi32, #tpu.memory_space<vmem>>) semaphore(%dma_start3A_251 : memref<!tpu.dma_semaphore, #tpu.memory_space<semaphore_mem>>)
    %dma_wait3A_252 = arith.constant 0 : i32
    %dma_wait3A_253 = arith.constant 0 : i32
    %dma_wait3A_254 = arith.constant 0 : i32
    %dma_wait3A_255 = arith.constant 0 : i32
    %dma_wait3A_256 = arith.constant 0 : i32
    %dma_wait3A_257 = tpu.memref_slice %arg6[%dma_wait3A_253, %dma_wait3A_255, %dma_wait3A_256] : memref<2x32x1024xf32, #tpu.memory_space<vmem>> -> memref<1x32x1024xf32, #tpu.memory_space<vmem>>
    %dma_wait3A_258 = tpu.memref_squeeze %dma_wait3A_257 : memref<1x32x1024xf32, #tpu.memory_space<vmem>> -> memref<32x1024xf32, #tpu.memory_space<vmem>>
    %dma_wait3A_259 = arith.constant 0 : i32
    %dma_wait3A_260 = tpu.memref_slice %arg5[%dma_wait3A_252, %dma_wait3A_259] : memref<2x32xi32, #tpu.memory_space<vmem>> -> memref<1x32xi32, #tpu.memory_space<vmem>>
    %dma_wait3A_261 = tpu.memref_squeeze %dma_wait3A_260 : memref<1x32xi32, #tpu.memory_space<vmem>> -> memref<32xi32, #tpu.memory_space<vmem>>
    %dma_wait3A_262 = arith.constant 0 : i32
    %dma_wait3A_263 = arith.constant 0 : i32
    %dma_wait3A_264 = tpu.memref_slice %arg2[%dma_wait3A_262, %dma_wait3A_263] : memref<10240x1024xf32, #tpu.memory_space<hbm>> -> memref<10240x1024xf32, #tpu.memory_space<hbm>>
    %dma_wait3A_265 = tpu.memref_slice %arg7[%dma_wait3A_254] : memref<2x!tpu.dma_semaphore, #tpu.memory_space<semaphore_mem>> -> memref<1x!tpu.dma_semaphore, #tpu.memory_space<semaphore_mem>>
    %dma_wait3A_266 = tpu.memref_squeeze %dma_wait3A_265 : memref<1x!tpu.dma_semaphore, #tpu.memory_space<semaphore_mem>> -> memref<!tpu.dma_semaphore, #tpu.memory_space<semaphore_mem>>
    tpu.wait_indirect_dma semaphore(%dma_wait3A_266 : memref<!tpu.dma_semaphore, #tpu.memory_space<semaphore_mem>>) src(%dma_wait3A_264 : memref<10240x1024xf32, #tpu.memory_space<hbm>>) dst(%dma_wait3A_258 : memref<32x1024xf32, #tpu.memory_space<vmem>>)
    %add3A_267 = arith.constant 192 : i32
    %add3A_268 = arith.addi %mul3A_2, %add3A_267 : i32
    %run_scoped3A_269 = arith.constant 0 : i32
    "tpu.region"() ({
      %run_scoped3A_288 = tpu.sem_alloc : memref<!tpu.dma_semaphore, #tpu.memory_space<semaphore_mem>>
      %dma_start3A_289 = arith.constant 0 : i32
      %dma_start3A_290 = arith.constant 0 : i32
      %dma_start3A_291 = tpu.memref_slice %arg6[%run_scoped3A_269, %dma_start3A_289, %dma_start3A_290] : memref<2x32x1024xf32, #tpu.memory_space<vmem>> -> memref<1x32x1024xf32, #tpu.memory_space<vmem>>
      %dma_start3A_292 = tpu.memref_squeeze %dma_start3A_291 : memref<1x32x1024xf32, #tpu.memory_space<vmem>> -> memref<32x1024xf32, #tpu.memory_space<vmem>>
      %dma_start3A_293 = arith.constant 0 : i32
      %dma_start3A_294 = tpu.memref_slice %arg4[%add3A_268, %dma_start3A_293] : memref<8192x1024xf32, #tpu.memory_space<hbm>> -> memref<32x1024xf32, #tpu.memory_space<hbm>>
      %dma_start3A_295 = arith.constant 0 : i32
      %dma_start3A_296 = tpu.memref_slice %arg4[%add3A_268, %dma_start3A_295] : memref<8192x1024xf32, #tpu.memory_space<hbm>> -> memref<32x1024xf32, #tpu.memory_space<hbm>>
      %dma_start3A_297 = arith.constant 0 : i32
      %dma_start3A_298 = arith.constant 0 : i32
      %dma_start3A_299 = tpu.memref_slice %arg6[%run_scoped3A_269, %dma_start3A_297, %dma_start3A_298] : memref<2x32x1024xf32, #tpu.memory_space<vmem>> -> memref<1x32x1024xf32, #tpu.memory_space<vmem>>
      %dma_start3A_300 = tpu.memref_squeeze %dma_start3A_299 : memref<1x32x1024xf32, #tpu.memory_space<vmem>> -> memref<32x1024xf32, #tpu.memory_space<vmem>>
      tpu.enqueue_dma source(%dma_start3A_300 : memref<32x1024xf32, #tpu.memory_space<vmem>>) target(%dma_start3A_296 : memref<32x1024xf32, #tpu.memory_space<hbm>>) target_semaphore(%run_scoped3A_288 : memref<!tpu.dma_semaphore, #tpu.memory_space<semaphore_mem>>)
      %dma_wait3A_301 = arith.constant 0 : i32
      %dma_wait3A_302 = arith.constant 0 : i32
      %dma_wait3A_303 = tpu.memref_slice %arg6[%run_scoped3A_269, %dma_wait3A_301, %dma_wait3A_302] : memref<2x32x1024xf32, #tpu.memory_space<vmem>> -> memref<1x32x1024xf32, #tpu.memory_space<vmem>>
      %dma_wait3A_304 = tpu.memref_squeeze %dma_wait3A_303 : memref<1x32x1024xf32, #tpu.memory_space<vmem>> -> memref<32x1024xf32, #tpu.memory_space<vmem>>
      %dma_wait3A_305 = arith.constant 0 : i32
      %dma_wait3A_306 = tpu.memref_slice %arg4[%add3A_268, %dma_wait3A_305] : memref<8192x1024xf32, #tpu.memory_space<hbm>> -> memref<32x1024xf32, #tpu.memory_space<hbm>>
      %dma_wait3A_307 = arith.constant 0 : i32
      %dma_wait3A_308 = tpu.memref_slice %arg4[%add3A_268, %dma_wait3A_307] : memref<8192x1024xf32, #tpu.memory_space<hbm>> -> memref<32x1024xf32, #tpu.memory_space<hbm>>
      %dma_wait3A_309 = arith.constant 0 : i32
      %dma_wait3A_310 = arith.constant 0 : i32
      %dma_wait3A_311 = tpu.memref_slice %arg6[%run_scoped3A_269, %dma_wait3A_309, %dma_wait3A_310] : memref<2x32x1024xf32, #tpu.memory_space<vmem>> -> memref<1x32x1024xf32, #tpu.memory_space<vmem>>
      %dma_wait3A_312 = tpu.memref_squeeze %dma_wait3A_311 : memref<1x32x1024xf32, #tpu.memory_space<vmem>> -> memref<32x1024xf32, #tpu.memory_space<vmem>>
      tpu.wait_dma2 semaphore(%run_scoped3A_288 : memref<!tpu.dma_semaphore, #tpu.memory_space<semaphore_mem>>) src(%dma_wait3A_312 : memref<32x1024xf32, #tpu.memory_space<vmem>>) dst(%dma_wait3A_308 : memref<32x1024xf32, #tpu.memory_space<hbm>>)
      tpu.yield
    }) : () -> ()
    %dma_wait3A_270 = arith.constant 1 : i32
    %dma_wait3A_271 = arith.constant 1 : i32
    %dma_wait3A_272 = arith.constant 1 : i32
    %dma_wait3A_273 = arith.constant 0 : i32
    %dma_wait3A_274 = arith.constant 0 : i32
    %dma_wait3A_275 = tpu.memref_slice %arg6[%dma_wait3A_271, %dma_wait3A_273, %dma_wait3A_274] : memref<2x32x1024xf32, #tpu.memory_space<vmem>> -> memref<1x32x1024xf32, #tpu.memory_space<vmem>>
    %dma_wait3A_276 = tpu.memref_squeeze %dma_wait3A_275 : memref<1x32x1024xf32, #tpu.memory_space<vmem>> -> memref<32x1024xf32, #tpu.memory_space<vmem>>
    %dma_wait3A_277 = arith.constant 0 : i32
    %dma_wait3A_278 = tpu.memref_slice %arg5[%dma_wait3A_270, %dma_wait3A_277] : memref<2x32xi32, #tpu.memory_space<vmem>> -> memref<1x32xi32, #tpu.memory_space<vmem>>
    %dma_wait3A_279 = tpu.memref_squeeze %dma_wait3A_278 : memref<1x32xi32, #tpu.memory_space<vmem>> -> memref<32xi32, #tpu.memory_space<vmem>>
    %dma_wait3A_280 = arith.constant 0 : i32
    %dma_wait3A_281 = arith.constant 0 : i32
    %dma_wait3A_282 = tpu.memref_slice %arg2[%dma_wait3A_280, %dma_wait3A_281] : memref<10240x1024xf32, #tpu.memory_space<hbm>> -> memref<10240x1024xf32, #tpu.memory_space<hbm>>
    %dma_wait3A_283 = tpu.memref_slice %arg7[%dma_wait3A_272] : memref<2x!tpu.dma_semaphore, #tpu.memory_space<semaphore_mem>> -> memref<1x!tpu.dma_semaphore, #tpu.memory_space<semaphore_mem>>
    %dma_wait3A_284 = tpu.memref_squeeze %dma_wait3A_283 : memref<1x!tpu.dma_semaphore, #tpu.memory_space<semaphore_mem>> -> memref<!tpu.dma_semaphore, #tpu.memory_space<semaphore_mem>>
    tpu.wait_indirect_dma semaphore(%dma_wait3A_284 : memref<!tpu.dma_semaphore, #tpu.memory_space<semaphore_mem>>) src(%dma_wait3A_282 : memref<10240x1024xf32, #tpu.memory_space<hbm>>) dst(%dma_wait3A_276 : memref<32x1024xf32, #tpu.memory_space<vmem>>)
    %add3A_285 = arith.constant 224 : i32
    %add3A_286 = arith.addi %mul3A_2, %add3A_285 : i32
    %run_scoped3A_287 = arith.constant 1 : i32
    "tpu.region"() ({
      %run_scoped3A_288 = tpu.sem_alloc : memref<!tpu.dma_semaphore, #tpu.memory_space<semaphore_mem>>
      %dma_start3A_289 = arith.constant 0 : i32
      %dma_start3A_290 = arith.constant 0 : i32
      %dma_start3A_291 = tpu.memref_slice %arg6[%run_scoped3A_287, %dma_start3A_289, %dma_start3A_290] : memref<2x32x1024xf32, #tpu.memory_space<vmem>> -> memref<1x32x1024xf32, #tpu.memory_space<vmem>>
      %dma_start3A_292 = tpu.memref_squeeze %dma_start3A_291 : memref<1x32x1024xf32, #tpu.memory_space<vmem>> -> memref<32x1024xf32, #tpu.memory_space<vmem>>
      %dma_start3A_293 = arith.constant 0 : i32
      %dma_start3A_294 = tpu.memref_slice %arg4[%add3A_286, %dma_start3A_293] : memref<8192x1024xf32, #tpu.memory_space<hbm>> -> memref<32x1024xf32, #tpu.memory_space<hbm>>
      %dma_start3A_295 = arith.constant 0 : i32
      %dma_start3A_296 = tpu.memref_slice %arg4[%add3A_286, %dma_start3A_295] : memref<8192x1024xf32, #tpu.memory_space<hbm>> -> memref<32x1024xf32, #tpu.memory_space<hbm>>
      %dma_start3A_297 = arith.constant 0 : i32
      %dma_start3A_298 = arith.constant 0 : i32
      %dma_start3A_299 = tpu.memref_slice %arg6[%run_scoped3A_287, %dma_start3A_297, %dma_start3A_298] : memref<2x32x1024xf32, #tpu.memory_space<vmem>> -> memref<1x32x1024xf32, #tpu.memory_space<vmem>>
      %dma_start3A_300 = tpu.memref_squeeze %dma_start3A_299 : memref<1x32x1024xf32, #tpu.memory_space<vmem>> -> memref<32x1024xf32, #tpu.memory_space<vmem>>
      tpu.enqueue_dma source(%dma_start3A_300 : memref<32x1024xf32, #tpu.memory_space<vmem>>) target(%dma_start3A_296 : memref<32x1024xf32, #tpu.memory_space<hbm>>) target_semaphore(%run_scoped3A_288 : memref<!tpu.dma_semaphore, #tpu.memory_space<semaphore_mem>>)
      %dma_wait3A_301 = arith.constant 0 : i32
      %dma_wait3A_302 = arith.constant 0 : i32
      %dma_wait3A_303 = tpu.memref_slice %arg6[%run_scoped3A_287, %dma_wait3A_301, %dma_wait3A_302] : memref<2x32x1024xf32, #tpu.memory_space<vmem>> -> memref<1x32x1024xf32, #tpu.memory_space<vmem>>
      %dma_wait3A_304 = tpu.memref_squeeze %dma_wait3A_303 : memref<1x32x1024xf32, #tpu.memory_space<vmem>> -> memref<32x1024xf32, #tpu.memory_space<vmem>>
      %dma_wait3A_305 = arith.constant 0 : i32
      %dma_wait3A_306 = tpu.memref_slice %arg4[%add3A_286, %dma_wait3A_305] : memref<8192x1024xf32, #tpu.memory_space<hbm>> -> memref<32x1024xf32, #tpu.memory_space<hbm>>
      %dma_wait3A_307 = arith.constant 0 : i32
      %dma_wait3A_308 = tpu.memref_slice %arg4[%add3A_286, %dma_wait3A_307] : memref<8192x1024xf32, #tpu.memory_space<hbm>> -> memref<32x1024xf32, #tpu.memory_space<hbm>>
      %dma_wait3A_309 = arith.constant 0 : i32
      %dma_wait3A_310 = arith.constant 0 : i32
      %dma_wait3A_311 = tpu.memref_slice %arg6[%run_scoped3A_287, %dma_wait3A_309, %dma_wait3A_310] : memref<2x32x1024xf32, #tpu.memory_space<vmem>> -> memref<1x32x1024xf32, #tpu.memory_space<vmem>>
      %dma_wait3A_312 = tpu.memref_squeeze %dma_wait3A_311 : memref<1x32x1024xf32, #tpu.memory_space<vmem>> -> memref<32x1024xf32, #tpu.memory_space<vmem>>
      tpu.wait_dma2 semaphore(%run_scoped3A_288 : memref<!tpu.dma_semaphore, #tpu.memory_space<semaphore_mem>>) src(%dma_wait3A_312 : memref<32x1024xf32, #tpu.memory_space<vmem>>) dst(%dma_wait3A_308 : memref<32x1024xf32, #tpu.memory_space<hbm>>)
      tpu.yield
    }) : () -> ()
    return
  }
}

module attributes {stable_mosaic.version = 14 : i64} {
  func.func @_router_meta_body(%arg0: i32, %arg1: i32, %arg2: memref<512x1024xf32, #tpu.memory_space<vmem>>, %arg3: memref<8x1024xf32, #tpu.memory_space<vmem>>, %arg4: memref<512x2xf32, #tpu.memory_space<vmem>>, %arg5: memref<512x1xi32, #tpu.memory_space<vmem>>, %arg6: memref<512x1xi32, #tpu.memory_space<vmem>>, %arg7: memref<40x2xi32, #tpu.memory_space<vmem>>, %arg8: memref<4096x2xi32, #tpu.memory_space<vmem>>, %arg9: memref<4096x2xf32, #tpu.memory_space<vmem>>, %arg10: memref<1x8xf32, #tpu.memory_space<vmem>>) attributes {dimension_semantics = [#tpu.dimension_semantics<arbitrary>, #tpu.dimension_semantics<arbitrary>], iteration_bounds = array<i64: 2, 8>, scalar_prefetch = 0 : i64, scratch_operands = 3 : i64, tpu.core_type = #tpu.core_type<tc>, window_params = [{transform_indices = @transform_0, window_bounds = array<i64: 512, 1024>}, {pipeline_mode = #tpu.pipeline_mode<synchronous>, transform_indices = @transform_1, window_bounds = array<i64: 8, 1024>}, {transform_indices = @transform_2, window_bounds = array<i64: 512, 2>}, {transform_indices = @transform_3, window_bounds = array<i64: 512, 1>}, {transform_indices = @transform_4, window_bounds = array<i64: 512, 1>}, {pipeline_mode = #tpu.pipeline_mode<synchronous>, transform_indices = @transform_5, window_bounds = array<i64: 40, 2>}]} {
    %eq3A = arith.constant 0 : i32
    %eq3A_0 = arith.cmpi eq, %arg0, %eq3A : i32
    %eq3A_1 = arith.constant 0 : i32
    %eq3A_2 = arith.cmpi eq, %arg1, %eq3A_1 : i32
    %and3A = arith.andi %eq3A_0, %eq3A_2 : i1
    %convert_element_type3A = arith.extui %and3A : i1 to i32
    %cond3A = arith.constant 0 : i32
    %cond3A_3 = arith.cmpi ne, %convert_element_type3A, %cond3A : i32
    scf.if %cond3A_3 {
      %broadcast_in_dim3A = arith.constant 0.000000e+00 : f32
      %broadcast_in_dim3A_14 = vector.broadcast %broadcast_in_dim3A : f32 to vector<1x8xf32>
      %swap3A = arith.constant 0 : index
      %swap3A_15 = arith.constant 0 : index
      %swap3A_16 = vector.load %arg10[%swap3A, %swap3A_15] : memref<1x8xf32, #tpu.memory_space<vmem>>, vector<1x8xf32>
      tpu.vector_store %arg10[%swap3A, %swap3A_15], %broadcast_in_dim3A_14 {strides = array<i32>} : memref<1x8xf32, #tpu.memory_space<vmem>>, vector<1x8xf32>,
    } else {
    }
    %eq3A_4 = arith.constant 0 : i32
    %eq3A_5 = arith.cmpi eq, %arg0, %eq3A_4 : i32
    %convert_element_type3A_6 = arith.extui %eq3A_5 : i1 to i32
    %cond3A_7 = arith.constant 0 : i32
    %cond3A_8 = arith.cmpi ne, %convert_element_type3A_6, %cond3A_7 : i32
    scf.if %cond3A_8 {
      %get3A = arith.constant 0 : index
      %get3A_14 = arith.constant 0 : index
      %get3A_15 = vector.load %arg2[%get3A, %get3A_14] : memref<512x1024xf32, #tpu.memory_space<vmem>>, vector<512x1024xf32>
      %get3A_16 = arith.constant 0 : index
      %get3A_17 = arith.constant 0 : index
      %get3A_18 = vector.load %arg3[%get3A_16, %get3A_17] : memref<8x1024xf32, #tpu.memory_space<vmem>>, vector<8x1024xf32>
      %dot_general3A = arith.constant dense<0.000000e+00> : vector<512x8xf32>
      %dot_general3A_19 = tpu.matmul %get3A_15, %get3A_18, %dot_general3A {dimension_numbers = #tpu.dot_dimension_numbers<[1], [1], [0], [0], [0, 0, 1, 0], [], []>, transpose_lhs_hint = false} : vector<512x1024xf32>, vector<8x1024xf32>, vector<512x8xf32> -> vector<512x8xf32>
      %reduce_max3A = arith.constant dense<0xFF800000> : vector<512xf32>
      %reduce_max3A_20 = vector.multi_reduction <maximumf>, %dot_general3A_19, %reduce_max3A [1] : vector<512x8xf32> to vector<512xf32>
      %broadcast_in_dim3A = vector.shape_cast %reduce_max3A_20 : vector<512xf32> to vector<512x1xf32>
      %sub3A = vector.broadcast %broadcast_in_dim3A : vector<512x1xf32> to vector<512x8xf32>
      %sub3A_21 = arith.subf %dot_general3A_19, %sub3A : vector<512x8xf32>
      %exp3A = math.exp %sub3A_21 : vector<512x8xf32>
      %reduce_sum3A = arith.constant dense<0.000000e+00> : vector<512xf32>
      %reduce_sum3A_22 = vector.multi_reduction <add>, %exp3A, %reduce_sum3A [1] : vector<512x8xf32> to vector<512xf32>
      %broadcast_in_dim3A_23 = vector.shape_cast %reduce_sum3A_22 : vector<512xf32> to vector<512x1xf32>
      %div3A = vector.broadcast %broadcast_in_dim3A_23 : vector<512x1xf32> to vector<512x8xf32>
      %div3A_24 = arith.divf %exp3A, %div3A : vector<512x8xf32>
      %iota3A = tpu.iota {dimensions = array<i32: 1>} : vector<512x8xi32>
      %reduce_max3A_25 = arith.constant dense<0xFF800000> : vector<512xf32>
      %reduce_max3A_26 = vector.multi_reduction <maximumf>, %div3A_24, %reduce_max3A_25 [1] : vector<512x8xf32> to vector<512xf32>
      %broadcast_in_dim3A_27 = vector.shape_cast %reduce_max3A_26 : vector<512xf32> to vector<512x1xf32>
      %eq3A_28 = vector.broadcast %broadcast_in_dim3A_27 : vector<512x1xf32> to vector<512x8xf32>
      %eq3A_29 = arith.cmpf oeq, %div3A_24, %eq3A_28 : vector<512x8xf32>
      %jit3A = arith.constant 8 : i32
      %broadcast_in_dim3A_30 = vector.broadcast %jit3A : i32 to vector<512x8xi32>
      %select_n3A = arith.select %eq3A_29, %iota3A, %broadcast_in_dim3A_30 : vector<512x8xi1>, vector<512x8xi32>
      %reduce_min3A = arith.constant dense<2147483647> : vector<512xi32>
      %reduce_min3A_31 = vector.multi_reduction <minsi>, %select_n3A, %reduce_min3A [1] : vector<512x8xi32> to vector<512xi32>
      %broadcast_in_dim3A_32 = vector.shape_cast %reduce_min3A_31 : vector<512xi32> to vector<512x1xi32>
      %eq3A_33 = vector.broadcast %broadcast_in_dim3A_32 : vector<512x1xi32> to vector<512x8xi32>
      %eq3A_34 = arith.cmpi eq, %iota3A, %eq3A_33 : vector<512x8xi32>
      %jit3A_35 = arith.constant -1.000000e+00 : f32
      %broadcast_in_dim3A_36 = vector.broadcast %jit3A_35 : f32 to vector<512x8xf32>
      %select_n3A_37 = arith.select %eq3A_34, %broadcast_in_dim3A_36, %div3A_24 : vector<512x8xi1>, vector<512x8xf32>
      %reduce_max3A_38 = arith.constant dense<0xFF800000> : vector<512xf32>
      %reduce_max3A_39 = vector.multi_reduction <maximumf>, %select_n3A_37, %reduce_max3A_38 [1] : vector<512x8xf32> to vector<512xf32>
      %broadcast_in_dim3A_40 = vector.shape_cast %reduce_max3A_39 : vector<512xf32> to vector<512x1xf32>
      %eq3A_41 = vector.broadcast %broadcast_in_dim3A_40 : vector<512x1xf32> to vector<512x8xf32>
      %eq3A_42 = arith.cmpf oeq, %select_n3A_37, %eq3A_41 : vector<512x8xf32>
      %jit3A_43 = arith.constant 8 : i32
      %broadcast_in_dim3A_44 = vector.broadcast %jit3A_43 : i32 to vector<512x8xi32>
      %select_n3A_45 = arith.select %eq3A_42, %iota3A, %broadcast_in_dim3A_44 : vector<512x8xi1>, vector<512x8xi32>
      %reduce_min3A_46 = arith.constant dense<2147483647> : vector<512xi32>
      %reduce_min3A_47 = vector.multi_reduction <minsi>, %select_n3A_45, %reduce_min3A_46 [1] : vector<512x8xi32> to vector<512xi32>
      %broadcast_in_dim3A_48 = vector.shape_cast %reduce_min3A_47 : vector<512xi32> to vector<512x1xi32>
      %add3A = arith.addf %broadcast_in_dim3A_27, %broadcast_in_dim3A_40 : vector<512x1xf32>
      %div3A_49 = arith.divf %broadcast_in_dim3A_27, %add3A : vector<512x1xf32>
      %div3A_50 = arith.divf %broadcast_in_dim3A_40, %add3A : vector<512x1xf32>
      %concatenate3A = tpu.concatenate %div3A_49, %div3A_50 in 1 : vector<512x1xf32>, vector<512x1xf32> -> vector<512x2xf32>
      %swap3A = arith.constant 0 : index
      %swap3A_51 = arith.constant 0 : index
      %swap3A_52 = vector.load %arg4[%swap3A, %swap3A_51] : memref<512x2xf32, #tpu.memory_space<vmem>>, vector<512x2xf32>
      tpu.vector_store %arg4[%swap3A, %swap3A_51], %concatenate3A {strides = array<i32>} : memref<512x2xf32, #tpu.memory_space<vmem>>, vector<512x2xf32>,
      %eq3A_53 = vector.broadcast %broadcast_in_dim3A_32 : vector<512x1xi32> to vector<512x8xi32>
      %eq3A_54 = arith.cmpi eq, %iota3A, %eq3A_53 : vector<512x8xi32>
      %eq3A_55 = vector.broadcast %broadcast_in_dim3A_48 : vector<512x1xi32> to vector<512x8xi32>
      %eq3A_56 = arith.cmpi eq, %iota3A, %eq3A_55 : vector<512x8xi32>
      %or3A = arith.ori %eq3A_54, %eq3A_56 : vector<512x8xi1>
      %convert_element_type3A_57 = arith.extui %or3A : vector<512x8xi1> to vector<512x8xi32>
      %convert_element_type3A_58 = arith.sitofp %convert_element_type3A_57 : vector<512x8xi32> to vector<512x8xf32>
      %iota3A_59 = tpu.iota {dimensions = array<i32: 0>} : vector<512x512xi32>
      %iota3A_60 = tpu.iota {dimensions = array<i32: 1>} : vector<512x512xi32>
      %gt3A = arith.cmpi sgt, %iota3A_59, %iota3A_60 : vector<512x512xi32>
      %convert_element_type3A_61 = arith.extui %gt3A : vector<512x512xi1> to vector<512x512xi32>
      %convert_element_type3A_62 = arith.sitofp %convert_element_type3A_61 : vector<512x512xi32> to vector<512x512xf32>
      %dot_general3A_63 = arith.constant dense<0.000000e+00> : vector<512x8xf32>
      %dot_general3A_64 = tpu.matmul %convert_element_type3A_62, %convert_element_type3A_58, %dot_general3A_63 {dimension_numbers = #tpu.dot_dimension_numbers<[1], [0], [0], [1], [0, 0, 1, 1], [], []>, transpose_lhs_hint = false} : vector<512x512xf32>, vector<512x8xf32>, vector<512x8xf32> -> vector<512x8xf32>
      %get3A_65 = arith.constant 0 : index
      %get3A_66 = arith.constant 0 : index
      %get3A_67 = vector.load %arg10[%get3A_65, %get3A_66] : memref<1x8xf32, #tpu.memory_space<vmem>>, vector<1x8xf32>
      %add3A_68 = vector.broadcast %get3A_67 : vector<1x8xf32> to vector<512x8xf32>
      %add3A_69 = arith.addf %dot_general3A_64, %add3A_68 : vector<512x8xf32>
      %eq3A_70 = vector.broadcast %broadcast_in_dim3A_32 : vector<512x1xi32> to vector<512x8xi32>
      %eq3A_71 = arith.cmpi eq, %iota3A, %eq3A_70 : vector<512x8xi32>
      %jit3A_72 = arith.constant 0.000000e+00 : f32
      %broadcast_in_dim3A_73 = vector.broadcast %jit3A_72 : f32 to vector<512x8xf32>
      %select_n3A_74 = arith.select %eq3A_71, %add3A_69, %broadcast_in_dim3A_73 : vector<512x8xi1>, vector<512x8xf32>
      %reduce_sum3A_75 = arith.constant dense<0.000000e+00> : vector<512xf32>
      %reduce_sum3A_76 = vector.multi_reduction <add>, %select_n3A_74, %reduce_sum3A_75 [1] : vector<512x8xf32> to vector<512xf32>
      %broadcast_in_dim3A_77 = vector.shape_cast %reduce_sum3A_76 : vector<512xf32> to vector<512x1xf32>
      %eq3A_78 = vector.broadcast %broadcast_in_dim3A_48 : vector<512x1xi32> to vector<512x8xi32>
      %eq3A_79 = arith.cmpi eq, %iota3A, %eq3A_78 : vector<512x8xi32>
      %jit3A_80 = arith.constant 0.000000e+00 : f32
      %broadcast_in_dim3A_81 = vector.broadcast %jit3A_80 : f32 to vector<512x8xf32>
      %select_n3A_82 = arith.select %eq3A_79, %add3A_69, %broadcast_in_dim3A_81 : vector<512x8xi1>, vector<512x8xf32>
      %reduce_sum3A_83 = arith.constant dense<0.000000e+00> : vector<512xf32>
      %reduce_sum3A_84 = vector.multi_reduction <add>, %select_n3A_82, %reduce_sum3A_83 [1] : vector<512x8xf32> to vector<512xf32>
      %broadcast_in_dim3A_85 = vector.shape_cast %reduce_sum3A_84 : vector<512xf32> to vector<512x1xf32>
      %concatenate3A_86 = tpu.concatenate %broadcast_in_dim3A_32, %broadcast_in_dim3A_48 in 1 : vector<512x1xi32>, vector<512x1xi32> -> vector<512x2xi32>
      %mul3A = arith.constant 512 : i32
      %mul3A_87 = arith.muli %arg1, %mul3A : i32
      %swap3A_88 = arith.index_cast %mul3A_87 : i32 to index
      %swap3A_89 = arith.constant 0 : index
      %swap3A_90 = vector.load %arg8[%swap3A_88, %swap3A_89] : memref<4096x2xi32, #tpu.memory_space<vmem>>, vector<512x2xi32>
      tpu.vector_store %arg8[%swap3A_88, %swap3A_89], %concatenate3A_86 {strides = array<i32>} : memref<4096x2xi32, #tpu.memory_space<vmem>>, vector<512x2xi32>,
      %concatenate3A_91 = tpu.concatenate %broadcast_in_dim3A_77, %broadcast_in_dim3A_85 in 1 : vector<512x1xf32>, vector<512x1xf32> -> vector<512x2xf32>
      %mul3A_92 = arith.constant 512 : i32
      %mul3A_93 = arith.muli %arg1, %mul3A_92 : i32
      %swap3A_94 = arith.index_cast %mul3A_93 : i32 to index
      %swap3A_95 = arith.constant 0 : index
      %swap3A_96 = vector.load %arg9[%swap3A_94, %swap3A_95] : memref<4096x2xf32, #tpu.memory_space<vmem>>, vector<512x2xf32>
      tpu.vector_store %arg9[%swap3A_94, %swap3A_95], %concatenate3A_91 {strides = array<i32>} : memref<4096x2xf32, #tpu.memory_space<vmem>>, vector<512x2xf32>,
      %get3A_97 = arith.constant 0 : index
      %get3A_98 = arith.constant 0 : index
      %get3A_99 = vector.load %arg10[%get3A_97, %get3A_98] : memref<1x8xf32, #tpu.memory_space<vmem>>, vector<1x8xf32>
      %reduce_sum3A_100 = arith.constant dense<0.000000e+00> : vector<8xf32>
      %reduce_sum3A_101 = vector.multi_reduction <add>, %convert_element_type3A_58, %reduce_sum3A_100 [0] : vector<512x8xf32> to vector<8xf32>
      %broadcast_in_dim3A_102 = vector.shape_cast %reduce_sum3A_101 : vector<8xf32> to vector<1x8xf32>
      %add3A_103 = arith.addf %get3A_99, %broadcast_in_dim3A_102 : vector<1x8xf32>
      %swap3A_104 = arith.constant 0 : index
      %swap3A_105 = arith.constant 0 : index
      %swap3A_106 = vector.load %arg10[%swap3A_104, %swap3A_105] : memref<1x8xf32, #tpu.memory_space<vmem>>, vector<1x8xf32>
      tpu.vector_store %arg10[%swap3A_104, %swap3A_105], %add3A_103 {strides = array<i32>} : memref<1x8xf32, #tpu.memory_space<vmem>>, vector<1x8xf32>,
    } else {
    }
    %eq3A_9 = arith.constant 1 : i32
    %eq3A_10 = arith.cmpi eq, %arg0, %eq3A_9 : i32
    %convert_element_type3A_11 = arith.extui %eq3A_10 : i1 to i32
    %cond3A_12 = arith.constant 0 : i32
    %cond3A_13 = arith.cmpi ne, %convert_element_type3A_11, %cond3A_12 : i32
    scf.if %cond3A_13 {
      %get3A = arith.constant 0 : index
      %get3A_14 = arith.constant 0 : index
      %get3A_15 = vector.load %arg10[%get3A, %get3A_14] : memref<1x8xf32, #tpu.memory_space<vmem>>, vector<1x8xf32>
      %div3A = arith.constant 2.560000e+02 : f32
      %div3A_16 = vector.broadcast %div3A : f32 to vector<1x8xf32>
      %div3A_17 = arith.divf %get3A_15, %div3A_16 : vector<1x8xf32>
      %ceil3A = math.ceil %div3A_17 : vector<1x8xf32>
      %mul3A = arith.constant 2.560000e+02 : f32
      %mul3A_18 = vector.broadcast %mul3A : f32 to vector<1x8xf32>
      %mul3A_19 = arith.mulf %ceil3A, %mul3A_18 : vector<1x8xf32>
      %iota3A = tpu.iota {dimensions = array<i32: 0>} : vector<8x8xi32>
      %iota3A_20 = tpu.iota {dimensions = array<i32: 1>} : vector<8x8xi32>
      %le3A = arith.cmpi sle, %iota3A, %iota3A_20 : vector<8x8xi32>
      %convert_element_type3A_21 = arith.extui %le3A : vector<8x8xi1> to vector<8x8xi32>
      %convert_element_type3A_22 = arith.sitofp %convert_element_type3A_21 : vector<8x8xi32> to vector<8x8xf32>
      %dot_general3A = arith.constant dense<0.000000e+00> : vector<1x8xf32>
      %dot_general3A_23 = tpu.matmul %mul3A_19, %convert_element_type3A_22, %dot_general3A {dimension_numbers = #tpu.dot_dimension_numbers<[1], [0], [0], [1], [0, 0, 1, 1], [], []>, transpose_lhs_hint = false} : vector<1x8xf32>, vector<8x8xf32>, vector<1x8xf32> -> vector<1x8xf32>
      %sub3A = arith.subf %dot_general3A_23, %mul3A_19 : vector<1x8xf32>
      %mul3A_24 = arith.constant 512 : i32
      %mul3A_25 = arith.muli %arg1, %mul3A_24 : i32
      %get3A_26 = arith.index_cast %mul3A_25 : i32 to index
      %get3A_27 = arith.constant 0 : index
      %get3A_28 = vector.load %arg8[%get3A_26, %get3A_27] : memref<4096x2xi32, #tpu.memory_space<vmem>>, vector<512x2xi32>
      %mul3A_29 = arith.constant 512 : i32
      %mul3A_30 = arith.muli %arg1, %mul3A_29 : i32
      %get3A_31 = arith.index_cast %mul3A_30 : i32 to index
      %get3A_32 = arith.constant 0 : index
      %get3A_33 = vector.load %arg9[%get3A_31, %get3A_32] : memref<4096x2xf32, #tpu.memory_space<vmem>>, vector<512x2xf32>
      %iota3A_34 = tpu.iota {dimensions = array<i32: 1>} : vector<512x8xi32>
      %slice3A = vector.extract_strided_slice %get3A_28 {offsets = [0, 0], sizes = [512, 1], strides = [1, 1]} : vector<512x2xi32> to vector<512x1xi32>
      %eq3A_35 = vector.broadcast %slice3A : vector<512x1xi32> to vector<512x8xi32>
      %eq3A_36 = arith.cmpi eq, %iota3A_34, %eq3A_35 : vector<512x8xi32>
      %jit3A = arith.constant 0.000000e+00 : f32
      %broadcast_in_dim3A = vector.shape_cast %sub3A : vector<1x8xf32> to vector<1x8xf32>
      %broadcast_in_dim3A_37 = vector.broadcast %broadcast_in_dim3A : vector<1x8xf32> to vector<512x8xf32>
      %broadcast_in_dim3A_38 = vector.broadcast %jit3A : f32 to vector<512x8xf32>
      %select_n3A = arith.select %eq3A_36, %broadcast_in_dim3A_37, %broadcast_in_dim3A_38 : vector<512x8xi1>, vector<512x8xf32>
      %reduce_sum3A = arith.constant dense<0.000000e+00> : vector<512xf32>
      %reduce_sum3A_39 = vector.multi_reduction <add>, %select_n3A, %reduce_sum3A [1] : vector<512x8xf32> to vector<512xf32>
      %broadcast_in_dim3A_40 = vector.shape_cast %reduce_sum3A_39 : vector<512xf32> to vector<512x1xf32>
      %slice3A_41 = vector.extract_strided_slice %get3A_28 {offsets = [0, 1], sizes = [512, 1], strides = [1, 1]} : vector<512x2xi32> to vector<512x1xi32>
      %eq3A_42 = vector.broadcast %slice3A_41 : vector<512x1xi32> to vector<512x8xi32>
      %eq3A_43 = arith.cmpi eq, %iota3A_34, %eq3A_42 : vector<512x8xi32>
      %jit3A_44 = arith.constant 0.000000e+00 : f32
      %broadcast_in_dim3A_45 = vector.shape_cast %sub3A : vector<1x8xf32> to vector<1x8xf32>
      %broadcast_in_dim3A_46 = vector.broadcast %broadcast_in_dim3A_45 : vector<1x8xf32> to vector<512x8xf32>
      %broadcast_in_dim3A_47 = vector.broadcast %jit3A_44 : f32 to vector<512x8xf32>
      %select_n3A_48 = arith.select %eq3A_43, %broadcast_in_dim3A_46, %broadcast_in_dim3A_47 : vector<512x8xi1>, vector<512x8xf32>
      %reduce_sum3A_49 = arith.constant dense<0.000000e+00> : vector<512xf32>
      %reduce_sum3A_50 = vector.multi_reduction <add>, %select_n3A_48, %reduce_sum3A_49 [1] : vector<512x8xf32> to vector<512xf32>
      %broadcast_in_dim3A_51 = vector.shape_cast %reduce_sum3A_50 : vector<512xf32> to vector<512x1xf32>
      %slice3A_52 = vector.extract_strided_slice %get3A_33 {offsets = [0, 0], sizes = [512, 1], strides = [1, 1]} : vector<512x2xf32> to vector<512x1xf32>
      %add3A = arith.addf %broadcast_in_dim3A_40, %slice3A_52 : vector<512x1xf32>
      %convert_element_type3A_53 = arith.fptosi %add3A : vector<512x1xf32> to vector<512x1xi32>
      %swap3A = arith.constant 0 : index
      %swap3A_54 = arith.constant 0 : index
      %swap3A_55 = vector.load %arg5[%swap3A, %swap3A_54] : memref<512x1xi32, #tpu.memory_space<vmem>>, vector<512x1xi32>
      tpu.vector_store %arg5[%swap3A, %swap3A_54], %convert_element_type3A_53 {strides = array<i32>} : memref<512x1xi32, #tpu.memory_space<vmem>>, vector<512x1xi32>,
      %slice3A_56 = vector.extract_strided_slice %get3A_33 {offsets = [0, 1], sizes = [512, 1], strides = [1, 1]} : vector<512x2xf32> to vector<512x1xf32>
      %add3A_57 = arith.addf %broadcast_in_dim3A_51, %slice3A_56 : vector<512x1xf32>
      %convert_element_type3A_58 = arith.fptosi %add3A_57 : vector<512x1xf32> to vector<512x1xi32>
      %swap3A_59 = arith.constant 0 : index
      %swap3A_60 = arith.constant 0 : index
      %swap3A_61 = vector.load %arg6[%swap3A_59, %swap3A_60] : memref<512x1xi32, #tpu.memory_space<vmem>>, vector<512x1xi32>
      tpu.vector_store %arg6[%swap3A_59, %swap3A_60], %convert_element_type3A_58 {strides = array<i32>} : memref<512x1xi32, #tpu.memory_space<vmem>>, vector<512x1xi32>,
      %eq3A_62 = arith.constant 7 : i32
      %eq3A_63 = arith.cmpi eq, %arg1, %eq3A_62 : i32
      %convert_element_type3A_64 = arith.extui %eq3A_63 : i1 to i32
      %cond3A_65 = arith.constant 0 : i32
      %cond3A_66 = arith.cmpi ne, %convert_element_type3A_64, %cond3A_65 : i32
      scf.if %cond3A_66 {
        %iota3A_67 = tpu.iota {dimensions = array<i32: 0>} : vector<40x1xi32>
        %mul3A_68 = arith.constant 256 : i32
        %mul3A_69 = vector.broadcast %mul3A_68 : i32 to vector<40x1xi32>
        %mul3A_70 = arith.muli %iota3A_67, %mul3A_69 : vector<40x1xi32>
        %convert_element_type3A_71 = arith.sitofp %mul3A_70 : vector<40x1xi32> to vector<40x1xf32>
        %le3A_72 = vector.broadcast %dot_general3A_23 : vector<1x8xf32> to vector<40x8xf32>
        %le3A_73 = vector.broadcast %convert_element_type3A_71 : vector<40x1xf32> to vector<40x8xf32>
        %le3A_74 = arith.cmpf ole, %le3A_72, %le3A_73 : vector<40x8xf32>
        %convert_element_type3A_75 = arith.extui %le3A_74 : vector<40x8xi1> to vector<40x8xi32>
        %reduce_sum3A_76 = arith.constant dense<0> : vector<40xi32>
        %reduce_sum3A_77 = vector.multi_reduction <add>, %convert_element_type3A_75, %reduce_sum3A_76 [1] : vector<40x8xi32> to vector<40xi32>
        %broadcast_in_dim3A_78 = vector.shape_cast %reduce_sum3A_77 : vector<40xi32> to vector<40x1xi32>
        %min3A = arith.constant 7 : i32
        %min3A_79 = vector.broadcast %min3A : i32 to vector<40x1xi32>
        %min3A_80 = arith.minsi %broadcast_in_dim3A_78, %min3A_79 : vector<40x1xi32>
        %reduce_max3A = vector.shape_cast %dot_general3A_23 : vector<1x8xf32> to vector<1x1x8xf32>
        %reduce_max3A_81 = arith.constant dense<0xFF800000> : vector<1xf32>
        %reduce_max3A_82 = vector.multi_reduction <maximumf>, %reduce_max3A, %reduce_max3A_81 [1, 2] : vector<1x1x8xf32> to vector<1xf32>
        %reduce_max3A_83 = vector.shape_cast %reduce_max3A_82 : vector<1xf32> to vector<1x1x1xf32>
        %reduce_max3A_84 = vector.extract %reduce_max3A_83[0, 0, 0] : f32 from vector<1x1x1xf32>
        %lt3A = vector.broadcast %reduce_max3A_84 : f32 to vector<40x1xf32>
        %lt3A_85 = arith.cmpf olt, %convert_element_type3A_71, %lt3A : vector<40x1xf32>
        %convert_element_type3A_86 = arith.extui %lt3A_85 : vector<40x1xi1> to vector<40x1xi32>
        %concatenate3A = tpu.concatenate %min3A_80, %convert_element_type3A_86 in 1 : vector<40x1xi32>, vector<40x1xi32> -> vector<40x2xi32>
        %swap3A_87 = arith.constant 0 : index
        %swap3A_88 = arith.constant 0 : index
        %swap3A_89 = vector.load %arg7[%swap3A_87, %swap3A_88] : memref<40x2xi32, #tpu.memory_space<vmem>>, vector<40x2xi32>
        tpu.vector_store %arg7[%swap3A_87, %swap3A_88], %concatenate3A {strides = array<i32>} : memref<40x2xi32, #tpu.memory_space<vmem>>, vector<40x2xi32>,
      } else {
      }
    } else {
    }
    return
  }
  func.func @transform_0(%arg0: i32, %arg1: i32) -> (i32, i32) {
    %sub3A = arith.constant 1 : i32
    %sub3A_0 = arith.subi %sub3A, %arg0 : i32
    %mul3A = arith.muli %sub3A_0, %arg1 : i32
    %c0_i32 = arith.constant 0 : i32
    %c0_i32_1 = arith.constant 0 : i32
    return %mul3A, %c0_i32 : i32, i32
  }
  func.func @transform_1(%arg0: i32, %arg1: i32) -> (i32, i32) {
    %c0_i32 = arith.constant 0 : i32
    %c0_i32_0 = arith.constant 0 : i32
    %c0_i32_1 = arith.constant 0 : i32
    return %c0_i32, %c0_i32_0 : i32, i32
  }
  func.func @transform_2(%arg0: i32, %arg1: i32) -> (i32, i32) {
    %sub3A = arith.constant 1 : i32
    %sub3A_0 = arith.subi %sub3A, %arg0 : i32
    %mul3A = arith.muli %sub3A_0, %arg1 : i32
    %mul3A_1 = arith.constant 7 : i32
    %mul3A_2 = arith.muli %arg0, %mul3A_1 : i32
    %add3A = arith.addi %mul3A, %mul3A_2 : i32
    %c0_i32 = arith.constant 0 : i32
    %c0_i32_3 = arith.constant 0 : i32
    return %add3A, %c0_i32 : i32, i32
  }
  func.func @transform_3(%arg0: i32, %arg1: i32) -> (i32, i32) {
    %mul3A = arith.muli %arg0, %arg1 : i32
    %c0_i32 = arith.constant 0 : i32
    %c0_i32_0 = arith.constant 0 : i32
    return %mul3A, %c0_i32 : i32, i32
  }
  func.func @transform_4(%arg0: i32, %arg1: i32) -> (i32, i32) {
    %mul3A = arith.muli %arg0, %arg1 : i32
    %c0_i32 = arith.constant 0 : i32
    %c0_i32_0 = arith.constant 0 : i32
    return %mul3A, %c0_i32 : i32, i32
  }
  func.func @transform_5(%arg0: i32, %arg1: i32) -> (i32, i32) {
    %c0_i32 = arith.constant 0 : i32
    %c0_i32_0 = arith.constant 0 : i32
    %c0_i32_1 = arith.constant 0 : i32
    return %c0_i32, %c0_i32_0 : i32, i32
  }
}

module attributes {stable_mosaic.version = 14 : i64} {
  func.func @_ffn_half_body(%arg0: i32, %arg1: memref<40xi32, #tpu.memory_space<smem>>, %arg2: memref<40xi32, #tpu.memory_space<smem>>, %arg3: memref<256x1024xf32, #tpu.memory_space<vmem>>, %arg4: memref<1x1376x1024xf32, #tpu.memory_space<vmem>>, %arg5: memref<1x1376x1024xf32, #tpu.memory_space<vmem>>, %arg6: memref<1x1376x1024xf32, #tpu.memory_space<vmem>>, %arg7: memref<256x1024xf32, #tpu.memory_space<vmem>>, %arg8: memref<1376x1024xbf16, #tpu.memory_space<vmem>>, %arg9: memref<1376x1024xbf16, #tpu.memory_space<vmem>>, %arg10: memref<1376x1024xbf16, #tpu.memory_space<vmem>>) attributes {dimension_semantics = [#tpu.dimension_semantics<arbitrary>], iteration_bounds = array<i64: 40>, scalar_prefetch = 2 : i64, scratch_operands = 3 : i64, tpu.core_type = #tpu.core_type<tc>, window_params = [{transform_indices = @transform_0, window_bounds = array<i64: 256, 1024>}, {transform_indices = @transform_1, window_bounds = array<i64: 1, 1376, 1024>}, {transform_indices = @transform_2, window_bounds = array<i64: 1, 1376, 1024>}, {transform_indices = @transform_3, window_bounds = array<i64: 1, 1376, 1024>}, {transform_indices = @transform_4, window_bounds = array<i64: 256, 1024>}]} {
    %eq3A = arith.constant 0 : i32
    %eq3A_0 = arith.cmpi eq, %arg0, %eq3A : i32
    %get3A = arith.index_cast %arg0 : i32 to index
    %get3A_1 = memref.load %arg1[%get3A] : memref<40xi32, #tpu.memory_space<smem>>
    %sub3A = arith.constant 1 : i32
    %sub3A_2 = arith.subi %arg0, %sub3A : i32
    %max3A = arith.constant 0 : i32
    %max3A_3 = arith.maxsi %sub3A_2, %max3A : i32
    %get3A_4 = arith.index_cast %max3A_3 : i32 to index
    %get3A_5 = memref.load %arg1[%get3A_4] : memref<40xi32, #tpu.memory_space<smem>>
    %ne3A = arith.cmpi ne, %get3A_1, %get3A_5 : i32
    %or3A = arith.ori %eq3A_0, %ne3A : i1
    %convert_element_type3A = arith.extui %or3A : i1 to i32
    %cond3A = arith.constant 0 : i32
    %cond3A_6 = arith.cmpi ne, %convert_element_type3A, %cond3A : i32
    scf.if %cond3A_6 {
      %get3A_14 = arith.constant 0 : index
      %get3A_15 = arith.constant 0 : index
      %get3A_16 = arith.constant 0 : index
      %get3A_17 = vector.load %arg4[%get3A_14, %get3A_15, %get3A_16] : memref<1x1376x1024xf32, #tpu.memory_space<vmem>>, vector<1x1376x1024xf32>
      %get3A_18 = vector.shape_cast %get3A_17 : vector<1x1376x1024xf32> to vector<1376x1024xf32>
      %convert_element_type3A_19 = arith.truncf %get3A_18 : vector<1376x1024xf32> to vector<1376x1024xbf16>
      %swap3A = arith.constant 0 : index
      %swap3A_20 = arith.constant 0 : index
      %swap3A_21 = vector.load %arg8[%swap3A, %swap3A_20] : memref<1376x1024xbf16, #tpu.memory_space<vmem>>, vector<1376x1024xbf16>
      tpu.vector_store %arg8[%swap3A, %swap3A_20], %convert_element_type3A_19 {strides = array<i32>} : memref<1376x1024xbf16, #tpu.memory_space<vmem>>, vector<1376x1024xbf16>,
      %get3A_22 = arith.constant 0 : index
      %get3A_23 = arith.constant 0 : index
      %get3A_24 = arith.constant 0 : index
      %get3A_25 = vector.load %arg5[%get3A_22, %get3A_23, %get3A_24] : memref<1x1376x1024xf32, #tpu.memory_space<vmem>>, vector<1x1376x1024xf32>
      %get3A_26 = vector.shape_cast %get3A_25 : vector<1x1376x1024xf32> to vector<1376x1024xf32>
      %convert_element_type3A_27 = arith.truncf %get3A_26 : vector<1376x1024xf32> to vector<1376x1024xbf16>
      %swap3A_28 = arith.constant 0 : index
      %swap3A_29 = arith.constant 0 : index
      %swap3A_30 = vector.load %arg9[%swap3A_28, %swap3A_29] : memref<1376x1024xbf16, #tpu.memory_space<vmem>>, vector<1376x1024xbf16>
      tpu.vector_store %arg9[%swap3A_28, %swap3A_29], %convert_element_type3A_27 {strides = array<i32>} : memref<1376x1024xbf16, #tpu.memory_space<vmem>>, vector<1376x1024xbf16>,
      %get3A_31 = arith.constant 0 : index
      %get3A_32 = arith.constant 0 : index
      %get3A_33 = arith.constant 0 : index
      %get3A_34 = vector.load %arg6[%get3A_31, %get3A_32, %get3A_33] : memref<1x1376x1024xf32, #tpu.memory_space<vmem>>, vector<1x1376x1024xf32>
      %get3A_35 = vector.shape_cast %get3A_34 : vector<1x1376x1024xf32> to vector<1376x1024xf32>
      %convert_element_type3A_36 = arith.truncf %get3A_35 : vector<1376x1024xf32> to vector<1376x1024xbf16>
      %swap3A_37 = arith.constant 0 : index
      %swap3A_38 = arith.constant 0 : index
      %swap3A_39 = vector.load %arg10[%swap3A_37, %swap3A_38] : memref<1376x1024xbf16, #tpu.memory_space<vmem>>, vector<1376x1024xbf16>
      tpu.vector_store %arg10[%swap3A_37, %swap3A_38], %convert_element_type3A_36 {strides = array<i32>} : memref<1376x1024xbf16, #tpu.memory_space<vmem>>, vector<1376x1024xbf16>,
    } else {
    }
    %get3A_7 = arith.index_cast %arg0 : i32 to index
    %get3A_8 = memref.load %arg2[%get3A_7] : memref<40xi32, #tpu.memory_space<smem>>
    %ne3A_9 = arith.constant 0 : i32
    %ne3A_10 = arith.cmpi ne, %get3A_8, %ne3A_9 : i32
    %convert_element_type3A_11 = arith.extui %ne3A_10 : i1 to i32
    %cond3A_12 = arith.constant 0 : i32
    %cond3A_13 = arith.cmpi ne, %convert_element_type3A_11, %cond3A_12 : i32
    scf.if %cond3A_13 {
      %get3A_14 = arith.constant 0 : index
      %get3A_15 = arith.constant 0 : index
      %get3A_16 = vector.load %arg3[%get3A_14, %get3A_15] : memref<256x1024xf32, #tpu.memory_space<vmem>>, vector<256x1024xf32>
      %convert_element_type3A_17 = arith.truncf %get3A_16 : vector<256x1024xf32> to vector<256x1024xbf16>
      %get3A_18 = arith.constant 0 : index
      %get3A_19 = arith.constant 0 : index
      %get3A_20 = vector.load %arg8[%get3A_18, %get3A_19] : memref<1376x1024xbf16, #tpu.memory_space<vmem>>, vector<1376x1024xbf16>
      %dot_general3A = arith.constant dense<0.000000e+00> : vector<256x1376xf32>
      %dot_general3A_21 = tpu.matmul %convert_element_type3A_17, %get3A_20, %dot_general3A {dimension_numbers = #tpu.dot_dimension_numbers<[1], [1], [0], [0], [0, 0, 1, 0], [], []>, transpose_lhs_hint = false} : vector<256x1024xbf16>, vector<1376x1024xbf16>, vector<256x1376xf32> -> vector<256x1376xf32>
      %get3A_22 = arith.constant 0 : index
      %get3A_23 = arith.constant 0 : index
      %get3A_24 = vector.load %arg9[%get3A_22, %get3A_23] : memref<1376x1024xbf16, #tpu.memory_space<vmem>>, vector<1376x1024xbf16>
      %dot_general3A_25 = arith.constant dense<0.000000e+00> : vector<256x1376xf32>
      %dot_general3A_26 = tpu.matmul %convert_element_type3A_17, %get3A_24, %dot_general3A_25 {dimension_numbers = #tpu.dot_dimension_numbers<[1], [1], [0], [0], [0, 0, 1, 0], [], []>, transpose_lhs_hint = false} : vector<256x1024xbf16>, vector<1376x1024xbf16>, vector<256x1376xf32> -> vector<256x1376xf32>
      %logistic3A = arith.negf %dot_general3A_21 : vector<256x1376xf32>
      %logistic3A_27 = math.exp %logistic3A : vector<256x1376xf32>
      %logistic3A_28 = arith.constant 1.000000e+00 : f32
      %logistic3A_29 = vector.broadcast %logistic3A_28 : f32 to vector<256x1376xf32>
      %logistic3A_30 = arith.addf %logistic3A_29, %logistic3A_27 : vector<256x1376xf32>
      %logistic3A_31 = arith.divf %logistic3A_29, %logistic3A_30 : vector<256x1376xf32>
      %mul3A = arith.mulf %dot_general3A_21, %logistic3A_31 : vector<256x1376xf32>
      %mul3A_32 = arith.mulf %mul3A, %dot_general3A_26 : vector<256x1376xf32>
      %convert_element_type3A_33 = arith.truncf %mul3A_32 : vector<256x1376xf32> to vector<256x1376xbf16>
      %get3A_34 = arith.constant 0 : index
      %get3A_35 = arith.constant 0 : index
      %get3A_36 = vector.load %arg10[%get3A_34, %get3A_35] : memref<1376x1024xbf16, #tpu.memory_space<vmem>>, vector<1376x1024xbf16>
      %dot_general3A_37 = arith.constant dense<0.000000e+00> : vector<256x1024xf32>
      %dot_general3A_38 = tpu.matmul %convert_element_type3A_33, %get3A_36, %dot_general3A_37 {dimension_numbers = #tpu.dot_dimension_numbers<[1], [0], [0], [1], [0, 0, 1, 1], [], []>, transpose_lhs_hint = false} : vector<256x1376xbf16>, vector<1376x1024xbf16>, vector<256x1024xf32> -> vector<256x1024xf32>
      %swap3A = arith.constant 0 : index
      %swap3A_39 = arith.constant 0 : index
      %swap3A_40 = vector.load %arg7[%swap3A, %swap3A_39] : memref<256x1024xf32, #tpu.memory_space<vmem>>, vector<256x1024xf32>
      tpu.vector_store %arg7[%swap3A, %swap3A_39], %dot_general3A_38 {strides = array<i32>} : memref<256x1024xf32, #tpu.memory_space<vmem>>, vector<256x1024xf32>,
    } else {
    }
    return
  }
  func.func @transform_0(%arg0: i32, %arg1: memref<40xi32, #tpu.memory_space<smem>>, %arg2: memref<40xi32, #tpu.memory_space<smem>>) -> (i32, i32) {
    %c0_i32 = arith.constant 0 : i32
    %c0_i32_0 = arith.constant 0 : i32
    return %arg0, %c0_i32 : i32, i32
  }
  func.func @transform_1(%arg0: i32, %arg1: memref<40xi32, #tpu.memory_space<smem>>, %arg2: memref<40xi32, #tpu.memory_space<smem>>) -> (i32, i32, i32) {
    %get3A = arith.index_cast %arg0 : i32 to index
    %get3A_0 = memref.load %arg1[%get3A] : memref<40xi32, #tpu.memory_space<smem>>
    %c0_i32 = arith.constant 0 : i32
    %c0_i32_1 = arith.constant 0 : i32
    %c0_i32_2 = arith.constant 0 : i32
    return %get3A_0, %c0_i32, %c0_i32_1 : i32, i32, i32
  }
  func.func @transform_2(%arg0: i32, %arg1: memref<40xi32, #tpu.memory_space<smem>>, %arg2: memref<40xi32, #tpu.memory_space<smem>>) -> (i32, i32, i32) {
    %get3A = arith.index_cast %arg0 : i32 to index
    %get3A_0 = memref.load %arg1[%get3A] : memref<40xi32, #tpu.memory_space<smem>>
    %c2_i32 = arith.constant 2 : i32
    %c0_i32 = arith.constant 0 : i32
    %c0_i32_1 = arith.constant 0 : i32
    return %get3A_0, %c2_i32, %c0_i32 : i32, i32, i32
  }
  func.func @transform_3(%arg0: i32, %arg1: memref<40xi32, #tpu.memory_space<smem>>, %arg2: memref<40xi32, #tpu.memory_space<smem>>) -> (i32, i32, i32) {
    %get3A = arith.index_cast %arg0 : i32 to index
    %get3A_0 = memref.load %arg1[%get3A] : memref<40xi32, #tpu.memory_space<smem>>
    %c0_i32 = arith.constant 0 : i32
    %c0_i32_1 = arith.constant 0 : i32
    %c0_i32_2 = arith.constant 0 : i32
    return %get3A_0, %c0_i32, %c0_i32_1 : i32, i32, i32
  }
  func.func @transform_4(%arg0: i32, %arg1: memref<40xi32, #tpu.memory_space<smem>>, %arg2: memref<40xi32, #tpu.memory_space<smem>>) -> (i32, i32) {
    %c0_i32 = arith.constant 0 : i32
    %c0_i32_0 = arith.constant 0 : i32
    return %arg0, %c0_i32 : i32, i32
  }
}

module attributes {stable_mosaic.version = 14 : i64} {
  func.func @_ffn_half_body(%arg0: i32, %arg1: memref<40xi32, #tpu.memory_space<smem>>, %arg2: memref<40xi32, #tpu.memory_space<smem>>, %arg3: memref<256x1024xf32, #tpu.memory_space<vmem>>, %arg4: memref<1x1376x1024xf32, #tpu.memory_space<vmem>>, %arg5: memref<1x1376x1024xf32, #tpu.memory_space<vmem>>, %arg6: memref<1x1376x1024xf32, #tpu.memory_space<vmem>>, %arg7: memref<256x1024xf32, #tpu.memory_space<vmem>>, %arg8: memref<256x1024xf32, #tpu.memory_space<vmem>>, %arg9: memref<1376x1024xbf16, #tpu.memory_space<vmem>>, %arg10: memref<1376x1024xbf16, #tpu.memory_space<vmem>>, %arg11: memref<1376x1024xbf16, #tpu.memory_space<vmem>>) attributes {dimension_semantics = [#tpu.dimension_semantics<arbitrary>], iteration_bounds = array<i64: 40>, scalar_prefetch = 2 : i64, scratch_operands = 3 : i64, tpu.core_type = #tpu.core_type<tc>, window_params = [{transform_indices = @transform_0, window_bounds = array<i64: 256, 1024>}, {transform_indices = @transform_1, window_bounds = array<i64: 1, 1376, 1024>}, {transform_indices = @transform_2, window_bounds = array<i64: 1, 1376, 1024>}, {transform_indices = @transform_3, window_bounds = array<i64: 1, 1376, 1024>}, {transform_indices = @transform_4, window_bounds = array<i64: 256, 1024>}, {transform_indices = @transform_5, window_bounds = array<i64: 256, 1024>}]} {
    %eq3A = arith.constant 0 : i32
    %eq3A_0 = arith.cmpi eq, %arg0, %eq3A : i32
    %get3A = arith.index_cast %arg0 : i32 to index
    %get3A_1 = memref.load %arg1[%get3A] : memref<40xi32, #tpu.memory_space<smem>>
    %sub3A = arith.constant 1 : i32
    %sub3A_2 = arith.subi %arg0, %sub3A : i32
    %max3A = arith.constant 0 : i32
    %max3A_3 = arith.maxsi %sub3A_2, %max3A : i32
    %get3A_4 = arith.index_cast %max3A_3 : i32 to index
    %get3A_5 = memref.load %arg1[%get3A_4] : memref<40xi32, #tpu.memory_space<smem>>
    %ne3A = arith.cmpi ne, %get3A_1, %get3A_5 : i32
    %or3A = arith.ori %eq3A_0, %ne3A : i1
    %convert_element_type3A = arith.extui %or3A : i1 to i32
    %cond3A = arith.constant 0 : i32
    %cond3A_6 = arith.cmpi ne, %convert_element_type3A, %cond3A : i32
    scf.if %cond3A_6 {
      %get3A_14 = arith.constant 0 : index
      %get3A_15 = arith.constant 0 : index
      %get3A_16 = arith.constant 0 : index
      %get3A_17 = vector.load %arg4[%get3A_14, %get3A_15, %get3A_16] : memref<1x1376x1024xf32, #tpu.memory_space<vmem>>, vector<1x1376x1024xf32>
      %get3A_18 = vector.shape_cast %get3A_17 : vector<1x1376x1024xf32> to vector<1376x1024xf32>
      %convert_element_type3A_19 = arith.truncf %get3A_18 : vector<1376x1024xf32> to vector<1376x1024xbf16>
      %swap3A = arith.constant 0 : index
      %swap3A_20 = arith.constant 0 : index
      %swap3A_21 = vector.load %arg9[%swap3A, %swap3A_20] : memref<1376x1024xbf16, #tpu.memory_space<vmem>>, vector<1376x1024xbf16>
      tpu.vector_store %arg9[%swap3A, %swap3A_20], %convert_element_type3A_19 {strides = array<i32>} : memref<1376x1024xbf16, #tpu.memory_space<vmem>>, vector<1376x1024xbf16>,
      %get3A_22 = arith.constant 0 : index
      %get3A_23 = arith.constant 0 : index
      %get3A_24 = arith.constant 0 : index
      %get3A_25 = vector.load %arg5[%get3A_22, %get3A_23, %get3A_24] : memref<1x1376x1024xf32, #tpu.memory_space<vmem>>, vector<1x1376x1024xf32>
      %get3A_26 = vector.shape_cast %get3A_25 : vector<1x1376x1024xf32> to vector<1376x1024xf32>
      %convert_element_type3A_27 = arith.truncf %get3A_26 : vector<1376x1024xf32> to vector<1376x1024xbf16>
      %swap3A_28 = arith.constant 0 : index
      %swap3A_29 = arith.constant 0 : index
      %swap3A_30 = vector.load %arg10[%swap3A_28, %swap3A_29] : memref<1376x1024xbf16, #tpu.memory_space<vmem>>, vector<1376x1024xbf16>
      tpu.vector_store %arg10[%swap3A_28, %swap3A_29], %convert_element_type3A_27 {strides = array<i32>} : memref<1376x1024xbf16, #tpu.memory_space<vmem>>, vector<1376x1024xbf16>,
      %get3A_31 = arith.constant 0 : index
      %get3A_32 = arith.constant 0 : index
      %get3A_33 = arith.constant 0 : index
      %get3A_34 = vector.load %arg6[%get3A_31, %get3A_32, %get3A_33] : memref<1x1376x1024xf32, #tpu.memory_space<vmem>>, vector<1x1376x1024xf32>
      %get3A_35 = vector.shape_cast %get3A_34 : vector<1x1376x1024xf32> to vector<1376x1024xf32>
      %convert_element_type3A_36 = arith.truncf %get3A_35 : vector<1376x1024xf32> to vector<1376x1024xbf16>
      %swap3A_37 = arith.constant 0 : index
      %swap3A_38 = arith.constant 0 : index
      %swap3A_39 = vector.load %arg11[%swap3A_37, %swap3A_38] : memref<1376x1024xbf16, #tpu.memory_space<vmem>>, vector<1376x1024xbf16>
      tpu.vector_store %arg11[%swap3A_37, %swap3A_38], %convert_element_type3A_36 {strides = array<i32>} : memref<1376x1024xbf16, #tpu.memory_space<vmem>>, vector<1376x1024xbf16>,
    } else {
    }
    %get3A_7 = arith.index_cast %arg0 : i32 to index
    %get3A_8 = memref.load %arg2[%get3A_7] : memref<40xi32, #tpu.memory_space<smem>>
    %ne3A_9 = arith.constant 0 : i32
    %ne3A_10 = arith.cmpi ne, %get3A_8, %ne3A_9 : i32
    %convert_element_type3A_11 = arith.extui %ne3A_10 : i1 to i32
    %cond3A_12 = arith.constant 0 : i32
    %cond3A_13 = arith.cmpi ne, %convert_element_type3A_11, %cond3A_12 : i32
    scf.if %cond3A_13 {
      %get3A_14 = arith.constant 0 : index
      %get3A_15 = arith.constant 0 : index
      %get3A_16 = vector.load %arg3[%get3A_14, %get3A_15] : memref<256x1024xf32, #tpu.memory_space<vmem>>, vector<256x1024xf32>
      %convert_element_type3A_17 = arith.truncf %get3A_16 : vector<256x1024xf32> to vector<256x1024xbf16>
      %get3A_18 = arith.constant 0 : index
      %get3A_19 = arith.constant 0 : index
      %get3A_20 = vector.load %arg9[%get3A_18, %get3A_19] : memref<1376x1024xbf16, #tpu.memory_space<vmem>>, vector<1376x1024xbf16>
      %dot_general3A = arith.constant dense<0.000000e+00> : vector<256x1376xf32>
      %dot_general3A_21 = tpu.matmul %convert_element_type3A_17, %get3A_20, %dot_general3A {dimension_numbers = #tpu.dot_dimension_numbers<[1], [1], [0], [0], [0, 0, 1, 0], [], []>, transpose_lhs_hint = false} : vector<256x1024xbf16>, vector<1376x1024xbf16>, vector<256x1376xf32> -> vector<256x1376xf32>
      %get3A_22 = arith.constant 0 : index
      %get3A_23 = arith.constant 0 : index
      %get3A_24 = vector.load %arg10[%get3A_22, %get3A_23] : memref<1376x1024xbf16, #tpu.memory_space<vmem>>, vector<1376x1024xbf16>
      %dot_general3A_25 = arith.constant dense<0.000000e+00> : vector<256x1376xf32>
      %dot_general3A_26 = tpu.matmul %convert_element_type3A_17, %get3A_24, %dot_general3A_25 {dimension_numbers = #tpu.dot_dimension_numbers<[1], [1], [0], [0], [0, 0, 1, 0], [], []>, transpose_lhs_hint = false} : vector<256x1024xbf16>, vector<1376x1024xbf16>, vector<256x1376xf32> -> vector<256x1376xf32>
      %logistic3A = arith.negf %dot_general3A_21 : vector<256x1376xf32>
      %logistic3A_27 = math.exp %logistic3A : vector<256x1376xf32>
      %logistic3A_28 = arith.constant 1.000000e+00 : f32
      %logistic3A_29 = vector.broadcast %logistic3A_28 : f32 to vector<256x1376xf32>
      %logistic3A_30 = arith.addf %logistic3A_29, %logistic3A_27 : vector<256x1376xf32>
      %logistic3A_31 = arith.divf %logistic3A_29, %logistic3A_30 : vector<256x1376xf32>
      %mul3A = arith.mulf %dot_general3A_21, %logistic3A_31 : vector<256x1376xf32>
      %mul3A_32 = arith.mulf %mul3A, %dot_general3A_26 : vector<256x1376xf32>
      %convert_element_type3A_33 = arith.truncf %mul3A_32 : vector<256x1376xf32> to vector<256x1376xbf16>
      %get3A_34 = arith.constant 0 : index
      %get3A_35 = arith.constant 0 : index
      %get3A_36 = vector.load %arg11[%get3A_34, %get3A_35] : memref<1376x1024xbf16, #tpu.memory_space<vmem>>, vector<1376x1024xbf16>
      %dot_general3A_37 = arith.constant dense<0.000000e+00> : vector<256x1024xf32>
      %dot_general3A_38 = tpu.matmul %convert_element_type3A_33, %get3A_36, %dot_general3A_37 {dimension_numbers = #tpu.dot_dimension_numbers<[1], [0], [0], [1], [0, 0, 1, 1], [], []>, transpose_lhs_hint = false} : vector<256x1376xbf16>, vector<1376x1024xbf16>, vector<256x1024xf32> -> vector<256x1024xf32>
      %get3A_39 = arith.constant 0 : index
      %get3A_40 = arith.constant 0 : index
      %get3A_41 = vector.load %arg7[%get3A_39, %get3A_40] : memref<256x1024xf32, #tpu.memory_space<vmem>>, vector<256x1024xf32>
      %add3A = arith.addf %dot_general3A_38, %get3A_41 : vector<256x1024xf32>
      %swap3A = arith.constant 0 : index
      %swap3A_42 = arith.constant 0 : index
      %swap3A_43 = vector.load %arg8[%swap3A, %swap3A_42] : memref<256x1024xf32, #tpu.memory_space<vmem>>, vector<256x1024xf32>
      tpu.vector_store %arg8[%swap3A, %swap3A_42], %add3A {strides = array<i32>} : memref<256x1024xf32, #tpu.memory_space<vmem>>, vector<256x1024xf32>,
    } else {
    }
    return
  }
  func.func @transform_0(%arg0: i32, %arg1: memref<40xi32, #tpu.memory_space<smem>>, %arg2: memref<40xi32, #tpu.memory_space<smem>>) -> (i32, i32) {
    %c0_i32 = arith.constant 0 : i32
    %c0_i32_0 = arith.constant 0 : i32
    return %arg0, %c0_i32 : i32, i32
  }
  func.func @transform_1(%arg0: i32, %arg1: memref<40xi32, #tpu.memory_space<smem>>, %arg2: memref<40xi32, #tpu.memory_space<smem>>) -> (i32, i32, i32) {
    %get3A = arith.index_cast %arg0 : i32 to index
    %get3A_0 = memref.load %arg1[%get3A] : memref<40xi32, #tpu.memory_space<smem>>
    %c1_i32 = arith.constant 1 : i32
    %c0_i32 = arith.constant 0 : i32
    %c0_i32_1 = arith.constant 0 : i32
    return %get3A_0, %c1_i32, %c0_i32 : i32, i32, i32
  }
  func.func @transform_2(%arg0: i32, %arg1: memref<40xi32, #tpu.memory_space<smem>>, %arg2: memref<40xi32, #tpu.memory_space<smem>>) -> (i32, i32, i32) {
    %get3A = arith.index_cast %arg0 : i32 to index
    %get3A_0 = memref.load %arg1[%get3A] : memref<40xi32, #tpu.memory_space<smem>>
    %c3_i32 = arith.constant 3 : i32
    %c0_i32 = arith.constant 0 : i32
    %c0_i32_1 = arith.constant 0 : i32
    return %get3A_0, %c3_i32, %c0_i32 : i32, i32, i32
  }
  func.func @transform_3(%arg0: i32, %arg1: memref<40xi32, #tpu.memory_space<smem>>, %arg2: memref<40xi32, #tpu.memory_space<smem>>) -> (i32, i32, i32) {
    %get3A = arith.index_cast %arg0 : i32 to index
    %get3A_0 = memref.load %arg1[%get3A] : memref<40xi32, #tpu.memory_space<smem>>
    %c1_i32 = arith.constant 1 : i32
    %c0_i32 = arith.constant 0 : i32
    %c0_i32_1 = arith.constant 0 : i32
    return %get3A_0, %c1_i32, %c0_i32 : i32, i32, i32
  }
  func.func @transform_4(%arg0: i32, %arg1: memref<40xi32, #tpu.memory_space<smem>>, %arg2: memref<40xi32, #tpu.memory_space<smem>>) -> (i32, i32) {
    %c0_i32 = arith.constant 0 : i32
    %c0_i32_0 = arith.constant 0 : i32
    return %arg0, %c0_i32 : i32, i32
  }
  func.func @transform_5(%arg0: i32, %arg1: memref<40xi32, #tpu.memory_space<smem>>, %arg2: memref<40xi32, #tpu.memory_space<smem>>) -> (i32, i32) {
    %c0_i32 = arith.constant 0 : i32
    %c0_i32_0 = arith.constant 0 : i32
    return %arg0, %c0_i32 : i32, i32
  }
}

module attributes {stable_mosaic.version = 14 : i64} {
  func.func @_comb_body(%arg0: i32, %arg1: memref<512x1024xf32, #tpu.memory_space<vmem>>, %arg2: memref<512x1024xf32, #tpu.memory_space<vmem>>, %arg3: memref<512x2xf32, #tpu.memory_space<vmem>>, %arg4: memref<512x1024xf32, #tpu.memory_space<vmem>>) attributes {dimension_semantics = [#tpu.dimension_semantics<arbitrary>], iteration_bounds = array<i64: 8>, scalar_prefetch = 0 : i64, scratch_operands = 0 : i64, tpu.core_type = #tpu.core_type<tc>, window_params = [{transform_indices = @transform_0, window_bounds = array<i64: 512, 1024>}, {transform_indices = @transform_1, window_bounds = array<i64: 512, 1024>}, {transform_indices = @transform_2, window_bounds = array<i64: 512, 2>}, {transform_indices = @transform_3, window_bounds = array<i64: 512, 1024>}]} {
    %get3A = arith.constant 0 : index
    %get3A_0 = arith.constant 0 : index
    %get3A_1 = vector.load %arg1[%get3A, %get3A_0] : memref<512x1024xf32, #tpu.memory_space<vmem>>, vector<512x1024xf32>
    %get3A_2 = arith.constant 0 : index
    %get3A_3 = arith.constant 0 : index
    %get3A_4 = vector.load %arg3[%get3A_2, %get3A_3] : memref<512x2xf32, #tpu.memory_space<vmem>>, vector<512x1xf32>
    %mul3A = vector.broadcast %get3A_4 : vector<512x1xf32> to vector<512x1024xf32>
    %mul3A_5 = arith.mulf %get3A_1, %mul3A : vector<512x1024xf32>
    %get3A_6 = arith.constant 0 : index
    %get3A_7 = arith.constant 0 : index
    %get3A_8 = vector.load %arg2[%get3A_6, %get3A_7] : memref<512x1024xf32, #tpu.memory_space<vmem>>, vector<512x1024xf32>
    %get3A_9 = arith.constant 0 : index
    %get3A_10 = arith.constant 1 : index
    %get3A_11 = vector.load %arg3[%get3A_9, %get3A_10] : memref<512x2xf32, #tpu.memory_space<vmem>>, vector<512x1xf32>
    %mul3A_12 = vector.broadcast %get3A_11 : vector<512x1xf32> to vector<512x1024xf32>
    %mul3A_13 = arith.mulf %get3A_8, %mul3A_12 : vector<512x1024xf32>
    %add3A = arith.addf %mul3A_5, %mul3A_13 : vector<512x1024xf32>
    %swap3A = arith.constant 0 : index
    %swap3A_14 = arith.constant 0 : index
    %swap3A_15 = vector.load %arg4[%swap3A, %swap3A_14] : memref<512x1024xf32, #tpu.memory_space<vmem>>, vector<512x1024xf32>
    tpu.vector_store %arg4[%swap3A, %swap3A_14], %add3A {strides = array<i32>} : memref<512x1024xf32, #tpu.memory_space<vmem>>, vector<512x1024xf32>,
    return
  }
  func.func @transform_0(%arg0: i32) -> (i32, i32) {
    %c0_i32 = arith.constant 0 : i32
    %c0_i32_0 = arith.constant 0 : i32
    return %arg0, %c0_i32 : i32, i32
  }
  func.func @transform_1(%arg0: i32) -> (i32, i32) {
    %add3A = arith.constant 8 : i32
    %add3A_0 = arith.addi %arg0, %add3A : i32
    %c0_i32 = arith.constant 0 : i32
    %c0_i32_1 = arith.constant 0 : i32
    return %add3A_0, %c0_i32 : i32, i32
  }
  func.func @transform_2(%arg0: i32) -> (i32, i32) {
    %c0_i32 = arith.constant 0 : i32
    %c0_i32_0 = arith.constant 0 : i32
    return %arg0, %c0_i32 : i32, i32
  }
  func.func @transform_3(%arg0: i32) -> (i32, i32) {
    %c0_i32 = arith.constant 0 : i32
    %c0_i32_0 = arith.constant 0 : i32
    return %arg0, %c0_i32 : i32, i32
  }
}

</mosaic_0001>

<sc_bundles>
// kernel: kernel.11.cloned.1.call-start
scs
__scs_entry_jumppad:
0x0: {  	(pc) =	sbr.rel $0x88, $3  }
0x1: {  	(tag) =	ssettag $0x0;
	lr =	simm.s32 $0x1  }
0x2: {  	[smem:$0x3F9D] =	sst lr;
	_ =	strace $0xD0000000  }
0x3: {  	_ = 	snop  }
0x4: {  	_ = 	snop  }
0x5: {  	_ = 	snop  }
0x6: {  	_ = 	snop  }
0x7: {  	_ = 	snop  }
__scs_overlays_trampoline_lowered:
0x8: {  	[smem:$0x3FAC] =	sst s0  }
0x9: {  	[smem:$0x3FAD] =	sst s1  }
0xa: {  	[smem:$0x3FAE] =	sst s2  }
0xb: {  	[smem:$0x3FAF] =	sst s3  }
0xc: {  	[smem:$0x3FB0] =	sst s4  }
0xd: {  	[smem:$0x3FB1] =	sst s5  }
0xe: {  	[smem:$0x3FB2] =	sst s6  }
0xf: {  	[smem:$0x3FB3] =	sst s7  }
0x10: {  	[smem:$0x3FB4] =	sst s8  }
0x11: {  	[smem:$0x3FB5] =	sst s9;
	s0 =	simm.s32 @!p0 $0x0  }
0x12: {  	s1 =	sld [smem:$0x3F9B];
	s0 =	simm.s32 @p0 $0x1  }
0x13: {  	[smem:$0x3FB6] =	sst s0;
	s0 =	simm.s32 @!p1 $0x0  }
0x14: {  	s2 =	sld [smem:$0x3F9A];
	s0 =	simm.s32 @p1 $0x1  }
0x15: {  	[smem:$0x3FB7] =	sst s0;
	s0 =	simm.s32 @!p2 $0x0  }
0x16: {  	s3 =	sld [smem:$0x3FDB];
	s0 =	simm.s32 @p2 $0x1  }
0x17: {  	s4 =	simm.s32 $0x1BF5;
	[smem:$0x3FB9] =	sst s0  }
0x18: {  	s0 =	sld [smem:$0x3F9C];
	_ =	swait.ge [sflag:s4], $0x0  }
0x19: {  	s7 =	sld [smem:$0x3F9D]  }
0x1a: {  	s8 =	sadd.s32 $0xFFFFE003, lr  }
0x1b: {  	s9 =	sadd.s32 $0xFFFFFEF7, lr;
	s5 =	simm.s32 $0xFFFFFFFF;
	p2 =	slt.u32 s8, $0xFFFFF086  }
0x1c: {  	p1 =	slt.u32 s9, $0xF7A;
	s5 =	simm.s32 @!p2 $0x0  }
0x1d: {  	s5 =	simm.s32 @p1 $0x1;
	p0 =	seq.s32 s7, s2  }
0x1e: {  	s7 =	smul.u32 @!p0 $0xF7A, s2;
	p2 =	seq.s32 @!p0 s5, $0x0  }
0x1f: {  	s9 =	smul.u32 $0xF7A, s1;
	s8 =	simm.s32 @!p0 $0x1BF5;
	p2 =	por !p2, p0  }
0x20: {  	[sflag:s8] =	ssyncset.s32 @!p0 $0xFFFFF086;
	s6 =	sadd.s32 @!p0 s3, s7;
	s7 =	simm.s32 @!p0 $0x108  }
0x21: {  	s3 =	sadd.s32 s3, s9;
	s6 =	sadd.s32 @!p0 $0x88, s6;
	s7 =	simm.s32 @p2 $0x1082  }
0x22: {  	[simem:s7], [sflag:s8] =	dma.local @!p0 [hbm:s6], $0xF7A  }
0x23: {  	s9 =	sor.u32 $0xD0000000, s2;
	s6 =	simm.s32 $0x108;
	_ =	swait.ge @!p0 [sflag:s8], $0x0  }
0x24: {  	s3 =	sadd.s32 $0x88, s3;
	s6 =	simm.s32 @!p1 $0x1082;
	[sflag:s4] =	ssyncset.s32 $0xFFFFF086  }
0x25: {  	[simem:s6], [sflag:s4] =	dma.local [hbm:s3], $0xF7A  }
0x26: {  	[smem:$0x3F9D] =	sst s1;
	(tag) =	ssettag s2;
	_ =	strace s9  }
0x27: {  	s1 =	sld [smem:$0x3FAD]  }
0x28: {  	s2 =	sld [smem:$0x3FAE]  }
0x29: {  	s4 =	sld [smem:$0x3FB0]  }
0x2a: {  	p0 =	seq.s32 s5, $0x0;
	s5 =	sld [smem:$0x3FB1]  }
0x2b: {  	s6 =	sld [smem:$0x3FB2]  }
0x2c: {  	s7 =	sld [smem:$0x3FB3]  }
0x2d: {  	s3 =	simm.s32 $0x108;
	s8 =	sld [smem:$0x3FB4]  }
0x2e: {  	s3 =	simm.s32 @!p0 $0x1082;
	s9 =	sld [smem:$0x3FB5]  }
0x2f: {  	lr =	sadd.s32 s0, s3;
	s0 =	sld [smem:$0x3FAC]  }
0x30: {  	s3 =	sld [smem:$0x3FAF]  }
0x31: {  	[smem:$0x3FB8] =	sst s10  }
0x32: {  	s10 =	sld [smem:$0x3FB6];
	_ =	sdelay $0x3  }
0x33: {  	p0 =	seq.s32 s10, $0x1;
	s10 =	sld [smem:$0x3FB8];
	_ =	sdelay $0x3  }
0x34: {  	[smem:$0x3FB8] =	sst s10  }
0x35: {  	s10 =	sld [smem:$0x3FB7];
	_ =	sdelay $0x3  }
0x36: {  	p1 =	seq.s32 s10, $0x1;
	s10 =	sld [smem:$0x3FB8];
	_ =	sdelay $0x3  }
0x37: {  	[smem:$0x3FB8] =	sst s10  }
0x38: {  	s10 =	sld [smem:$0x3FB9]  }
0x39: {  	_ = 	snop;
	(pc) =	sbr.ind lr, $3  }
0x3a: {  	_ = 	snop  }
0x3b: {  	_ = 	snop  }
0x3c: {  	p2 =	seq.s32 s10, $0x1;
	s10 =	sld [smem:$0x3FB8]  }
0x3d: {  	_ =	shalt  }
0x3e: {  	_ =	shalt  }
0x3f: {  	_ =	shalt  }
0x40: {  	_ =	shalt  }
0x41: {  	_ =	shalt  }
0x42: {  	_ =	shalt  }
0x43: {  	_ =	shalt  }
0x44: {  	_ =	shalt  }
0x45: {  	_ =	shalt  }
0x46: {  	_ =	shalt  }
0x47: {  	_ =	shalt  }
0x48: {  	_ =	shalt  }
0x49: {  	_ =	shalt  }
0x4a: {  	_ =	shalt  }
0x4b: {  	_ =	shalt  }
0x4c: {  	_ =	shalt  }
0x4d: {  	_ =	shalt  }
0x4e: {  	_ =	shalt  }
0x4f: {  	_ =	shalt  }
0x50: {  	_ =	shalt  }
0x51: {  	_ =	shalt  }
0x52: {  	_ =	shalt  }
0x53: {  	_ =	shalt  }
0x54: {  	_ =	shalt  }
0x55: {  	_ =	shalt  }
0x56: {  	_ =	shalt  }
0x57: {  	_ =	shalt  }
0x58: {  	_ =	shalt  }
0x59: {  	_ =	shalt  }
0x5a: {  	_ =	shalt  }
0x5b: {  	_ =	shalt  }
0x5c: {  	_ =	shalt  }
0x5d: {  	_ =	shalt  }
0x5e: {  	_ =	shalt  }
0x5f: {  	_ =	shalt  }
0x60: {  	_ =	shalt  }
0x61: {  	_ =	shalt  }
0x62: {  	_ =	shalt  }
0x63: {  	_ =	shalt  }
0x64: {  	_ =	shalt  }
0x65: {  	_ =	shalt  }
0x66: {  	_ =	shalt  }
0x67: {  	_ =	shalt  }
0x68: {  	_ =	shalt  }
0x69: {  	_ =	shalt  }
0x6a: {  	_ =	shalt  }
0x6b: {  	_ =	shalt  }
0x6c: {  	_ =	shalt  }
0x6d: {  	_ =	shalt  }
0x6e: {  	_ =	shalt  }
0x6f: {  	_ =	shalt  }
0x70: {  	_ =	shalt  }
0x71: {  	_ =	shalt  }
0x72: {  	_ =	shalt  }
0x73: {  	_ =	shalt  }
0x74: {  	_ =	shalt  }
0x75: {  	_ =	shalt  }
0x76: {  	_ =	shalt  }
0x77: {  	_ =	shalt  }
0x78: {  	_ =	shalt  }
0x79: {  	_ =	shalt  }
0x7a: {  	_ =	shalt  }
0x7b: {  	_ =	shalt  }
0x7c: {  	_ =	shalt  }
0x7d: {  	_ =	shalt  }
0x7e: {  	_ =	shalt  }
0x7f: {  	_ =	shalt  }
0x80: {  	_ =	shalt  }
0x81: {  	_ =	shalt  }
0x82: {  	_ =	shalt  }
0x83: {  	_ =	shalt  }
0x84: {  	_ =	shalt  }
0x85: {  	_ =	shalt  }
0x86: {  	_ =	shalt  }
0x87: {  	_ =	shalt  }
.Lfunc_end0:
.L_simem_size_0:
called_computation.1_lowered:
.L_overlay_start_0:
0x88: {  	s2 =	sld [smem:$0x3FD9]  }
0x89: {  	s3 =	sld [smem:$0x3FFE];
	_ =	sdelay $0x1  }
0x8a: {  	s1 =	srdreg.scid  }
0x8b: {  	s0 =	sand.u32 $0x1, s1  }
0x8c: {  	s16 =	sshll.u32 s0, $0xA;
	s2 =	sadd.s32 s3, s2  }
0x8d: {  	s2 =	sadd.s32 s2, s16  }
0x8e: {  	[smem:$0x3FC4] =	sst s2  }
0x8f: {  	_ = 	snop  }
0x90: {  	(tm) =	ssettm $0x1  }
0x91: {  	s17 =	sld [smem:$0x3FFB];
	_ =	sdelay $0x3  }
0x92: {  	_ =	strace s17  }
0x93: {  	s2 =	sld [smem:$0x3FFC];
	_ =	sdelay $0x3  }
0x94: {  	_ =	strace s2  }
0x95: {  	s2 =	sld [smem:$0x3FFD];
	_ =	sdelay $0x3  }
0x96: {  	_ =	strace s2  }
0x97: {  	_ =	strace $0x8FFFFFFF  }
0x98: {  	s18 =	sld [smem:$0x3FDB];
	_ =	sdelay $0x1  }
0x99: {  	s19 =	simm.s32 $_scs_section_size  }
0x9a: {  	s4 =	simm.s32 $_size__tile_overlayer_lowered;
	s5 =	simm.s32 $_tile_overlayer_lowered  }
0x9b: {  	s22 =	simm.s32 $0x1BFF;
	s21 =	sshll.u32 s5, $0x1;
	s2 =	sadd.s32 s19, s18  }
0x9c: {  	s6 =	simm.s32 $0x0;
	s20 =	sshll.u32 s4, $0x1;
	s4 =	sadd.s32 s21, s2  }
0x9d: {  	[timem:s6], [sflag:s22] =	dma.local [hbm:s4], s20  }
0x9e: {  	_ =	swait.ge [sflag:s22], s20  }
0x9f: {  	s3 =	ssub.s32 $0x0, s20;
	[sflag:s22] =	ssyncset.done $0x0  }
0xa0: {  	[sflag:s22] =	ssyncadd.s32 s3;
	_ =	sdelay $0x1  }
0xa1: {  	s23 =	simm.s32 $0x1B8B  }
0xa2: {  	_ =	swait.ge [sflag:s23], $0x1  }
0xa3: {  	[sflag:s23] =	ssyncset.done $0x0  }
0xa4: {  	s25 =	simm.s32 $0x1B8E;
	s24 =	sld [smem:$0x3FFE];
	[sflag:s23] =	ssyncadd.s32 $0xFFFFFFFF  }
0xa5: {  	s26 =	simm.s32 $execute0_lowered;
	[smem:$0x3FD2] =	sst s25  }
0xa6: {  	s4 =	sshll.u32 s26, $0x1;
	_ =	strace $0x80000049;
	[dreg:$0x1] =	wrdreg $0xFFFFFFFF  }
0xa7: {  	s28 =	simm.s32 $_size_execute0_lowered;
	s2 =	sadd.s32 s2, s4;
	[dreg:$0x0] =	wrdreg $0x0  }
0xa8: {  	s4 =	sshll.u32 s28, $0x1;
	[dreg:$0x2] =	wrdreg s2  }
0xa9: {  	[dreg:$0x3] =	wrdreg s4  }
0xaa: {  	[dreg:$0x4] =	wrdreg $0xC0  }
0xab: {  	_ =	task [dreg:s6], $0x5FFFF  }
0xac: {  	[dreg:$0x1] =	wrdreg $0xFFFFFFFF  }
0xad: {  	[dreg:$0x0] =	wrdreg $0x60  }
0xae: {  	[dreg:$0x2] =	wrdreg s24  }
0xaf: {  	[dreg:$0x3] =	wrdreg $0x9  }
0xb0: {  	_ =	task.clear_ibuf [dreg:s6], $0x4FFFF;
	_ =	strace $0x90000049  }
0xb1: {  	s29 =	simm.s32 $0x9;
	_ =	strace $0x8000004B  }
0xb2: {  	_ =	swait.ge [sflag:s29], $0x1  }
0xb3: {  	[sflag:s29] =	ssyncadd.s32 $0xFFFFFFFF  }
0xb4: {  	_ =	strace $0x9000004B  }
0xb5: {  	_ =	sfence  }
0xb6: {  	s30 =	sld [smem:$0x0];
	_ =	sdelay $0x2  }
0xb7: {  	s31 =	sshll.u32 s1, $0xD;
	s1 =	sshrl.u32 s1, $0x2  }
0xb8: {  	s3 =	sand.u32 $0x4000, s31;
	s1 =	sadd.s32 s1, s30  }
0xb9: {  	s0 =	sor.u32 s3, s0;
	s1 =	sshll.u32 s1, $0x11  }
0xba: {  	s0 =	sor.u32 s1, s0  }
0xbb: {  	s0 =	sadd.s32 $0x8F2B, s0  }
0xbc: {  	[sflag:s0] =	ssyncadd.remote.s32 $0x1  }
0xbd: {  	_ =	sfence.sel $0xFFFF  }
0xbe: {  	[dreg:$0x0] =	wrdreg $0xFFFFFFFF;
	(pc) =	sbr.abs _section_cstart, $3  }
0xbf: {  	[dreg:$0x1] =	wrdreg $0xFFFFFFFF  }
0xc0: {  	_ =	task.clear_ibuf [dreg:s6], $0x2FFFF;
	_ =	strace $0x9FFFFFFF  }
0xc1: {  	(tm) =	ssettm $0x7FFFFFFF  }
tec
execute0_lowered:
.L_overlay_start_1:
0x0: {  	(tag) =	ssettag $0x1  }
0x1: {  	s0 =	rddreg [dreg:$0x0]  }
0x2: {  	s1 =	srdreg.scid;
	s2 =	simm.s32 $0x0;
	s3 =	stileid.u32  }
0x3: {  	s30 =	simm.s32 $0x100;
	s1 =	sand.u32 $0x1, s1;
	[smem:$0x7FF] =	sst s2  }
0x4: {  	s4 =	sshll.u32 s3, $0x9;
	s3 =	sadd.s32 $0x280C00, s0;
	s5 =	sshll.u32 s1, $0x8  }
0x5: {  	s6 =	sadd.s32 $0x140400, s0;
	s1 =	ssub.s32 $0x2, s1;
	s5 =	sor.u32 s5, s4  }
0x6: {  	_ =	strace $0x8000004A;
	s9 =	sshrl.u32 s1, $0x1;
	s4 =	sshrl.u32 s5, $0x3  }
0x7: {  	s7 =	sor.u32 $0x20, s5;
	s28 =	sshll.u32 s5, $0x7;
	s31 =	sor.u32 $0x40, s5  }
0x8: {  	s16 =	sor.u32 $0x80, s5;
	s1 =	ssub.s32 s1, s9;
	s19 =	sor.u32 $0xA0, s5  }
0x9: {  	s23 =	sor.u32 $0xC0, s5;
	s4 =	sadd.s32 s6, s4;
	s8 =	sshrl.u32 s7, $0x3  }
0xa: {  	s29 =	sadd.s32 s0, s28;
	s10 =	sshrl.u32 s31, $0x3;
	s7 =	sshll.u32 s7, $0x7  }
0xb: {  	s14 =	sshll.u32 s31, $0x7;
	s17 =	sshrl.u32 s16, $0x3;
	s21 =	sshrl.u32 s19, $0x3  }
0xc: {  	s24 =	sshrl.u32 s23, $0x3;
	s9 =	sshll.u32 s19, $0x7;
	[dreg:$0x2] =	wrdreg s4  }
0xd: {  	s28 =	sshll.u32 s23, $0x7;
	s26 =	sadd.s32 s6, s8;
	[dreg:$0x4] =	wrdreg s29  }
0xe: {  	s19 =	simm.s32 $0x1;
	s4 =	sadd.s32 s6, s10;
	[dreg:$0x3] =	wrdreg s26  }
0xf: {  	s10 =	sor.u32 $0x60, s5;
	s11 =	sadd.s32 s0, s7;
	[dreg:$0x5] =	wrdreg s4  }
0x10: {  	s15 =	sadd.s32 s0, s14;
	s22 =	sadd.s32 s6, s21;
	[dreg:$0x6] =	wrdreg s11  }
0x11: {  	s7 =	sshll.u32 s16, $0x7;
	s5 =	sor.u32 $0xE0, s5;
	[dreg:$0x8] =	wrdreg s15  }
0x12: {  	s25 =	sadd.s32 s0, s9;
	s29 =	sadd.s32 s0, s28;
	[dreg:$0xb] =	wrdreg s22  }
0x13: {  	s8 =	simm.s32 $0x3;
	s12 =	sshrl.u32 s10, $0x3;
	[dreg:$0xe] =	wrdreg s25  }
0x14: {  	s4 =	sadd.s32 s6, s17;
	s18 =	sshll.u32 s10, $0x7;
	[dreg:$0x10] =	wrdreg s29  }
0x15: {  	s7 =	sadd.s32 s0, s7;
	s26 =	sshrl.u32 s5, $0x3;
	[dreg:$0x9] =	wrdreg s4  }
0x16: {  	s31 =	sshll.u32 s5, $0x7;
	s13 =	sadd.s32 s6, s12;
	[dreg:$0xc] =	wrdreg s7  }
0x17: {  	s5 =	sadd.s32 $0x280E00, s0;
	s20 =	sadd.s32 s0, s18;
	[dreg:$0x7] =	wrdreg s13  }
0x18: {  	s4 =	sadd.s32 $0x280D00, s0;
	s7 =	sadd.s32 s6, s24;
	[dreg:$0xa] =	wrdreg s20  }
0x19: {  	v2 =	vlaneseq.u32;
	s6 =	sadd.s32 s6, s26;
	s26 =	simm.s32 $0x8100;
	[dreg:$0xd] =	wrdreg s7  }
0x1a: {  	vm0 =	vmmov $0xffff;
	v1 =	vshrl.u32 v2, $0x3;
	[dreg:$0xf] =	wrdreg s6;
	s7 =	sadd.s32 s0, s31;
	s6 =	sadd.s32 $0x280F00, s0  }
0x1b: {  	v0 =	vand.u32 $0x7, v2;
	v2 =	vor.u32 $0x8, v2;
	v1 =	vmul.u32 $0x8, v1;
	s20 =	simm.s32 $0x2;
	[dreg:$0x11] =	wrdreg s7;
	s7 =	smax.u32 s1, $0x1  }
.LBB2_1:
0x1c: {  	s21 =	rddreg [dreg:$0x2]  }
0x1d: {  	[tilespmem:s2], [sflag:$0x3] =	stream.linear.gather [hbm4b:s21+s2], $0x20, $0x38;
	[tilespmem:$0x10100] =	vst v63  }
0x1e: {  	_ =	swait.ge [sflag:s8], $0x20  }
0x1f: {  	[sflag:s8] =	ssyncset.done $0x0  }
0x20: {  	[sflag:s8] =	ssyncadd.s32 $0xFFFFFFE0  }
0x21: {  	v3 =	vld [tilespmem:$0x0];
	_ =	sdelay $0x4  }
0x22: {  	v4 =	vshll.u32 v3, $0x3  }
0x23: {  	v3 =	vand.u32 $0x7, v3;
	v4 =	vand.u32 $0xFFFFFFC0, v4  }
0x24: {  	v3 =	vor.u32 v3, v4  }
0x25: {  	v4 =	vperm.xlane v3, v0;
	_ =	sdelay $0x1  }
0x26: {  	v4 =	vadd.s32 v1, v4;
	_ =	sdelay $0x4  }
0x27: {  	[tilespmem:s30], [sflag:$0x1] =	stream.indirect_vreg.gather [hbm4b:s3+s2], $0x80, v4, vm0, $0xb8;
	[tilespmem:$0x10100] =	vst v63  }
0x28: {  	s0 =	simm.s32 $0x900;
	v3 =	vperm.xlane v3, v2  }
0x29: {  	[tilespmem:s0], [sflag:$0x1] =	stream.indirect_vreg.gather [hbm4b:s4+s2], $0x80, v4, vm0, $0xb8;
	[tilespmem:$0x10100] =	vst v63  }
0x2a: {  	s9 =	simm.s32 $0x1100;
	v3 =	vadd.s32 v1, v3  }
0x2b: {  	[tilespmem:s9], [sflag:$0x1] =	stream.indirect_vreg.gather [hbm4b:s5+s2], $0x80, v4, vm0, $0xb8;
	[tilespmem:$0x10100] =	vst v63  }
0x2c: {  	s11 =	simm.s32 $0x1900  }
0x2d: {  	[tilespmem:s11], [sflag:$0x1] =	stream.indirect_vreg.gather [hbm4b:s6+s2], $0x80, v4, vm0, $0xb8;
	[tilespmem:$0x10100] =	vst v63  }
0x2e: {  	s12 =	simm.s32 $0x2100  }
0x2f: {  	[tilespmem:s12], [sflag:$0x1] =	stream.indirect_vreg.gather [hbm4b:s3+s2], $0x80, v3, vm0, $0xb8;
	[tilespmem:$0x10100] =	vst v63  }
0x30: {  	s13 =	simm.s32 $0x2900  }
0x31: {  	[tilespmem:s13], [sflag:$0x1] =	stream.indirect_vreg.gather [hbm4b:s4+s2], $0x80, v3, vm0, $0xb8;
	[tilespmem:$0x10100] =	vst v63  }
0x32: {  	s14 =	simm.s32 $0x3100  }
0x33: {  	[tilespmem:s14], [sflag:$0x1] =	stream.indirect_vreg.gather [hbm4b:s5+s2], $0x80, v3, vm0, $0xb8;
	[tilespmem:$0x10100] =	vst v63  }
0x34: {  	s15 =	simm.s32 $0x3900  }
0x35: {  	[tilespmem:s15], [sflag:$0x1] =	stream.indirect_vreg.gather [hbm4b:s6+s2], $0x80, v3, vm0, $0xb8;
	[tilespmem:$0x10100] =	vst v63  }
0x36: {  	v3 =	vld [tilespmem:$0x10];
	_ =	sdelay $0x4  }
0x37: {  	v49 =	vshll.u32 v3, $0x3  }
0x38: {  	v3 =	vand.u32 $0x7, v3;
	v4 =	vand.u32 $0xFFFFFFC0, v49  }
0x39: {  	v3 =	vor.u32 v3, v4  }
0x3a: {  	v4 =	vperm.xlane v3, v0;
	_ =	sdelay $0x1  }
0x3b: {  	v4 =	vadd.s32 v1, v4;
	_ =	sdelay $0x3  }
0x3c: {  	s16 =	simm.s32 $0x4100  }
0x3d: {  	[tilespmem:s16], [sflag:$0x1] =	stream.indirect_vreg.gather [hbm4b:s3+s2], $0x80, v4, vm0, $0xb8;
	[tilespmem:$0x10100] =	vst v63  }
0x3e: {  	s17 =	simm.s32 $0x4900;
	v3 =	vperm.xlane v3, v2  }
0x3f: {  	[tilespmem:s17], [sflag:$0x1] =	stream.indirect_vreg.gather [hbm4b:s4+s2], $0x80, v4, vm0, $0xb8;
	[tilespmem:$0x10100] =	vst v63  }
0x40: {  	s18 =	simm.s32 $0x5100;
	v3 =	vadd.s32 v1, v3  }
0x41: {  	[tilespmem:s18], [sflag:$0x1] =	stream.indirect_vreg.gather [hbm4b:s5+s2], $0x80, v4, vm0, $0xb8;
	[tilespmem:$0x10100] =	vst v63  }
0x42: {  	s21 =	simm.s32 $0x5900  }
0x43: {  	[tilespmem:s21], [sflag:$0x1] =	stream.indirect_vreg.gather [hbm4b:s6+s2], $0x80, v4, vm0, $0xb8;
	[tilespmem:$0x10100] =	vst v63  }
0x44: {  	s22 =	simm.s32 $0x6100  }
0x45: {  	[tilespmem:s22], [sflag:$0x1] =	stream.indirect_vreg.gather [hbm4b:s3+s2], $0x80, v3, vm0, $0xb8;
	[tilespmem:$0x10100] =	vst v63  }
0x46: {  	s23 =	simm.s32 $0x6900  }
0x47: {  	[tilespmem:s23], [sflag:$0x1] =	stream.indirect_vreg.gather [hbm4b:s4+s2], $0x80, v3, vm0, $0xb8;
	[tilespmem:$0x10100] =	vst v63  }
0x48: {  	s24 =	simm.s32 $0x7100  }
0x49: {  	[tilespmem:s24], [sflag:$0x1] =	stream.indirect_vreg.gather [hbm4b:s5+s2], $0x80, v3, vm0, $0xb8;
	[tilespmem:$0x10100] =	vst v63  }
0x4a: {  	s28 =	simm.s32 $0x7900  }
0x4b: {  	[tilespmem:s28], [sflag:$0x1] =	stream.indirect_vreg.gather [hbm4b:s6+s2], $0x80, v3, vm0, $0xb8;
	[tilespmem:$0x10100] =	vst v63  }
0x4c: {  	s29 =	simm.s32 $0x80;
	s25 =	rddreg [dreg:$0x3]  }
0x4d: {  	[tilespmem:s29], [sflag:$0x3] =	stream.linear.gather [hbm4b:s25+s2], $0x20, $0x38;
	[tilespmem:$0x10100] =	vst v63  }
0x4e: {  	_ =	swait.ge [sflag:s8], $0x20  }
0x4f: {  	[sflag:s8] =	ssyncset.done $0x0  }
0x50: {  	[sflag:s8] =	ssyncadd.s32 $0xFFFFFFE0  }
0x51: {  	v3 =	vld [tilespmem:$0x80];
	_ =	sdelay $0x4  }
0x52: {  	v50 =	vshll.u32 v3, $0x3  }
0x53: {  	v3 =	vand.u32 $0x7, v3;
	v4 =	vand.u32 $0xFFFFFFC0, v50  }
0x54: {  	v3 =	vor.u32 v3, v4  }
0x55: {  	v4 =	vperm.xlane v3, v0;
	_ =	sdelay $0x1  }
0x56: {  	v4 =	vadd.s32 v1, v4;
	_ =	sdelay $0x4  }
0x57: {  	[tilespmem:s26], [sflag:$0x2] =	stream.indirect_vreg.gather [hbm4b:s3+s2], $0x80, v4, vm0, $0xb8;
	[tilespmem:$0x10100] =	vst v63  }
0x58: {  	s31 =	simm.s32 $0x8900;
	v3 =	vperm.xlane v3, v2  }
0x59: {  	[tilespmem:s31], [sflag:$0x2] =	stream.indirect_vreg.gather [hbm4b:s4+s2], $0x80, v4, vm0, $0xb8;
	[tilespmem:$0x10100] =	vst v63  }
0x5a: {  	s11 =	simm.s32 $0x9100;
	v3 =	vadd.s32 v1, v3  }
0x5b: {  	[tilespmem:s11], [sflag:$0x2] =	stream.indirect_vreg.gather [hbm4b:s5+s2], $0x80, v4, vm0, $0xb8;
	[tilespmem:$0x10100] =	vst v63  }
0x5c: {  	s15 =	simm.s32 $0x9900  }
0x5d: {  	[tilespmem:s15], [sflag:$0x2] =	stream.indirect_vreg.gather [hbm4b:s6+s2], $0x80, v4, vm0, $0xb8;
	[tilespmem:$0x10100] =	vst v63  }
0x5e: {  	s16 =	simm.s32 $0xA100  }
0x5f: {  	[tilespmem:s16], [sflag:$0x2] =	stream.indirect_vreg.gather [hbm4b:s3+s2], $0x80, v3, vm0, $0xb8;
	[tilespmem:$0x10100] =	vst v63  }
0x60: {  	s17 =	simm.s32 $0xA900  }
0x61: {  	[tilespmem:s17], [sflag:$0x2] =	stream.indirect_vreg.gather [hbm4b:s4+s2], $0x80, v3, vm0, $0xb8;
	[tilespmem:$0x10100] =	vst v63  }
0x62: {  	s18 =	simm.s32 $0xB100  }
0x63: {  	[tilespmem:s18], [sflag:$0x2] =	stream.indirect_vreg.gather [hbm4b:s5+s2], $0x80, v3, vm0, $0xb8;
	[tilespmem:$0x10100] =	vst v63  }
0x64: {  	s22 =	simm.s32 $0xB900  }
0x65: {  	[tilespmem:s22], [sflag:$0x2] =	stream.indirect_vreg.gather [hbm4b:s6+s2], $0x80, v3, vm0, $0xb8;
	[tilespmem:$0x10100] =	vst v63  }
0x66: {  	v3 =	vld [tilespmem:$0x90];
	_ =	sdelay $0x4  }
0x67: {  	v51 =	vshll.u32 v3, $0x3  }
0x68: {  	v3 =	vand.u32 $0x7, v3;
	v4 =	vand.u32 $0xFFFFFFC0, v51  }
0x69: {  	v3 =	vor.u32 v3, v4  }
0x6a: {  	v4 =	vperm.xlane v3, v0;
	_ =	sdelay $0x1  }
0x6b: {  	v4 =	vadd.s32 v1, v4;
	_ =	sdelay $0x3  }
0x6c: {  	s23 =	simm.s32 $0xC100  }
0x6d: {  	[tilespmem:s23], [sflag:$0x2] =	stream.indirect_vreg.gather [hbm4b:s3+s2], $0x80, v4, vm0, $0xb8;
	[tilespmem:$0x10100] =	vst v63  }
0x6e: {  	s29 =	simm.s32 $0xC900;
	v3 =	vperm.xlane v3, v2  }
0x6f: {  	[tilespmem:s29], [sflag:$0x2] =	stream.indirect_vreg.gather [hbm4b:s4+s2], $0x80, v4, vm0, $0xb8;
	[tilespmem:$0x10100] =	vst v63  }
0x70: {  	s0 =	simm.s32 $0xD100;
	v3 =	vadd.s32 v1, v3  }
0x71: {  	[tilespmem:s0], [sflag:$0x2] =	stream.indirect_vreg.gather [hbm4b:s5+s2], $0x80, v4, vm0, $0xb8;
	[tilespmem:$0x10100] =	vst v63  }
0x72: {  	s11 =	simm.s32 $0xD900  }
0x73: {  	[tilespmem:s11], [sflag:$0x2] =	stream.indirect_vreg.gather [hbm4b:s6+s2], $0x80, v4, vm0, $0xb8;
	[tilespmem:$0x10100] =	vst v63  }
0x74: {  	s15 =	simm.s32 $0xE100  }
0x75: {  	[tilespmem:s15], [sflag:$0x2] =	stream.indirect_vreg.gather [hbm4b:s3+s2], $0x80, v3, vm0, $0xb8;
	[tilespmem:$0x10100] =	vst v63  }
0x76: {  	s16 =	simm.s32 $0xE900  }
0x77: {  	[tilespmem:s16], [sflag:$0x2] =	stream.indirect_vreg.gather [hbm4b:s4+s2], $0x80, v3, vm0, $0xb8;
	[tilespmem:$0x10100] =	vst v63  }
0x78: {  	s17 =	simm.s32 $0xF100  }
0x79: {  	[tilespmem:s17], [sflag:$0x2] =	stream.indirect_vreg.gather [hbm4b:s5+s2], $0x80, v3, vm0, $0xb8;
	[tilespmem:$0x10100] =	vst v63  }
0x7a: {  	s23 =	simm.s32 $0xF900  }
0x7b: {  	[tilespmem:s23], [sflag:$0x2] =	stream.indirect_vreg.gather [hbm4b:s6+s2], $0x80, v3, vm0, $0xb8;
	[tilespmem:$0x10100] =	vst v63  }
0x7c: {  	_ =	swait.ge [sflag:s19], $0x8000  }
0x7d: {  	[sflag:s19] =	ssyncset.done $0x0  }
0x7e: {  	s29 =	rddreg [dreg:$0x4];
	[sflag:s19] =	ssyncadd.s32 $0xFFFF8000  }
0x7f: {  	[hbm4b:s29+s2] =	stream.linear.scatter [tilespmem:s30], [sflag:$0x3], $0x8000, $0x38;
	[tilespmem:$0x10100] =	vst v63  }
0x80: {  	_ =	swait.ge [sflag:s8], $0x8000  }
0x81: {  	[sflag:s8] =	ssyncset.done $0x0  }
0x82: {  	s0 =	rddreg [dreg:$0x5];
	[sflag:s8] =	ssyncadd.s32 $0xFFFF8000  }
0x83: {  	[tilespmem:s2], [sflag:$0x3] =	stream.linear.gather [hbm4b:s0+s2], $0x20, $0x38;
	[tilespmem:$0x10100] =	vst v63  }
0x84: {  	_ =	swait.ge [sflag:s8], $0x20  }
0x85: {  	[sflag:s8] =	ssyncset.done $0x0  }
0x86: {  	[sflag:s8] =	ssyncadd.s32 $0xFFFFFFE0  }
0x87: {  	v3 =	vld [tilespmem:$0x0];
	_ =	sdelay $0x4  }
0x88: {  	v52 =	vshll.u32 v3, $0x3  }
0x89: {  	v3 =	vand.u32 $0x7, v3;
	v4 =	vand.u32 $0xFFFFFFC0, v52  }
0x8a: {  	v3 =	vor.u32 v3, v4  }
0x8b: {  	v4 =	vperm.xlane v3, v0;
	_ =	sdelay $0x1  }
0x8c: {  	v4 =	vadd.s32 v1, v4;
	_ =	sdelay $0x4  }
0x8d: {  	[tilespmem:s30], [sflag:$0x1] =	stream.indirect_vreg.gather [hbm4b:s3+s2], $0x80, v4, vm0, $0xb8;
	[tilespmem:$0x10100] =	vst v63  }
0x8e: {  	s10 =	simm.s32 $0x900;
	v3 =	vperm.xlane v3, v2  }
0x8f: {  	[tilespmem:s10], [sflag:$0x1] =	stream.indirect_vreg.gather [hbm4b:s4+s2], $0x80, v4, vm0, $0xb8;
	[tilespmem:$0x10100] =	vst v63  }
0x90: {  	s1 =	simm.s32 $0x1100;
	v3 =	vadd.s32 v1, v3  }
0x91: {  	[tilespmem:s1], [sflag:$0x1] =	stream.indirect_vreg.gather [hbm4b:s5+s2], $0x80, v4, vm0, $0xb8;
	[tilespmem:$0x10100] =	vst v63  }
0x92: {  	s9 =	simm.s32 $0x1900  }
0x93: {  	[tilespmem:s9], [sflag:$0x1] =	stream.indirect_vreg.gather [hbm4b:s6+s2], $0x80, v4, vm0, $0xb8;
	[tilespmem:$0x10100] =	vst v63  }
0x94: {  	s29 =	simm.s32 $0x2100  }
0x95: {  	[tilespmem:s29], [sflag:$0x1] =	stream.indirect_vreg.gather [hbm4b:s3+s2], $0x80, v3, vm0, $0xb8;
	[tilespmem:$0x10100] =	vst v63  }
0x96: {  	s10 =	simm.s32 $0x2900  }
0x97: {  	[tilespmem:s10], [sflag:$0x1] =	stream.indirect_vreg.gather [hbm4b:s4+s2], $0x80, v3, vm0, $0xb8;
	[tilespmem:$0x10100] =	vst v63  }
0x98: {  	s11 =	simm.s32 $0x3100  }
0x99: {  	[tilespmem:s11], [sflag:$0x1] =	stream.indirect_vreg.gather [hbm4b:s5+s2], $0x80, v3, vm0, $0xb8;
	[tilespmem:$0x10100] =	vst v63  }
0x9a: {  	s13 =	simm.s32 $0x3900  }
0x9b: {  	[tilespmem:s13], [sflag:$0x1] =	stream.indirect_vreg.gather [hbm4b:s6+s2], $0x80, v3, vm0, $0xb8;
	[tilespmem:$0x10100] =	vst v63  }
0x9c: {  	v3 =	vld [tilespmem:$0x10];
	_ =	sdelay $0x4  }
0x9d: {  	v53 =	vshll.u32 v3, $0x3  }
0x9e: {  	v3 =	vand.u32 $0x7, v3;
	v4 =	vand.u32 $0xFFFFFFC0, v53  }
0x9f: {  	v3 =	vor.u32 v3, v4  }
0xa0: {  	v4 =	vperm.xlane v3, v0;
	_ =	sdelay $0x1  }
0xa1: {  	v4 =	vadd.s32 v1, v4;
	_ =	sdelay $0x3  }
0xa2: {  	s14 =	simm.s32 $0x4100  }
0xa3: {  	[tilespmem:s14], [sflag:$0x1] =	stream.indirect_vreg.gather [hbm4b:s3+s2], $0x80, v4, vm0, $0xb8;
	[tilespmem:$0x10100] =	vst v63  }
0xa4: {  	s12 =	simm.s32 $0x4900;
	v3 =	vperm.xlane v3, v2  }
0xa5: {  	[tilespmem:s12], [sflag:$0x1] =	stream.indirect_vreg.gather [hbm4b:s4+s2], $0x80, v4, vm0, $0xb8;
	[tilespmem:$0x10100] =	vst v63  }
0xa6: {  	v3 =	vadd.s32 v1, v3;
	s12 =	simm.s32 $0x5100  }
0xa7: {  	[tilespmem:s12], [sflag:$0x1] =	stream.indirect_vreg.gather [hbm4b:s5+s2], $0x80, v4, vm0, $0xb8;
	[tilespmem:$0x10100] =	vst v63  }
0xa8: {  	s13 =	simm.s32 $0x5900  }
0xa9: {  	[tilespmem:s13], [sflag:$0x1] =	stream.indirect_vreg.gather [hbm4b:s6+s2], $0x80, v4, vm0, $0xb8;
	[tilespmem:$0x10100] =	vst v63  }
0xaa: {  	s14 =	simm.s32 $0x6100  }
0xab: {  	[tilespmem:s14], [sflag:$0x1] =	stream.indirect_vreg.gather [hbm4b:s3+s2], $0x80, v3, vm0, $0xb8;
	[tilespmem:$0x10100] =	vst v63  }
0xac: {  	s15 =	simm.s32 $0x6900  }
0xad: {  	[tilespmem:s15], [sflag:$0x1] =	stream.indirect_vreg.gather [hbm4b:s4+s2], $0x80, v3, vm0, $0xb8;
	[tilespmem:$0x10100] =	vst v63  }
0xae: {  	s16 =	simm.s32 $0x7100  }
0xaf: {  	[tilespmem:s16], [sflag:$0x1] =	stream.indirect_vreg.gather [hbm4b:s5+s2], $0x80, v3, vm0, $0xb8;
	[tilespmem:$0x10100] =	vst v63  }
0xb0: {  	s17 =	simm.s32 $0x7900  }
0xb1: {  	[tilespmem:s17], [sflag:$0x1] =	stream.indirect_vreg.gather [hbm4b:s6+s2], $0x80, v3, vm0, $0xb8;
	[tilespmem:$0x10100] =	vst v63  }
0xb2: {  	_ =	swait.ge [sflag:s20], $0x8000  }
0xb3: {  	[sflag:s20] =	ssyncset.done $0x0  }
0xb4: {  	s1 =	rddreg [dreg:$0x6];
	[sflag:s20] =	ssyncadd.s32 $0xFFFF8000  }
0xb5: {  	[hbm4b:s1+s2] =	stream.linear.scatter [tilespmem:s26], [sflag:$0x3], $0x8000, $0x38;
	[tilespmem:$0x10100] =	vst v63  }
0xb6: {  	_ =	swait.ge [sflag:s8], $0x8000  }
0xb7: {  	[sflag:s8] =	ssyncset.done $0x0  }
0xb8: {  	s1 =	simm.s32 $0x80;
	s9 =	rddreg [dreg:$0x7];
	[sflag:s8] =	ssyncadd.s32 $0xFFFF8000  }
0xb9: {  	[tilespmem:s1], [sflag:$0x3] =	stream.linear.gather [hbm4b:s9+s2], $0x20, $0x38;
	[tilespmem:$0x10100] =	vst v63  }
0xba: {  	_ =	swait.ge [sflag:s8], $0x20  }
0xbb: {  	[sflag:s8] =	ssyncset.done $0x0  }
0xbc: {  	[sflag:s8] =	ssyncadd.s32 $0xFFFFFFE0  }
0xbd: {  	v3 =	vld [tilespmem:$0x80];
	_ =	sdelay $0x4  }
0xbe: {  	v54 =	vshll.u32 v3, $0x3  }
0xbf: {  	v3 =	vand.u32 $0x7, v3;
	v4 =	vand.u32 $0xFFFFFFC0, v54  }
0xc0: {  	v3 =	vor.u32 v3, v4  }
0xc1: {  	v4 =	vperm.xlane v3, v0;
	_ =	sdelay $0x1  }
0xc2: {  	v4 =	vadd.s32 v1, v4;
	_ =	sdelay $0x4  }
0xc3: {  	[tilespmem:s26], [sflag:$0x2] =	stream.indirect_vreg.gather [hbm4b:s3+s2], $0x80, v4, vm0, $0xb8;
	[tilespmem:$0x10100] =	vst v63  }
0xc4: {  	s9 =	simm.s32 $0x8900;
	v3 =	vperm.xlane v3, v2  }
0xc5: {  	[tilespmem:s9], [sflag:$0x2] =	stream.indirect_vreg.gather [hbm4b:s4+s2], $0x80, v4, vm0, $0xb8;
	[tilespmem:$0x10100] =	vst v63  }
0xc6: {  	s0 =	simm.s32 $0x9100;
	v3 =	vadd.s32 v1, v3  }
0xc7: {  	[tilespmem:s0], [sflag:$0x2] =	stream.indirect_vreg.gather [hbm4b:s5+s2], $0x80, v4, vm0, $0xb8;
	[tilespmem:$0x10100] =	vst v63  }
0xc8: {  	s21 =	simm.s32 $0x9900  }
0xc9: {  	[tilespmem:s21], [sflag:$0x2] =	stream.indirect_vreg.gather [hbm4b:s6+s2], $0x80, v4, vm0, $0xb8;
	[tilespmem:$0x10100] =	vst v63  }
0xca: {  	s25 =	simm.s32 $0xA100  }
0xcb: {  	[tilespmem:s25], [sflag:$0x2] =	stream.indirect_vreg.gather [hbm4b:s3+s2], $0x80, v3, vm0, $0xb8;
	[tilespmem:$0x10100] =	vst v63  }
0xcc: {  	s28 =	simm.s32 $0xA900  }
0xcd: {  	[tilespmem:s28], [sflag:$0x2] =	stream.indirect_vreg.gather [hbm4b:s4+s2], $0x80, v3, vm0, $0xb8;
	[tilespmem:$0x10100] =	vst v63  }
0xce: {  	s31 =	simm.s32 $0xB100  }
0xcf: {  	[tilespmem:s31], [sflag:$0x2] =	stream.indirect_vreg.gather [hbm4b:s5+s2], $0x80, v3, vm0, $0xb8;
	[tilespmem:$0x10100] =	vst v63  }
0xd0: {  	s24 =	simm.s32 $0xB900  }
0xd1: {  	[tilespmem:s24], [sflag:$0x2] =	stream.indirect_vreg.gather [hbm4b:s6+s2], $0x80, v3, vm0, $0xb8;
	[tilespmem:$0x10100] =	vst v63  }
0xd2: {  	v3 =	vld [tilespmem:$0x90];
	_ =	sdelay $0x4  }
0xd3: {  	v55 =	vshll.u32 v3, $0x3  }
0xd4: {  	v3 =	vand.u32 $0x7, v3;
	v4 =	vand.u32 $0xFFFFFFC0, v55  }
0xd5: {  	v3 =	vor.u32 v3, v4  }
0xd6: {  	v4 =	vperm.xlane v3, v0;
	_ =	sdelay $0x1  }
0xd7: {  	v4 =	vadd.s32 v1, v4;
	_ =	sdelay $0x3  }
0xd8: {  	s18 =	simm.s32 $0xC100  }
0xd9: {  	[tilespmem:s18], [sflag:$0x2] =	stream.indirect_vreg.gather [hbm4b:s3+s2], $0x80, v4, vm0, $0xb8;
	[tilespmem:$0x10100] =	vst v63  }
0xda: {  	s22 =	simm.s32 $0xC900;
	v3 =	vperm.xlane v3, v2  }
0xdb: {  	[tilespmem:s22], [sflag:$0x2] =	stream.indirect_vreg.gather [hbm4b:s4+s2], $0x80, v4, vm0, $0xb8;
	[tilespmem:$0x10100] =	vst v63  }
0xdc: {  	s21 =	simm.s32 $0xD100;
	v3 =	vadd.s32 v1, v3  }
0xdd: {  	[tilespmem:s21], [sflag:$0x2] =	stream.indirect_vreg.gather [hbm4b:s5+s2], $0x80, v4, vm0, $0xb8;
	[tilespmem:$0x10100] =	vst v63  }
0xde: {  	s22 =	simm.s32 $0xD900  }
0xdf: {  	[tilespmem:s22], [sflag:$0x2] =	stream.indirect_vreg.gather [hbm4b:s6+s2], $0x80, v4, vm0, $0xb8;
	[tilespmem:$0x10100] =	vst v63  }
0xe0: {  	s24 =	simm.s32 $0xE100  }
0xe1: {  	[tilespmem:s24], [sflag:$0x2] =	stream.indirect_vreg.gather [hbm4b:s3+s2], $0x80, v3, vm0, $0xb8;
	[tilespmem:$0x10100] =	vst v63  }
0xe2: {  	s22 =	simm.s32 $0xE900  }
0xe3: {  	[tilespmem:s22], [sflag:$0x2] =	stream.indirect_vreg.gather [hbm4b:s4+s2], $0x80, v3, vm0, $0xb8;
	[tilespmem:$0x10100] =	vst v63  }
0xe4: {  	s21 =	simm.s32 $0xF100  }
0xe5: {  	[tilespmem:s21], [sflag:$0x2] =	stream.indirect_vreg.gather [hbm4b:s5+s2], $0x80, v3, vm0, $0xb8;
	[tilespmem:$0x10100] =	vst v63  }
0xe6: {  	s23 =	simm.s32 $0xF900  }
0xe7: {  	[tilespmem:s23], [sflag:$0x2] =	stream.indirect_vreg.gather [hbm4b:s6+s2], $0x80, v3, vm0, $0xb8;
	[tilespmem:$0x10100] =	vst v63  }
0xe8: {  	_ =	swait.ge [sflag:s19], $0x8000  }
0xe9: {  	[sflag:s19] =	ssyncset.done $0x0  }
0xea: {  	s23 =	rddreg [dreg:$0x8];
	[sflag:s19] =	ssyncadd.s32 $0xFFFF8000  }
0xeb: {  	[hbm4b:s23+s2] =	stream.linear.scatter [tilespmem:s30], [sflag:$0x3], $0x8000, $0x38;
	[tilespmem:$0x10100] =	vst v63  }
0xec: {  	_ =	swait.ge [sflag:s8], $0x8000  }
0xed: {  	[sflag:s8] =	ssyncset.done $0x0  }
0xee: {  	s23 =	rddreg [dreg:$0x9];
	[sflag:s8] =	ssyncadd.s32 $0xFFFF8000  }
0xef: {  	[tilespmem:s2], [sflag:$0x3] =	stream.linear.gather [hbm4b:s23+s2], $0x20, $0x38;
	[tilespmem:$0x10100] =	vst v63  }
0xf0: {  	_ =	swait.ge [sflag:s8], $0x20  }
0xf1: {  	[sflag:s8] =	ssyncset.done $0x0  }
0xf2: {  	[sflag:s8] =	ssyncadd.s32 $0xFFFFFFE0  }
0xf3: {  	v3 =	vld [tilespmem:$0x0];
	_ =	sdelay $0x4  }
0xf4: {  	v56 =	vshll.u32 v3, $0x3  }
0xf5: {  	v3 =	vand.u32 $0x7, v3;
	v4 =	vand.u32 $0xFFFFFFC0, v56  }
0xf6: {  	v3 =	vor.u32 v3, v4  }
0xf7: {  	v4 =	vperm.xlane v3, v0;
	_ =	sdelay $0x1  }
0xf8: {  	v4 =	vadd.s32 v1, v4;
	_ =	sdelay $0x4  }
0xf9: {  	[tilespmem:s30], [sflag:$0x1] =	stream.indirect_vreg.gather [hbm4b:s3+s2], $0x80, v4, vm0, $0xb8;
	[tilespmem:$0x10100] =	vst v63  }
0xfa: {  	s23 =	simm.s32 $0x900;
	v3 =	vperm.xlane v3, v2  }
0xfb: {  	[tilespmem:s23], [sflag:$0x1] =	stream.indirect_vreg.gather [hbm4b:s4+s2], $0x80, v4, vm0, $0xb8;
	[tilespmem:$0x10100] =	vst v63  }
0xfc: {  	v3 =	vadd.s32 v1, v3;
	s23 =	simm.s32 $0x1100  }
0xfd: {  	[tilespmem:s23], [sflag:$0x1] =	stream.indirect_vreg.gather [hbm4b:s5+s2], $0x80, v4, vm0, $0xb8;
	[tilespmem:$0x10100] =	vst v63  }
0xfe: {  	s23 =	simm.s32 $0x1900  }
0xff: {  	[tilespmem:s23], [sflag:$0x1] =	stream.indirect_vreg.gather [hbm4b:s6+s2], $0x80, v4, vm0, $0xb8;
	[tilespmem:$0x10100] =	vst v63  }
0x100: {  	_ = 	snop  }
0x101: {  	[tilespmem:s29], [sflag:$0x1] =	stream.indirect_vreg.gather [hbm4b:s3+s2], $0x80, v3, vm0, $0xb8;
	[tilespmem:$0x10100] =	vst v63  }
0x102: {  	_ = 	snop  }
0x103: {  	[tilespmem:s10], [sflag:$0x1] =	stream.indirect_vreg.gather [hbm4b:s4+s2], $0x80, v3, vm0, $0xb8;
	[tilespmem:$0x10100] =	vst v63  }
0x104: {  	_ = 	snop  }
0x105: {  	[tilespmem:s11], [sflag:$0x1] =	stream.indirect_vreg.gather [hbm4b:s5+s2], $0x80, v3, vm0, $0xb8;
	[tilespmem:$0x10100] =	vst v63  }
0x106: {  	s29 =	simm.s32 $0x3900  }
0x107: {  	[tilespmem:s29], [sflag:$0x1] =	stream.indirect_vreg.gather [hbm4b:s6+s2], $0x80, v3, vm0, $0xb8;
	[tilespmem:$0x10100] =	vst v63  }
0x108: {  	v3 =	vld [tilespmem:$0x10];
	_ =	sdelay $0x4  }
0x109: {  	v57 =	vshll.u32 v3, $0x3  }
0x10a: {  	v3 =	vand.u32 $0x7, v3;
	v4 =	vand.u32 $0xFFFFFFC0, v57  }
0x10b: {  	v3 =	vor.u32 v3, v4  }
0x10c: {  	v4 =	vperm.xlane v3, v0;
	_ =	sdelay $0x1  }
0x10d: {  	v4 =	vadd.s32 v1, v4;
	_ =	sdelay $0x3  }
0x10e: {  	s29 =	simm.s32 $0x4100  }
0x10f: {  	[tilespmem:s29], [sflag:$0x1] =	stream.indirect_vreg.gather [hbm4b:s3+s2], $0x80, v4, vm0, $0xb8;
	[tilespmem:$0x10100] =	vst v63  }
0x110: {  	v3 =	vperm.xlane v3, v2;
	s29 =	simm.s32 $0x4900  }
0x111: {  	[tilespmem:s29], [sflag:$0x1] =	stream.indirect_vreg.gather [hbm4b:s4+s2], $0x80, v4, vm0, $0xb8;
	[tilespmem:$0x10100] =	vst v63  }
0x112: {  	v3 =	vadd.s32 v1, v3  }
0x113: {  	[tilespmem:s12], [sflag:$0x1] =	stream.indirect_vreg.gather [hbm4b:s5+s2], $0x80, v4, vm0, $0xb8;
	[tilespmem:$0x10100] =	vst v63  }
0x114: {  	_ = 	snop  }
0x115: {  	[tilespmem:s13], [sflag:$0x1] =	stream.indirect_vreg.gather [hbm4b:s6+s2], $0x80, v4, vm0, $0xb8;
	[tilespmem:$0x10100] =	vst v63  }
0x116: {  	_ = 	snop  }
0x117: {  	[tilespmem:s14], [sflag:$0x1] =	stream.indirect_vreg.gather [hbm4b:s3+s2], $0x80, v3, vm0, $0xb8;
	[tilespmem:$0x10100] =	vst v63  }
0x118: {  	_ = 	snop  }
0x119: {  	[tilespmem:s15], [sflag:$0x1] =	stream.indirect_vreg.gather [hbm4b:s4+s2], $0x80, v3, vm0, $0xb8;
	[tilespmem:$0x10100] =	vst v63  }
0x11a: {  	_ = 	snop  }
0x11b: {  	[tilespmem:s16], [sflag:$0x1] =	stream.indirect_vreg.gather [hbm4b:s5+s2], $0x80, v3, vm0, $0xb8;
	[tilespmem:$0x10100] =	vst v63  }
0x11c: {  	_ = 	snop  }
0x11d: {  	[tilespmem:s17], [sflag:$0x1] =	stream.indirect_vreg.gather [hbm4b:s6+s2], $0x80, v3, vm0, $0xb8;
	[tilespmem:$0x10100] =	vst v63  }
0x11e: {  	_ =	swait.ge [sflag:s20], $0x8000  }
0x11f: {  	[sflag:s20] =	ssyncset.done $0x0  }
0x120: {  	s29 =	rddreg [dreg:$0xa];
	[sflag:s20] =	ssyncadd.s32 $0xFFFF8000  }
0x121: {  	[hbm4b:s29+s2] =	stream.linear.scatter [tilespmem:s26], [sflag:$0x3], $0x8000, $0x38;
	[tilespmem:$0x10100] =	vst v63  }
0x122: {  	_ =	swait.ge [sflag:s8], $0x8000  }
0x123: {  	[sflag:s8] =	ssyncset.done $0x0  }
0x124: {  	s29 =	rddreg [dreg:$0xb];
	[sflag:s8] =	ssyncadd.s32 $0xFFFF8000  }
0x125: {  	[tilespmem:s1], [sflag:$0x3] =	stream.linear.gather [hbm4b:s29+s2], $0x20, $0x38;
	[tilespmem:$0x10100] =	vst v63  }
0x126: {  	_ =	swait.ge [sflag:s8], $0x20  }
0x127: {  	[sflag:s8] =	ssyncset.done $0x0  }
0x128: {  	[sflag:s8] =	ssyncadd.s32 $0xFFFFFFE0  }
0x129: {  	v3 =	vld [tilespmem:$0x80];
	_ =	sdelay $0x4  }
0x12a: {  	v58 =	vshll.u32 v3, $0x3  }
0x12b: {  	v3 =	vand.u32 $0x7, v3;
	v4 =	vand.u32 $0xFFFFFFC0, v58  }
0x12c: {  	v3 =	vor.u32 v3, v4  }
0x12d: {  	v4 =	vperm.xlane v3, v0;
	_ =	sdelay $0x1  }
0x12e: {  	v4 =	vadd.s32 v1, v4;
	_ =	sdelay $0x4  }
0x12f: {  	[tilespmem:s26], [sflag:$0x2] =	stream.indirect_vreg.gather [hbm4b:s3+s2], $0x80, v4, vm0, $0xb8;
	[tilespmem:$0x10100] =	vst v63  }
0x130: {  	v3 =	vperm.xlane v3, v2  }
0x131: {  	[tilespmem:s9], [sflag:$0x2] =	stream.indirect_vreg.gather [hbm4b:s4+s2], $0x80, v4, vm0, $0xb8;
	[tilespmem:$0x10100] =	vst v63  }
0x132: {  	v3 =	vadd.s32 v1, v3  }
0x133: {  	[tilespmem:s0], [sflag:$0x2] =	stream.indirect_vreg.gather [hbm4b:s5+s2], $0x80, v4, vm0, $0xb8;
	[tilespmem:$0x10100] =	vst v63  }
0x134: {  	s29 =	simm.s32 $0x9900  }
0x135: {  	[tilespmem:s29], [sflag:$0x2] =	stream.indirect_vreg.gather [hbm4b:s6+s2], $0x80, v4, vm0, $0xb8;
	[tilespmem:$0x10100] =	vst v63  }
0x136: {  	s25 =	simm.s32 $0xA100  }
0x137: {  	[tilespmem:s25], [sflag:$0x2] =	stream.indirect_vreg.gather [hbm4b:s3+s2], $0x80, v3, vm0, $0xb8;
	[tilespmem:$0x10100] =	vst v63  }
0x138: {  	s28 =	simm.s32 $0xA900  }
0x139: {  	[tilespmem:s28], [sflag:$0x2] =	stream.indirect_vreg.gather [hbm4b:s4+s2], $0x80, v3, vm0, $0xb8;
	[tilespmem:$0x10100] =	vst v63  }
0x13a: {  	s31 =	simm.s32 $0xB100  }
0x13b: {  	[tilespmem:s31], [sflag:$0x2] =	stream.indirect_vreg.gather [hbm4b:s5+s2], $0x80, v3, vm0, $0xb8;
	[tilespmem:$0x10100] =	vst v63  }
0x13c: {  	s31 =	simm.s32 $0xB900  }
0x13d: {  	[tilespmem:s31], [sflag:$0x2] =	stream.indirect_vreg.gather [hbm4b:s6+s2], $0x80, v3, vm0, $0xb8;
	[tilespmem:$0x10100] =	vst v63  }
0x13e: {  	v3 =	vld [tilespmem:$0x90];
	_ =	sdelay $0x4  }
0x13f: {  	v59 =	vshll.u32 v3, $0x3  }
0x140: {  	v3 =	vand.u32 $0x7, v3;
	v4 =	vand.u32 $0xFFFFFFC0, v59  }
0x141: {  	v3 =	vor.u32 v3, v4  }
0x142: {  	v4 =	vperm.xlane v3, v0;
	_ =	sdelay $0x1  }
0x143: {  	v4 =	vadd.s32 v1, v4;
	_ =	sdelay $0x3  }
0x144: {  	s31 =	simm.s32 $0xC100  }
0x145: {  	[tilespmem:s31], [sflag:$0x2] =	stream.indirect_vreg.gather [hbm4b:s3+s2], $0x80, v4, vm0, $0xb8;
	[tilespmem:$0x10100] =	vst v63  }
0x146: {  	v3 =	vperm.xlane v3, v2;
	s31 =	simm.s32 $0xC900  }
0x147: {  	[tilespmem:s31], [sflag:$0x2] =	stream.indirect_vreg.gather [hbm4b:s4+s2], $0x80, v4, vm0, $0xb8;
	[tilespmem:$0x10100] =	vst v63  }
0x148: {  	s18 =	simm.s32 $0xD100;
	v3 =	vadd.s32 v1, v3  }
0x149: {  	[tilespmem:s18], [sflag:$0x2] =	stream.indirect_vreg.gather [hbm4b:s5+s2], $0x80, v4, vm0, $0xb8;
	[tilespmem:$0x10100] =	vst v63  }
0x14a: {  	s21 =	simm.s32 $0xD900  }
0x14b: {  	[tilespmem:s21], [sflag:$0x2] =	stream.indirect_vreg.gather [hbm4b:s6+s2], $0x80, v4, vm0, $0xb8;
	[tilespmem:$0x10100] =	vst v63  }
0x14c: {  	s24 =	simm.s32 $0xE100  }
0x14d: {  	[tilespmem:s24], [sflag:$0x2] =	stream.indirect_vreg.gather [hbm4b:s3+s2], $0x80, v3, vm0, $0xb8;
	[tilespmem:$0x10100] =	vst v63  }
0x14e: {  	s22 =	simm.s32 $0xE900  }
0x14f: {  	[tilespmem:s22], [sflag:$0x2] =	stream.indirect_vreg.gather [hbm4b:s4+s2], $0x80, v3, vm0, $0xb8;
	[tilespmem:$0x10100] =	vst v63  }
0x150: {  	s22 =	simm.s32 $0xF100  }
0x151: {  	[tilespmem:s22], [sflag:$0x2] =	stream.indirect_vreg.gather [hbm4b:s5+s2], $0x80, v3, vm0, $0xb8;
	[tilespmem:$0x10100] =	vst v63  }
0x152: {  	s21 =	simm.s32 $0xF900  }
0x153: {  	[tilespmem:s21], [sflag:$0x2] =	stream.indirect_vreg.gather [hbm4b:s6+s2], $0x80, v3, vm0, $0xb8;
	[tilespmem:$0x10100] =	vst v63  }
0x154: {  	_ =	swait.ge [sflag:s19], $0x8000  }
0x155: {  	[sflag:s19] =	ssyncset.done $0x0  }
0x156: {  	s21 =	rddreg [dreg:$0xc];
	[sflag:s19] =	ssyncadd.s32 $0xFFFF8000  }
0x157: {  	[hbm4b:s21+s2] =	stream.linear.scatter [tilespmem:s30], [sflag:$0x3], $0x8000, $0x38;
	[tilespmem:$0x10100] =	vst v63  }
0x158: {  	_ =	swait.ge [sflag:s8], $0x8000  }
0x159: {  	[sflag:s8] =	ssyncset.done $0x0  }
0x15a: {  	s21 =	rddreg [dreg:$0xd];
	[sflag:s8] =	ssyncadd.s32 $0xFFFF8000  }
0x15b: {  	[tilespmem:s2], [sflag:$0x3] =	stream.linear.gather [hbm4b:s21+s2], $0x20, $0x38;
	[tilespmem:$0x10100] =	vst v63  }
0x15c: {  	_ =	swait.ge [sflag:s8], $0x20  }
0x15d: {  	[sflag:s8] =	ssyncset.done $0x0  }
0x15e: {  	[sflag:s8] =	ssyncadd.s32 $0xFFFFFFE0  }
0x15f: {  	v3 =	vld [tilespmem:$0x0];
	_ =	sdelay $0x4  }
0x160: {  	v60 =	vshll.u32 v3, $0x3  }
0x161: {  	v3 =	vand.u32 $0x7, v3;
	v4 =	vand.u32 $0xFFFFFFC0, v60  }
0x162: {  	v3 =	vor.u32 v3, v4  }
0x163: {  	v4 =	vperm.xlane v3, v0;
	_ =	sdelay $0x1  }
0x164: {  	v4 =	vadd.s32 v1, v4;
	_ =	sdelay $0x4  }
0x165: {  	[tilespmem:s30], [sflag:$0x1] =	stream.indirect_vreg.gather [hbm4b:s3+s2], $0x80, v4, vm0, $0xb8;
	[tilespmem:$0x10100] =	vst v63  }
0x166: {  	s21 =	simm.s32 $0x900;
	v3 =	vperm.xlane v3, v2  }
0x167: {  	[tilespmem:s21], [sflag:$0x1] =	stream.indirect_vreg.gather [hbm4b:s4+s2], $0x80, v4, vm0, $0xb8;
	[tilespmem:$0x10100] =	vst v63  }
0x168: {  	v3 =	vadd.s32 v1, v3;
	s21 =	simm.s32 $0x1100  }
0x169: {  	[tilespmem:s21], [sflag:$0x1] =	stream.indirect_vreg.gather [hbm4b:s5+s2], $0x80, v4, vm0, $0xb8;
	[tilespmem:$0x10100] =	vst v63  }
0x16a: {  	s21 =	simm.s32 $0x1900  }
0x16b: {  	[tilespmem:s21], [sflag:$0x1] =	stream.indirect_vreg.gather [hbm4b:s6+s2], $0x80, v4, vm0, $0xb8;
	[tilespmem:$0x10100] =	vst v63  }
0x16c: {  	s23 =	simm.s32 $0x2100  }
0x16d: {  	[tilespmem:s23], [sflag:$0x1] =	stream.indirect_vreg.gather [hbm4b:s3+s2], $0x80, v3, vm0, $0xb8;
	[tilespmem:$0x10100] =	vst v63  }
0x16e: {  	s10 =	simm.s32 $0x2900  }
0x16f: {  	[tilespmem:s10], [sflag:$0x1] =	stream.indirect_vreg.gather [hbm4b:s4+s2], $0x80, v3, vm0, $0xb8;
	[tilespmem:$0x10100] =	vst v63  }
0x170: {  	s11 =	simm.s32 $0x3100  }
0x171: {  	[tilespmem:s11], [sflag:$0x1] =	stream.indirect_vreg.gather [hbm4b:s5+s2], $0x80, v3, vm0, $0xb8;
	[tilespmem:$0x10100] =	vst v63  }
0x172: {  	s21 =	simm.s32 $0x3900  }
0x173: {  	[tilespmem:s21], [sflag:$0x1] =	stream.indirect_vreg.gather [hbm4b:s6+s2], $0x80, v3, vm0, $0xb8;
	[tilespmem:$0x10100] =	vst v63  }
0x174: {  	v3 =	vld [tilespmem:$0x10];
	_ =	sdelay $0x4  }
0x175: {  	v61 =	vshll.u32 v3, $0x3  }
0x176: {  	v3 =	vand.u32 $0x7, v3;
	v4 =	vand.u32 $0xFFFFFFC0, v61  }
0x177: {  	v3 =	vor.u32 v3, v4  }
0x178: {  	v4 =	vperm.xlane v3, v0;
	_ =	sdelay $0x1  }
0x179: {  	v4 =	vadd.s32 v1, v4;
	_ =	sdelay $0x3  }
0x17a: {  	s23 =	simm.s32 $0x4100  }
0x17b: {  	[tilespmem:s23], [sflag:$0x1] =	stream.indirect_vreg.gather [hbm4b:s3+s2], $0x80, v4, vm0, $0xb8;
	[tilespmem:$0x10100] =	vst v63  }
0x17c: {  	s11 =	simm.s32 $0x4900;
	v3 =	vperm.xlane v3, v2  }
0x17d: {  	[tilespmem:s11], [sflag:$0x1] =	stream.indirect_vreg.gather [hbm4b:s4+s2], $0x80, v4, vm0, $0xb8;
	[tilespmem:$0x10100] =	vst v63  }
0x17e: {  	s12 =	simm.s32 $0x5100;
	v3 =	vadd.s32 v1, v3  }
0x17f: {  	[tilespmem:s12], [sflag:$0x1] =	stream.indirect_vreg.gather [hbm4b:s5+s2], $0x80, v4, vm0, $0xb8;
	[tilespmem:$0x10100] =	vst v63  }
0x180: {  	s13 =	simm.s32 $0x5900  }
0x181: {  	[tilespmem:s13], [sflag:$0x1] =	stream.indirect_vreg.gather [hbm4b:s6+s2], $0x80, v4, vm0, $0xb8;
	[tilespmem:$0x10100] =	vst v63  }
0x182: {  	s14 =	simm.s32 $0x6100  }
0x183: {  	[tilespmem:s14], [sflag:$0x1] =	stream.indirect_vreg.gather [hbm4b:s3+s2], $0x80, v3, vm0, $0xb8;
	[tilespmem:$0x10100] =	vst v63  }
0x184: {  	s15 =	simm.s32 $0x6900  }
0x185: {  	[tilespmem:s15], [sflag:$0x1] =	stream.indirect_vreg.gather [hbm4b:s4+s2], $0x80, v3, vm0, $0xb8;
	[tilespmem:$0x10100] =	vst v63  }
0x186: {  	s16 =	simm.s32 $0x7100  }
0x187: {  	[tilespmem:s16], [sflag:$0x1] =	stream.indirect_vreg.gather [hbm4b:s5+s2], $0x80, v3, vm0, $0xb8;
	[tilespmem:$0x10100] =	vst v63  }
0x188: {  	s17 =	simm.s32 $0x7900  }
0x189: {  	[tilespmem:s17], [sflag:$0x1] =	stream.indirect_vreg.gather [hbm4b:s6+s2], $0x80, v3, vm0, $0xb8;
	[tilespmem:$0x10100] =	vst v63  }
0x18a: {  	_ =	swait.ge [sflag:s20], $0x8000  }
0x18b: {  	[sflag:s20] =	ssyncset.done $0x0  }
0x18c: {  	s14 =	rddreg [dreg:$0xe];
	[sflag:s20] =	ssyncadd.s32 $0xFFFF8000  }
0x18d: {  	[hbm4b:s14+s2] =	stream.linear.scatter [tilespmem:s26], [sflag:$0x3], $0x8000, $0x38;
	[tilespmem:$0x10100] =	vst v63  }
0x18e: {  	_ =	swait.ge [sflag:s8], $0x8000  }
0x18f: {  	[sflag:s8] =	ssyncset.done $0x0  }
0x190: {  	s1 =	simm.s32 $0x80;
	s15 =	rddreg [dreg:$0xf];
	[sflag:s8] =	ssyncadd.s32 $0xFFFF8000  }
0x191: {  	[tilespmem:s1], [sflag:$0x3] =	stream.linear.gather [hbm4b:s15+s2], $0x20, $0x38;
	[tilespmem:$0x10100] =	vst v63  }
0x192: {  	_ =	swait.ge [sflag:s8], $0x20  }
0x193: {  	[sflag:s8] =	ssyncset.done $0x0  }
0x194: {  	[sflag:s8] =	ssyncadd.s32 $0xFFFFFFE0  }
0x195: {  	v3 =	vld [tilespmem:$0x80];
	_ =	sdelay $0x4  }
0x196: {  	v62 =	vshll.u32 v3, $0x3  }
0x197: {  	v3 =	vand.u32 $0x7, v3;
	v4 =	vand.u32 $0xFFFFFFC0, v62  }
0x198: {  	v3 =	vor.u32 v3, v4  }
0x199: {  	v4 =	vperm.xlane v3, v0;
	_ =	sdelay $0x1  }
0x19a: {  	v4 =	vadd.s32 v1, v4;
	_ =	sdelay $0x4  }
0x19b: {  	[tilespmem:s26], [sflag:$0x2] =	stream.indirect_vreg.gather [hbm4b:s3+s2], $0x80, v4, vm0, $0xb8;
	[tilespmem:$0x10100] =	vst v63  }
0x19c: {  	s9 =	simm.s32 $0x8900;
	v3 =	vperm.xlane v3, v2  }
0x19d: {  	[tilespmem:s9], [sflag:$0x2] =	stream.indirect_vreg.gather [hbm4b:s4+s2], $0x80, v4, vm0, $0xb8;
	[tilespmem:$0x10100] =	vst v63  }
0x19e: {  	s0 =	simm.s32 $0x9100;
	v3 =	vadd.s32 v1, v3  }
0x19f: {  	[tilespmem:s0], [sflag:$0x2] =	stream.indirect_vreg.gather [hbm4b:s5+s2], $0x80, v4, vm0, $0xb8;
	[tilespmem:$0x10100] =	vst v63  }
0x1a0: {  	s16 =	simm.s32 $0x9900  }
0x1a1: {  	[tilespmem:s16], [sflag:$0x2] =	stream.indirect_vreg.gather [hbm4b:s6+s2], $0x80, v4, vm0, $0xb8;
	[tilespmem:$0x10100] =	vst v63  }
0x1a2: {  	s29 =	simm.s32 $0xA100  }
0x1a3: {  	[tilespmem:s29], [sflag:$0x2] =	stream.indirect_vreg.gather [hbm4b:s3+s2], $0x80, v3, vm0, $0xb8;
	[tilespmem:$0x10100] =	vst v63  }
0x1a4: {  	s25 =	simm.s32 $0xA900  }
0x1a5: {  	[tilespmem:s25], [sflag:$0x2] =	stream.indirect_vreg.gather [hbm4b:s4+s2], $0x80, v3, vm0, $0xb8;
	[tilespmem:$0x10100] =	vst v63  }
0x1a6: {  	s28 =	simm.s32 $0xB100  }
0x1a7: {  	[tilespmem:s28], [sflag:$0x2] =	stream.indirect_vreg.gather [hbm4b:s5+s2], $0x80, v3, vm0, $0xb8;
	[tilespmem:$0x10100] =	vst v63  }
0x1a8: {  	s17 =	simm.s32 $0xB900  }
0x1a9: {  	[tilespmem:s17], [sflag:$0x2] =	stream.indirect_vreg.gather [hbm4b:s6+s2], $0x80, v3, vm0, $0xb8;
	[tilespmem:$0x10100] =	vst v63  }
0x1aa: {  	v3 =	vld [tilespmem:$0x90];
	_ =	sdelay $0x4  }
0x1ab: {  	v63 =	vshll.u32 v3, $0x3  }
0x1ac: {  	v3 =	vand.u32 $0x7, v3;
	v4 =	vand.u32 $0xFFFFFFC0, v63  }
0x1ad: {  	v3 =	vor.u32 v3, v4  }
0x1ae: {  	v4 =	vperm.xlane v3, v0;
	_ =	sdelay $0x1  }
0x1af: {  	v4 =	vadd.s32 v1, v4;
	_ =	sdelay $0x3  }
0x1b0: {  	s21 =	simm.s32 $0xC100  }
0x1b1: {  	[tilespmem:s21], [sflag:$0x2] =	stream.indirect_vreg.gather [hbm4b:s3+s2], $0x80, v4, vm0, $0xb8;
	[tilespmem:$0x10100] =	vst v63  }
0x1b2: {  	s23 =	simm.s32 $0xC900;
	v3 =	vperm.xlane v3, v2  }
0x1b3: {  	[tilespmem:s23], [sflag:$0x2] =	stream.indirect_vreg.gather [hbm4b:s4+s2], $0x80, v4, vm0, $0xb8;
	[tilespmem:$0x10100] =	vst v63  }
0x1b4: {  	s31 =	simm.s32 $0xD100;
	v3 =	vadd.s32 v1, v3  }
0x1b5: {  	[tilespmem:s31], [sflag:$0x2] =	stream.indirect_vreg.gather [hbm4b:s5+s2], $0x80, v4, vm0, $0xb8;
	[tilespmem:$0x10100] =	vst v63  }
0x1b6: {  	s25 =	simm.s32 $0xD900  }
0x1b7: {  	[tilespmem:s25], [sflag:$0x2] =	stream.indirect_vreg.gather [hbm4b:s6+s2], $0x80, v4, vm0, $0xb8;
	[tilespmem:$0x10100] =	vst v63  }
0x1b8: {  	s24 =	simm.s32 $0xE100  }
0x1b9: {  	[tilespmem:s24], [sflag:$0x2] =	stream.indirect_vreg.gather [hbm4b:s3+s2], $0x80, v3, vm0, $0xb8;
	[tilespmem:$0x10100] =	vst v63  }
0x1ba: {  	s18 =	simm.s32 $0xE900  }
0x1bb: {  	[tilespmem:s18], [sflag:$0x2] =	stream.indirect_vreg.gather [hbm4b:s4+s2], $0x80, v3, vm0, $0xb8;
	[tilespmem:$0x10100] =	vst v63  }
0x1bc: {  	s22 =	simm.s32 $0xF100  }
0x1bd: {  	[tilespmem:s22], [sflag:$0x2] =	stream.indirect_vreg.gather [hbm4b:s5+s2], $0x80, v3, vm0, $0xb8;
	[tilespmem:$0x10100] =	vst v63  }
0x1be: {  	s28 =	simm.s32 $0xF900  }
0x1bf: {  	[tilespmem:s28], [sflag:$0x2] =	stream.indirect_vreg.gather [hbm4b:s6+s2], $0x80, v3, vm0, $0xb8;
	[tilespmem:$0x10100] =	vst v63  }
0x1c0: {  	_ =	swait.ge [sflag:s19], $0x8000  }
0x1c1: {  	[sflag:s19] =	ssyncset.done $0x0  }
0x1c2: {  	s29 =	rddreg [dreg:$0x10];
	[sflag:s19] =	ssyncadd.s32 $0xFFFF8000  }
0x1c3: {  	[hbm4b:s29+s2] =	stream.linear.scatter [tilespmem:s30], [sflag:$0x3], $0x8000, $0x38;
	[tilespmem:$0x10100] =	vst v63  }
0x1c4: {  	_ =	swait.ge [sflag:s8], $0x8000  }
0x1c5: {  	[sflag:s8] =	ssyncset.done $0x0  }
0x1c6: {  	[sflag:s8] =	ssyncadd.s32 $0xFFFF8000  }
0x1c7: {  	_ =	swait.ge [sflag:s20], $0x8000  }
0x1c8: {  	p0 =	sne.s32 s7, $0x1;
	[sflag:s20] =	ssyncset.done $0x0  }
.Ltmp0:
0x1c9: {  	s31 =	rddreg [dreg:$0x11];
	[sflag:s20] =	ssyncadd.s32 $0xFFFF8000;
	(pc) =	sbr.rel @p0 .LBB2_1-.Ltmp0, $4  }
0x1ca: {  	[hbm4b:s31+s2] =	stream.linear.scatter [tilespmem:s26], [sflag:$0x3], $0x8000, $0x38;
	[tilespmem:$0x10100] =	vst v63  }
0x1cb: {  	_ =	swait.ge [sflag:s8], $0x8000  }
0x1cc: {  	[sflag:s8] =	ssyncset.done $0x0  }
0x1cd: {  	s7 =	sadd.s32 $0xFFFFFFFF, s7;
	[sflag:s8] =	ssyncadd.s32 $0xFFFF8000  }
0x1ce: {  	_ =	sfence.sel $0x180000  }
0x1cf: {  	[bflag:$0x0] =	sbarrier.arrive $0xFFFF  }
0x1d0: {  	_ =	strace $0x9000004A  }
0x1d1: {  	s0 =	stileid.u32;
	[bflag:$0x2] =	sbarrier.arrive $0xFFFF  }
0x1d2: {  	p0 =	sne.s32 s0, $0x0;
	s0 =	rddreg [dreg:$0x1]  }
0x1d3: {  	s0 =	sadd.s32 @!p0 $0x100000, s0  }
0x1d4: {  	[sflag:s0] =	ssyncadd.tile.s32 @!p0 $0x1;
	_ =	shalt  }
.Lfunc_end2:
_tile_overlayer_lowered:
.L_overlay_start_2:
0x1d5: {  	(tag) =	ssettag $0x2  }
0x1d6: {  	s0 =	rddreg [dreg:$0x0];
	s2 =	stileid.u32  }
0x1d7: {  	s1 =	rddreg [dreg:$0x1];
	p0 =	sne.s32 s2, $0x0  }
0x1d8: {  	s3 =	rddreg [dreg:$0x2];
	[bflag:$0x3] =	sbarrier.arrive $0xFFFF;
	s2 =	simm.s32 @!p0 $0x1C03  }
0x1d9: {  	[timem:s3], [sflag:s2] =	dma.local @!p0 [hbm:s0], s1  }
0x1da: {  	s0 =	simm.s32 @!p0 $0x3  }
0x1db: {  	_ =	swait.ge @!p0 [sflag:s0], s1  }
0x1dc: {  	s1 =	ssub.s32 @!p0 $0x0, s1;
	[sflag:s0] =	ssyncset.done @!p0 $0x0  }
0x1dd: {  	[sflag:s0] =	ssyncadd.s32 @!p0 s1  }
0x1de: {  	[bflag:$0x3] =	sbarrier.arrive $0xFFFF  }
0x1df: {  	_ =	shalt  }

// kernel: kernel.8.cloned.1.call-start
scs
__scs_entry_jumppad:
0x0: {  	(pc) =	sbr.rel $0x88, $3  }
0x1: {  	(tag) =	ssettag $0x0;
	lr =	simm.s32 $0x1  }
0x2: {  	[smem:$0x3F9D] =	sst lr;
	_ =	strace $0xD0000000  }
0x3: {  	_ = 	snop  }
0x4: {  	_ = 	snop  }
0x5: {  	_ = 	snop  }
0x6: {  	_ = 	snop  }
0x7: {  	_ = 	snop  }
__scs_overlays_trampoline_lowered:
0x8: {  	[smem:$0x3FAC] =	sst s0  }
0x9: {  	[smem:$0x3FAD] =	sst s1  }
0xa: {  	[smem:$0x3FAE] =	sst s2  }
0xb: {  	[smem:$0x3FAF] =	sst s3  }
0xc: {  	[smem:$0x3FB0] =	sst s4  }
0xd: {  	[smem:$0x3FB1] =	sst s5  }
0xe: {  	[smem:$0x3FB2] =	sst s6  }
0xf: {  	[smem:$0x3FB3] =	sst s7  }
0x10: {  	[smem:$0x3FB4] =	sst s8  }
0x11: {  	[smem:$0x3FB5] =	sst s9;
	s0 =	simm.s32 @!p0 $0x0  }
0x12: {  	s1 =	sld [smem:$0x3F9B];
	s0 =	simm.s32 @p0 $0x1  }
0x13: {  	[smem:$0x3FB6] =	sst s0;
	s0 =	simm.s32 @!p1 $0x0  }
0x14: {  	s2 =	sld [smem:$0x3F9A];
	s0 =	simm.s32 @p1 $0x1  }
0x15: {  	[smem:$0x3FB7] =	sst s0;
	s0 =	simm.s32 @!p2 $0x0  }
0x16: {  	s3 =	sld [smem:$0x3FDB];
	s0 =	simm.s32 @p2 $0x1  }
0x17: {  	s4 =	simm.s32 $0x1BF5;
	[smem:$0x3FB9] =	sst s0  }
0x18: {  	s0 =	sld [smem:$0x3F9C];
	_ =	swait.ge [sflag:s4], $0x0  }
0x19: {  	s7 =	sld [smem:$0x3F9D]  }
0x1a: {  	s8 =	sadd.s32 $0xFFFFE003, lr  }
0x1b: {  	s9 =	sadd.s32 $0xFFFFFEF7, lr;
	s5 =	simm.s32 $0xFFFFFFFF;
	p2 =	slt.u32 s8, $0xFFFFF086  }
0x1c: {  	p1 =	slt.u32 s9, $0xF7A;
	s5 =	simm.s32 @!p2 $0x0  }
0x1d: {  	s5 =	simm.s32 @p1 $0x1;
	p0 =	seq.s32 s7, s2  }
0x1e: {  	s7 =	smul.u32 @!p0 $0xF7A, s2;
	p2 =	seq.s32 @!p0 s5, $0x0  }
0x1f: {  	s9 =	smul.u32 $0xF7A, s1;
	s8 =	simm.s32 @!p0 $0x1BF5;
	p2 =	por !p2, p0  }
0x20: {  	[sflag:s8] =	ssyncset.s32 @!p0 $0xFFFFF086;
	s6 =	sadd.s32 @!p0 s3, s7;
	s7 =	simm.s32 @!p0 $0x108  }
0x21: {  	s3 =	sadd.s32 s3, s9;
	s6 =	sadd.s32 @!p0 $0x88, s6;
	s7 =	simm.s32 @p2 $0x1082  }
0x22: {  	[simem:s7], [sflag:s8] =	dma.local @!p0 [hbm:s6], $0xF7A  }
0x23: {  	s9 =	sor.u32 $0xD0000000, s2;
	s6 =	simm.s32 $0x108;
	_ =	swait.ge @!p0 [sflag:s8], $0x0  }
0x24: {  	s3 =	sadd.s32 $0x88, s3;
	s6 =	simm.s32 @!p1 $0x1082;
	[sflag:s4] =	ssyncset.s32 $0xFFFFF086  }
0x25: {  	[simem:s6], [sflag:s4] =	dma.local [hbm:s3], $0xF7A  }
0x26: {  	[smem:$0x3F9D] =	sst s1;
	(tag) =	ssettag s2;
	_ =	strace s9  }
0x27: {  	s1 =	sld [smem:$0x3FAD]  }
0x28: {  	s2 =	sld [smem:$0x3FAE]  }
0x29: {  	s4 =	sld [smem:$0x3FB0]  }
0x2a: {  	p0 =	seq.s32 s5, $0x0;
	s5 =	sld [smem:$0x3FB1]  }
0x2b: {  	s6 =	sld [smem:$0x3FB2]  }
0x2c: {  	s7 =	sld [smem:$0x3FB3]  }
0x2d: {  	s3 =	simm.s32 $0x108;
	s8 =	sld [smem:$0x3FB4]  }
0x2e: {  	s3 =	simm.s32 @!p0 $0x1082;
	s9 =	sld [smem:$0x3FB5]  }
0x2f: {  	lr =	sadd.s32 s0, s3;
	s0 =	sld [smem:$0x3FAC]  }
0x30: {  	s3 =	sld [smem:$0x3FAF]  }
0x31: {  	[smem:$0x3FB8] =	sst s10  }
0x32: {  	s10 =	sld [smem:$0x3FB6];
	_ =	sdelay $0x3  }
0x33: {  	p0 =	seq.s32 s10, $0x1;
	s10 =	sld [smem:$0x3FB8];
	_ =	sdelay $0x3  }
0x34: {  	[smem:$0x3FB8] =	sst s10  }
0x35: {  	s10 =	sld [smem:$0x3FB7];
	_ =	sdelay $0x3  }
0x36: {  	p1 =	seq.s32 s10, $0x1;
	s10 =	sld [smem:$0x3FB8];
	_ =	sdelay $0x3  }
0x37: {  	[smem:$0x3FB8] =	sst s10  }
0x38: {  	s10 =	sld [smem:$0x3FB9]  }
0x39: {  	_ = 	snop;
	(pc) =	sbr.ind lr, $3  }
0x3a: {  	_ = 	snop  }
0x3b: {  	_ = 	snop  }
0x3c: {  	p2 =	seq.s32 s10, $0x1;
	s10 =	sld [smem:$0x3FB8]  }
0x3d: {  	_ =	shalt  }
0x3e: {  	_ =	shalt  }
0x3f: {  	_ =	shalt  }
0x40: {  	_ =	shalt  }
0x41: {  	_ =	shalt  }
0x42: {  	_ =	shalt  }
0x43: {  	_ =	shalt  }
0x44: {  	_ =	shalt  }
0x45: {  	_ =	shalt  }
0x46: {  	_ =	shalt  }
0x47: {  	_ =	shalt  }
0x48: {  	_ =	shalt  }
0x49: {  	_ =	shalt  }
0x4a: {  	_ =	shalt  }
0x4b: {  	_ =	shalt  }
0x4c: {  	_ =	shalt  }
0x4d: {  	_ =	shalt  }
0x4e: {  	_ =	shalt  }
0x4f: {  	_ =	shalt  }
0x50: {  	_ =	shalt  }
0x51: {  	_ =	shalt  }
0x52: {  	_ =	shalt  }
0x53: {  	_ =	shalt  }
0x54: {  	_ =	shalt  }
0x55: {  	_ =	shalt  }
0x56: {  	_ =	shalt  }
0x57: {  	_ =	shalt  }
0x58: {  	_ =	shalt  }
0x59: {  	_ =	shalt  }
0x5a: {  	_ =	shalt  }
0x5b: {  	_ =	shalt  }
0x5c: {  	_ =	shalt  }
0x5d: {  	_ =	shalt  }
0x5e: {  	_ =	shalt  }
0x5f: {  	_ =	shalt  }
0x60: {  	_ =	shalt  }
0x61: {  	_ =	shalt  }
0x62: {  	_ =	shalt  }
0x63: {  	_ =	shalt  }
0x64: {  	_ =	shalt  }
0x65: {  	_ =	shalt  }
0x66: {  	_ =	shalt  }
0x67: {  	_ =	shalt  }
0x68: {  	_ =	shalt  }
0x69: {  	_ =	shalt  }
0x6a: {  	_ =	shalt  }
0x6b: {  	_ =	shalt  }
0x6c: {  	_ =	shalt  }
0x6d: {  	_ =	shalt  }
0x6e: {  	_ =	shalt  }
0x6f: {  	_ =	shalt  }
0x70: {  	_ =	shalt  }
0x71: {  	_ =	shalt  }
0x72: {  	_ =	shalt  }
0x73: {  	_ =	shalt  }
0x74: {  	_ =	shalt  }
0x75: {  	_ =	shalt  }
0x76: {  	_ =	shalt  }
0x77: {  	_ =	shalt  }
0x78: {  	_ =	shalt  }
0x79: {  	_ =	shalt  }
0x7a: {  	_ =	shalt  }
0x7b: {  	_ =	shalt  }
0x7c: {  	_ =	shalt  }
0x7d: {  	_ =	shalt  }
0x7e: {  	_ =	shalt  }
0x7f: {  	_ =	shalt  }
0x80: {  	_ =	shalt  }
0x81: {  	_ =	shalt  }
0x82: {  	_ =	shalt  }
0x83: {  	_ =	shalt  }
0x84: {  	_ =	shalt  }
0x85: {  	_ =	shalt  }
0x86: {  	_ =	shalt  }
0x87: {  	_ =	shalt  }
.Lfunc_end0:
.L_simem_size_0:
called_computation_lowered:
.L_overlay_start_0:
0x88: {  	s2 =	sld [smem:$0x3FD9]  }
0x89: {  	s3 =	sld [smem:$0x3FFE];
	_ =	sdelay $0x1  }
0x8a: {  	s1 =	srdreg.scid  }
0x8b: {  	s0 =	sand.u32 $0x1, s1  }
0x8c: {  	s17 =	sshll.u32 s0, $0xA;
	s2 =	sadd.s32 s3, s2  }
0x8d: {  	s2 =	sadd.s32 s2, s17  }
0x8e: {  	[smem:$0x3FC4] =	sst s2  }
0x8f: {  	_ = 	snop  }
0x90: {  	s2 =	sld [smem:$0x3FC9];
	(tm) =	ssettm $0x1  }
0x91: {  	s18 =	sld [smem:$0x3FFB];
	_ =	sdelay $0x3  }
0x92: {  	_ =	strace s18  }
0x93: {  	s3 =	sld [smem:$0x3FFC];
	_ =	sdelay $0x3  }
0x94: {  	_ =	strace s3  }
0x95: {  	s3 =	sld [smem:$0x3FFD];
	_ =	sdelay $0x3  }
0x96: {  	_ =	strace s3  }
0x97: {  	_ =	strace $0x8FFFFFFF  }
0x98: {  	s19 =	sld [smem:$0x3FDB];
	_ =	sdelay $0x1  }
0x99: {  	s4 =	simm.s32 $_scs_section_size  }
0x9a: {  	s5 =	simm.s32 $_size__tile_overlayer_lowered;
	s6 =	simm.s32 $_tile_overlayer_lowered  }
0x9b: {  	s22 =	simm.s32 $0x1BFF;
	s21 =	sshll.u32 s6, $0x1;
	s3 =	sadd.s32 s4, s19  }
0x9c: {  	s7 =	simm.s32 $0x0;
	s20 =	sshll.u32 s5, $0x1;
	s5 =	sadd.s32 s21, s3  }
0x9d: {  	[timem:s7], [sflag:s22] =	dma.local [hbm:s5], s20  }
0x9e: {  	_ =	swait.ge [sflag:s22], s20  }
0x9f: {  	s4 =	ssub.s32 $0x0, s20;
	[sflag:s22] =	ssyncset.done $0x0  }
0xa0: {  	[sflag:s22] =	ssyncadd.s32 s4;
	_ =	sdelay $0x1  }
0xa1: {  	s23 =	simm.s32 $0x1B8B  }
0xa2: {  	_ =	swait.ge [sflag:s23], $0x1  }
0xa3: {  	[sflag:s23] =	ssyncset.done $0x0  }
0xa4: {  	s25 =	simm.s32 $0x1B8E;
	s24 =	sld [smem:$0x3FFE];
	[sflag:s23] =	ssyncadd.s32 $0xFFFFFFFF  }
0xa5: {  	s26 =	simm.s32 $execute0_lowered;
	[smem:$0x3FD2] =	sst s25  }
0xa6: {  	s5 =	sshll.u32 s26, $0x1;
	_ =	strace $0x80000046;
	[dreg:$0x1] =	wrdreg $0xFFFFFFFF  }
0xa7: {  	s28 =	simm.s32 $_size_execute0_lowered;
	s3 =	sadd.s32 s3, s5;
	[dreg:$0x0] =	wrdreg $0x0  }
0xa8: {  	s5 =	sshll.u32 s28, $0x1;
	[dreg:$0x2] =	wrdreg s3  }
0xa9: {  	[dreg:$0x3] =	wrdreg s5  }
0xaa: {  	[dreg:$0x4] =	wrdreg $0xC0  }
0xab: {  	_ =	task [dreg:s7], $0x5FFFF  }
0xac: {  	[dreg:$0x1] =	wrdreg $0xFFFFFFFF  }
0xad: {  	[dreg:$0x0] =	wrdreg $0x60  }
0xae: {  	[dreg:$0x2] =	wrdreg s2  }
0xaf: {  	[dreg:$0x3] =	wrdreg s24  }
0xb0: {  	[dreg:$0x4] =	wrdreg $0x9  }
0xb1: {  	_ =	task.clear_ibuf [dreg:s7], $0x5FFFF;
	_ =	strace $0x90000046  }
0xb2: {  	s29 =	simm.s32 $0x9;
	_ =	strace $0x80000048  }
0xb3: {  	_ =	swait.ge [sflag:s29], $0x1  }
0xb4: {  	[sflag:s29] =	ssyncadd.s32 $0xFFFFFFFF  }
0xb5: {  	_ =	strace $0x90000048  }
0xb6: {  	_ =	sfence  }
0xb7: {  	s30 =	sld [smem:$0x0];
	_ =	sdelay $0x2  }
0xb8: {  	s31 =	sshll.u32 s1, $0xD;
	s1 =	sshrl.u32 s1, $0x2  }
0xb9: {  	s3 =	sand.u32 $0x4000, s31;
	s1 =	sadd.s32 s1, s30  }
0xba: {  	s0 =	sor.u32 s3, s0;
	s1 =	sshll.u32 s1, $0x11  }
0xbb: {  	s0 =	sor.u32 s1, s0  }
0xbc: {  	s0 =	sadd.s32 $0x8F2B, s0  }
0xbd: {  	[sflag:s0] =	ssyncadd.remote.s32 $0x1  }
0xbe: {  	_ =	sfence.sel $0xFFFF  }
0xbf: {  	[dreg:$0x0] =	wrdreg $0xFFFFFFFF;
	(pc) =	sbr.abs _section_cstart, $3  }
0xc0: {  	[dreg:$0x1] =	wrdreg $0xFFFFFFFF  }
0xc1: {  	_ =	task.clear_ibuf [dreg:s7], $0x2FFFF;
	_ =	strace $0x9FFFFFFF  }
0xc2: {  	(tm) =	ssettm $0x7FFFFFFF  }
0xc3: {  	_ =	shalt  }
tec
execute0_lowered:
.L_overlay_start_1:
0x0: {  	(tag) =	ssettag $0x1  }
0x1: {  	s0 =	rddreg [dreg:$0x0]  }
0x2: {  	s1 =	rddreg [dreg:$0x1];
	s3 =	srdreg.scid;
	s2 =	simm.s32 $0x0  }
0x3: {  	s5 =	stileid.u32;
	s29 =	simm.s32 $0x1;
	s30 =	simm.s32 $0x2200  }
0x4: {  	s31 =	simm.s32 $0x2A00;
	s4 =	sand.u32 $0x1, s3;
	[smem:$0x7FF] =	sst s2  }
0x5: {  	s9 =	sshll.u32 s5, $0x8;
	s6 =	sadd.s32 $0x200, s1;
	s10 =	sshll.u32 s4, $0x7  }
0x6: {  	s3 =	sadd.s32 $0x400, s1;
	s4 =	ssub.s32 $0x2, s4;
	s5 =	sor.u32 s10, s9  }
0x7: {  	_ =	strace $0x80000047;
	s8 =	sshrl.u32 s4, $0x1;
	s7 =	sshll.u32 s5, $0x7  }
0x8: {  	s9 =	sshrl.u32 s5, $0x3;
	s10 =	sor.u32 $0x20, s5;
	s17 =	sor.u32 $0x40, s5  }
0x9: {  	s5 =	sor.u32 $0x60, s5;
	s25 =	ssub.s32 s4, s8;
	s7 =	sadd.s32 s0, s7  }
0xa: {  	s4 =	sadd.s32 $0x500, s1;
	s11 =	sadd.s32 s1, s9;
	[dreg:$0x3] =	wrdreg s7  }
0xb: {  	s12 =	sadd.s32 s6, s9;
	s13 =	sshll.u32 s10, $0x7;
	[dreg:$0x4] =	wrdreg s11  }
0xc: {  	s15 =	sshrl.u32 s10, $0x3;
	[dreg:$0x5] =	wrdreg s12;
	s14 =	sadd.s32 s0, s13  }
0xd: {  	s19 =	sshll.u32 s17, $0x7;
	s16 =	sadd.s32 s1, s15;
	[dreg:$0x6] =	wrdreg s14  }
0xe: {  	s21 =	sshrl.u32 s17, $0x3;
	s18 =	sadd.s32 s6, s15;
	[dreg:$0x7] =	wrdreg s16  }
0xf: {  	s24 =	sshll.u32 s5, $0x7;
	s20 =	sadd.s32 s0, s19;
	[dreg:$0x8] =	wrdreg s18  }
0x10: {  	s5 =	sshrl.u32 s5, $0x3;
	s22 =	sadd.s32 s1, s21;
	[dreg:$0x9] =	wrdreg s20  }
0x11: {  	s9 =	simm.s32 $0x3;
	s23 =	sadd.s32 s6, s21;
	[dreg:$0xa] =	wrdreg s22  }
0x12: {  	s0 =	sadd.s32 s0, s24;
	s26 =	sadd.s32 s1, s5;
	[dreg:$0xb] =	wrdreg s23  }
0x13: {  	s28 =	sadd.s32 s6, s5;
	s5 =	sadd.s32 $0x600, s1;
	[dreg:$0xc] =	wrdreg s0  }
0x14: {  	v2 =	vlaneseq.u32;
	s6 =	sadd.s32 $0x700, s1;
	s7 =	smax.u32 s25, $0x1;
	[dreg:$0xd] =	wrdreg s26  }
0x15: {  	vm0 =	vmmov $0xffff;
	v1 =	vshrl.u32 v2, $0x3;
	s24 =	simm.s32 $0xC200;
	s25 =	simm.s32 $0xCA00;
	[dreg:$0xe] =	wrdreg s28  }
0x16: {  	v0 =	vand.u32 $0x7, v2;
	v2 =	vor.u32 $0x8, v2;
	v1 =	vmul.u32 $0x8, v1;
	s20 =	simm.s32 $0x2;
	s26 =	simm.s32 $0x200;
	s23 =	simm.s32 $0xBA00  }
.LBB2_1:
0x17: {  	s21 =	rddreg [dreg:$0x3]  }
0x18: {  	[tilespmem:s26], [sflag:$0x3] =	stream.linear.gather [hbm4b:s21+s2], $0x8000, $0x38;
	[tilespmem:$0x10200] =	vst v63  }
0x19: {  	_ =	swait.ge [sflag:s9], $0x8000  }
0x1a: {  	[sflag:s9] =	ssyncset.done $0x0  }
0x1b: {  	s0 =	rddreg [dreg:$0x4];
	[sflag:s9] =	ssyncadd.s32 $0xFFFF8000  }
0x1c: {  	[tilespmem:s2], [sflag:$0x3] =	stream.linear.gather [hbm4b:s0+s2], $0x20, $0x38;
	[tilespmem:$0x10200] =	vst v63  }
0x1d: {  	_ =	swait.ge [sflag:s9], $0x20  }
0x1e: {  	[sflag:s9] =	ssyncset.done $0x0  }
0x1f: {  	s0 =	simm.s32 $0x100;
	s1 =	rddreg [dreg:$0x5];
	[sflag:s9] =	ssyncadd.s32 $0xFFFFFFE0  }
0x20: {  	[tilespmem:s0], [sflag:$0x3] =	stream.linear.gather [hbm4b:s1+s2], $0x20, $0x38;
	[tilespmem:$0x10200] =	vst v63  }
0x21: {  	_ =	swait.ge [sflag:s9], $0x20  }
0x22: {  	[sflag:s9] =	ssyncset.done $0x0  }
0x23: {  	[sflag:s9] =	ssyncadd.s32 $0xFFFFFFE0  }
0x24: {  	v3 =	vld [tilespmem:$0x0];
	_ =	sdelay $0x4  }
0x25: {  	v4 =	vshll.u32 v3, $0x3  }
0x26: {  	v3 =	vand.u32 $0x7, v3;
	v4 =	vand.u32 $0xFFFFFFC0, v4  }
0x27: {  	v3 =	vor.u32 v3, v4  }
0x28: {  	v4 =	vperm.xlane v3, v0;
	_ =	sdelay $0x1  }
0x29: {  	v4 =	vadd.s32 v1, v4;
	_ =	sdelay $0x4  }
0x2a: {  	[hbm4b:s3+s2] =	stream.indirect_vreg.scatter [tilespmem:s26], [sflag:$0x1], $0x80, v4, vm0, $0xb8;
	[tilespmem:$0x10200] =	vst v63  }
0x2b: {  	s8 =	simm.s32 $0xA00;
	v3 =	vperm.xlane v3, v2  }
0x2c: {  	[hbm4b:s4+s2] =	stream.indirect_vreg.scatter [tilespmem:s8], [sflag:$0x1], $0x80, v4, vm0, $0xb8;
	[tilespmem:$0x10200] =	vst v63  }
0x2d: {  	s10 =	simm.s32 $0x1200;
	v3 =	vadd.s32 v1, v3  }
0x2e: {  	[hbm4b:s5+s2] =	stream.indirect_vreg.scatter [tilespmem:s10], [sflag:$0x1], $0x80, v4, vm0, $0xb8;
	[tilespmem:$0x10200] =	vst v63  }
0x2f: {  	s11 =	simm.s32 $0x1A00  }
0x30: {  	[hbm4b:s6+s2] =	stream.indirect_vreg.scatter [tilespmem:s11], [sflag:$0x1], $0x80, v4, vm0, $0xb8;
	[tilespmem:$0x10200] =	vst v63  }
0x31: {  	_ = 	snop  }
0x32: {  	[hbm4b:s3+s2] =	stream.indirect_vreg.scatter [tilespmem:s30], [sflag:$0x1], $0x80, v3, vm0, $0xb8;
	[tilespmem:$0x10200] =	vst v63  }
0x33: {  	_ = 	snop  }
0x34: {  	[hbm4b:s4+s2] =	stream.indirect_vreg.scatter [tilespmem:s31], [sflag:$0x1], $0x80, v3, vm0, $0xb8;
	[tilespmem:$0x10200] =	vst v63  }
0x35: {  	s12 =	simm.s32 $0x3200  }
0x36: {  	[hbm4b:s5+s2] =	stream.indirect_vreg.scatter [tilespmem:s12], [sflag:$0x1], $0x80, v3, vm0, $0xb8;
	[tilespmem:$0x10200] =	vst v63  }
0x37: {  	s13 =	simm.s32 $0x3A00  }
0x38: {  	[hbm4b:s6+s2] =	stream.indirect_vreg.scatter [tilespmem:s13], [sflag:$0x1], $0x80, v3, vm0, $0xb8;
	[tilespmem:$0x10200] =	vst v63  }
0x39: {  	v3 =	vld [tilespmem:$0x10];
	_ =	sdelay $0x4  }
0x3a: {  	v49 =	vshll.u32 v3, $0x3  }
0x3b: {  	v3 =	vand.u32 $0x7, v3;
	v4 =	vand.u32 $0xFFFFFFC0, v49  }
0x3c: {  	v3 =	vor.u32 v3, v4  }
0x3d: {  	v4 =	vperm.xlane v3, v0;
	_ =	sdelay $0x1  }
0x3e: {  	v4 =	vadd.s32 v1, v4;
	_ =	sdelay $0x3  }
0x3f: {  	s10 =	simm.s32 $0x4200  }
0x40: {  	[hbm4b:s3+s2] =	stream.indirect_vreg.scatter [tilespmem:s10], [sflag:$0x1], $0x80, v4, vm0, $0xb8;
	[tilespmem:$0x10200] =	vst v63  }
0x41: {  	s14 =	simm.s32 $0x4A00;
	v3 =	vperm.xlane v3, v2  }
0x42: {  	[hbm4b:s4+s2] =	stream.indirect_vreg.scatter [tilespmem:s14], [sflag:$0x1], $0x80, v4, vm0, $0xb8;
	[tilespmem:$0x10200] =	vst v63  }
0x43: {  	s15 =	simm.s32 $0x5200;
	v3 =	vadd.s32 v1, v3  }
0x44: {  	[hbm4b:s5+s2] =	stream.indirect_vreg.scatter [tilespmem:s15], [sflag:$0x1], $0x80, v4, vm0, $0xb8;
	[tilespmem:$0x10200] =	vst v63  }
0x45: {  	s11 =	simm.s32 $0x5A00  }
0x46: {  	[hbm4b:s6+s2] =	stream.indirect_vreg.scatter [tilespmem:s11], [sflag:$0x1], $0x80, v4, vm0, $0xb8;
	[tilespmem:$0x10200] =	vst v63  }
0x47: {  	s16 =	simm.s32 $0x6200  }
0x48: {  	[hbm4b:s3+s2] =	stream.indirect_vreg.scatter [tilespmem:s16], [sflag:$0x1], $0x80, v3, vm0, $0xb8;
	[tilespmem:$0x10200] =	vst v63  }
0x49: {  	s13 =	simm.s32 $0x6A00  }
0x4a: {  	[hbm4b:s4+s2] =	stream.indirect_vreg.scatter [tilespmem:s13], [sflag:$0x1], $0x80, v3, vm0, $0xb8;
	[tilespmem:$0x10200] =	vst v63  }
0x4b: {  	s21 =	simm.s32 $0x7200  }
0x4c: {  	[hbm4b:s5+s2] =	stream.indirect_vreg.scatter [tilespmem:s21], [sflag:$0x1], $0x80, v3, vm0, $0xb8;
	[tilespmem:$0x10200] =	vst v63  }
0x4d: {  	s22 =	simm.s32 $0x7A00  }
0x4e: {  	[hbm4b:s6+s2] =	stream.indirect_vreg.scatter [tilespmem:s22], [sflag:$0x1], $0x80, v3, vm0, $0xb8;
	[tilespmem:$0x10200] =	vst v63  }
0x4f: {  	v3 =	vld [tilespmem:$0x100];
	_ =	sdelay $0x4  }
0x50: {  	v50 =	vshll.u32 v3, $0x3  }
0x51: {  	v3 =	vand.u32 $0x7, v3;
	v4 =	vand.u32 $0xFFFFFFC0, v50  }
0x52: {  	v3 =	vor.u32 v3, v4  }
0x53: {  	v4 =	vperm.xlane v3, v0;
	_ =	sdelay $0x1  }
0x54: {  	v4 =	vadd.s32 v1, v4;
	_ =	sdelay $0x4  }
0x55: {  	[hbm4b:s3+s2] =	stream.indirect_vreg.scatter [tilespmem:s26], [sflag:$0x1], $0x80, v4, vm0, $0xb8;
	[tilespmem:$0x10200] =	vst v63  }
0x56: {  	s17 =	simm.s32 $0xA00;
	v3 =	vperm.xlane v3, v2  }
0x57: {  	[hbm4b:s4+s2] =	stream.indirect_vreg.scatter [tilespmem:s17], [sflag:$0x1], $0x80, v4, vm0, $0xb8;
	[tilespmem:$0x10200] =	vst v63  }
0x58: {  	s1 =	simm.s32 $0x1200;
	v3 =	vadd.s32 v1, v3  }
0x59: {  	[hbm4b:s5+s2] =	stream.indirect_vreg.scatter [tilespmem:s1], [sflag:$0x1], $0x80, v4, vm0, $0xb8;
	[tilespmem:$0x10200] =	vst v63  }
0x5a: {  	s8 =	simm.s32 $0x1A00  }
0x5b: {  	[hbm4b:s6+s2] =	stream.indirect_vreg.scatter [tilespmem:s8], [sflag:$0x1], $0x80, v4, vm0, $0xb8;
	[tilespmem:$0x10200] =	vst v63  }
0x5c: {  	_ = 	snop  }
0x5d: {  	[hbm4b:s3+s2] =	stream.indirect_vreg.scatter [tilespmem:s30], [sflag:$0x1], $0x80, v3, vm0, $0xb8;
	[tilespmem:$0x10200] =	vst v63  }
0x5e: {  	_ = 	snop  }
0x5f: {  	[hbm4b:s4+s2] =	stream.indirect_vreg.scatter [tilespmem:s31], [sflag:$0x1], $0x80, v3, vm0, $0xb8;
	[tilespmem:$0x10200] =	vst v63  }
0x60: {  	s12 =	simm.s32 $0x3200  }
0x61: {  	[hbm4b:s5+s2] =	stream.indirect_vreg.scatter [tilespmem:s12], [sflag:$0x1], $0x80, v3, vm0, $0xb8;
	[tilespmem:$0x10200] =	vst v63  }
0x62: {  	s18 =	simm.s32 $0x3A00  }
0x63: {  	[hbm4b:s6+s2] =	stream.indirect_vreg.scatter [tilespmem:s18], [sflag:$0x1], $0x80, v3, vm0, $0xb8;
	[tilespmem:$0x10200] =	vst v63  }
0x64: {  	v3 =	vld [tilespmem:$0x110];
	_ =	sdelay $0x4  }
0x65: {  	v51 =	vshll.u32 v3, $0x3  }
0x66: {  	v3 =	vand.u32 $0x7, v3;
	v4 =	vand.u32 $0xFFFFFFC0, v51  }
0x67: {  	v3 =	vor.u32 v3, v4  }
0x68: {  	v4 =	vperm.xlane v3, v0;
	_ =	sdelay $0x1  }
0x69: {  	v4 =	vadd.s32 v1, v4;
	_ =	sdelay $0x4  }
0x6a: {  	[hbm4b:s3+s2] =	stream.indirect_vreg.scatter [tilespmem:s10], [sflag:$0x1], $0x80, v4, vm0, $0xb8;
	[tilespmem:$0x10200] =	vst v63  }
0x6b: {  	s19 =	simm.s32 $0x4A00;
	v3 =	vperm.xlane v3, v2  }
0x6c: {  	[hbm4b:s4+s2] =	stream.indirect_vreg.scatter [tilespmem:s19], [sflag:$0x1], $0x80, v4, vm0, $0xb8;
	[tilespmem:$0x10200] =	vst v63  }
0x6d: {  	s14 =	simm.s32 $0x5200;
	v3 =	vadd.s32 v1, v3  }
0x6e: {  	[hbm4b:s5+s2] =	stream.indirect_vreg.scatter [tilespmem:s14], [sflag:$0x1], $0x80, v4, vm0, $0xb8;
	[tilespmem:$0x10200] =	vst v63  }
0x6f: {  	_ = 	snop  }
0x70: {  	[hbm4b:s6+s2] =	stream.indirect_vreg.scatter [tilespmem:s11], [sflag:$0x1], $0x80, v4, vm0, $0xb8;
	[tilespmem:$0x10200] =	vst v63  }
0x71: {  	s15 =	simm.s32 $0x6200  }
0x72: {  	[hbm4b:s3+s2] =	stream.indirect_vreg.scatter [tilespmem:s15], [sflag:$0x1], $0x80, v3, vm0, $0xb8;
	[tilespmem:$0x10200] =	vst v63  }
0x73: {  	_ = 	snop  }
0x74: {  	[hbm4b:s4+s2] =	stream.indirect_vreg.scatter [tilespmem:s13], [sflag:$0x1], $0x80, v3, vm0, $0xb8;
	[tilespmem:$0x10200] =	vst v63  }
0x75: {  	s16 =	simm.s32 $0x7200  }
0x76: {  	[hbm4b:s5+s2] =	stream.indirect_vreg.scatter [tilespmem:s16], [sflag:$0x1], $0x80, v3, vm0, $0xb8;
	[tilespmem:$0x10200] =	vst v63  }
0x77: {  	s28 =	simm.s32 $0x7A00  }
0x78: {  	[hbm4b:s6+s2] =	stream.indirect_vreg.scatter [tilespmem:s28], [sflag:$0x1], $0x80, v3, vm0, $0xb8;
	[tilespmem:$0x10200] =	vst v63  }
0x79: {  	s8 =	simm.s32 $0x8200;
	s15 =	rddreg [dreg:$0x6]  }
0x7a: {  	[tilespmem:s8], [sflag:$0x3] =	stream.linear.gather [hbm4b:s15+s2], $0x8000, $0x38;
	[tilespmem:$0x10200] =	vst v63  }
0x7b: {  	_ =	swait.ge [sflag:s9], $0x8000  }
0x7c: {  	[sflag:s9] =	ssyncset.done $0x0  }
0x7d: {  	s17 =	simm.s32 $0x80;
	s16 =	rddreg [dreg:$0x7];
	[sflag:s9] =	ssyncadd.s32 $0xFFFF8000  }
0x7e: {  	[tilespmem:s17], [sflag:$0x3] =	stream.linear.gather [hbm4b:s16+s2], $0x20, $0x38;
	[tilespmem:$0x10200] =	vst v63  }
0x7f: {  	_ =	swait.ge [sflag:s9], $0x20  }
0x80: {  	[sflag:s9] =	ssyncset.done $0x0  }
0x81: {  	s19 =	simm.s32 $0x180;
	s18 =	rddreg [dreg:$0x8];
	[sflag:s9] =	ssyncadd.s32 $0xFFFFFFE0  }
0x82: {  	[tilespmem:s19], [sflag:$0x3] =	stream.linear.gather [hbm4b:s18+s2], $0x20, $0x38;
	[tilespmem:$0x10200] =	vst v63  }
0x83: {  	_ =	swait.ge [sflag:s9], $0x20  }
0x84: {  	[sflag:s9] =	ssyncset.done $0x0  }
0x85: {  	[sflag:s9] =	ssyncadd.s32 $0xFFFFFFE0  }
0x86: {  	v3 =	vld [tilespmem:$0x80];
	_ =	sdelay $0x4  }
0x87: {  	v52 =	vshll.u32 v3, $0x3  }
0x88: {  	v3 =	vand.u32 $0x7, v3;
	v4 =	vand.u32 $0xFFFFFFC0, v52  }
0x89: {  	v3 =	vor.u32 v3, v4  }
0x8a: {  	v4 =	vperm.xlane v3, v0;
	_ =	sdelay $0x1  }
0x8b: {  	v4 =	vadd.s32 v1, v4;
	_ =	sdelay $0x4  }
0x8c: {  	[hbm4b:s3+s2] =	stream.indirect_vreg.scatter [tilespmem:s8], [sflag:$0x2], $0x80, v4, vm0, $0xb8;
	[tilespmem:$0x10200] =	vst v63  }
0x8d: {  	s21 =	simm.s32 $0x8A00;
	v3 =	vperm.xlane v3, v2  }
0x8e: {  	[hbm4b:s4+s2] =	stream.indirect_vreg.scatter [tilespmem:s21], [sflag:$0x2], $0x80, v4, vm0, $0xb8;
	[tilespmem:$0x10200] =	vst v63  }
0x8f: {  	s22 =	simm.s32 $0x9200;
	v3 =	vadd.s32 v1, v3  }
0x90: {  	[hbm4b:s5+s2] =	stream.indirect_vreg.scatter [tilespmem:s22], [sflag:$0x2], $0x80, v4, vm0, $0xb8;
	[tilespmem:$0x10200] =	vst v63  }
0x91: {  	s1 =	simm.s32 $0x9A00  }
0x92: {  	[hbm4b:s6+s2] =	stream.indirect_vreg.scatter [tilespmem:s1], [sflag:$0x2], $0x80, v4, vm0, $0xb8;
	[tilespmem:$0x10200] =	vst v63  }
0x93: {  	s12 =	simm.s32 $0xA200  }
0x94: {  	[hbm4b:s3+s2] =	stream.indirect_vreg.scatter [tilespmem:s12], [sflag:$0x2], $0x80, v3, vm0, $0xb8;
	[tilespmem:$0x10200] =	vst v63  }
0x95: {  	s14 =	simm.s32 $0xAA00  }
0x96: {  	[hbm4b:s4+s2] =	stream.indirect_vreg.scatter [tilespmem:s14], [sflag:$0x2], $0x80, v3, vm0, $0xb8;
	[tilespmem:$0x10200] =	vst v63  }
0x97: {  	s18 =	simm.s32 $0xB200  }
0x98: {  	[hbm4b:s5+s2] =	stream.indirect_vreg.scatter [tilespmem:s18], [sflag:$0x2], $0x80, v3, vm0, $0xb8;
	[tilespmem:$0x10200] =	vst v63  }
0x99: {  	s19 =	simm.s32 $0xBA00  }
0x9a: {  	[hbm4b:s6+s2] =	stream.indirect_vreg.scatter [tilespmem:s19], [sflag:$0x2], $0x80, v3, vm0, $0xb8;
	[tilespmem:$0x10200] =	vst v63  }
0x9b: {  	v3 =	vld [tilespmem:$0x90];
	_ =	sdelay $0x4  }
0x9c: {  	v53 =	vshll.u32 v3, $0x3  }
0x9d: {  	v3 =	vand.u32 $0x7, v3;
	v4 =	vand.u32 $0xFFFFFFC0, v53  }
0x9e: {  	v3 =	vor.u32 v3, v4  }
0x9f: {  	v4 =	vperm.xlane v3, v0;
	_ =	sdelay $0x1  }
0xa0: {  	v4 =	vadd.s32 v1, v4;
	_ =	sdelay $0x3  }
0xa1: {  	s22 =	simm.s32 $0xC200  }
0xa2: {  	[hbm4b:s3+s2] =	stream.indirect_vreg.scatter [tilespmem:s22], [sflag:$0x2], $0x80, v4, vm0, $0xb8;
	[tilespmem:$0x10200] =	vst v63  }
0xa3: {  	s12 =	simm.s32 $0xCA00;
	v3 =	vperm.xlane v3, v2  }
0xa4: {  	[hbm4b:s4+s2] =	stream.indirect_vreg.scatter [tilespmem:s12], [sflag:$0x2], $0x80, v4, vm0, $0xb8;
	[tilespmem:$0x10200] =	vst v63  }
0xa5: {  	s14 =	simm.s32 $0xD200;
	v3 =	vadd.s32 v1, v3  }
0xa6: {  	[hbm4b:s5+s2] =	stream.indirect_vreg.scatter [tilespmem:s14], [sflag:$0x2], $0x80, v4, vm0, $0xb8;
	[tilespmem:$0x10200] =	vst v63  }
0xa7: {  	s18 =	simm.s32 $0xDA00  }
0xa8: {  	[hbm4b:s6+s2] =	stream.indirect_vreg.scatter [tilespmem:s18], [sflag:$0x2], $0x80, v4, vm0, $0xb8;
	[tilespmem:$0x10200] =	vst v63  }
0xa9: {  	s22 =	simm.s32 $0xE200  }
0xaa: {  	[hbm4b:s3+s2] =	stream.indirect_vreg.scatter [tilespmem:s22], [sflag:$0x2], $0x80, v3, vm0, $0xb8;
	[tilespmem:$0x10200] =	vst v63  }
0xab: {  	s12 =	simm.s32 $0xEA00  }
0xac: {  	[hbm4b:s4+s2] =	stream.indirect_vreg.scatter [tilespmem:s12], [sflag:$0x2], $0x80, v3, vm0, $0xb8;
	[tilespmem:$0x10200] =	vst v63  }
0xad: {  	s14 =	simm.s32 $0xF200  }
0xae: {  	[hbm4b:s5+s2] =	stream.indirect_vreg.scatter [tilespmem:s14], [sflag:$0x2], $0x80, v3, vm0, $0xb8;
	[tilespmem:$0x10200] =	vst v63  }
0xaf: {  	s21 =	simm.s32 $0xFA00  }
0xb0: {  	[hbm4b:s6+s2] =	stream.indirect_vreg.scatter [tilespmem:s21], [sflag:$0x2], $0x80, v3, vm0, $0xb8;
	[tilespmem:$0x10200] =	vst v63  }
0xb1: {  	v3 =	vld [tilespmem:$0x180];
	_ =	sdelay $0x4  }
0xb2: {  	v54 =	vshll.u32 v3, $0x3  }
0xb3: {  	v3 =	vand.u32 $0x7, v3;
	v4 =	vand.u32 $0xFFFFFFC0, v54  }
0xb4: {  	v3 =	vor.u32 v3, v4  }
0xb5: {  	v4 =	vperm.xlane v3, v0;
	_ =	sdelay $0x1  }
0xb6: {  	v4 =	vadd.s32 v1, v4;
	_ =	sdelay $0x4  }
0xb7: {  	[hbm4b:s3+s2] =	stream.indirect_vreg.scatter [tilespmem:s8], [sflag:$0x2], $0x80, v4, vm0, $0xb8;
	[tilespmem:$0x10200] =	vst v63  }
0xb8: {  	s28 =	simm.s32 $0x8A00;
	v3 =	vperm.xlane v3, v2  }
0xb9: {  	[hbm4b:s4+s2] =	stream.indirect_vreg.scatter [tilespmem:s28], [sflag:$0x2], $0x80, v4, vm0, $0xb8;
	[tilespmem:$0x10200] =	vst v63  }
0xba: {  	s15 =	simm.s32 $0x9200;
	v3 =	vadd.s32 v1, v3  }
0xbb: {  	[hbm4b:s5+s2] =	stream.indirect_vreg.scatter [tilespmem:s15], [sflag:$0x2], $0x80, v4, vm0, $0xb8;
	[tilespmem:$0x10200] =	vst v63  }
0xbc: {  	s16 =	simm.s32 $0x9A00  }
0xbd: {  	[hbm4b:s6+s2] =	stream.indirect_vreg.scatter [tilespmem:s16], [sflag:$0x2], $0x80, v4, vm0, $0xb8;
	[tilespmem:$0x10200] =	vst v63  }
0xbe: {  	s17 =	simm.s32 $0xA200  }
0xbf: {  	[hbm4b:s3+s2] =	stream.indirect_vreg.scatter [tilespmem:s17], [sflag:$0x2], $0x80, v3, vm0, $0xb8;
	[tilespmem:$0x10200] =	vst v63  }
0xc0: {  	s0 =	simm.s32 $0xAA00  }
0xc1: {  	[hbm4b:s4+s2] =	stream.indirect_vreg.scatter [tilespmem:s0], [sflag:$0x2], $0x80, v3, vm0, $0xb8;
	[tilespmem:$0x10200] =	vst v63  }
0xc2: {  	s1 =	simm.s32 $0xB200  }
0xc3: {  	[hbm4b:s5+s2] =	stream.indirect_vreg.scatter [tilespmem:s1], [sflag:$0x2], $0x80, v3, vm0, $0xb8;
	[tilespmem:$0x10200] =	vst v63  }
0xc4: {  	_ = 	snop  }
0xc5: {  	[hbm4b:s6+s2] =	stream.indirect_vreg.scatter [tilespmem:s23], [sflag:$0x2], $0x80, v3, vm0, $0xb8;
	[tilespmem:$0x10200] =	vst v63  }
0xc6: {  	v3 =	vld [tilespmem:$0x190];
	_ =	sdelay $0x4  }
0xc7: {  	v55 =	vshll.u32 v3, $0x3  }
0xc8: {  	v3 =	vand.u32 $0x7, v3;
	v4 =	vand.u32 $0xFFFFFFC0, v55  }
0xc9: {  	v3 =	vor.u32 v3, v4  }
0xca: {  	v4 =	vperm.xlane v3, v0;
	_ =	sdelay $0x1  }
0xcb: {  	v4 =	vadd.s32 v1, v4;
	_ =	sdelay $0x4  }
0xcc: {  	[hbm4b:s3+s2] =	stream.indirect_vreg.scatter [tilespmem:s24], [sflag:$0x2], $0x80, v4, vm0, $0xb8;
	[tilespmem:$0x10200] =	vst v63  }
0xcd: {  	v3 =	vperm.xlane v3, v2  }
0xce: {  	[hbm4b:s4+s2] =	stream.indirect_vreg.scatter [tilespmem:s25], [sflag:$0x2], $0x80, v4, vm0, $0xb8;
	[tilespmem:$0x10200] =	vst v63  }
0xcf: {  	s19 =	simm.s32 $0xD200;
	v3 =	vadd.s32 v1, v3  }
0xd0: {  	[hbm4b:s5+s2] =	stream.indirect_vreg.scatter [tilespmem:s19], [sflag:$0x2], $0x80, v4, vm0, $0xb8;
	[tilespmem:$0x10200] =	vst v63  }
0xd1: {  	s18 =	simm.s32 $0xDA00  }
0xd2: {  	[hbm4b:s6+s2] =	stream.indirect_vreg.scatter [tilespmem:s18], [sflag:$0x2], $0x80, v4, vm0, $0xb8;
	[tilespmem:$0x10200] =	vst v63  }
0xd3: {  	s22 =	simm.s32 $0xE200  }
0xd4: {  	[hbm4b:s3+s2] =	stream.indirect_vreg.scatter [tilespmem:s22], [sflag:$0x2], $0x80, v3, vm0, $0xb8;
	[tilespmem:$0x10200] =	vst v63  }
0xd5: {  	s12 =	simm.s32 $0xEA00  }
0xd6: {  	[hbm4b:s4+s2] =	stream.indirect_vreg.scatter [tilespmem:s12], [sflag:$0x2], $0x80, v3, vm0, $0xb8;
	[tilespmem:$0x10200] =	vst v63  }
0xd7: {  	s14 =	simm.s32 $0xF200  }
0xd8: {  	[hbm4b:s5+s2] =	stream.indirect_vreg.scatter [tilespmem:s14], [sflag:$0x2], $0x80, v3, vm0, $0xb8;
	[tilespmem:$0x10200] =	vst v63  }
0xd9: {  	s21 =	simm.s32 $0xFA00  }
0xda: {  	[hbm4b:s6+s2] =	stream.indirect_vreg.scatter [tilespmem:s21], [sflag:$0x2], $0x80, v3, vm0, $0xb8;
	[tilespmem:$0x10200] =	vst v63  }
0xdb: {  	_ =	swait.ge [sflag:s29], $0x8000  }
0xdc: {  	[sflag:s29] =	ssyncset.done $0x0  }
0xdd: {  	[sflag:s29] =	ssyncadd.s32 $0xFFFF8000  }
0xde: {  	_ =	swait.ge [sflag:s29], $0x8000  }
0xdf: {  	[sflag:s29] =	ssyncset.done $0x0  }
0xe0: {  	s0 =	rddreg [dreg:$0x9];
	[sflag:s29] =	ssyncadd.s32 $0xFFFF8000  }
0xe1: {  	[tilespmem:s26], [sflag:$0x3] =	stream.linear.gather [hbm4b:s0+s2], $0x8000, $0x38;
	[tilespmem:$0x10200] =	vst v63  }
0xe2: {  	_ =	swait.ge [sflag:s9], $0x8000  }
0xe3: {  	[sflag:s9] =	ssyncset.done $0x0  }
0xe4: {  	s1 =	rddreg [dreg:$0xa];
	[sflag:s9] =	ssyncadd.s32 $0xFFFF8000  }
0xe5: {  	[tilespmem:s2], [sflag:$0x3] =	stream.linear.gather [hbm4b:s1+s2], $0x20, $0x38;
	[tilespmem:$0x10200] =	vst v63  }
0xe6: {  	_ =	swait.ge [sflag:s9], $0x20  }
0xe7: {  	[sflag:s9] =	ssyncset.done $0x0  }
0xe8: {  	s14 =	simm.s32 $0x100;
	s12 =	rddreg [dreg:$0xb];
	[sflag:s9] =	ssyncadd.s32 $0xFFFFFFE0  }
0xe9: {  	[tilespmem:s14], [sflag:$0x3] =	stream.linear.gather [hbm4b:s12+s2], $0x20, $0x38;
	[tilespmem:$0x10200] =	vst v63  }
0xea: {  	_ =	swait.ge [sflag:s9], $0x20  }
0xeb: {  	[sflag:s9] =	ssyncset.done $0x0  }
0xec: {  	[sflag:s9] =	ssyncadd.s32 $0xFFFFFFE0  }
0xed: {  	v3 =	vld [tilespmem:$0x0];
	_ =	sdelay $0x4  }
0xee: {  	v56 =	vshll.u32 v3, $0x3  }
0xef: {  	v3 =	vand.u32 $0x7, v3;
	v4 =	vand.u32 $0xFFFFFFC0, v56  }
0xf0: {  	v3 =	vor.u32 v3, v4  }
0xf1: {  	v4 =	vperm.xlane v3, v0;
	_ =	sdelay $0x1  }
0xf2: {  	v4 =	vadd.s32 v1, v4;
	_ =	sdelay $0x4  }
0xf3: {  	[hbm4b:s3+s2] =	stream.indirect_vreg.scatter [tilespmem:s26], [sflag:$0x1], $0x80, v4, vm0, $0xb8;
	[tilespmem:$0x10200] =	vst v63  }
0xf4: {  	s17 =	simm.s32 $0xA00;
	v3 =	vperm.xlane v3, v2  }
0xf5: {  	[hbm4b:s4+s2] =	stream.indirect_vreg.scatter [tilespmem:s17], [sflag:$0x1], $0x80, v4, vm0, $0xb8;
	[tilespmem:$0x10200] =	vst v63  }
0xf6: {  	s0 =	simm.s32 $0x1200;
	v3 =	vadd.s32 v1, v3  }
0xf7: {  	[hbm4b:s5+s2] =	stream.indirect_vreg.scatter [tilespmem:s0], [sflag:$0x1], $0x80, v4, vm0, $0xb8;
	[tilespmem:$0x10200] =	vst v63  }
0xf8: {  	s1 =	simm.s32 $0x1A00  }
0xf9: {  	[hbm4b:s6+s2] =	stream.indirect_vreg.scatter [tilespmem:s1], [sflag:$0x1], $0x80, v4, vm0, $0xb8;
	[tilespmem:$0x10200] =	vst v63  }
0xfa: {  	_ = 	snop  }
0xfb: {  	[hbm4b:s3+s2] =	stream.indirect_vreg.scatter [tilespmem:s30], [sflag:$0x1], $0x80, v3, vm0, $0xb8;
	[tilespmem:$0x10200] =	vst v63  }
0xfc: {  	_ = 	snop  }
0xfd: {  	[hbm4b:s4+s2] =	stream.indirect_vreg.scatter [tilespmem:s31], [sflag:$0x1], $0x80, v3, vm0, $0xb8;
	[tilespmem:$0x10200] =	vst v63  }
0xfe: {  	s12 =	simm.s32 $0x3200  }
0xff: {  	[hbm4b:s5+s2] =	stream.indirect_vreg.scatter [tilespmem:s12], [sflag:$0x1], $0x80, v3, vm0, $0xb8;
	[tilespmem:$0x10200] =	vst v63  }
0x100: {  	s18 =	simm.s32 $0x3A00  }
0x101: {  	[hbm4b:s6+s2] =	stream.indirect_vreg.scatter [tilespmem:s18], [sflag:$0x1], $0x80, v3, vm0, $0xb8;
	[tilespmem:$0x10200] =	vst v63  }
0x102: {  	v3 =	vld [tilespmem:$0x10];
	_ =	sdelay $0x4  }
0x103: {  	v57 =	vshll.u32 v3, $0x3  }
0x104: {  	v3 =	vand.u32 $0x7, v3;
	v4 =	vand.u32 $0xFFFFFFC0, v57  }
0x105: {  	v3 =	vor.u32 v3, v4  }
0x106: {  	v4 =	vperm.xlane v3, v0;
	_ =	sdelay $0x1  }
0x107: {  	v4 =	vadd.s32 v1, v4;
	_ =	sdelay $0x4  }
0x108: {  	[hbm4b:s3+s2] =	stream.indirect_vreg.scatter [tilespmem:s10], [sflag:$0x1], $0x80, v4, vm0, $0xb8;
	[tilespmem:$0x10200] =	vst v63  }
0x109: {  	s19 =	simm.s32 $0x4A00;
	v3 =	vperm.xlane v3, v2  }
0x10a: {  	[hbm4b:s4+s2] =	stream.indirect_vreg.scatter [tilespmem:s19], [sflag:$0x1], $0x80, v4, vm0, $0xb8;
	[tilespmem:$0x10200] =	vst v63  }
0x10b: {  	s14 =	simm.s32 $0x5200;
	v3 =	vadd.s32 v1, v3  }
0x10c: {  	[hbm4b:s5+s2] =	stream.indirect_vreg.scatter [tilespmem:s14], [sflag:$0x1], $0x80, v4, vm0, $0xb8;
	[tilespmem:$0x10200] =	vst v63  }
0x10d: {  	_ = 	snop  }
0x10e: {  	[hbm4b:s6+s2] =	stream.indirect_vreg.scatter [tilespmem:s11], [sflag:$0x1], $0x80, v4, vm0, $0xb8;
	[tilespmem:$0x10200] =	vst v63  }
0x10f: {  	s15 =	simm.s32 $0x6200  }
0x110: {  	[hbm4b:s3+s2] =	stream.indirect_vreg.scatter [tilespmem:s15], [sflag:$0x1], $0x80, v3, vm0, $0xb8;
	[tilespmem:$0x10200] =	vst v63  }
0x111: {  	_ = 	snop  }
0x112: {  	[hbm4b:s4+s2] =	stream.indirect_vreg.scatter [tilespmem:s13], [sflag:$0x1], $0x80, v3, vm0, $0xb8;
	[tilespmem:$0x10200] =	vst v63  }
0x113: {  	s16 =	simm.s32 $0x7200  }
0x114: {  	[hbm4b:s5+s2] =	stream.indirect_vreg.scatter [tilespmem:s16], [sflag:$0x1], $0x80, v3, vm0, $0xb8;
	[tilespmem:$0x10200] =	vst v63  }
0x115: {  	s21 =	simm.s32 $0x7A00  }
0x116: {  	[hbm4b:s6+s2] =	stream.indirect_vreg.scatter [tilespmem:s21], [sflag:$0x1], $0x80, v3, vm0, $0xb8;
	[tilespmem:$0x10200] =	vst v63  }
0x117: {  	v3 =	vld [tilespmem:$0x100];
	_ =	sdelay $0x4  }
0x118: {  	v58 =	vshll.u32 v3, $0x3  }
0x119: {  	v3 =	vand.u32 $0x7, v3;
	v4 =	vand.u32 $0xFFFFFFC0, v58  }
0x11a: {  	v3 =	vor.u32 v3, v4  }
0x11b: {  	v4 =	vperm.xlane v3, v0;
	_ =	sdelay $0x1  }
0x11c: {  	v4 =	vadd.s32 v1, v4;
	_ =	sdelay $0x4  }
0x11d: {  	[hbm4b:s3+s2] =	stream.indirect_vreg.scatter [tilespmem:s26], [sflag:$0x1], $0x80, v4, vm0, $0xb8;
	[tilespmem:$0x10200] =	vst v63  }
0x11e: {  	v3 =	vperm.xlane v3, v2  }
0x11f: {  	[hbm4b:s4+s2] =	stream.indirect_vreg.scatter [tilespmem:s17], [sflag:$0x1], $0x80, v4, vm0, $0xb8;
	[tilespmem:$0x10200] =	vst v63  }
0x120: {  	v3 =	vadd.s32 v1, v3  }
0x121: {  	[hbm4b:s5+s2] =	stream.indirect_vreg.scatter [tilespmem:s0], [sflag:$0x1], $0x80, v4, vm0, $0xb8;
	[tilespmem:$0x10200] =	vst v63  }
0x122: {  	_ = 	snop  }
0x123: {  	[hbm4b:s6+s2] =	stream.indirect_vreg.scatter [tilespmem:s1], [sflag:$0x1], $0x80, v4, vm0, $0xb8;
	[tilespmem:$0x10200] =	vst v63  }
0x124: {  	_ = 	snop  }
0x125: {  	[hbm4b:s3+s2] =	stream.indirect_vreg.scatter [tilespmem:s30], [sflag:$0x1], $0x80, v3, vm0, $0xb8;
	[tilespmem:$0x10200] =	vst v63  }
0x126: {  	_ = 	snop  }
0x127: {  	[hbm4b:s4+s2] =	stream.indirect_vreg.scatter [tilespmem:s31], [sflag:$0x1], $0x80, v3, vm0, $0xb8;
	[tilespmem:$0x10200] =	vst v63  }
0x128: {  	_ = 	snop  }
0x129: {  	[hbm4b:s5+s2] =	stream.indirect_vreg.scatter [tilespmem:s12], [sflag:$0x1], $0x80, v3, vm0, $0xb8;
	[tilespmem:$0x10200] =	vst v63  }
0x12a: {  	_ = 	snop  }
0x12b: {  	[hbm4b:s6+s2] =	stream.indirect_vreg.scatter [tilespmem:s18], [sflag:$0x1], $0x80, v3, vm0, $0xb8;
	[tilespmem:$0x10200] =	vst v63  }
0x12c: {  	v3 =	vld [tilespmem:$0x110];
	_ =	sdelay $0x4  }
0x12d: {  	v59 =	vshll.u32 v3, $0x3  }
0x12e: {  	v3 =	vand.u32 $0x7, v3;
	v4 =	vand.u32 $0xFFFFFFC0, v59  }
0x12f: {  	v3 =	vor.u32 v3, v4  }
0x130: {  	v4 =	vperm.xlane v3, v0;
	_ =	sdelay $0x1  }
0x131: {  	v4 =	vadd.s32 v1, v4;
	_ =	sdelay $0x4  }
0x132: {  	[hbm4b:s3+s2] =	stream.indirect_vreg.scatter [tilespmem:s10], [sflag:$0x1], $0x80, v4, vm0, $0xb8;
	[tilespmem:$0x10200] =	vst v63  }
0x133: {  	v3 =	vperm.xlane v3, v2  }
0x134: {  	[hbm4b:s4+s2] =	stream.indirect_vreg.scatter [tilespmem:s19], [sflag:$0x1], $0x80, v4, vm0, $0xb8;
	[tilespmem:$0x10200] =	vst v63  }
0x135: {  	v3 =	vadd.s32 v1, v3  }
0x136: {  	[hbm4b:s5+s2] =	stream.indirect_vreg.scatter [tilespmem:s14], [sflag:$0x1], $0x80, v4, vm0, $0xb8;
	[tilespmem:$0x10200] =	vst v63  }
0x137: {  	_ = 	snop  }
0x138: {  	[hbm4b:s6+s2] =	stream.indirect_vreg.scatter [tilespmem:s11], [sflag:$0x1], $0x80, v4, vm0, $0xb8;
	[tilespmem:$0x10200] =	vst v63  }
0x139: {  	_ = 	snop  }
0x13a: {  	[hbm4b:s3+s2] =	stream.indirect_vreg.scatter [tilespmem:s15], [sflag:$0x1], $0x80, v3, vm0, $0xb8;
	[tilespmem:$0x10200] =	vst v63  }
0x13b: {  	_ = 	snop  }
0x13c: {  	[hbm4b:s4+s2] =	stream.indirect_vreg.scatter [tilespmem:s13], [sflag:$0x1], $0x80, v3, vm0, $0xb8;
	[tilespmem:$0x10200] =	vst v63  }
0x13d: {  	_ = 	snop  }
0x13e: {  	[hbm4b:s5+s2] =	stream.indirect_vreg.scatter [tilespmem:s16], [sflag:$0x1], $0x80, v3, vm0, $0xb8;
	[tilespmem:$0x10200] =	vst v63  }
0x13f: {  	_ = 	snop  }
0x140: {  	[hbm4b:s6+s2] =	stream.indirect_vreg.scatter [tilespmem:s21], [sflag:$0x1], $0x80, v3, vm0, $0xb8;
	[tilespmem:$0x10200] =	vst v63  }
0x141: {  	_ =	swait.ge [sflag:s20], $0x8000  }
0x142: {  	[sflag:s20] =	ssyncset.done $0x0  }
0x143: {  	[sflag:s20] =	ssyncadd.s32 $0xFFFF8000  }
0x144: {  	_ =	swait.ge [sflag:s20], $0x8000  }
0x145: {  	[sflag:s20] =	ssyncset.done $0x0  }
0x146: {  	s15 =	rddreg [dreg:$0xc];
	[sflag:s20] =	ssyncadd.s32 $0xFFFF8000  }
0x147: {  	[tilespmem:s8], [sflag:$0x3] =	stream.linear.gather [hbm4b:s15+s2], $0x8000, $0x38;
	[tilespmem:$0x10200] =	vst v63  }
0x148: {  	_ =	swait.ge [sflag:s9], $0x8000  }
0x149: {  	[sflag:s9] =	ssyncset.done $0x0  }
0x14a: {  	s17 =	simm.s32 $0x80;
	s16 =	rddreg [dreg:$0xd];
	[sflag:s9] =	ssyncadd.s32 $0xFFFF8000  }
0x14b: {  	[tilespmem:s17], [sflag:$0x3] =	stream.linear.gather [hbm4b:s16+s2], $0x20, $0x38;
	[tilespmem:$0x10200] =	vst v63  }
0x14c: {  	_ =	swait.ge [sflag:s9], $0x20  }
0x14d: {  	[sflag:s9] =	ssyncset.done $0x0  }
0x14e: {  	s19 =	simm.s32 $0x180;
	s18 =	rddreg [dreg:$0xe];
	[sflag:s9] =	ssyncadd.s32 $0xFFFFFFE0  }
0x14f: {  	[tilespmem:s19], [sflag:$0x3] =	stream.linear.gather [hbm4b:s18+s2], $0x20, $0x38;
	[tilespmem:$0x10200] =	vst v63  }
0x150: {  	_ =	swait.ge [sflag:s9], $0x20  }
0x151: {  	[sflag:s9] =	ssyncset.done $0x0  }
0x152: {  	[sflag:s9] =	ssyncadd.s32 $0xFFFFFFE0  }
0x153: {  	v3 =	vld [tilespmem:$0x80];
	_ =	sdelay $0x4  }
0x154: {  	v60 =	vshll.u32 v3, $0x3  }
0x155: {  	v3 =	vand.u32 $0x7, v3;
	v4 =	vand.u32 $0xFFFFFFC0, v60  }
0x156: {  	v3 =	vor.u32 v3, v4  }
0x157: {  	v4 =	vperm.xlane v3, v0;
	_ =	sdelay $0x1  }
0x158: {  	v4 =	vadd.s32 v1, v4;
	_ =	sdelay $0x4  }
0x159: {  	[hbm4b:s3+s2] =	stream.indirect_vreg.scatter [tilespmem:s8], [sflag:$0x2], $0x80, v4, vm0, $0xb8;
	[tilespmem:$0x10200] =	vst v63  }
0x15a: {  	s28 =	simm.s32 $0x8A00;
	v3 =	vperm.xlane v3, v2  }
0x15b: {  	[hbm4b:s4+s2] =	stream.indirect_vreg.scatter [tilespmem:s28], [sflag:$0x2], $0x80, v4, vm0, $0xb8;
	[tilespmem:$0x10200] =	vst v63  }
0x15c: {  	s15 =	simm.s32 $0x9200;
	v3 =	vadd.s32 v1, v3  }
0x15d: {  	[hbm4b:s5+s2] =	stream.indirect_vreg.scatter [tilespmem:s15], [sflag:$0x2], $0x80, v4, vm0, $0xb8;
	[tilespmem:$0x10200] =	vst v63  }
0x15e: {  	s16 =	simm.s32 $0x9A00  }
0x15f: {  	[hbm4b:s6+s2] =	stream.indirect_vreg.scatter [tilespmem:s16], [sflag:$0x2], $0x80, v4, vm0, $0xb8;
	[tilespmem:$0x10200] =	vst v63  }
0x160: {  	s17 =	simm.s32 $0xA200  }
0x161: {  	[hbm4b:s3+s2] =	stream.indirect_vreg.scatter [tilespmem:s17], [sflag:$0x2], $0x80, v3, vm0, $0xb8;
	[tilespmem:$0x10200] =	vst v63  }
0x162: {  	s0 =	simm.s32 $0xAA00  }
0x163: {  	[hbm4b:s4+s2] =	stream.indirect_vreg.scatter [tilespmem:s0], [sflag:$0x2], $0x80, v3, vm0, $0xb8;
	[tilespmem:$0x10200] =	vst v63  }
0x164: {  	s1 =	simm.s32 $0xB200  }
0x165: {  	[hbm4b:s5+s2] =	stream.indirect_vreg.scatter [tilespmem:s1], [sflag:$0x2], $0x80, v3, vm0, $0xb8;
	[tilespmem:$0x10200] =	vst v63  }
0x166: {  	s18 =	simm.s32 $0xBA00  }
0x167: {  	[hbm4b:s6+s2] =	stream.indirect_vreg.scatter [tilespmem:s18], [sflag:$0x2], $0x80, v3, vm0, $0xb8;
	[tilespmem:$0x10200] =	vst v63  }
0x168: {  	v3 =	vld [tilespmem:$0x90];
	_ =	sdelay $0x4  }
0x169: {  	v61 =	vshll.u32 v3, $0x3  }
0x16a: {  	v3 =	vand.u32 $0x7, v3;
	v4 =	vand.u32 $0xFFFFFFC0, v61  }
0x16b: {  	v3 =	vor.u32 v3, v4  }
0x16c: {  	v4 =	vperm.xlane v3, v0;
	_ =	sdelay $0x1  }
0x16d: {  	v4 =	vadd.s32 v1, v4;
	_ =	sdelay $0x3  }
0x16e: {  	s19 =	simm.s32 $0xC200  }
0x16f: {  	[hbm4b:s3+s2] =	stream.indirect_vreg.scatter [tilespmem:s19], [sflag:$0x2], $0x80, v4, vm0, $0xb8;
	[tilespmem:$0x10200] =	vst v63  }
0x170: {  	s21 =	simm.s32 $0xCA00;
	v3 =	vperm.xlane v3, v2  }
0x171: {  	[hbm4b:s4+s2] =	stream.indirect_vreg.scatter [tilespmem:s21], [sflag:$0x2], $0x80, v4, vm0, $0xb8;
	[tilespmem:$0x10200] =	vst v63  }
0x172: {  	s10 =	simm.s32 $0xD200;
	v3 =	vadd.s32 v1, v3  }
0x173: {  	[hbm4b:s5+s2] =	stream.indirect_vreg.scatter [tilespmem:s10], [sflag:$0x2], $0x80, v4, vm0, $0xb8;
	[tilespmem:$0x10200] =	vst v63  }
0x174: {  	s11 =	simm.s32 $0xDA00  }
0x175: {  	[hbm4b:s6+s2] =	stream.indirect_vreg.scatter [tilespmem:s11], [sflag:$0x2], $0x80, v4, vm0, $0xb8;
	[tilespmem:$0x10200] =	vst v63  }
0x176: {  	s13 =	simm.s32 $0xE200  }
0x177: {  	[hbm4b:s3+s2] =	stream.indirect_vreg.scatter [tilespmem:s13], [sflag:$0x2], $0x80, v3, vm0, $0xb8;
	[tilespmem:$0x10200] =	vst v63  }
0x178: {  	s12 =	simm.s32 $0xEA00  }
0x179: {  	[hbm4b:s4+s2] =	stream.indirect_vreg.scatter [tilespmem:s12], [sflag:$0x2], $0x80, v3, vm0, $0xb8;
	[tilespmem:$0x10200] =	vst v63  }
0x17a: {  	s14 =	simm.s32 $0xF200  }
0x17b: {  	[hbm4b:s5+s2] =	stream.indirect_vreg.scatter [tilespmem:s14], [sflag:$0x2], $0x80, v3, vm0, $0xb8;
	[tilespmem:$0x10200] =	vst v63  }
0x17c: {  	s22 =	simm.s32 $0xFA00  }
0x17d: {  	[hbm4b:s6+s2] =	stream.indirect_vreg.scatter [tilespmem:s22], [sflag:$0x2], $0x80, v3, vm0, $0xb8;
	[tilespmem:$0x10200] =	vst v63  }
0x17e: {  	v3 =	vld [tilespmem:$0x180];
	_ =	sdelay $0x4  }
0x17f: {  	v62 =	vshll.u32 v3, $0x3  }
0x180: {  	v3 =	vand.u32 $0x7, v3;
	v4 =	vand.u32 $0xFFFFFFC0, v62  }
0x181: {  	v3 =	vor.u32 v3, v4  }
0x182: {  	v4 =	vperm.xlane v3, v0;
	_ =	sdelay $0x1  }
0x183: {  	v4 =	vadd.s32 v1, v4;
	_ =	sdelay $0x4  }
0x184: {  	[hbm4b:s3+s2] =	stream.indirect_vreg.scatter [tilespmem:s8], [sflag:$0x2], $0x80, v4, vm0, $0xb8;
	[tilespmem:$0x10200] =	vst v63  }
0x185: {  	v3 =	vperm.xlane v3, v2  }
0x186: {  	[hbm4b:s4+s2] =	stream.indirect_vreg.scatter [tilespmem:s28], [sflag:$0x2], $0x80, v4, vm0, $0xb8;
	[tilespmem:$0x10200] =	vst v63  }
0x187: {  	v3 =	vadd.s32 v1, v3  }
0x188: {  	[hbm4b:s5+s2] =	stream.indirect_vreg.scatter [tilespmem:s15], [sflag:$0x2], $0x80, v4, vm0, $0xb8;
	[tilespmem:$0x10200] =	vst v63  }
0x189: {  	_ = 	snop  }
0x18a: {  	[hbm4b:s6+s2] =	stream.indirect_vreg.scatter [tilespmem:s16], [sflag:$0x2], $0x80, v4, vm0, $0xb8;
	[tilespmem:$0x10200] =	vst v63  }
0x18b: {  	_ = 	snop  }
0x18c: {  	[hbm4b:s3+s2] =	stream.indirect_vreg.scatter [tilespmem:s17], [sflag:$0x2], $0x80, v3, vm0, $0xb8;
	[tilespmem:$0x10200] =	vst v63  }
0x18d: {  	_ = 	snop  }
0x18e: {  	[hbm4b:s4+s2] =	stream.indirect_vreg.scatter [tilespmem:s0], [sflag:$0x2], $0x80, v3, vm0, $0xb8;
	[tilespmem:$0x10200] =	vst v63  }
0x18f: {  	_ = 	snop  }
0x190: {  	[hbm4b:s5+s2] =	stream.indirect_vreg.scatter [tilespmem:s1], [sflag:$0x2], $0x80, v3, vm0, $0xb8;
	[tilespmem:$0x10200] =	vst v63  }
0x191: {  	_ = 	snop  }
0x192: {  	[hbm4b:s6+s2] =	stream.indirect_vreg.scatter [tilespmem:s18], [sflag:$0x2], $0x80, v3, vm0, $0xb8;
	[tilespmem:$0x10200] =	vst v63  }
0x193: {  	v3 =	vld [tilespmem:$0x190];
	_ =	sdelay $0x4  }
0x194: {  	v63 =	vshll.u32 v3, $0x3  }
0x195: {  	v3 =	vand.u32 $0x7, v3;
	v4 =	vand.u32 $0xFFFFFFC0, v63  }
0x196: {  	v3 =	vor.u32 v3, v4  }
0x197: {  	v4 =	vperm.xlane v3, v0;
	_ =	sdelay $0x1  }
0x198: {  	v4 =	vadd.s32 v1, v4;
	_ =	sdelay $0x4  }
0x199: {  	[hbm4b:s3+s2] =	stream.indirect_vreg.scatter [tilespmem:s19], [sflag:$0x2], $0x80, v4, vm0, $0xb8;
	[tilespmem:$0x10200] =	vst v63  }
0x19a: {  	v3 =	vperm.xlane v3, v2  }
0x19b: {  	[hbm4b:s4+s2] =	stream.indirect_vreg.scatter [tilespmem:s21], [sflag:$0x2], $0x80, v4, vm0, $0xb8;
	[tilespmem:$0x10200] =	vst v63  }
0x19c: {  	v3 =	vadd.s32 v1, v3  }
0x19d: {  	[hbm4b:s5+s2] =	stream.indirect_vreg.scatter [tilespmem:s10], [sflag:$0x2], $0x80, v4, vm0, $0xb8;
	[tilespmem:$0x10200] =	vst v63  }
0x19e: {  	_ = 	snop  }
0x19f: {  	[hbm4b:s6+s2] =	stream.indirect_vreg.scatter [tilespmem:s11], [sflag:$0x2], $0x80, v4, vm0, $0xb8;
	[tilespmem:$0x10200] =	vst v63  }
0x1a0: {  	_ = 	snop  }
0x1a1: {  	[hbm4b:s3+s2] =	stream.indirect_vreg.scatter [tilespmem:s13], [sflag:$0x2], $0x80, v3, vm0, $0xb8;
	[tilespmem:$0x10200] =	vst v63  }
0x1a2: {  	_ = 	snop  }
0x1a3: {  	[hbm4b:s4+s2] =	stream.indirect_vreg.scatter [tilespmem:s12], [sflag:$0x2], $0x80, v3, vm0, $0xb8;
	[tilespmem:$0x10200] =	vst v63  }
0x1a4: {  	_ = 	snop  }
0x1a5: {  	[hbm4b:s5+s2] =	stream.indirect_vreg.scatter [tilespmem:s14], [sflag:$0x2], $0x80, v3, vm0, $0xb8;
	[tilespmem:$0x10200] =	vst v63  }
0x1a6: {  	_ = 	snop  }
0x1a7: {  	[hbm4b:s6+s2] =	stream.indirect_vreg.scatter [tilespmem:s22], [sflag:$0x2], $0x80, v3, vm0, $0xb8;
	[tilespmem:$0x10200] =	vst v63  }
0x1a8: {  	_ =	swait.ge [sflag:s29], $0x8000  }
0x1a9: {  	[sflag:s29] =	ssyncset.done $0x0  }
0x1aa: {  	[sflag:s29] =	ssyncadd.s32 $0xFFFF8000  }
0x1ab: {  	_ =	swait.ge [sflag:s29], $0x8000  }
0x1ac: {  	[sflag:s29] =	ssyncset.done $0x0  }
0x1ad: {  	[sflag:s29] =	ssyncadd.s32 $0xFFFF8000  }
0x1ae: {  	p0 =	sne.s32 s7, $0x1;
	_ =	swait.ge [sflag:s20], $0x8000  }
.Ltmp0:
0x1af: {  	[sflag:s20] =	ssyncset.done $0x0;
	(pc) =	sbr.rel @p0 .LBB2_1-.Ltmp0, $4  }
0x1b0: {  	[sflag:s20] =	ssyncadd.s32 $0xFFFF8000  }
0x1b1: {  	_ =	swait.ge [sflag:s20], $0x8000  }
0x1b2: {  	[sflag:s20] =	ssyncset.done $0x0  }
0x1b3: {  	s7 =	sadd.s32 $0xFFFFFFFF, s7;
	[sflag:s20] =	ssyncadd.s32 $0xFFFF8000  }
0x1b4: {  	_ =	sfence.sel $0x180000  }
0x1b5: {  	[bflag:$0x0] =	sbarrier.arrive $0xFFFF  }
0x1b6: {  	_ =	strace $0x90000047  }
0x1b7: {  	s0 =	stileid.u32;
	[bflag:$0x2] =	sbarrier.arrive $0xFFFF  }
0x1b8: {  	p0 =	sne.s32 s0, $0x0;
	s0 =	rddreg [dreg:$0x2]  }
0x1b9: {  	s0 =	sadd.s32 @!p0 $0x100000, s0  }
0x1ba: {  	[sflag:s0] =	ssyncadd.tile.s32 @!p0 $0x1;
	_ =	shalt  }
.Lfunc_end2:
_tile_overlayer_lowered:
.L_overlay_start_2:
0x1bb: {  	(tag) =	ssettag $0x2  }
0x1bc: {  	s0 =	rddreg [dreg:$0x0];
	s2 =	stileid.u32  }
0x1bd: {  	s1 =	rddreg [dreg:$0x1];
	p0 =	sne.s32 s2, $0x0  }
0x1be: {  	s3 =	rddreg [dreg:$0x2];
	[bflag:$0x3] =	sbarrier.arrive $0xFFFF;
	s2 =	simm.s32 @!p0 $0x1C03  }
0x1bf: {  	[timem:s3], [sflag:s2] =	dma.local @!p0 [hbm:s0], s1  }
0x1c0: {  	s0 =	simm.s32 @!p0 $0x3  }
0x1c1: {  	_ =	swait.ge @!p0 [sflag:s0], s1  }
0x1c2: {  	s1 =	ssub.s32 @!p0 $0x0, s1;
	[sflag:s0] =	ssyncset.done @!p0 $0x0  }
0x1c3: {  	[sflag:s0] =	ssyncadd.s32 @!p0 s1  }
0x1c4: {  	[bflag:$0x3] =	sbarrier.arrive $0xFFFF  }
0x1c5: {  	_ =	shalt  }

</sc_bundles>
